<compile_context>
chip_gen: v7x
topology: tpu7x:2x2x1
jax: 0.10.2.dev20260603
libtpu: 0.0.44.dev20260713+nightly
codegen_flags: <defaults>
</compile_context>

<pallas_src>
import functools

import jax
import jax.numpy as jnp
from jax import lax
from jax.experimental import pallas as pl
from jax.experimental.pallas import tpu as pltpu
from jax.experimental.pallas import tpu_sc as plsc

N = 10000
E = 320000
OUT = 64
NPAD = 10240
NC = 2
NS = 16
NW = NC * NS
CHUNK = 64
NCH = E // CHUNK
CBASE = NCH // NW
CEXTRA = NCH - CBASE * NW
CMAX = CBASE + 1
RA = 624
RREM_OFF = RA * NS
RREM = N - RREM_OFF
HPT = NPAD // NS
HW = 16

_mesh = lambda: plsc.VectorSubcoreMesh(core_axis_name="c", subcore_axis_name="s")



def _tile_chunks(c, s):
    w = c * NS + s
    start = w * CBASE + jnp.minimum(w, CEXTRA)
    nc = jnp.where(w < CEXTRA, CBASE + 1, CBASE)
    return start, nc


@functools.partial(
    pl.kernel,
    mesh=_mesh(),
    out_type=jax.ShapeDtypeStruct((NC, NPAD, HW), jnp.float32),
    scratch_types=[
        pltpu.VMEM((CHUNK, HW), jnp.float32),
        pltpu.VMEM((CMAX, CHUNK), jnp.int32),
        pltpu.VMEM_SHARED((NPAD, HW), jnp.float32),
        pltpu.SemaphoreType.DMA,
        pltpu.SemaphoreType.DMA,
    ],
)
def _hist(dst_hbm, ones_hbm, out_hbm, ones_v, didx, accum, dsem, ssem):
    c = lax.axis_index("c")
    s = lax.axis_index("s")
    start, nc = _tile_chunks(c, s)

    def _ld(k, carry):
        pltpu.async_copy(dst_hbm.at[pl.ds((start + k) * CHUNK, CHUNK)],
                         didx.at[k], dsem)
        return carry

    lax.fori_loop(0, nc, _ld, 0)
    pltpu.sync_copy(ones_hbm.at[pl.ds(0, CHUNK)], ones_v)
    pltpu.sync_copy(ones_hbm, accum.at[pl.ds(s * HPT, HPT)])

    def _lw(k, carry):
        pltpu.make_async_copy(dst_hbm.at[pl.ds(0, CHUNK)], didx.at[0],
                              dsem).wait()
        return carry

    lax.fori_loop(0, nc, _lw, 0)
    plsc.subcore_barrier()

    def _sc(j, carry):
        pltpu.async_copy(ones_v, accum.at[didx.at[j]], ssem, add=True)
        return carry

    lax.fori_loop(0, nc, _sc, 0)

    def _sw(j, carry):
        pltpu.make_async_copy(ones_v, accum.at[didx.at[0]], ssem).wait()
        return carry

    lax.fori_loop(0, nc, _sw, 0)
    plsc.subcore_barrier()
    pltpu.sync_copy(accum.at[pl.ds(s * HPT, HPT)],
                    out_hbm.at[c, pl.ds(s * HPT, HPT)])



ACH = 128
ANCH = E // ACH
ACBASE = ANCH // NW
ACEXTRA = ANCH - ACBASE * NW
ACMAX = ACBASE + 1


def _agg_tile_chunks(c, s):
    w = c * NS + s
    start = w * ACBASE + jnp.minimum(w, ACEXTRA)
    nc = jnp.where(w < ACEXTRA, ACBASE + 1, ACBASE)
    return start, nc


def _make_agg(C):
    @functools.partial(
        pl.kernel,
        mesh=_mesh(),
        out_type=jax.ShapeDtypeStruct((NC, N, C), jnp.float32),
        scratch_types=[
            pltpu.VMEM((ACMAX * ACH,), jnp.int32),
            pltpu.VMEM((6, ACH), jnp.int32),
            pltpu.VMEM((2, ACH, C), jnp.float32),
            pltpu.VMEM_SHARED((N, C), jnp.float32),
            pltpu.SemaphoreType.DMA,
            pltpu.SemaphoreType.DMA,
            pltpu.SemaphoreType.DMA,
            pltpu.SemaphoreType.DMA,
        ],
    )
    def agg(src_hbm, dst_hbm, y_hbm, z_hbm, out_hbm,
            sidx, didx, rows, accum, dsem, gsem, esem0, esem1):
        c = lax.axis_index("c")
        s = lax.axis_index("s")
        start, nc = _agg_tile_chunks(c, s)

        pltpu.async_copy(src_hbm.at[pl.ds(start * ACH, ACBASE * ACH)],
                         sidx.at[pl.ds(0, ACBASE * ACH)], dsem)

        @pl.when(nc == ACMAX)
        def _():
            pltpu.async_copy(
                src_hbm.at[pl.ds((start + ACBASE) * ACH, ACH)],
                sidx.at[pl.ds(ACBASE * ACH, ACH)], dsem)

        esems = (esem0, esem1)

        def _dld(j, slot, sem):
            pltpu.async_copy(dst_hbm.at[pl.ds((start + j) * ACH, ACH)],
                             didx.at[slot], sem)

        _dld(0, 0, esem0)
        _dld(1, 1, esem1)

        @pl.when(c == 0)
        def _():
            pltpu.sync_copy(y_hbm.at[pl.ds(s * RA, RA)],
                            accum.at[pl.ds(s * RA, RA)])

            @pl.when(s == NS - 1)
            def _():
                pltpu.sync_copy(y_hbm.at[pl.ds(RREM_OFF, RREM)],
                                accum.at[pl.ds(RREM_OFF, RREM)])

        @pl.when(c == 1)
        def _():
            pltpu.sync_copy(z_hbm.at[pl.ds(s * RA, RA)],
                            accum.at[pl.ds(s * RA, RA)])

            @pl.when(s == NS - 1)
            def _():
                pltpu.sync_copy(z_hbm.at[pl.ds(RREM_OFF, RREM)],
                                accum.at[pl.ds(RREM_OFF, RREM)])

        pltpu.make_async_copy(src_hbm.at[pl.ds(0, ACBASE * ACH)],
                              sidx.at[pl.ds(0, ACBASE * ACH)], dsem).wait()

        @pl.when(nc == ACMAX)
        def _():
            pltpu.make_async_copy(src_hbm.at[pl.ds(0, ACH)],
                                  sidx.at[pl.ds(0, ACH)], dsem).wait()

        plsc.subcore_barrier()

        def _gather(j, buf):
            pltpu.async_copy(
                y_hbm.at[sidx.at[pl.ds(j * ACH, ACH)]],
                rows.at[buf], gsem)

        _gather(0, 0)

        NP = (ACMAX + 5) // 6

        def body(p, carry):
            for k in range(6):
                j = 6 * p + k

                @pl.when(j < nc)
                def _():
                    pltpu.make_async_copy(
                        y_hbm.at[sidx.at[pl.ds(0, ACH)]],
                        rows.at[k % 2], gsem).wait()
                    pltpu.make_async_copy(dst_hbm.at[pl.ds(0, ACH)],
                                          didx.at[k], esems[k % 2]).wait()

                    @pl.when(j + 1 < nc)
                    def _():
                        _gather(j + 1, (k + 1) % 2)

                    @pl.when(j + 2 < nc)
                    def _():
                        _dld(j + 2, (k + 2) % 6, esems[k % 2])

                    pltpu.sync_copy(rows.at[k % 2], accum.at[didx.at[k]],
                                    add=True)
            return carry

        lax.fori_loop(0, NP, body, 0)
        plsc.subcore_barrier()
        pltpu.sync_copy(accum.at[pl.ds(s * RA, RA)],
                        out_hbm.at[c, pl.ds(s * RA, RA)])

        @pl.when(s == NS - 1)
        def _():
            pltpu.sync_copy(accum.at[pl.ds(RREM_OFF, RREM)],
                            out_hbm.at[c, pl.ds(RREM_OFF, RREM)])

    return agg


_agg128 = _make_agg(128)



BR = 1000
GRID = N // BR


def _dinv_blk(d_ref):
    deg = d_ref[0, :, 0:1] + d_ref[1, :, 0:1] - 1.0
    return lax.rsqrt(deg)


def _mm1_body(x_ref, w_ref, d_ref, o_ref):
    y = jnp.dot(x_ref[...], w_ref[...], preferred_element_type=jnp.float32)
    o_ref[...] = y * _dinv_blk(d_ref)


def _mm1(x, W1, degp):
    return pl.pallas_call(
        _mm1_body,
        grid=(GRID,),
        in_specs=[
            pl.BlockSpec((BR, 128), lambda i: (i, 0)),
            pl.BlockSpec((128, 128), lambda i: (0, 0)),
            pl.BlockSpec((NC, BR, HW), lambda i: (0, i, 0)),
        ],
        out_specs=pl.BlockSpec((BR, 128), lambda i: (i, 0)),
        out_shape=jax.ShapeDtypeStruct((N, 128), jnp.float32),
    )(x, W1, degp)


def _mm2_body(p_ref, d_ref, b_ref, w_ref, o_ref):
    dinv = _dinv_blk(d_ref)
    agg = p_ref[0] + p_ref[1]
    h = jnp.maximum(agg * dinv + b_ref[...][None, :], 0.0)
    o_ref[...] = jnp.dot(h, w_ref[...], preferred_element_type=jnp.float32) * dinv


def _mm2(p1, degp, b1, W2):
    return pl.pallas_call(
        _mm2_body,
        grid=(GRID,),
        in_specs=[
            pl.BlockSpec((NC, BR, 128), lambda i: (0, i, 0)),
            pl.BlockSpec((NC, BR, HW), lambda i: (0, i, 0)),
            pl.BlockSpec((128,), lambda i: (0,)),
            pl.BlockSpec((128, 128), lambda i: (0, 0)),
        ],
        out_specs=pl.BlockSpec((BR, 128), lambda i: (i, 0)),
        out_shape=jax.ShapeDtypeStruct((N, 128), jnp.float32),
    )(p1, degp, b1, W2)


def _final_body(p_ref, d_ref, b_ref, o_ref):
    dinv = _dinv_blk(d_ref)
    o = (p_ref[0, :, :64] + p_ref[1, :, :64]) * dinv + b_ref[...][None, :]
    m = jnp.max(o, axis=1, keepdims=True)
    z = o - m
    o_ref[...] = z - jnp.log(jnp.sum(jnp.exp(z), axis=1, keepdims=True))


def _final(p2, degp, b2):
    return pl.pallas_call(
        _final_body,
        grid=(GRID,),
        in_specs=[
            pl.BlockSpec((NC, BR, 128), lambda i: (0, i, 0)),
            pl.BlockSpec((NC, BR, HW), lambda i: (0, i, 0)),
            pl.BlockSpec((64,), lambda i: (0,)),
        ],
        out_specs=pl.BlockSpec((BR, 64), lambda i: (i, 0)),
        out_shape=jax.ShapeDtypeStruct((N, 64), jnp.float32),
    )(p2, degp, b2)


def kernel(x, edge_index, W1, b1, W2, b2):
    ei = edge_index.astype(jnp.int32)
    src = ei[0]
    dst = ei[1]
    ones = jnp.ones((HPT, HW), jnp.float32)
    W2p = jnp.pad(W2, ((0, 0), (0, 128 - OUT)))
    zeros = jnp.zeros((N, 128), jnp.float32)
    degp = _hist(dst, ones)
    y1 = _mm1(x, W1, degp)
    p1 = _agg128(src, dst, y1, zeros)
    y2 = _mm2(p1, degp, b1, W2p)
    p2 = _agg128(src, dst, y2, zeros)
    return _final(p2, degp, b2)

# --- scband reference (transcript-rebuilt; emitter-appended) ---
"""Pipeline reference for scband-gcn-27350351741210 (READ-ONLY COPY).

The authoritative reference and input builder live on the scoring server;
editing this copy changes nothing except your own understanding.
"""

import jax, jax.numpy as jnp
import numpy as np

N_NODES = 10000
N_EDGES = 320000
IN_CH = 128
HID_CH = 128
OUT_CH = 64


def gcn_conv(x, edge_index, W, b):
    # Faithful PyG GCNConv: add self-loops, symmetric normalization D^-1/2 (A+I) D^-1/2,
    # out = norm-aggregate(x @ W) + b
    N = x.shape[0]
    src = edge_index[0]
    dst = edge_index[1]
    loop = jnp.arange(N, dtype=edge_index.dtype)
    src = jnp.concatenate([src, loop], axis=0)
    dst = jnp.concatenate([dst, loop], axis=0)
    ew = jnp.ones(src.shape[0], dtype=x.dtype)
    deg = jax.ops.segment_sum(ew, dst, num_segments=N)
    deg_inv_sqrt = jnp.where(deg > 0, jax.lax.rsqrt(jnp.maximum(deg, 1e-12)), 0.0)
    norm = deg_inv_sqrt[src] * deg_inv_sqrt[dst]
    xw = x @ W
    msg = xw[src] * norm[:, None]
    out = jax.ops.segment_sum(msg, dst, num_segments=N)
    return out + b


def setup_inputs(seed: int = 0) -> dict:
    key = jax.random.key(seed)
    k1, k2, k3, k4, k5, k6 = jax.random.split(key, 6)
    x = jax.random.normal(k1, (N_NODES, IN_CH), dtype=jnp.float32)
    edge_index = jax.random.randint(k2, (2, N_EDGES), 0, N_NODES, dtype=jnp.int64)
    W1 = jax.random.normal(k3, (IN_CH, HID_CH), dtype=jnp.float32) * (1.0 / np.sqrt(IN_CH))
    b1 = jnp.zeros((HID_CH,), dtype=jnp.float32)
    W2 = jax.random.normal(k4, (HID_CH, OUT_CH), dtype=jnp.float32) * (1.0 / np.sqrt(HID_CH))
    b2 = jnp.zeros((OUT_CH,), dtype=jnp.float32)
    return {"x": x, "edge_index": edge_index, "W1": W1, "b1": b1, "W2": W2, "b2": b2}


def reference(x, edge_index, W1, b1, W2, b2):
    h = gcn_conv(x, edge_index, W1, b1)
    h = jax.nn.relu(h)
    # dropout is identity in eval mode (training=False)
    out = gcn_conv(h, edge_index, W2, b2)
    return jax.nn.log_softmax(out, axis=1)

if __name__ == "__main__":
    import jax
    _d = setup_inputs()
    print(jax.jit(kernel)(*tuple(_d.values())))

</pallas_src>

<mosaic_0001>
#map = affine_map<(d0, d1) -> (0)>
#map1 = affine_map<(d0, d1) -> (0, 0)>
#map2 = affine_map<(d0, d1) -> (0, 0, 0)>
module attributes {stable_mosaic.version = 14 : i64} {
  func.func @_hist(%arg0: i32, %arg1: i32, %arg2: memref<320000xi32, #tpu.memory_space<hbm>>, %arg3: memref<640x16xf32, #tpu.memory_space<hbm>>, %arg4: memref<2x10240x16xf32, #tpu.memory_space<hbm>>, %arg5: memref<64x16xf32, #tpu.memory_space<vmem>>, %arg6: memref<157x64xi32, #tpu.memory_space<vmem>>, %arg7: memref<10240x16xf32, #tpu.memory_space<vmem_shared>>, %arg8: memref<!tpu.dma_semaphore, #tpu.memory_space<semaphore_mem>>, %arg9: memref<!tpu.dma_semaphore, #tpu.memory_space<semaphore_mem>>) attributes {dimension_semantics = [#tpu.dimension_semantics<core_parallel>, #tpu.dimension_semantics<subcore_parallel>], iteration_bounds = array<i64: 2, 16>, scalar_prefetch = 0 : i64, scratch_operands = 5 : i64, tpu.core_type = #tpu.core_type<sc_vector_subcore>, window_params = [{transform_indices = #map}, {transform_indices = #map1}, {transform_indices = #map2}]} {
    %mul3A = arith.constant 16 : i32
    %mul3A_0 = arith.muli %arg0, %mul3A : i32
    %add3A = arith.addi %mul3A_0, %arg1 : i32
    %mul3A_1 = arith.constant 156 : i32
    %mul3A_2 = arith.muli %add3A, %mul3A_1 : i32
    %min3A = arith.constant 8 : i32
    %min3A_3 = arith.minsi %add3A, %min3A : i32
    %add3A_4 = arith.addi %mul3A_2, %min3A_3 : i32
    %lt3A = arith.constant 8 : i32
    %lt3A_5 = arith.cmpi slt, %add3A, %lt3A : i32
    %jit3A = arith.constant 157 : i32
    %jit3A_6 = arith.constant 156 : i32
    %select_n3A = arith.select %lt3A_5, %jit3A, %jit3A_6 : i32
    %while3A = arith.constant 0 : i32
    %while3A_7 = arith.constant 0 : i32
    %while3A_8 = arith.subi %select_n3A, %while3A_7 : i32
    %while3A_9 = arith.addi %while3A_7, %while3A_8 : i32
    %while3A_10 = arith.constant 1 : i32
    %while3A_11 = arith.divsi %while3A_8, %while3A_10 : i32
    %while3A_12 = arith.muli %while3A_11, %while3A_10 : i32
    %while3A_13 = arith.addi %while3A_7, %while3A_12 : i32
    %while3A_14 = arith.constant 1 : i32
    scf.for %while3A_53 = %while3A_7 to %while3A_13 step %while3A_14  : i32 {
      %add3A_54 = arith.addi %add3A_4, %while3A_53 : i32
      %mul3A_55 = arith.constant 64 : i32
      %mul3A_56 = arith.muli %add3A_54, %mul3A_55 : i32
      %dma_start3A = arith.constant 0 : i32
      %dma_start3A_57 = tpu.memref_slice %arg6[%while3A_53, %dma_start3A] : memref<157x64xi32, #tpu.memory_space<vmem>> -> memref<1x64xi32, #tpu.memory_space<vmem>>
      %dma_start3A_58 = tpu.memref_squeeze %dma_start3A_57 : memref<1x64xi32, #tpu.memory_space<vmem>> -> memref<64xi32, #tpu.memory_space<vmem>>
      %dma_start3A_59 = tpu.memref_slice %arg2[%mul3A_56] : memref<320000xi32, #tpu.memory_space<hbm>> -> memref<64xi32, #tpu.memory_space<hbm>>
      %dma_start3A_60 = arith.constant 0 : i32
      %dma_start3A_61 = tpu.memref_slice %arg6[%while3A_53, %dma_start3A_60] : memref<157x64xi32, #tpu.memory_space<vmem>> -> memref<1x64xi32, #tpu.memory_space<vmem>>
      %dma_start3A_62 = tpu.memref_squeeze %dma_start3A_61 : memref<1x64xi32, #tpu.memory_space<vmem>> -> memref<64xi32, #tpu.memory_space<vmem>>
      %dma_start3A_63 = tpu.memref_slice %arg2[%mul3A_56] : memref<320000xi32, #tpu.memory_space<hbm>> -> memref<64xi32, #tpu.memory_space<hbm>>
      tpu.enqueue_dma source(%dma_start3A_63 : memref<64xi32, #tpu.memory_space<hbm>>) target(%dma_start3A_62 : memref<64xi32, #tpu.memory_space<vmem>>) target_semaphore(%arg8 : memref<!tpu.dma_semaphore, #tpu.memory_space<semaphore_mem>>)
    }
    %while3A_15 = arith.constant 1 : i32
    scf.for %while3A_53 = %while3A_13 to %while3A_9 step %while3A_15  : i32 {
      %add3A_54 = arith.addi %add3A_4, %while3A_53 : i32
      %mul3A_55 = arith.constant 64 : i32
      %mul3A_56 = arith.muli %add3A_54, %mul3A_55 : i32
      %dma_start3A = arith.constant 0 : i32
      %dma_start3A_57 = tpu.memref_slice %arg6[%while3A_53, %dma_start3A] : memref<157x64xi32, #tpu.memory_space<vmem>> -> memref<1x64xi32, #tpu.memory_space<vmem>>
      %dma_start3A_58 = tpu.memref_squeeze %dma_start3A_57 : memref<1x64xi32, #tpu.memory_space<vmem>> -> memref<64xi32, #tpu.memory_space<vmem>>
      %dma_start3A_59 = tpu.memref_slice %arg2[%mul3A_56] : memref<320000xi32, #tpu.memory_space<hbm>> -> memref<64xi32, #tpu.memory_space<hbm>>
      %dma_start3A_60 = arith.constant 0 : i32
      %dma_start3A_61 = tpu.memref_slice %arg6[%while3A_53, %dma_start3A_60] : memref<157x64xi32, #tpu.memory_space<vmem>> -> memref<1x64xi32, #tpu.memory_space<vmem>>
      %dma_start3A_62 = tpu.memref_squeeze %dma_start3A_61 : memref<1x64xi32, #tpu.memory_space<vmem>> -> memref<64xi32, #tpu.memory_space<vmem>>
      %dma_start3A_63 = tpu.memref_slice %arg2[%mul3A_56] : memref<320000xi32, #tpu.memory_space<hbm>> -> memref<64xi32, #tpu.memory_space<hbm>>
      tpu.enqueue_dma source(%dma_start3A_63 : memref<64xi32, #tpu.memory_space<hbm>>) target(%dma_start3A_62 : memref<64xi32, #tpu.memory_space<vmem>>) target_semaphore(%arg8 : memref<!tpu.dma_semaphore, #tpu.memory_space<semaphore_mem>>)
    }
    "tpu.region"() ({
      %run_scoped3A = tpu.sem_alloc : memref<!tpu.dma_semaphore, #tpu.memory_space<semaphore_mem>>
      %dma_start3A = arith.constant 0 : i32
      %dma_start3A_53 = arith.constant 0 : i32
      %dma_start3A_54 = tpu.memref_slice %arg3[%dma_start3A, %dma_start3A_53] : memref<640x16xf32, #tpu.memory_space<hbm>> -> memref<64x16xf32, #tpu.memory_space<hbm>>
      %dma_start3A_55 = arith.constant 0 : i32
      %dma_start3A_56 = arith.constant 0 : i32
      %dma_start3A_57 = tpu.memref_slice %arg3[%dma_start3A_55, %dma_start3A_56] : memref<640x16xf32, #tpu.memory_space<hbm>> -> memref<64x16xf32, #tpu.memory_space<hbm>>
      tpu.enqueue_dma source(%dma_start3A_57 : memref<64x16xf32, #tpu.memory_space<hbm>>) target(%arg5 : memref<64x16xf32, #tpu.memory_space<vmem>>) target_semaphore(%run_scoped3A : memref<!tpu.dma_semaphore, #tpu.memory_space<semaphore_mem>>)
      %dma_wait3A = arith.constant 0 : i32
      %dma_wait3A_58 = arith.constant 0 : i32
      %dma_wait3A_59 = tpu.memref_slice %arg3[%dma_wait3A, %dma_wait3A_58] : memref<640x16xf32, #tpu.memory_space<hbm>> -> memref<64x16xf32, #tpu.memory_space<hbm>>
      %dma_wait3A_60 = arith.constant 0 : i32
      %dma_wait3A_61 = arith.constant 0 : i32
      %dma_wait3A_62 = tpu.memref_slice %arg3[%dma_wait3A_60, %dma_wait3A_61] : memref<640x16xf32, #tpu.memory_space<hbm>> -> memref<64x16xf32, #tpu.memory_space<hbm>>
      tpu.wait_dma2 semaphore(%run_scoped3A : memref<!tpu.dma_semaphore, #tpu.memory_space<semaphore_mem>>) src(%dma_wait3A_62 : memref<64x16xf32, #tpu.memory_space<hbm>>) dst(%arg5 : memref<64x16xf32, #tpu.memory_space<vmem>>)
      tpu.yield
    }) : () -> ()
    %mul3A_16 = arith.constant 640 : i32
    %mul3A_17 = arith.muli %arg1, %mul3A_16 : i32
    "tpu.region"() ({
      %run_scoped3A = tpu.sem_alloc : memref<!tpu.dma_semaphore, #tpu.memory_space<semaphore_mem>>
      %dma_start3A = arith.constant 0 : i32
      %dma_start3A_53 = tpu.memref_slice %arg7[%mul3A_17, %dma_start3A] : memref<10240x16xf32, #tpu.memory_space<vmem_shared>> -> memref<640x16xf32, #tpu.memory_space<vmem_shared>>
      tpu.enqueue_dma source(%arg3 : memref<640x16xf32, #tpu.memory_space<hbm>>) target(%dma_start3A_53 : memref<640x16xf32, #tpu.memory_space<vmem_shared>>) target_semaphore(%run_scoped3A : memref<!tpu.dma_semaphore, #tpu.memory_space<semaphore_mem>>)
      %dma_wait3A = arith.constant 0 : i32
      %dma_wait3A_54 = tpu.memref_slice %arg7[%mul3A_17, %dma_wait3A] : memref<10240x16xf32, #tpu.memory_space<vmem_shared>> -> memref<640x16xf32, #tpu.memory_space<vmem_shared>>
      tpu.wait_dma2 semaphore(%run_scoped3A : memref<!tpu.dma_semaphore, #tpu.memory_space<semaphore_mem>>) src(%arg3 : memref<640x16xf32, #tpu.memory_space<hbm>>) dst(%dma_wait3A_54 : memref<640x16xf32, #tpu.memory_space<vmem_shared>>)
      tpu.yield
    }) : () -> ()
    %while3A_18 = arith.constant 0 : i32
    %while3A_19 = arith.constant 0 : i32
    %while3A_20 = arith.subi %select_n3A, %while3A_19 : i32
    %while3A_21 = arith.addi %while3A_19, %while3A_20 : i32
    %while3A_22 = arith.constant 1 : i32
    %while3A_23 = arith.divsi %while3A_20, %while3A_22 : i32
    %while3A_24 = arith.muli %while3A_23, %while3A_22 : i32
    %while3A_25 = arith.addi %while3A_19, %while3A_24 : i32
    %while3A_26 = arith.constant 1 : i32
    scf.for %while3A_53 = %while3A_19 to %while3A_25 step %while3A_26  : i32 {
      %dma_wait3A = arith.constant 0 : i32
      %dma_wait3A_54 = arith.constant 0 : i32
      %dma_wait3A_55 = tpu.memref_slice %arg6[%dma_wait3A, %dma_wait3A_54] : memref<157x64xi32, #tpu.memory_space<vmem>> -> memref<1x64xi32, #tpu.memory_space<vmem>>
      %dma_wait3A_56 = tpu.memref_squeeze %dma_wait3A_55 : memref<1x64xi32, #tpu.memory_space<vmem>> -> memref<64xi32, #tpu.memory_space<vmem>>
      %dma_wait3A_57 = arith.constant 0 : i32
      %dma_wait3A_58 = tpu.memref_slice %arg2[%dma_wait3A_57] : memref<320000xi32, #tpu.memory_space<hbm>> -> memref<64xi32, #tpu.memory_space<hbm>>
      %dma_wait3A_59 = arith.constant 0 : i32
      %dma_wait3A_60 = tpu.memref_slice %arg6[%dma_wait3A, %dma_wait3A_59] : memref<157x64xi32, #tpu.memory_space<vmem>> -> memref<1x64xi32, #tpu.memory_space<vmem>>
      %dma_wait3A_61 = tpu.memref_squeeze %dma_wait3A_60 : memref<1x64xi32, #tpu.memory_space<vmem>> -> memref<64xi32, #tpu.memory_space<vmem>>
      %dma_wait3A_62 = arith.constant 0 : i32
      %dma_wait3A_63 = tpu.memref_slice %arg2[%dma_wait3A_62] : memref<320000xi32, #tpu.memory_space<hbm>> -> memref<64xi32, #tpu.memory_space<hbm>>
      tpu.wait_dma2 semaphore(%arg8 : memref<!tpu.dma_semaphore, #tpu.memory_space<semaphore_mem>>) src(%dma_wait3A_63 : memref<64xi32, #tpu.memory_space<hbm>>) dst(%dma_wait3A_61 : memref<64xi32, #tpu.memory_space<vmem>>)
    }
    %while3A_27 = arith.constant 1 : i32
    scf.for %while3A_53 = %while3A_25 to %while3A_21 step %while3A_27  : i32 {
      %dma_wait3A = arith.constant 0 : i32
      %dma_wait3A_54 = arith.constant 0 : i32
      %dma_wait3A_55 = tpu.memref_slice %arg6[%dma_wait3A, %dma_wait3A_54] : memref<157x64xi32, #tpu.memory_space<vmem>> -> memref<1x64xi32, #tpu.memory_space<vmem>>
      %dma_wait3A_56 = tpu.memref_squeeze %dma_wait3A_55 : memref<1x64xi32, #tpu.memory_space<vmem>> -> memref<64xi32, #tpu.memory_space<vmem>>
      %dma_wait3A_57 = arith.constant 0 : i32
      %dma_wait3A_58 = tpu.memref_slice %arg2[%dma_wait3A_57] : memref<320000xi32, #tpu.memory_space<hbm>> -> memref<64xi32, #tpu.memory_space<hbm>>
      %dma_wait3A_59 = arith.constant 0 : i32
      %dma_wait3A_60 = tpu.memref_slice %arg6[%dma_wait3A, %dma_wait3A_59] : memref<157x64xi32, #tpu.memory_space<vmem>> -> memref<1x64xi32, #tpu.memory_space<vmem>>
      %dma_wait3A_61 = tpu.memref_squeeze %dma_wait3A_60 : memref<1x64xi32, #tpu.memory_space<vmem>> -> memref<64xi32, #tpu.memory_space<vmem>>
      %dma_wait3A_62 = arith.constant 0 : i32
      %dma_wait3A_63 = tpu.memref_slice %arg2[%dma_wait3A_62] : memref<320000xi32, #tpu.memory_space<hbm>> -> memref<64xi32, #tpu.memory_space<hbm>>
      tpu.wait_dma2 semaphore(%arg8 : memref<!tpu.dma_semaphore, #tpu.memory_space<semaphore_mem>>) src(%dma_wait3A_63 : memref<64xi32, #tpu.memory_space<hbm>>) dst(%dma_wait3A_61 : memref<64xi32, #tpu.memory_space<vmem>>)
    }
    %barrier3A = arith.constant 0 : index
    tpu.barrier barrier_id(%barrier3A)
    %while3A_28 = arith.constant 0 : i32
    %while3A_29 = arith.constant 0 : i32
    %while3A_30 = arith.subi %select_n3A, %while3A_29 : i32
    %while3A_31 = arith.addi %while3A_29, %while3A_30 : i32
    %while3A_32 = arith.constant 1 : i32
    %while3A_33 = arith.divsi %while3A_30, %while3A_32 : i32
    %while3A_34 = arith.muli %while3A_33, %while3A_32 : i32
    %while3A_35 = arith.addi %while3A_29, %while3A_34 : i32
    %while3A_36 = arith.constant 1 : i32
    scf.for %while3A_53 = %while3A_29 to %while3A_35 step %while3A_36  : i32 {
      %dma_start3A = arith.constant 0 : i32
      %dma_start3A_54 = tpu.memref_slice %arg6[%while3A_53, %dma_start3A] : memref<157x64xi32, #tpu.memory_space<vmem>> -> memref<1x64xi32, #tpu.memory_space<vmem>>
      %dma_start3A_55 = tpu.memref_squeeze %dma_start3A_54 : memref<1x64xi32, #tpu.memory_space<vmem>> -> memref<64xi32, #tpu.memory_space<vmem>>
      %dma_start3A_56 = arith.constant 0 : i32
      %dma_start3A_57 = arith.constant 0 : i32
      %dma_start3A_58 = tpu.memref_slice %arg7[%dma_start3A_56, %dma_start3A_57] : memref<10240x16xf32, #tpu.memory_space<vmem_shared>> -> memref<10240x16xf32, #tpu.memory_space<vmem_shared>>
      tpu.enqueue_indirect_dma source(%arg5 : memref<64x16xf32, #tpu.memory_space<vmem>>) target(%dma_start3A_58 : memref<10240x16xf32, #tpu.memory_space<vmem_shared>>) offsets(%dma_start3A_55 : memref<64xi32, #tpu.memory_space<vmem>>) semaphore(%arg9 : memref<!tpu.dma_semaphore, #tpu.memory_space<semaphore_mem>>) {add = true}
    }
    %while3A_37 = arith.constant 1 : i32
    scf.for %while3A_53 = %while3A_35 to %while3A_31 step %while3A_37  : i32 {
      %dma_start3A = arith.constant 0 : i32
      %dma_start3A_54 = tpu.memref_slice %arg6[%while3A_53, %dma_start3A] : memref<157x64xi32, #tpu.memory_space<vmem>> -> memref<1x64xi32, #tpu.memory_space<vmem>>
      %dma_start3A_55 = tpu.memref_squeeze %dma_start3A_54 : memref<1x64xi32, #tpu.memory_space<vmem>> -> memref<64xi32, #tpu.memory_space<vmem>>
      %dma_start3A_56 = arith.constant 0 : i32
      %dma_start3A_57 = arith.constant 0 : i32
      %dma_start3A_58 = tpu.memref_slice %arg7[%dma_start3A_56, %dma_start3A_57] : memref<10240x16xf32, #tpu.memory_space<vmem_shared>> -> memref<10240x16xf32, #tpu.memory_space<vmem_shared>>
      tpu.enqueue_indirect_dma source(%arg5 : memref<64x16xf32, #tpu.memory_space<vmem>>) target(%dma_start3A_58 : memref<10240x16xf32, #tpu.memory_space<vmem_shared>>) offsets(%dma_start3A_55 : memref<64xi32, #tpu.memory_space<vmem>>) semaphore(%arg9 : memref<!tpu.dma_semaphore, #tpu.memory_space<semaphore_mem>>) {add = true}
    }
    %while3A_38 = arith.constant 0 : i32
    %while3A_39 = arith.constant 0 : i32
    %while3A_40 = arith.subi %select_n3A, %while3A_39 : i32
    %while3A_41 = arith.addi %while3A_39, %while3A_40 : i32
    %while3A_42 = arith.constant 1 : i32
    %while3A_43 = arith.divsi %while3A_40, %while3A_42 : i32
    %while3A_44 = arith.muli %while3A_43, %while3A_42 : i32
    %while3A_45 = arith.addi %while3A_39, %while3A_44 : i32
    %while3A_46 = arith.constant 1 : i32
    scf.for %while3A_53 = %while3A_39 to %while3A_45 step %while3A_46  : i32 {
      %dma_wait3A = arith.constant 0 : i32
      %dma_wait3A_54 = arith.constant 0 : i32
      %dma_wait3A_55 = tpu.memref_slice %arg6[%dma_wait3A, %dma_wait3A_54] : memref<157x64xi32, #tpu.memory_space<vmem>> -> memref<1x64xi32, #tpu.memory_space<vmem>>
      %dma_wait3A_56 = tpu.memref_squeeze %dma_wait3A_55 : memref<1x64xi32, #tpu.memory_space<vmem>> -> memref<64xi32, #tpu.memory_space<vmem>>
      %dma_wait3A_57 = arith.constant 0 : i32
      %dma_wait3A_58 = arith.constant 0 : i32
      %dma_wait3A_59 = tpu.memref_slice %arg7[%dma_wait3A_57, %dma_wait3A_58] : memref<10240x16xf32, #tpu.memory_space<vmem_shared>> -> memref<10240x16xf32, #tpu.memory_space<vmem_shared>>
      tpu.wait_indirect_dma semaphore(%arg9 : memref<!tpu.dma_semaphore, #tpu.memory_space<semaphore_mem>>) src(%arg5 : memref<64x16xf32, #tpu.memory_space<vmem>>) dst(%dma_wait3A_59 : memref<10240x16xf32, #tpu.memory_space<vmem_shared>>)
    }
    %while3A_47 = arith.constant 1 : i32
    scf.for %while3A_53 = %while3A_45 to %while3A_41 step %while3A_47  : i32 {
      %dma_wait3A = arith.constant 0 : i32
      %dma_wait3A_54 = arith.constant 0 : i32
      %dma_wait3A_55 = tpu.memref_slice %arg6[%dma_wait3A, %dma_wait3A_54] : memref<157x64xi32, #tpu.memory_space<vmem>> -> memref<1x64xi32, #tpu.memory_space<vmem>>
      %dma_wait3A_56 = tpu.memref_squeeze %dma_wait3A_55 : memref<1x64xi32, #tpu.memory_space<vmem>> -> memref<64xi32, #tpu.memory_space<vmem>>
      %dma_wait3A_57 = arith.constant 0 : i32
      %dma_wait3A_58 = arith.constant 0 : i32
      %dma_wait3A_59 = tpu.memref_slice %arg7[%dma_wait3A_57, %dma_wait3A_58] : memref<10240x16xf32, #tpu.memory_space<vmem_shared>> -> memref<10240x16xf32, #tpu.memory_space<vmem_shared>>
      tpu.wait_indirect_dma semaphore(%arg9 : memref<!tpu.dma_semaphore, #tpu.memory_space<semaphore_mem>>) src(%arg5 : memref<64x16xf32, #tpu.memory_space<vmem>>) dst(%dma_wait3A_59 : memref<10240x16xf32, #tpu.memory_space<vmem_shared>>)
    }
    %barrier3A_48 = arith.constant 0 : index
    tpu.barrier barrier_id(%barrier3A_48)
    %mul3A_49 = arith.constant 640 : i32
    %mul3A_50 = arith.muli %arg1, %mul3A_49 : i32
    %mul3A_51 = arith.constant 640 : i32
    %mul3A_52 = arith.muli %arg1, %mul3A_51 : i32
    "tpu.region"() ({
      %run_scoped3A = tpu.sem_alloc : memref<!tpu.dma_semaphore, #tpu.memory_space<semaphore_mem>>
      %dma_start3A = arith.constant 0 : i32
      %dma_start3A_53 = tpu.memref_slice %arg4[%arg0, %mul3A_52, %dma_start3A] : memref<2x10240x16xf32, #tpu.memory_space<hbm>> -> memref<1x640x16xf32, #tpu.memory_space<hbm>>
      %dma_start3A_54 = tpu.memref_squeeze %dma_start3A_53 : memref<1x640x16xf32, #tpu.memory_space<hbm>> -> memref<640x16xf32, #tpu.memory_space<hbm>>
      %dma_start3A_55 = arith.constant 0 : i32
      %dma_start3A_56 = tpu.memref_slice %arg7[%mul3A_50, %dma_start3A_55] : memref<10240x16xf32, #tpu.memory_space<vmem_shared>> -> memref<640x16xf32, #tpu.memory_space<vmem_shared>>
      tpu.enqueue_dma source(%dma_start3A_56 : memref<640x16xf32, #tpu.memory_space<vmem_shared>>) target(%dma_start3A_54 : memref<640x16xf32, #tpu.memory_space<hbm>>) target_semaphore(%run_scoped3A : memref<!tpu.dma_semaphore, #tpu.memory_space<semaphore_mem>>)
      %dma_wait3A = arith.constant 0 : i32
      %dma_wait3A_57 = tpu.memref_slice %arg4[%arg0, %mul3A_52, %dma_wait3A] : memref<2x10240x16xf32, #tpu.memory_space<hbm>> -> memref<1x640x16xf32, #tpu.memory_space<hbm>>
      %dma_wait3A_58 = tpu.memref_squeeze %dma_wait3A_57 : memref<1x640x16xf32, #tpu.memory_space<hbm>> -> memref<640x16xf32, #tpu.memory_space<hbm>>
      %dma_wait3A_59 = arith.constant 0 : i32
      %dma_wait3A_60 = tpu.memref_slice %arg7[%mul3A_50, %dma_wait3A_59] : memref<10240x16xf32, #tpu.memory_space<vmem_shared>> -> memref<640x16xf32, #tpu.memory_space<vmem_shared>>
      tpu.wait_dma2 semaphore(%run_scoped3A : memref<!tpu.dma_semaphore, #tpu.memory_space<semaphore_mem>>) src(%dma_wait3A_60 : memref<640x16xf32, #tpu.memory_space<vmem_shared>>) dst(%dma_wait3A_58 : memref<640x16xf32, #tpu.memory_space<hbm>>)
      tpu.yield
    }) : () -> ()
    return
  }
}

#map = affine_map<(d0, d1) -> (0)>
#map1 = affine_map<(d0, d1) -> (0, 0)>
#map2 = affine_map<(d0, d1) -> (0, 0, 0)>
module attributes {stable_mosaic.version = 14 : i64} {
  func.func @agg(%arg0: i32, %arg1: i32, %arg2: memref<320000xi32, #tpu.memory_space<hbm>>, %arg3: memref<320000xi32, #tpu.memory_space<hbm>>, %arg4: memref<10000x128xf32, #tpu.memory_space<hbm>>, %arg5: memref<10000x128xf32, #tpu.memory_space<hbm>>, %arg6: memref<2x10000x128xf32, #tpu.memory_space<hbm>>, %arg7: memref<10112xi32, #tpu.memory_space<vmem>>, %arg8: memref<6x128xi32, #tpu.memory_space<vmem>>, %arg9: memref<2x128x128xf32, #tpu.memory_space<vmem>>, %arg10: memref<10000x128xf32, #tpu.memory_space<vmem_shared>>, %arg11: memref<!tpu.dma_semaphore, #tpu.memory_space<semaphore_mem>>, %arg12: memref<!tpu.dma_semaphore, #tpu.memory_space<semaphore_mem>>, %arg13: memref<!tpu.dma_semaphore, #tpu.memory_space<semaphore_mem>>, %arg14: memref<!tpu.dma_semaphore, #tpu.memory_space<semaphore_mem>>) attributes {dimension_semantics = [#tpu.dimension_semantics<core_parallel>, #tpu.dimension_semantics<subcore_parallel>], iteration_bounds = array<i64: 2, 16>, scalar_prefetch = 0 : i64, scratch_operands = 8 : i64, tpu.core_type = #tpu.core_type<sc_vector_subcore>, window_params = [{transform_indices = #map}, {transform_indices = #map}, {transform_indices = #map1}, {transform_indices = #map1}, {transform_indices = #map2}]} {
    %mul3A = arith.constant 16 : i32
    %mul3A_0 = arith.muli %arg0, %mul3A : i32
    %add3A = arith.addi %mul3A_0, %arg1 : i32
    %mul3A_1 = arith.constant 78 : i32
    %mul3A_2 = arith.muli %add3A, %mul3A_1 : i32
    %min3A = arith.constant 4 : i32
    %min3A_3 = arith.minsi %add3A, %min3A : i32
    %add3A_4 = arith.addi %mul3A_2, %min3A_3 : i32
    %lt3A = arith.constant 4 : i32
    %lt3A_5 = arith.cmpi slt, %add3A, %lt3A : i32
    %jit3A = arith.constant 79 : i32
    %jit3A_6 = arith.constant 78 : i32
    %select_n3A = arith.select %lt3A_5, %jit3A, %jit3A_6 : i32
    %mul3A_7 = arith.constant 128 : i32
    %mul3A_8 = arith.muli %add3A_4, %mul3A_7 : i32
    %dma_start3A = arith.constant 0 : i32
    %dma_start3A_9 = tpu.memref_slice %arg7[%dma_start3A] : memref<10112xi32, #tpu.memory_space<vmem>> -> memref<9984xi32, #tpu.memory_space<vmem>>
    %dma_start3A_10 = tpu.memref_slice %arg2[%mul3A_8] : memref<320000xi32, #tpu.memory_space<hbm>> -> memref<9984xi32, #tpu.memory_space<hbm>>
    %dma_start3A_11 = arith.constant 0 : i32
    %dma_start3A_12 = tpu.memref_slice %arg7[%dma_start3A_11] : memref<10112xi32, #tpu.memory_space<vmem>> -> memref<9984xi32, #tpu.memory_space<vmem>>
    %dma_start3A_13 = tpu.memref_slice %arg2[%mul3A_8] : memref<320000xi32, #tpu.memory_space<hbm>> -> memref<9984xi32, #tpu.memory_space<hbm>>
    tpu.enqueue_dma source(%dma_start3A_13 : memref<9984xi32, #tpu.memory_space<hbm>>) target(%dma_start3A_12 : memref<9984xi32, #tpu.memory_space<vmem>>) target_semaphore(%arg11 : memref<!tpu.dma_semaphore, #tpu.memory_space<semaphore_mem>>)
    %eq3A = arith.constant 79 : i32
    %eq3A_14 = arith.cmpi eq, %select_n3A, %eq3A : i32
    %convert_element_type3A = arith.extui %eq3A_14 : i1 to i32
    %cond3A = arith.constant 0 : i32
    %cond3A_15 = arith.cmpi ne, %convert_element_type3A, %cond3A : i32
    scf.if %cond3A_15 {
      %add3A_89 = arith.constant 78 : i32
      %add3A_90 = arith.addi %add3A_4, %add3A_89 : i32
      %mul3A_91 = arith.constant 128 : i32
      %mul3A_92 = arith.muli %add3A_90, %mul3A_91 : i32
      %dma_start3A_93 = arith.constant 9984 : i32
      %dma_start3A_94 = tpu.memref_slice %arg7[%dma_start3A_93] : memref<10112xi32, #tpu.memory_space<vmem>> -> memref<128xi32, #tpu.memory_space<vmem>>
      %dma_start3A_95 = tpu.memref_slice %arg2[%mul3A_92] : memref<320000xi32, #tpu.memory_space<hbm>> -> memref<128xi32, #tpu.memory_space<hbm>>
      %dma_start3A_96 = arith.constant 9984 : i32
      %dma_start3A_97 = tpu.memref_slice %arg7[%dma_start3A_96] : memref<10112xi32, #tpu.memory_space<vmem>> -> memref<128xi32, #tpu.memory_space<vmem>>
      %dma_start3A_98 = tpu.memref_slice %arg2[%mul3A_92] : memref<320000xi32, #tpu.memory_space<hbm>> -> memref<128xi32, #tpu.memory_space<hbm>>
      tpu.enqueue_dma source(%dma_start3A_98 : memref<128xi32, #tpu.memory_space<hbm>>) target(%dma_start3A_97 : memref<128xi32, #tpu.memory_space<vmem>>) target_semaphore(%arg11 : memref<!tpu.dma_semaphore, #tpu.memory_space<semaphore_mem>>)
    } else {
    }
    %add3A_16 = arith.constant 0 : i32
    %add3A_17 = arith.addi %add3A_4, %add3A_16 : i32
    %mul3A_18 = arith.constant 128 : i32
    %mul3A_19 = arith.muli %add3A_17, %mul3A_18 : i32
    %dma_start3A_20 = arith.constant 0 : i32
    %dma_start3A_21 = arith.constant 0 : i32
    %dma_start3A_22 = tpu.memref_slice %arg8[%dma_start3A_20, %dma_start3A_21] : memref<6x128xi32, #tpu.memory_space<vmem>> -> memref<1x128xi32, #tpu.memory_space<vmem>>
    %dma_start3A_23 = tpu.memref_squeeze %dma_start3A_22 : memref<1x128xi32, #tpu.memory_space<vmem>> -> memref<128xi32, #tpu.memory_space<vmem>>
    %dma_start3A_24 = tpu.memref_slice %arg3[%mul3A_19] : memref<320000xi32, #tpu.memory_space<hbm>> -> memref<128xi32, #tpu.memory_space<hbm>>
    %dma_start3A_25 = arith.constant 0 : i32
    %dma_start3A_26 = tpu.memref_slice %arg8[%dma_start3A_20, %dma_start3A_25] : memref<6x128xi32, #tpu.memory_space<vmem>> -> memref<1x128xi32, #tpu.memory_space<vmem>>
    %dma_start3A_27 = tpu.memref_squeeze %dma_start3A_26 : memref<1x128xi32, #tpu.memory_space<vmem>> -> memref<128xi32, #tpu.memory_space<vmem>>
    %dma_start3A_28 = tpu.memref_slice %arg3[%mul3A_19] : memref<320000xi32, #tpu.memory_space<hbm>> -> memref<128xi32, #tpu.memory_space<hbm>>
    tpu.enqueue_dma source(%dma_start3A_28 : memref<128xi32, #tpu.memory_space<hbm>>) target(%dma_start3A_27 : memref<128xi32, #tpu.memory_space<vmem>>) target_semaphore(%arg13 : memref<!tpu.dma_semaphore, #tpu.memory_space<semaphore_mem>>)
    %add3A_29 = arith.constant 1 : i32
    %add3A_30 = arith.addi %add3A_4, %add3A_29 : i32
    %mul3A_31 = arith.constant 128 : i32
    %mul3A_32 = arith.muli %add3A_30, %mul3A_31 : i32
    %dma_start3A_33 = arith.constant 1 : i32
    %dma_start3A_34 = arith.constant 0 : i32
    %dma_start3A_35 = tpu.memref_slice %arg8[%dma_start3A_33, %dma_start3A_34] : memref<6x128xi32, #tpu.memory_space<vmem>> -> memref<1x128xi32, #tpu.memory_space<vmem>>
    %dma_start3A_36 = tpu.memref_squeeze %dma_start3A_35 : memref<1x128xi32, #tpu.memory_space<vmem>> -> memref<128xi32, #tpu.memory_space<vmem>>
    %dma_start3A_37 = tpu.memref_slice %arg3[%mul3A_32] : memref<320000xi32, #tpu.memory_space<hbm>> -> memref<128xi32, #tpu.memory_space<hbm>>
    %dma_start3A_38 = arith.constant 0 : i32
    %dma_start3A_39 = tpu.memref_slice %arg8[%dma_start3A_33, %dma_start3A_38] : memref<6x128xi32, #tpu.memory_space<vmem>> -> memref<1x128xi32, #tpu.memory_space<vmem>>
    %dma_start3A_40 = tpu.memref_squeeze %dma_start3A_39 : memref<1x128xi32, #tpu.memory_space<vmem>> -> memref<128xi32, #tpu.memory_space<vmem>>
    %dma_start3A_41 = tpu.memref_slice %arg3[%mul3A_32] : memref<320000xi32, #tpu.memory_space<hbm>> -> memref<128xi32, #tpu.memory_space<hbm>>
    tpu.enqueue_dma source(%dma_start3A_41 : memref<128xi32, #tpu.memory_space<hbm>>) target(%dma_start3A_40 : memref<128xi32, #tpu.memory_space<vmem>>) target_semaphore(%arg14 : memref<!tpu.dma_semaphore, #tpu.memory_space<semaphore_mem>>)
    %eq3A_42 = arith.constant 0 : i32
    %eq3A_43 = arith.cmpi eq, %arg0, %eq3A_42 : i32
    %convert_element_type3A_44 = arith.extui %eq3A_43 : i1 to i32
    %cond3A_45 = arith.constant 0 : i32
    %cond3A_46 = arith.cmpi ne, %convert_element_type3A_44, %cond3A_45 : i32
    scf.if %cond3A_46 {
      %mul3A_89 = arith.constant 624 : i32
      %mul3A_90 = arith.muli %arg1, %mul3A_89 : i32
      %mul3A_91 = arith.constant 624 : i32
      %mul3A_92 = arith.muli %arg1, %mul3A_91 : i32
      "tpu.region"() ({
        %run_scoped3A = tpu.sem_alloc : memref<!tpu.dma_semaphore, #tpu.memory_space<semaphore_mem>>
        %dma_start3A_98 = arith.constant 0 : i32
        %dma_start3A_99 = tpu.memref_slice %arg10[%mul3A_92, %dma_start3A_98] : memref<10000x128xf32, #tpu.memory_space<vmem_shared>> -> memref<624x128xf32, #tpu.memory_space<vmem_shared>>
        %dma_start3A_100 = arith.constant 0 : i32
        %dma_start3A_101 = tpu.memref_slice %arg4[%mul3A_90, %dma_start3A_100] : memref<10000x128xf32, #tpu.memory_space<hbm>> -> memref<624x128xf32, #tpu.memory_space<hbm>>
        tpu.enqueue_dma source(%dma_start3A_101 : memref<624x128xf32, #tpu.memory_space<hbm>>) target(%dma_start3A_99 : memref<624x128xf32, #tpu.memory_space<vmem_shared>>) target_semaphore(%run_scoped3A : memref<!tpu.dma_semaphore, #tpu.memory_space<semaphore_mem>>)
        %dma_wait3A_102 = arith.constant 0 : i32
        %dma_wait3A_103 = tpu.memref_slice %arg10[%mul3A_92, %dma_wait3A_102] : memref<10000x128xf32, #tpu.memory_space<vmem_shared>> -> memref<624x128xf32, #tpu.memory_space<vmem_shared>>
        %dma_wait3A_104 = arith.constant 0 : i32
        %dma_wait3A_105 = tpu.memref_slice %arg4[%mul3A_90, %dma_wait3A_104] : memref<10000x128xf32, #tpu.memory_space<hbm>> -> memref<624x128xf32, #tpu.memory_space<hbm>>
        tpu.wait_dma2 semaphore(%run_scoped3A : memref<!tpu.dma_semaphore, #tpu.memory_space<semaphore_mem>>) src(%dma_wait3A_105 : memref<624x128xf32, #tpu.memory_space<hbm>>) dst(%dma_wait3A_103 : memref<624x128xf32, #tpu.memory_space<vmem_shared>>)
        tpu.yield
      }) : () -> ()
      %eq3A_93 = arith.constant 15 : i32
      %eq3A_94 = arith.cmpi eq, %arg1, %eq3A_93 : i32
      %convert_element_type3A_95 = arith.extui %eq3A_94 : i1 to i32
      %cond3A_96 = arith.constant 0 : i32
      %cond3A_97 = arith.cmpi ne, %convert_element_type3A_95, %cond3A_96 : i32
      scf.if %cond3A_97 {
        "tpu.region"() ({
          %run_scoped3A = tpu.sem_alloc : memref<!tpu.dma_semaphore, #tpu.memory_space<semaphore_mem>>
          %dma_start3A_98 = arith.constant 9984 : i32
          %dma_start3A_99 = arith.constant 0 : i32
          %dma_start3A_100 = tpu.memref_slice %arg10[%dma_start3A_98, %dma_start3A_99] : memref<10000x128xf32, #tpu.memory_space<vmem_shared>> -> memref<16x128xf32, #tpu.memory_space<vmem_shared>>
          %dma_start3A_101 = arith.constant 9984 : i32
          %dma_start3A_102 = arith.constant 0 : i32
          %dma_start3A_103 = tpu.memref_slice %arg4[%dma_start3A_101, %dma_start3A_102] : memref<10000x128xf32, #tpu.memory_space<hbm>> -> memref<16x128xf32, #tpu.memory_space<hbm>>
          tpu.enqueue_dma source(%dma_start3A_103 : memref<16x128xf32, #tpu.memory_space<hbm>>) target(%dma_start3A_100 : memref<16x128xf32, #tpu.memory_space<vmem_shared>>) target_semaphore(%run_scoped3A : memref<!tpu.dma_semaphore, #tpu.memory_space<semaphore_mem>>)
          %dma_wait3A_104 = arith.constant 9984 : i32
          %dma_wait3A_105 = arith.constant 0 : i32
          %dma_wait3A_106 = tpu.memref_slice %arg10[%dma_wait3A_104, %dma_wait3A_105] : memref<10000x128xf32, #tpu.memory_space<vmem_shared>> -> memref<16x128xf32, #tpu.memory_space<vmem_shared>>
          %dma_wait3A_107 = arith.constant 9984 : i32
          %dma_wait3A_108 = arith.constant 0 : i32
          %dma_wait3A_109 = tpu.memref_slice %arg4[%dma_wait3A_107, %dma_wait3A_108] : memref<10000x128xf32, #tpu.memory_space<hbm>> -> memref<16x128xf32, #tpu.memory_space<hbm>>
          tpu.wait_dma2 semaphore(%run_scoped3A : memref<!tpu.dma_semaphore, #tpu.memory_space<semaphore_mem>>) src(%dma_wait3A_109 : memref<16x128xf32, #tpu.memory_space<hbm>>) dst(%dma_wait3A_106 : memref<16x128xf32, #tpu.memory_space<vmem_shared>>)
          tpu.yield
        }) : () -> ()
      } else {
      }
    } else {
    }
    %eq3A_47 = arith.constant 1 : i32
    %eq3A_48 = arith.cmpi eq, %arg0, %eq3A_47 : i32
    %convert_element_type3A_49 = arith.extui %eq3A_48 : i1 to i32
    %cond3A_50 = arith.constant 0 : i32
    %cond3A_51 = arith.cmpi ne, %convert_element_type3A_49, %cond3A_50 : i32
    scf.if %cond3A_51 {
      %mul3A_89 = arith.constant 624 : i32
      %mul3A_90 = arith.muli %arg1, %mul3A_89 : i32
      %mul3A_91 = arith.constant 624 : i32
      %mul3A_92 = arith.muli %arg1, %mul3A_91 : i32
      "tpu.region"() ({
        %run_scoped3A = tpu.sem_alloc : memref<!tpu.dma_semaphore, #tpu.memory_space<semaphore_mem>>
        %dma_start3A_98 = arith.constant 0 : i32
        %dma_start3A_99 = tpu.memref_slice %arg10[%mul3A_92, %dma_start3A_98] : memref<10000x128xf32, #tpu.memory_space<vmem_shared>> -> memref<624x128xf32, #tpu.memory_space<vmem_shared>>
        %dma_start3A_100 = arith.constant 0 : i32
        %dma_start3A_101 = tpu.memref_slice %arg5[%mul3A_90, %dma_start3A_100] : memref<10000x128xf32, #tpu.memory_space<hbm>> -> memref<624x128xf32, #tpu.memory_space<hbm>>
        tpu.enqueue_dma source(%dma_start3A_101 : memref<624x128xf32, #tpu.memory_space<hbm>>) target(%dma_start3A_99 : memref<624x128xf32, #tpu.memory_space<vmem_shared>>) target_semaphore(%run_scoped3A : memref<!tpu.dma_semaphore, #tpu.memory_space<semaphore_mem>>)
        %dma_wait3A_102 = arith.constant 0 : i32
        %dma_wait3A_103 = tpu.memref_slice %arg10[%mul3A_92, %dma_wait3A_102] : memref<10000x128xf32, #tpu.memory_space<vmem_shared>> -> memref<624x128xf32, #tpu.memory_space<vmem_shared>>
        %dma_wait3A_104 = arith.constant 0 : i32
        %dma_wait3A_105 = tpu.memref_slice %arg5[%mul3A_90, %dma_wait3A_104] : memref<10000x128xf32, #tpu.memory_space<hbm>> -> memref<624x128xf32, #tpu.memory_space<hbm>>
        tpu.wait_dma2 semaphore(%run_scoped3A : memref<!tpu.dma_semaphore, #tpu.memory_space<semaphore_mem>>) src(%dma_wait3A_105 : memref<624x128xf32, #tpu.memory_space<hbm>>) dst(%dma_wait3A_103 : memref<624x128xf32, #tpu.memory_space<vmem_shared>>)
        tpu.yield
      }) : () -> ()
      %eq3A_93 = arith.constant 15 : i32
      %eq3A_94 = arith.cmpi eq, %arg1, %eq3A_93 : i32
      %convert_element_type3A_95 = arith.extui %eq3A_94 : i1 to i32
      %cond3A_96 = arith.constant 0 : i32
      %cond3A_97 = arith.cmpi ne, %convert_element_type3A_95, %cond3A_96 : i32
      scf.if %cond3A_97 {
        "tpu.region"() ({
          %run_scoped3A = tpu.sem_alloc : memref<!tpu.dma_semaphore, #tpu.memory_space<semaphore_mem>>
          %dma_start3A_98 = arith.constant 9984 : i32
          %dma_start3A_99 = arith.constant 0 : i32
          %dma_start3A_100 = tpu.memref_slice %arg10[%dma_start3A_98, %dma_start3A_99] : memref<10000x128xf32, #tpu.memory_space<vmem_shared>> -> memref<16x128xf32, #tpu.memory_space<vmem_shared>>
          %dma_start3A_101 = arith.constant 9984 : i32
          %dma_start3A_102 = arith.constant 0 : i32
          %dma_start3A_103 = tpu.memref_slice %arg5[%dma_start3A_101, %dma_start3A_102] : memref<10000x128xf32, #tpu.memory_space<hbm>> -> memref<16x128xf32, #tpu.memory_space<hbm>>
          tpu.enqueue_dma source(%dma_start3A_103 : memref<16x128xf32, #tpu.memory_space<hbm>>) target(%dma_start3A_100 : memref<16x128xf32, #tpu.memory_space<vmem_shared>>) target_semaphore(%run_scoped3A : memref<!tpu.dma_semaphore, #tpu.memory_space<semaphore_mem>>)
          %dma_wait3A_104 = arith.constant 9984 : i32
          %dma_wait3A_105 = arith.constant 0 : i32
          %dma_wait3A_106 = tpu.memref_slice %arg10[%dma_wait3A_104, %dma_wait3A_105] : memref<10000x128xf32, #tpu.memory_space<vmem_shared>> -> memref<16x128xf32, #tpu.memory_space<vmem_shared>>
          %dma_wait3A_107 = arith.constant 9984 : i32
          %dma_wait3A_108 = arith.constant 0 : i32
          %dma_wait3A_109 = tpu.memref_slice %arg5[%dma_wait3A_107, %dma_wait3A_108] : memref<10000x128xf32, #tpu.memory_space<hbm>> -> memref<16x128xf32, #tpu.memory_space<hbm>>
          tpu.wait_dma2 semaphore(%run_scoped3A : memref<!tpu.dma_semaphore, #tpu.memory_space<semaphore_mem>>) src(%dma_wait3A_109 : memref<16x128xf32, #tpu.memory_space<hbm>>) dst(%dma_wait3A_106 : memref<16x128xf32, #tpu.memory_space<vmem_shared>>)
          tpu.yield
        }) : () -> ()
      } else {
      }
    } else {
    }
    %dma_wait3A = arith.constant 0 : i32
    %dma_wait3A_52 = tpu.memref_slice %arg7[%dma_wait3A] : memref<10112xi32, #tpu.memory_space<vmem>> -> memref<9984xi32, #tpu.memory_space<vmem>>
    %dma_wait3A_53 = arith.constant 0 : i32
    %dma_wait3A_54 = tpu.memref_slice %arg2[%dma_wait3A_53] : memref<320000xi32, #tpu.memory_space<hbm>> -> memref<9984xi32, #tpu.memory_space<hbm>>
    %dma_wait3A_55 = arith.constant 0 : i32
    %dma_wait3A_56 = tpu.memref_slice %arg7[%dma_wait3A_55] : memref<10112xi32, #tpu.memory_space<vmem>> -> memref<9984xi32, #tpu.memory_space<vmem>>
    %dma_wait3A_57 = arith.constant 0 : i32
    %dma_wait3A_58 = tpu.memref_slice %arg2[%dma_wait3A_57] : memref<320000xi32, #tpu.memory_space<hbm>> -> memref<9984xi32, #tpu.memory_space<hbm>>
    tpu.wait_dma2 semaphore(%arg11 : memref<!tpu.dma_semaphore, #tpu.memory_space<semaphore_mem>>) src(%dma_wait3A_58 : memref<9984xi32, #tpu.memory_space<hbm>>) dst(%dma_wait3A_56 : memref<9984xi32, #tpu.memory_space<vmem>>)
    %eq3A_59 = arith.constant 79 : i32
    %eq3A_60 = arith.cmpi eq, %select_n3A, %eq3A_59 : i32
    %convert_element_type3A_61 = arith.extui %eq3A_60 : i1 to i32
    %cond3A_62 = arith.constant 0 : i32
    %cond3A_63 = arith.cmpi ne, %convert_element_type3A_61, %cond3A_62 : i32
    scf.if %cond3A_63 {
      %dma_wait3A_89 = arith.constant 0 : i32
      %dma_wait3A_90 = tpu.memref_slice %arg7[%dma_wait3A_89] : memref<10112xi32, #tpu.memory_space<vmem>> -> memref<128xi32, #tpu.memory_space<vmem>>
      %dma_wait3A_91 = arith.constant 0 : i32
      %dma_wait3A_92 = tpu.memref_slice %arg2[%dma_wait3A_91] : memref<320000xi32, #tpu.memory_space<hbm>> -> memref<128xi32, #tpu.memory_space<hbm>>
      %dma_wait3A_93 = arith.constant 0 : i32
      %dma_wait3A_94 = tpu.memref_slice %arg7[%dma_wait3A_93] : memref<10112xi32, #tpu.memory_space<vmem>> -> memref<128xi32, #tpu.memory_space<vmem>>
      %dma_wait3A_95 = arith.constant 0 : i32
      %dma_wait3A_96 = tpu.memref_slice %arg2[%dma_wait3A_95] : memref<320000xi32, #tpu.memory_space<hbm>> -> memref<128xi32, #tpu.memory_space<hbm>>
      tpu.wait_dma2 semaphore(%arg11 : memref<!tpu.dma_semaphore, #tpu.memory_space<semaphore_mem>>) src(%dma_wait3A_96 : memref<128xi32, #tpu.memory_space<hbm>>) dst(%dma_wait3A_94 : memref<128xi32, #tpu.memory_space<vmem>>)
    } else {
    }
    %barrier3A = arith.constant 0 : index
    tpu.barrier barrier_id(%barrier3A)
    %dma_start3A_64 = arith.constant 0 : i32
    %dma_start3A_65 = arith.constant 0 : i32
    %dma_start3A_66 = arith.constant 0 : i32
    %dma_start3A_67 = tpu.memref_slice %arg9[%dma_start3A_64, %dma_start3A_65, %dma_start3A_66] : memref<2x128x128xf32, #tpu.memory_space<vmem>> -> memref<1x128x128xf32, #tpu.memory_space<vmem>>
    %dma_start3A_68 = tpu.memref_squeeze %dma_start3A_67 : memref<1x128x128xf32, #tpu.memory_space<vmem>> -> memref<128x128xf32, #tpu.memory_space<vmem>>
    %dma_start3A_69 = arith.constant 0 : i32
    %dma_start3A_70 = tpu.memref_slice %arg7[%dma_start3A_69] : memref<10112xi32, #tpu.memory_space<vmem>> -> memref<128xi32, #tpu.memory_space<vmem>>
    %dma_start3A_71 = arith.constant 0 : i32
    %dma_start3A_72 = arith.constant 0 : i32
    %dma_start3A_73 = tpu.memref_slice %arg4[%dma_start3A_71, %dma_start3A_72] : memref<10000x128xf32, #tpu.memory_space<hbm>> -> memref<10000x128xf32, #tpu.memory_space<hbm>>
    tpu.enqueue_indirect_dma source(%dma_start3A_73 : memref<10000x128xf32, #tpu.memory_space<hbm>>) target(%dma_start3A_68 : memref<128x128xf32, #tpu.memory_space<vmem>>) offsets(%dma_start3A_70 : memref<128xi32, #tpu.memory_space<vmem>>) semaphore(%arg12 : memref<!tpu.dma_semaphore, #tpu.memory_space<semaphore_mem>>)
    %scan3A = arith.constant 0 : i32
    %scan3A_74 = arith.constant 0 : i32
    %scan3A_75 = arith.constant 14 : i32
    %scan3A_76 = arith.addi %scan3A_74, %scan3A_75 : i32
    %scan3A_77 = arith.constant 1 : i32
    scf.for %scan3A_89 = %scan3A_74 to %scan3A_76 step %scan3A_77  : i32 {
      %mul3A_90 = arith.constant 6 : i32
      %mul3A_91 = arith.muli %mul3A_90, %scan3A_89 : i32
      %add3A_92 = arith.constant 0 : i32
      %add3A_93 = arith.addi %mul3A_91, %add3A_92 : i32
      %lt3A_94 = arith.cmpi slt, %add3A_93, %select_n3A : i32
      %convert_element_type3A_95 = arith.extui %lt3A_94 : i1 to i32
      %cond3A_96 = arith.constant 0 : i32
      %cond3A_97 = arith.cmpi ne, %convert_element_type3A_95, %cond3A_96 : i32
      scf.if %cond3A_97 {
        %dma_wait3A_138 = arith.constant 0 : i32
        %dma_wait3A_139 = arith.constant 0 : i32
        %dma_wait3A_140 = arith.constant 0 : i32
        %dma_wait3A_141 = tpu.memref_slice %arg9[%dma_wait3A_138, %dma_wait3A_139, %dma_wait3A_140] : memref<2x128x128xf32, #tpu.memory_space<vmem>> -> memref<1x128x128xf32, #tpu.memory_space<vmem>>
        %dma_wait3A_142 = tpu.memref_squeeze %dma_wait3A_141 : memref<1x128x128xf32, #tpu.memory_space<vmem>> -> memref<128x128xf32, #tpu.memory_space<vmem>>
        %dma_wait3A_143 = arith.constant 0 : i32
        %dma_wait3A_144 = tpu.memref_slice %arg7[%dma_wait3A_143] : memref<10112xi32, #tpu.memory_space<vmem>> -> memref<128xi32, #tpu.memory_space<vmem>>
        %dma_wait3A_145 = arith.constant 0 : i32
        %dma_wait3A_146 = arith.constant 0 : i32
        %dma_wait3A_147 = tpu.memref_slice %arg4[%dma_wait3A_145, %dma_wait3A_146] : memref<10000x128xf32, #tpu.memory_space<hbm>> -> memref<10000x128xf32, #tpu.memory_space<hbm>>
        tpu.wait_indirect_dma semaphore(%arg12 : memref<!tpu.dma_semaphore, #tpu.memory_space<semaphore_mem>>) src(%dma_wait3A_147 : memref<10000x128xf32, #tpu.memory_space<hbm>>) dst(%dma_wait3A_142 : memref<128x128xf32, #tpu.memory_space<vmem>>)
        %dma_wait3A_148 = arith.constant 0 : i32
        %dma_wait3A_149 = arith.constant 0 : i32
        %dma_wait3A_150 = tpu.memref_slice %arg8[%dma_wait3A_148, %dma_wait3A_149] : memref<6x128xi32, #tpu.memory_space<vmem>> -> memref<1x128xi32, #tpu.memory_space<vmem>>
        %dma_wait3A_151 = tpu.memref_squeeze %dma_wait3A_150 : memref<1x128xi32, #tpu.memory_space<vmem>> -> memref<128xi32, #tpu.memory_space<vmem>>
        %dma_wait3A_152 = arith.constant 0 : i32
        %dma_wait3A_153 = tpu.memref_slice %arg3[%dma_wait3A_152] : memref<320000xi32, #tpu.memory_space<hbm>> -> memref<128xi32, #tpu.memory_space<hbm>>
        %dma_wait3A_154 = arith.constant 0 : i32
        %dma_wait3A_155 = tpu.memref_slice %arg8[%dma_wait3A_148, %dma_wait3A_154] : memref<6x128xi32, #tpu.memory_space<vmem>> -> memref<1x128xi32, #tpu.memory_space<vmem>>
        %dma_wait3A_156 = tpu.memref_squeeze %dma_wait3A_155 : memref<1x128xi32, #tpu.memory_space<vmem>> -> memref<128xi32, #tpu.memory_space<vmem>>
        %dma_wait3A_157 = arith.constant 0 : i32
        %dma_wait3A_158 = tpu.memref_slice %arg3[%dma_wait3A_157] : memref<320000xi32, #tpu.memory_space<hbm>> -> memref<128xi32, #tpu.memory_space<hbm>>
        tpu.wait_dma2 semaphore(%arg13 : memref<!tpu.dma_semaphore, #tpu.memory_space<semaphore_mem>>) src(%dma_wait3A_158 : memref<128xi32, #tpu.memory_space<hbm>>) dst(%dma_wait3A_156 : memref<128xi32, #tpu.memory_space<vmem>>)
        %add3A_159 = arith.constant 1 : i32
        %add3A_160 = arith.addi %add3A_93, %add3A_159 : i32
        %lt3A_161 = arith.cmpi slt, %add3A_160, %select_n3A : i32
        %convert_element_type3A_162 = arith.extui %lt3A_161 : i1 to i32
        %cond3A_163 = arith.constant 0 : i32
        %cond3A_164 = arith.cmpi ne, %convert_element_type3A_162, %cond3A_163 : i32
        scf.if %cond3A_164 {
          %add3A_172 = arith.constant 1 : i32
          %add3A_173 = arith.addi %add3A_93, %add3A_172 : i32
          %mul3A_174 = arith.constant 128 : i32
          %mul3A_175 = arith.muli %add3A_173, %mul3A_174 : i32
          %dma_start3A_176 = arith.constant 1 : i32
          %dma_start3A_177 = arith.constant 0 : i32
          %dma_start3A_178 = arith.constant 0 : i32
          %dma_start3A_179 = tpu.memref_slice %arg9[%dma_start3A_176, %dma_start3A_177, %dma_start3A_178] : memref<2x128x128xf32, #tpu.memory_space<vmem>> -> memref<1x128x128xf32, #tpu.memory_space<vmem>>
          %dma_start3A_180 = tpu.memref_squeeze %dma_start3A_179 : memref<1x128x128xf32, #tpu.memory_space<vmem>> -> memref<128x128xf32, #tpu.memory_space<vmem>>
          %dma_start3A_181 = tpu.memref_slice %arg7[%mul3A_175] : memref<10112xi32, #tpu.memory_space<vmem>> -> memref<128xi32, #tpu.memory_space<vmem>>
          %dma_start3A_182 = arith.constant 0 : i32
          %dma_start3A_183 = arith.constant 0 : i32
          %dma_start3A_184 = tpu.memref_slice %arg4[%dma_start3A_182, %dma_start3A_183] : memref<10000x128xf32, #tpu.memory_space<hbm>> -> memref<10000x128xf32, #tpu.memory_space<hbm>>
          tpu.enqueue_indirect_dma source(%dma_start3A_184 : memref<10000x128xf32, #tpu.memory_space<hbm>>) target(%dma_start3A_180 : memref<128x128xf32, #tpu.memory_space<vmem>>) offsets(%dma_start3A_181 : memref<128xi32, #tpu.memory_space<vmem>>) semaphore(%arg12 : memref<!tpu.dma_semaphore, #tpu.memory_space<semaphore_mem>>)
        } else {
        }
        %add3A_165 = arith.constant 2 : i32
        %add3A_166 = arith.addi %add3A_93, %add3A_165 : i32
        %lt3A_167 = arith.cmpi slt, %add3A_166, %select_n3A : i32
        %convert_element_type3A_168 = arith.extui %lt3A_167 : i1 to i32
        %cond3A_169 = arith.constant 0 : i32
        %cond3A_170 = arith.cmpi ne, %convert_element_type3A_168, %cond3A_169 : i32
        scf.if %cond3A_170 {
          %add3A_172 = arith.constant 2 : i32
          %add3A_173 = arith.addi %add3A_93, %add3A_172 : i32
          %add3A_174 = arith.addi %add3A_4, %add3A_173 : i32
          %mul3A_175 = arith.constant 128 : i32
          %mul3A_176 = arith.muli %add3A_174, %mul3A_175 : i32
          %dma_start3A_177 = arith.constant 2 : i32
          %dma_start3A_178 = arith.constant 0 : i32
          %dma_start3A_179 = tpu.memref_slice %arg8[%dma_start3A_177, %dma_start3A_178] : memref<6x128xi32, #tpu.memory_space<vmem>> -> memref<1x128xi32, #tpu.memory_space<vmem>>
          %dma_start3A_180 = tpu.memref_squeeze %dma_start3A_179 : memref<1x128xi32, #tpu.memory_space<vmem>> -> memref<128xi32, #tpu.memory_space<vmem>>
          %dma_start3A_181 = tpu.memref_slice %arg3[%mul3A_176] : memref<320000xi32, #tpu.memory_space<hbm>> -> memref<128xi32, #tpu.memory_space<hbm>>
          %dma_start3A_182 = arith.constant 0 : i32
          %dma_start3A_183 = tpu.memref_slice %arg8[%dma_start3A_177, %dma_start3A_182] : memref<6x128xi32, #tpu.memory_space<vmem>> -> memref<1x128xi32, #tpu.memory_space<vmem>>
          %dma_start3A_184 = tpu.memref_squeeze %dma_start3A_183 : memref<1x128xi32, #tpu.memory_space<vmem>> -> memref<128xi32, #tpu.memory_space<vmem>>
          %dma_start3A_185 = tpu.memref_slice %arg3[%mul3A_176] : memref<320000xi32, #tpu.memory_space<hbm>> -> memref<128xi32, #tpu.memory_space<hbm>>
          tpu.enqueue_dma source(%dma_start3A_185 : memref<128xi32, #tpu.memory_space<hbm>>) target(%dma_start3A_184 : memref<128xi32, #tpu.memory_space<vmem>>) target_semaphore(%arg13 : memref<!tpu.dma_semaphore, #tpu.memory_space<semaphore_mem>>)
        } else {
        }
        %run_scoped3A = arith.constant 0 : i32
        %run_scoped3A_171 = arith.constant 0 : i32
        "tpu.region"() ({
          %run_scoped3A_172 = tpu.sem_alloc : memref<!tpu.dma_semaphore, #tpu.memory_space<semaphore_mem>>
          %dma_start3A_173 = arith.constant 0 : i32
          %dma_start3A_174 = arith.constant 0 : i32
          %dma_start3A_175 = tpu.memref_slice %arg9[%run_scoped3A, %dma_start3A_173, %dma_start3A_174] : memref<2x128x128xf32, #tpu.memory_space<vmem>> -> memref<1x128x128xf32, #tpu.memory_space<vmem>>
          %dma_start3A_176 = tpu.memref_squeeze %dma_start3A_175 : memref<1x128x128xf32, #tpu.memory_space<vmem>> -> memref<128x128xf32, #tpu.memory_space<vmem>>
          %dma_start3A_177 = arith.constant 0 : i32
          %dma_start3A_178 = tpu.memref_slice %arg8[%run_scoped3A_171, %dma_start3A_177] : memref<6x128xi32, #tpu.memory_space<vmem>> -> memref<1x128xi32, #tpu.memory_space<vmem>>
          %dma_start3A_179 = tpu.memref_squeeze %dma_start3A_178 : memref<1x128xi32, #tpu.memory_space<vmem>> -> memref<128xi32, #tpu.memory_space<vmem>>
          %dma_start3A_180 = arith.constant 0 : i32
          %dma_start3A_181 = arith.constant 0 : i32
          %dma_start3A_182 = tpu.memref_slice %arg10[%dma_start3A_180, %dma_start3A_181] : memref<10000x128xf32, #tpu.memory_space<vmem_shared>> -> memref<10000x128xf32, #tpu.memory_space<vmem_shared>>
          tpu.enqueue_indirect_dma source(%dma_start3A_176 : memref<128x128xf32, #tpu.memory_space<vmem>>) target(%dma_start3A_182 : memref<10000x128xf32, #tpu.memory_space<vmem_shared>>) offsets(%dma_start3A_179 : memref<128xi32, #tpu.memory_space<vmem>>) semaphore(%run_scoped3A_172 : memref<!tpu.dma_semaphore, #tpu.memory_space<semaphore_mem>>) {add = true}
          %dma_wait3A_183 = arith.constant 0 : i32
          %dma_wait3A_184 = arith.constant 0 : i32
          %dma_wait3A_185 = tpu.memref_slice %arg9[%run_scoped3A, %dma_wait3A_183, %dma_wait3A_184] : memref<2x128x128xf32, #tpu.memory_space<vmem>> -> memref<1x128x128xf32, #tpu.memory_space<vmem>>
          %dma_wait3A_186 = tpu.memref_squeeze %dma_wait3A_185 : memref<1x128x128xf32, #tpu.memory_space<vmem>> -> memref<128x128xf32, #tpu.memory_space<vmem>>
          %dma_wait3A_187 = arith.constant 0 : i32
          %dma_wait3A_188 = tpu.memref_slice %arg8[%run_scoped3A_171, %dma_wait3A_187] : memref<6x128xi32, #tpu.memory_space<vmem>> -> memref<1x128xi32, #tpu.memory_space<vmem>>
          %dma_wait3A_189 = tpu.memref_squeeze %dma_wait3A_188 : memref<1x128xi32, #tpu.memory_space<vmem>> -> memref<128xi32, #tpu.memory_space<vmem>>
          %dma_wait3A_190 = arith.constant 0 : i32
          %dma_wait3A_191 = arith.constant 0 : i32
          %dma_wait3A_192 = tpu.memref_slice %arg10[%dma_wait3A_190, %dma_wait3A_191] : memref<10000x128xf32, #tpu.memory_space<vmem_shared>> -> memref<10000x128xf32, #tpu.memory_space<vmem_shared>>
          tpu.wait_indirect_dma semaphore(%run_scoped3A_172 : memref<!tpu.dma_semaphore, #tpu.memory_space<semaphore_mem>>) src(%dma_wait3A_186 : memref<128x128xf32, #tpu.memory_space<vmem>>) dst(%dma_wait3A_192 : memref<10000x128xf32, #tpu.memory_space<vmem_shared>>)
          tpu.yield
        }) : () -> ()
      } else {
      }
      %mul3A_98 = arith.constant 6 : i32
      %mul3A_99 = arith.muli %mul3A_98, %scan3A_89 : i32
      %add3A_100 = arith.constant 1 : i32
      %add3A_101 = arith.addi %mul3A_99, %add3A_100 : i32
      %lt3A_102 = arith.cmpi slt, %add3A_101, %select_n3A : i32
      %convert_element_type3A_103 = arith.extui %lt3A_102 : i1 to i32
      %cond3A_104 = arith.constant 0 : i32
      %cond3A_105 = arith.cmpi ne, %convert_element_type3A_103, %cond3A_104 : i32
      scf.if %cond3A_105 {
        %dma_wait3A_138 = arith.constant 1 : i32
        %dma_wait3A_139 = arith.constant 0 : i32
        %dma_wait3A_140 = arith.constant 0 : i32
        %dma_wait3A_141 = tpu.memref_slice %arg9[%dma_wait3A_138, %dma_wait3A_139, %dma_wait3A_140] : memref<2x128x128xf32, #tpu.memory_space<vmem>> -> memref<1x128x128xf32, #tpu.memory_space<vmem>>
        %dma_wait3A_142 = tpu.memref_squeeze %dma_wait3A_141 : memref<1x128x128xf32, #tpu.memory_space<vmem>> -> memref<128x128xf32, #tpu.memory_space<vmem>>
        %dma_wait3A_143 = arith.constant 0 : i32
        %dma_wait3A_144 = tpu.memref_slice %arg7[%dma_wait3A_143] : memref<10112xi32, #tpu.memory_space<vmem>> -> memref<128xi32, #tpu.memory_space<vmem>>
        %dma_wait3A_145 = arith.constant 0 : i32
        %dma_wait3A_146 = arith.constant 0 : i32
        %dma_wait3A_147 = tpu.memref_slice %arg4[%dma_wait3A_145, %dma_wait3A_146] : memref<10000x128xf32, #tpu.memory_space<hbm>> -> memref<10000x128xf32, #tpu.memory_space<hbm>>
        tpu.wait_indirect_dma semaphore(%arg12 : memref<!tpu.dma_semaphore, #tpu.memory_space<semaphore_mem>>) src(%dma_wait3A_147 : memref<10000x128xf32, #tpu.memory_space<hbm>>) dst(%dma_wait3A_142 : memref<128x128xf32, #tpu.memory_space<vmem>>)
        %dma_wait3A_148 = arith.constant 1 : i32
        %dma_wait3A_149 = arith.constant 0 : i32
        %dma_wait3A_150 = tpu.memref_slice %arg8[%dma_wait3A_148, %dma_wait3A_149] : memref<6x128xi32, #tpu.memory_space<vmem>> -> memref<1x128xi32, #tpu.memory_space<vmem>>
        %dma_wait3A_151 = tpu.memref_squeeze %dma_wait3A_150 : memref<1x128xi32, #tpu.memory_space<vmem>> -> memref<128xi32, #tpu.memory_space<vmem>>
        %dma_wait3A_152 = arith.constant 0 : i32
        %dma_wait3A_153 = tpu.memref_slice %arg3[%dma_wait3A_152] : memref<320000xi32, #tpu.memory_space<hbm>> -> memref<128xi32, #tpu.memory_space<hbm>>
        %dma_wait3A_154 = arith.constant 0 : i32
        %dma_wait3A_155 = tpu.memref_slice %arg8[%dma_wait3A_148, %dma_wait3A_154] : memref<6x128xi32, #tpu.memory_space<vmem>> -> memref<1x128xi32, #tpu.memory_space<vmem>>
        %dma_wait3A_156 = tpu.memref_squeeze %dma_wait3A_155 : memref<1x128xi32, #tpu.memory_space<vmem>> -> memref<128xi32, #tpu.memory_space<vmem>>
        %dma_wait3A_157 = arith.constant 0 : i32
        %dma_wait3A_158 = tpu.memref_slice %arg3[%dma_wait3A_157] : memref<320000xi32, #tpu.memory_space<hbm>> -> memref<128xi32, #tpu.memory_space<hbm>>
        tpu.wait_dma2 semaphore(%arg14 : memref<!tpu.dma_semaphore, #tpu.memory_space<semaphore_mem>>) src(%dma_wait3A_158 : memref<128xi32, #tpu.memory_space<hbm>>) dst(%dma_wait3A_156 : memref<128xi32, #tpu.memory_space<vmem>>)
        %add3A_159 = arith.constant 1 : i32
        %add3A_160 = arith.addi %add3A_101, %add3A_159 : i32
        %lt3A_161 = arith.cmpi slt, %add3A_160, %select_n3A : i32
        %convert_element_type3A_162 = arith.extui %lt3A_161 : i1 to i32
        %cond3A_163 = arith.constant 0 : i32
        %cond3A_164 = arith.cmpi ne, %convert_element_type3A_162, %cond3A_163 : i32
        scf.if %cond3A_164 {
          %add3A_172 = arith.constant 1 : i32
          %add3A_173 = arith.addi %add3A_101, %add3A_172 : i32
          %mul3A_174 = arith.constant 128 : i32
          %mul3A_175 = arith.muli %add3A_173, %mul3A_174 : i32
          %dma_start3A_176 = arith.constant 0 : i32
          %dma_start3A_177 = arith.constant 0 : i32
          %dma_start3A_178 = arith.constant 0 : i32
          %dma_start3A_179 = tpu.memref_slice %arg9[%dma_start3A_176, %dma_start3A_177, %dma_start3A_178] : memref<2x128x128xf32, #tpu.memory_space<vmem>> -> memref<1x128x128xf32, #tpu.memory_space<vmem>>
          %dma_start3A_180 = tpu.memref_squeeze %dma_start3A_179 : memref<1x128x128xf32, #tpu.memory_space<vmem>> -> memref<128x128xf32, #tpu.memory_space<vmem>>
          %dma_start3A_181 = tpu.memref_slice %arg7[%mul3A_175] : memref<10112xi32, #tpu.memory_space<vmem>> -> memref<128xi32, #tpu.memory_space<vmem>>
          %dma_start3A_182 = arith.constant 0 : i32
          %dma_start3A_183 = arith.constant 0 : i32
          %dma_start3A_184 = tpu.memref_slice %arg4[%dma_start3A_182, %dma_start3A_183] : memref<10000x128xf32, #tpu.memory_space<hbm>> -> memref<10000x128xf32, #tpu.memory_space<hbm>>
          tpu.enqueue_indirect_dma source(%dma_start3A_184 : memref<10000x128xf32, #tpu.memory_space<hbm>>) target(%dma_start3A_180 : memref<128x128xf32, #tpu.memory_space<vmem>>) offsets(%dma_start3A_181 : memref<128xi32, #tpu.memory_space<vmem>>) semaphore(%arg12 : memref<!tpu.dma_semaphore, #tpu.memory_space<semaphore_mem>>)
        } else {
        }
        %add3A_165 = arith.constant 2 : i32
        %add3A_166 = arith.addi %add3A_101, %add3A_165 : i32
        %lt3A_167 = arith.cmpi slt, %add3A_166, %select_n3A : i32
        %convert_element_type3A_168 = arith.extui %lt3A_167 : i1 to i32
        %cond3A_169 = arith.constant 0 : i32
        %cond3A_170 = arith.cmpi ne, %convert_element_type3A_168, %cond3A_169 : i32
        scf.if %cond3A_170 {
          %add3A_172 = arith.constant 2 : i32
          %add3A_173 = arith.addi %add3A_101, %add3A_172 : i32
          %add3A_174 = arith.addi %add3A_4, %add3A_173 : i32
          %mul3A_175 = arith.constant 128 : i32
          %mul3A_176 = arith.muli %add3A_174, %mul3A_175 : i32
          %dma_start3A_177 = arith.constant 3 : i32
          %dma_start3A_178 = arith.constant 0 : i32
          %dma_start3A_179 = tpu.memref_slice %arg8[%dma_start3A_177, %dma_start3A_178] : memref<6x128xi32, #tpu.memory_space<vmem>> -> memref<1x128xi32, #tpu.memory_space<vmem>>
          %dma_start3A_180 = tpu.memref_squeeze %dma_start3A_179 : memref<1x128xi32, #tpu.memory_space<vmem>> -> memref<128xi32, #tpu.memory_space<vmem>>
          %dma_start3A_181 = tpu.memref_slice %arg3[%mul3A_176] : memref<320000xi32, #tpu.memory_space<hbm>> -> memref<128xi32, #tpu.memory_space<hbm>>
          %dma_start3A_182 = arith.constant 0 : i32
          %dma_start3A_183 = tpu.memref_slice %arg8[%dma_start3A_177, %dma_start3A_182] : memref<6x128xi32, #tpu.memory_space<vmem>> -> memref<1x128xi32, #tpu.memory_space<vmem>>
          %dma_start3A_184 = tpu.memref_squeeze %dma_start3A_183 : memref<1x128xi32, #tpu.memory_space<vmem>> -> memref<128xi32, #tpu.memory_space<vmem>>
          %dma_start3A_185 = tpu.memref_slice %arg3[%mul3A_176] : memref<320000xi32, #tpu.memory_space<hbm>> -> memref<128xi32, #tpu.memory_space<hbm>>
          tpu.enqueue_dma source(%dma_start3A_185 : memref<128xi32, #tpu.memory_space<hbm>>) target(%dma_start3A_184 : memref<128xi32, #tpu.memory_space<vmem>>) target_semaphore(%arg14 : memref<!tpu.dma_semaphore, #tpu.memory_space<semaphore_mem>>)
        } else {
        }
        %run_scoped3A = arith.constant 1 : i32
        %run_scoped3A_171 = arith.constant 1 : i32
        "tpu.region"() ({
          %run_scoped3A_172 = tpu.sem_alloc : memref<!tpu.dma_semaphore, #tpu.memory_space<semaphore_mem>>
          %dma_start3A_173 = arith.constant 0 : i32
          %dma_start3A_174 = arith.constant 0 : i32
          %dma_start3A_175 = tpu.memref_slice %arg9[%run_scoped3A, %dma_start3A_173, %dma_start3A_174] : memref<2x128x128xf32, #tpu.memory_space<vmem>> -> memref<1x128x128xf32, #tpu.memory_space<vmem>>
          %dma_start3A_176 = tpu.memref_squeeze %dma_start3A_175 : memref<1x128x128xf32, #tpu.memory_space<vmem>> -> memref<128x128xf32, #tpu.memory_space<vmem>>
          %dma_start3A_177 = arith.constant 0 : i32
          %dma_start3A_178 = tpu.memref_slice %arg8[%run_scoped3A_171, %dma_start3A_177] : memref<6x128xi32, #tpu.memory_space<vmem>> -> memref<1x128xi32, #tpu.memory_space<vmem>>
          %dma_start3A_179 = tpu.memref_squeeze %dma_start3A_178 : memref<1x128xi32, #tpu.memory_space<vmem>> -> memref<128xi32, #tpu.memory_space<vmem>>
          %dma_start3A_180 = arith.constant 0 : i32
          %dma_start3A_181 = arith.constant 0 : i32
          %dma_start3A_182 = tpu.memref_slice %arg10[%dma_start3A_180, %dma_start3A_181] : memref<10000x128xf32, #tpu.memory_space<vmem_shared>> -> memref<10000x128xf32, #tpu.memory_space<vmem_shared>>
          tpu.enqueue_indirect_dma source(%dma_start3A_176 : memref<128x128xf32, #tpu.memory_space<vmem>>) target(%dma_start3A_182 : memref<10000x128xf32, #tpu.memory_space<vmem_shared>>) offsets(%dma_start3A_179 : memref<128xi32, #tpu.memory_space<vmem>>) semaphore(%run_scoped3A_172 : memref<!tpu.dma_semaphore, #tpu.memory_space<semaphore_mem>>) {add = true}
          %dma_wait3A_183 = arith.constant 0 : i32
          %dma_wait3A_184 = arith.constant 0 : i32
          %dma_wait3A_185 = tpu.memref_slice %arg9[%run_scoped3A, %dma_wait3A_183, %dma_wait3A_184] : memref<2x128x128xf32, #tpu.memory_space<vmem>> -> memref<1x128x128xf32, #tpu.memory_space<vmem>>
          %dma_wait3A_186 = tpu.memref_squeeze %dma_wait3A_185 : memref<1x128x128xf32, #tpu.memory_space<vmem>> -> memref<128x128xf32, #tpu.memory_space<vmem>>
          %dma_wait3A_187 = arith.constant 0 : i32
          %dma_wait3A_188 = tpu.memref_slice %arg8[%run_scoped3A_171, %dma_wait3A_187] : memref<6x128xi32, #tpu.memory_space<vmem>> -> memref<1x128xi32, #tpu.memory_space<vmem>>
          %dma_wait3A_189 = tpu.memref_squeeze %dma_wait3A_188 : memref<1x128xi32, #tpu.memory_space<vmem>> -> memref<128xi32, #tpu.memory_space<vmem>>
          %dma_wait3A_190 = arith.constant 0 : i32
          %dma_wait3A_191 = arith.constant 0 : i32
          %dma_wait3A_192 = tpu.memref_slice %arg10[%dma_wait3A_190, %dma_wait3A_191] : memref<10000x128xf32, #tpu.memory_space<vmem_shared>> -> memref<10000x128xf32, #tpu.memory_space<vmem_shared>>
          tpu.wait_indirect_dma semaphore(%run_scoped3A_172 : memref<!tpu.dma_semaphore, #tpu.memory_space<semaphore_mem>>) src(%dma_wait3A_186 : memref<128x128xf32, #tpu.memory_space<vmem>>) dst(%dma_wait3A_192 : memref<10000x128xf32, #tpu.memory_space<vmem_shared>>)
          tpu.yield
        }) : () -> ()
      } else {
      }
      %mul3A_106 = arith.constant 6 : i32
      %mul3A_107 = arith.muli %mul3A_106, %scan3A_89 : i32
      %add3A_108 = arith.constant 2 : i32
      %add3A_109 = arith.addi %mul3A_107, %add3A_108 : i32
      %lt3A_110 = arith.cmpi slt, %add3A_109, %select_n3A : i32
      %convert_element_type3A_111 = arith.extui %lt3A_110 : i1 to i32
      %cond3A_112 = arith.constant 0 : i32
      %cond3A_113 = arith.cmpi ne, %convert_element_type3A_111, %cond3A_112 : i32
      scf.if %cond3A_113 {
        %dma_wait3A_138 = arith.constant 0 : i32
        %dma_wait3A_139 = arith.constant 0 : i32
        %dma_wait3A_140 = arith.constant 0 : i32
        %dma_wait3A_141 = tpu.memref_slice %arg9[%dma_wait3A_138, %dma_wait3A_139, %dma_wait3A_140] : memref<2x128x128xf32, #tpu.memory_space<vmem>> -> memref<1x128x128xf32, #tpu.memory_space<vmem>>
        %dma_wait3A_142 = tpu.memref_squeeze %dma_wait3A_141 : memref<1x128x128xf32, #tpu.memory_space<vmem>> -> memref<128x128xf32, #tpu.memory_space<vmem>>
        %dma_wait3A_143 = arith.constant 0 : i32
        %dma_wait3A_144 = tpu.memref_slice %arg7[%dma_wait3A_143] : memref<10112xi32, #tpu.memory_space<vmem>> -> memref<128xi32, #tpu.memory_space<vmem>>
        %dma_wait3A_145 = arith.constant 0 : i32
        %dma_wait3A_146 = arith.constant 0 : i32
        %dma_wait3A_147 = tpu.memref_slice %arg4[%dma_wait3A_145, %dma_wait3A_146] : memref<10000x128xf32, #tpu.memory_space<hbm>> -> memref<10000x128xf32, #tpu.memory_space<hbm>>
        tpu.wait_indirect_dma semaphore(%arg12 : memref<!tpu.dma_semaphore, #tpu.memory_space<semaphore_mem>>) src(%dma_wait3A_147 : memref<10000x128xf32, #tpu.memory_space<hbm>>) dst(%dma_wait3A_142 : memref<128x128xf32, #tpu.memory_space<vmem>>)
        %dma_wait3A_148 = arith.constant 2 : i32
        %dma_wait3A_149 = arith.constant 0 : i32
        %dma_wait3A_150 = tpu.memref_slice %arg8[%dma_wait3A_148, %dma_wait3A_149] : memref<6x128xi32, #tpu.memory_space<vmem>> -> memref<1x128xi32, #tpu.memory_space<vmem>>
        %dma_wait3A_151 = tpu.memref_squeeze %dma_wait3A_150 : memref<1x128xi32, #tpu.memory_space<vmem>> -> memref<128xi32, #tpu.memory_space<vmem>>
        %dma_wait3A_152 = arith.constant 0 : i32
        %dma_wait3A_153 = tpu.memref_slice %arg3[%dma_wait3A_152] : memref<320000xi32, #tpu.memory_space<hbm>> -> memref<128xi32, #tpu.memory_space<hbm>>
        %dma_wait3A_154 = arith.constant 0 : i32
        %dma_wait3A_155 = tpu.memref_slice %arg8[%dma_wait3A_148, %dma_wait3A_154] : memref<6x128xi32, #tpu.memory_space<vmem>> -> memref<1x128xi32, #tpu.memory_space<vmem>>
        %dma_wait3A_156 = tpu.memref_squeeze %dma_wait3A_155 : memref<1x128xi32, #tpu.memory_space<vmem>> -> memref<128xi32, #tpu.memory_space<vmem>>
        %dma_wait3A_157 = arith.constant 0 : i32
        %dma_wait3A_158 = tpu.memref_slice %arg3[%dma_wait3A_157] : memref<320000xi32, #tpu.memory_space<hbm>> -> memref<128xi32, #tpu.memory_space<hbm>>
        tpu.wait_dma2 semaphore(%arg13 : memref<!tpu.dma_semaphore, #tpu.memory_space<semaphore_mem>>) src(%dma_wait3A_158 : memref<128xi32, #tpu.memory_space<hbm>>) dst(%dma_wait3A_156 : memref<128xi32, #tpu.memory_space<vmem>>)
        %add3A_159 = arith.constant 1 : i32
        %add3A_160 = arith.addi %add3A_109, %add3A_159 : i32
        %lt3A_161 = arith.cmpi slt, %add3A_160, %select_n3A : i32
        %convert_element_type3A_162 = arith.extui %lt3A_161 : i1 to i32
        %cond3A_163 = arith.constant 0 : i32
        %cond3A_164 = arith.cmpi ne, %convert_element_type3A_162, %cond3A_163 : i32
        scf.if %cond3A_164 {
          %add3A_172 = arith.constant 1 : i32
          %add3A_173 = arith.addi %add3A_109, %add3A_172 : i32
          %mul3A_174 = arith.constant 128 : i32
          %mul3A_175 = arith.muli %add3A_173, %mul3A_174 : i32
          %dma_start3A_176 = arith.constant 1 : i32
          %dma_start3A_177 = arith.constant 0 : i32
          %dma_start3A_178 = arith.constant 0 : i32
          %dma_start3A_179 = tpu.memref_slice %arg9[%dma_start3A_176, %dma_start3A_177, %dma_start3A_178] : memref<2x128x128xf32, #tpu.memory_space<vmem>> -> memref<1x128x128xf32, #tpu.memory_space<vmem>>
          %dma_start3A_180 = tpu.memref_squeeze %dma_start3A_179 : memref<1x128x128xf32, #tpu.memory_space<vmem>> -> memref<128x128xf32, #tpu.memory_space<vmem>>
          %dma_start3A_181 = tpu.memref_slice %arg7[%mul3A_175] : memref<10112xi32, #tpu.memory_space<vmem>> -> memref<128xi32, #tpu.memory_space<vmem>>
          %dma_start3A_182 = arith.constant 0 : i32
          %dma_start3A_183 = arith.constant 0 : i32
          %dma_start3A_184 = tpu.memref_slice %arg4[%dma_start3A_182, %dma_start3A_183] : memref<10000x128xf32, #tpu.memory_space<hbm>> -> memref<10000x128xf32, #tpu.memory_space<hbm>>
          tpu.enqueue_indirect_dma source(%dma_start3A_184 : memref<10000x128xf32, #tpu.memory_space<hbm>>) target(%dma_start3A_180 : memref<128x128xf32, #tpu.memory_space<vmem>>) offsets(%dma_start3A_181 : memref<128xi32, #tpu.memory_space<vmem>>) semaphore(%arg12 : memref<!tpu.dma_semaphore, #tpu.memory_space<semaphore_mem>>)
        } else {
        }
        %add3A_165 = arith.constant 2 : i32
        %add3A_166 = arith.addi %add3A_109, %add3A_165 : i32
        %lt3A_167 = arith.cmpi slt, %add3A_166, %select_n3A : i32
        %convert_element_type3A_168 = arith.extui %lt3A_167 : i1 to i32
        %cond3A_169 = arith.constant 0 : i32
        %cond3A_170 = arith.cmpi ne, %convert_element_type3A_168, %cond3A_169 : i32
        scf.if %cond3A_170 {
          %add3A_172 = arith.constant 2 : i32
          %add3A_173 = arith.addi %add3A_109, %add3A_172 : i32
          %add3A_174 = arith.addi %add3A_4, %add3A_173 : i32
          %mul3A_175 = arith.constant 128 : i32
          %mul3A_176 = arith.muli %add3A_174, %mul3A_175 : i32
          %dma_start3A_177 = arith.constant 4 : i32
          %dma_start3A_178 = arith.constant 0 : i32
          %dma_start3A_179 = tpu.memref_slice %arg8[%dma_start3A_177, %dma_start3A_178] : memref<6x128xi32, #tpu.memory_space<vmem>> -> memref<1x128xi32, #tpu.memory_space<vmem>>
          %dma_start3A_180 = tpu.memref_squeeze %dma_start3A_179 : memref<1x128xi32, #tpu.memory_space<vmem>> -> memref<128xi32, #tpu.memory_space<vmem>>
          %dma_start3A_181 = tpu.memref_slice %arg3[%mul3A_176] : memref<320000xi32, #tpu.memory_space<hbm>> -> memref<128xi32, #tpu.memory_space<hbm>>
          %dma_start3A_182 = arith.constant 0 : i32
          %dma_start3A_183 = tpu.memref_slice %arg8[%dma_start3A_177, %dma_start3A_182] : memref<6x128xi32, #tpu.memory_space<vmem>> -> memref<1x128xi32, #tpu.memory_space<vmem>>
          %dma_start3A_184 = tpu.memref_squeeze %dma_start3A_183 : memref<1x128xi32, #tpu.memory_space<vmem>> -> memref<128xi32, #tpu.memory_space<vmem>>
          %dma_start3A_185 = tpu.memref_slice %arg3[%mul3A_176] : memref<320000xi32, #tpu.memory_space<hbm>> -> memref<128xi32, #tpu.memory_space<hbm>>
          tpu.enqueue_dma source(%dma_start3A_185 : memref<128xi32, #tpu.memory_space<hbm>>) target(%dma_start3A_184 : memref<128xi32, #tpu.memory_space<vmem>>) target_semaphore(%arg13 : memref<!tpu.dma_semaphore, #tpu.memory_space<semaphore_mem>>)
        } else {
        }
        %run_scoped3A = arith.constant 0 : i32
        %run_scoped3A_171 = arith.constant 2 : i32
        "tpu.region"() ({
          %run_scoped3A_172 = tpu.sem_alloc : memref<!tpu.dma_semaphore, #tpu.memory_space<semaphore_mem>>
          %dma_start3A_173 = arith.constant 0 : i32
          %dma_start3A_174 = arith.constant 0 : i32
          %dma_start3A_175 = tpu.memref_slice %arg9[%run_scoped3A, %dma_start3A_173, %dma_start3A_174] : memref<2x128x128xf32, #tpu.memory_space<vmem>> -> memref<1x128x128xf32, #tpu.memory_space<vmem>>
          %dma_start3A_176 = tpu.memref_squeeze %dma_start3A_175 : memref<1x128x128xf32, #tpu.memory_space<vmem>> -> memref<128x128xf32, #tpu.memory_space<vmem>>
          %dma_start3A_177 = arith.constant 0 : i32
          %dma_start3A_178 = tpu.memref_slice %arg8[%run_scoped3A_171, %dma_start3A_177] : memref<6x128xi32, #tpu.memory_space<vmem>> -> memref<1x128xi32, #tpu.memory_space<vmem>>
          %dma_start3A_179 = tpu.memref_squeeze %dma_start3A_178 : memref<1x128xi32, #tpu.memory_space<vmem>> -> memref<128xi32, #tpu.memory_space<vmem>>
          %dma_start3A_180 = arith.constant 0 : i32
          %dma_start3A_181 = arith.constant 0 : i32
          %dma_start3A_182 = tpu.memref_slice %arg10[%dma_start3A_180, %dma_start3A_181] : memref<10000x128xf32, #tpu.memory_space<vmem_shared>> -> memref<10000x128xf32, #tpu.memory_space<vmem_shared>>
          tpu.enqueue_indirect_dma source(%dma_start3A_176 : memref<128x128xf32, #tpu.memory_space<vmem>>) target(%dma_start3A_182 : memref<10000x128xf32, #tpu.memory_space<vmem_shared>>) offsets(%dma_start3A_179 : memref<128xi32, #tpu.memory_space<vmem>>) semaphore(%run_scoped3A_172 : memref<!tpu.dma_semaphore, #tpu.memory_space<semaphore_mem>>) {add = true}
          %dma_wait3A_183 = arith.constant 0 : i32
          %dma_wait3A_184 = arith.constant 0 : i32
          %dma_wait3A_185 = tpu.memref_slice %arg9[%run_scoped3A, %dma_wait3A_183, %dma_wait3A_184] : memref<2x128x128xf32, #tpu.memory_space<vmem>> -> memref<1x128x128xf32, #tpu.memory_space<vmem>>
          %dma_wait3A_186 = tpu.memref_squeeze %dma_wait3A_185 : memref<1x128x128xf32, #tpu.memory_space<vmem>> -> memref<128x128xf32, #tpu.memory_space<vmem>>
          %dma_wait3A_187 = arith.constant 0 : i32
          %dma_wait3A_188 = tpu.memref_slice %arg8[%run_scoped3A_171, %dma_wait3A_187] : memref<6x128xi32, #tpu.memory_space<vmem>> -> memref<1x128xi32, #tpu.memory_space<vmem>>
          %dma_wait3A_189 = tpu.memref_squeeze %dma_wait3A_188 : memref<1x128xi32, #tpu.memory_space<vmem>> -> memref<128xi32, #tpu.memory_space<vmem>>
          %dma_wait3A_190 = arith.constant 0 : i32
          %dma_wait3A_191 = arith.constant 0 : i32
          %dma_wait3A_192 = tpu.memref_slice %arg10[%dma_wait3A_190, %dma_wait3A_191] : memref<10000x128xf32, #tpu.memory_space<vmem_shared>> -> memref<10000x128xf32, #tpu.memory_space<vmem_shared>>
          tpu.wait_indirect_dma semaphore(%run_scoped3A_172 : memref<!tpu.dma_semaphore, #tpu.memory_space<semaphore_mem>>) src(%dma_wait3A_186 : memref<128x128xf32, #tpu.memory_space<vmem>>) dst(%dma_wait3A_192 : memref<10000x128xf32, #tpu.memory_space<vmem_shared>>)
          tpu.yield
        }) : () -> ()
      } else {
      }
      %mul3A_114 = arith.constant 6 : i32
      %mul3A_115 = arith.muli %mul3A_114, %scan3A_89 : i32
      %add3A_116 = arith.constant 3 : i32
      %add3A_117 = arith.addi %mul3A_115, %add3A_116 : i32
      %lt3A_118 = arith.cmpi slt, %add3A_117, %select_n3A : i32
      %convert_element_type3A_119 = arith.extui %lt3A_118 : i1 to i32
      %cond3A_120 = arith.constant 0 : i32
      %cond3A_121 = arith.cmpi ne, %convert_element_type3A_119, %cond3A_120 : i32
      scf.if %cond3A_121 {
        %dma_wait3A_138 = arith.constant 1 : i32
        %dma_wait3A_139 = arith.constant 0 : i32
        %dma_wait3A_140 = arith.constant 0 : i32
        %dma_wait3A_141 = tpu.memref_slice %arg9[%dma_wait3A_138, %dma_wait3A_139, %dma_wait3A_140] : memref<2x128x128xf32, #tpu.memory_space<vmem>> -> memref<1x128x128xf32, #tpu.memory_space<vmem>>
        %dma_wait3A_142 = tpu.memref_squeeze %dma_wait3A_141 : memref<1x128x128xf32, #tpu.memory_space<vmem>> -> memref<128x128xf32, #tpu.memory_space<vmem>>
        %dma_wait3A_143 = arith.constant 0 : i32
        %dma_wait3A_144 = tpu.memref_slice %arg7[%dma_wait3A_143] : memref<10112xi32, #tpu.memory_space<vmem>> -> memref<128xi32, #tpu.memory_space<vmem>>
        %dma_wait3A_145 = arith.constant 0 : i32
        %dma_wait3A_146 = arith.constant 0 : i32
        %dma_wait3A_147 = tpu.memref_slice %arg4[%dma_wait3A_145, %dma_wait3A_146] : memref<10000x128xf32, #tpu.memory_space<hbm>> -> memref<10000x128xf32, #tpu.memory_space<hbm>>
        tpu.wait_indirect_dma semaphore(%arg12 : memref<!tpu.dma_semaphore, #tpu.memory_space<semaphore_mem>>) src(%dma_wait3A_147 : memref<10000x128xf32, #tpu.memory_space<hbm>>) dst(%dma_wait3A_142 : memref<128x128xf32, #tpu.memory_space<vmem>>)
        %dma_wait3A_148 = arith.constant 3 : i32
        %dma_wait3A_149 = arith.constant 0 : i32
        %dma_wait3A_150 = tpu.memref_slice %arg8[%dma_wait3A_148, %dma_wait3A_149] : memref<6x128xi32, #tpu.memory_space<vmem>> -> memref<1x128xi32, #tpu.memory_space<vmem>>
        %dma_wait3A_151 = tpu.memref_squeeze %dma_wait3A_150 : memref<1x128xi32, #tpu.memory_space<vmem>> -> memref<128xi32, #tpu.memory_space<vmem>>
        %dma_wait3A_152 = arith.constant 0 : i32
        %dma_wait3A_153 = tpu.memref_slice %arg3[%dma_wait3A_152] : memref<320000xi32, #tpu.memory_space<hbm>> -> memref<128xi32, #tpu.memory_space<hbm>>
        %dma_wait3A_154 = arith.constant 0 : i32
        %dma_wait3A_155 = tpu.memref_slice %arg8[%dma_wait3A_148, %dma_wait3A_154] : memref<6x128xi32, #tpu.memory_space<vmem>> -> memref<1x128xi32, #tpu.memory_space<vmem>>
        %dma_wait3A_156 = tpu.memref_squeeze %dma_wait3A_155 : memref<1x128xi32, #tpu.memory_space<vmem>> -> memref<128xi32, #tpu.memory_space<vmem>>
        %dma_wait3A_157 = arith.constant 0 : i32
        %dma_wait3A_158 = tpu.memref_slice %arg3[%dma_wait3A_157] : memref<320000xi32, #tpu.memory_space<hbm>> -> memref<128xi32, #tpu.memory_space<hbm>>
        tpu.wait_dma2 semaphore(%arg14 : memref<!tpu.dma_semaphore, #tpu.memory_space<semaphore_mem>>) src(%dma_wait3A_158 : memref<128xi32, #tpu.memory_space<hbm>>) dst(%dma_wait3A_156 : memref<128xi32, #tpu.memory_space<vmem>>)
        %add3A_159 = arith.constant 1 : i32
        %add3A_160 = arith.addi %add3A_117, %add3A_159 : i32
        %lt3A_161 = arith.cmpi slt, %add3A_160, %select_n3A : i32
        %convert_element_type3A_162 = arith.extui %lt3A_161 : i1 to i32
        %cond3A_163 = arith.constant 0 : i32
        %cond3A_164 = arith.cmpi ne, %convert_element_type3A_162, %cond3A_163 : i32
        scf.if %cond3A_164 {
          %add3A_172 = arith.constant 1 : i32
          %add3A_173 = arith.addi %add3A_117, %add3A_172 : i32
          %mul3A_174 = arith.constant 128 : i32
          %mul3A_175 = arith.muli %add3A_173, %mul3A_174 : i32
          %dma_start3A_176 = arith.constant 0 : i32
          %dma_start3A_177 = arith.constant 0 : i32
          %dma_start3A_178 = arith.constant 0 : i32
          %dma_start3A_179 = tpu.memref_slice %arg9[%dma_start3A_176, %dma_start3A_177, %dma_start3A_178] : memref<2x128x128xf32, #tpu.memory_space<vmem>> -> memref<1x128x128xf32, #tpu.memory_space<vmem>>
          %dma_start3A_180 = tpu.memref_squeeze %dma_start3A_179 : memref<1x128x128xf32, #tpu.memory_space<vmem>> -> memref<128x128xf32, #tpu.memory_space<vmem>>
          %dma_start3A_181 = tpu.memref_slice %arg7[%mul3A_175] : memref<10112xi32, #tpu.memory_space<vmem>> -> memref<128xi32, #tpu.memory_space<vmem>>
          %dma_start3A_182 = arith.constant 0 : i32
          %dma_start3A_183 = arith.constant 0 : i32
          %dma_start3A_184 = tpu.memref_slice %arg4[%dma_start3A_182, %dma_start3A_183] : memref<10000x128xf32, #tpu.memory_space<hbm>> -> memref<10000x128xf32, #tpu.memory_space<hbm>>
          tpu.enqueue_indirect_dma source(%dma_start3A_184 : memref<10000x128xf32, #tpu.memory_space<hbm>>) target(%dma_start3A_180 : memref<128x128xf32, #tpu.memory_space<vmem>>) offsets(%dma_start3A_181 : memref<128xi32, #tpu.memory_space<vmem>>) semaphore(%arg12 : memref<!tpu.dma_semaphore, #tpu.memory_space<semaphore_mem>>)
        } else {
        }
        %add3A_165 = arith.constant 2 : i32
        %add3A_166 = arith.addi %add3A_117, %add3A_165 : i32
        %lt3A_167 = arith.cmpi slt, %add3A_166, %select_n3A : i32
        %convert_element_type3A_168 = arith.extui %lt3A_167 : i1 to i32
        %cond3A_169 = arith.constant 0 : i32
        %cond3A_170 = arith.cmpi ne, %convert_element_type3A_168, %cond3A_169 : i32
        scf.if %cond3A_170 {
          %add3A_172 = arith.constant 2 : i32
          %add3A_173 = arith.addi %add3A_117, %add3A_172 : i32
          %add3A_174 = arith.addi %add3A_4, %add3A_173 : i32
          %mul3A_175 = arith.constant 128 : i32
          %mul3A_176 = arith.muli %add3A_174, %mul3A_175 : i32
          %dma_start3A_177 = arith.constant 5 : i32
          %dma_start3A_178 = arith.constant 0 : i32
          %dma_start3A_179 = tpu.memref_slice %arg8[%dma_start3A_177, %dma_start3A_178] : memref<6x128xi32, #tpu.memory_space<vmem>> -> memref<1x128xi32, #tpu.memory_space<vmem>>
          %dma_start3A_180 = tpu.memref_squeeze %dma_start3A_179 : memref<1x128xi32, #tpu.memory_space<vmem>> -> memref<128xi32, #tpu.memory_space<vmem>>
          %dma_start3A_181 = tpu.memref_slice %arg3[%mul3A_176] : memref<320000xi32, #tpu.memory_space<hbm>> -> memref<128xi32, #tpu.memory_space<hbm>>
          %dma_start3A_182 = arith.constant 0 : i32
          %dma_start3A_183 = tpu.memref_slice %arg8[%dma_start3A_177, %dma_start3A_182] : memref<6x128xi32, #tpu.memory_space<vmem>> -> memref<1x128xi32, #tpu.memory_space<vmem>>
          %dma_start3A_184 = tpu.memref_squeeze %dma_start3A_183 : memref<1x128xi32, #tpu.memory_space<vmem>> -> memref<128xi32, #tpu.memory_space<vmem>>
          %dma_start3A_185 = tpu.memref_slice %arg3[%mul3A_176] : memref<320000xi32, #tpu.memory_space<hbm>> -> memref<128xi32, #tpu.memory_space<hbm>>
          tpu.enqueue_dma source(%dma_start3A_185 : memref<128xi32, #tpu.memory_space<hbm>>) target(%dma_start3A_184 : memref<128xi32, #tpu.memory_space<vmem>>) target_semaphore(%arg14 : memref<!tpu.dma_semaphore, #tpu.memory_space<semaphore_mem>>)
        } else {
        }
        %run_scoped3A = arith.constant 1 : i32
        %run_scoped3A_171 = arith.constant 3 : i32
        "tpu.region"() ({
          %run_scoped3A_172 = tpu.sem_alloc : memref<!tpu.dma_semaphore, #tpu.memory_space<semaphore_mem>>
          %dma_start3A_173 = arith.constant 0 : i32
          %dma_start3A_174 = arith.constant 0 : i32
          %dma_start3A_175 = tpu.memref_slice %arg9[%run_scoped3A, %dma_start3A_173, %dma_start3A_174] : memref<2x128x128xf32, #tpu.memory_space<vmem>> -> memref<1x128x128xf32, #tpu.memory_space<vmem>>
          %dma_start3A_176 = tpu.memref_squeeze %dma_start3A_175 : memref<1x128x128xf32, #tpu.memory_space<vmem>> -> memref<128x128xf32, #tpu.memory_space<vmem>>
          %dma_start3A_177 = arith.constant 0 : i32
          %dma_start3A_178 = tpu.memref_slice %arg8[%run_scoped3A_171, %dma_start3A_177] : memref<6x128xi32, #tpu.memory_space<vmem>> -> memref<1x128xi32, #tpu.memory_space<vmem>>
          %dma_start3A_179 = tpu.memref_squeeze %dma_start3A_178 : memref<1x128xi32, #tpu.memory_space<vmem>> -> memref<128xi32, #tpu.memory_space<vmem>>
          %dma_start3A_180 = arith.constant 0 : i32
          %dma_start3A_181 = arith.constant 0 : i32
          %dma_start3A_182 = tpu.memref_slice %arg10[%dma_start3A_180, %dma_start3A_181] : memref<10000x128xf32, #tpu.memory_space<vmem_shared>> -> memref<10000x128xf32, #tpu.memory_space<vmem_shared>>
          tpu.enqueue_indirect_dma source(%dma_start3A_176 : memref<128x128xf32, #tpu.memory_space<vmem>>) target(%dma_start3A_182 : memref<10000x128xf32, #tpu.memory_space<vmem_shared>>) offsets(%dma_start3A_179 : memref<128xi32, #tpu.memory_space<vmem>>) semaphore(%run_scoped3A_172 : memref<!tpu.dma_semaphore, #tpu.memory_space<semaphore_mem>>) {add = true}
          %dma_wait3A_183 = arith.constant 0 : i32
          %dma_wait3A_184 = arith.constant 0 : i32
          %dma_wait3A_185 = tpu.memref_slice %arg9[%run_scoped3A, %dma_wait3A_183, %dma_wait3A_184] : memref<2x128x128xf32, #tpu.memory_space<vmem>> -> memref<1x128x128xf32, #tpu.memory_space<vmem>>
          %dma_wait3A_186 = tpu.memref_squeeze %dma_wait3A_185 : memref<1x128x128xf32, #tpu.memory_space<vmem>> -> memref<128x128xf32, #tpu.memory_space<vmem>>
          %dma_wait3A_187 = arith.constant 0 : i32
          %dma_wait3A_188 = tpu.memref_slice %arg8[%run_scoped3A_171, %dma_wait3A_187] : memref<6x128xi32, #tpu.memory_space<vmem>> -> memref<1x128xi32, #tpu.memory_space<vmem>>
          %dma_wait3A_189 = tpu.memref_squeeze %dma_wait3A_188 : memref<1x128xi32, #tpu.memory_space<vmem>> -> memref<128xi32, #tpu.memory_space<vmem>>
          %dma_wait3A_190 = arith.constant 0 : i32
          %dma_wait3A_191 = arith.constant 0 : i32
          %dma_wait3A_192 = tpu.memref_slice %arg10[%dma_wait3A_190, %dma_wait3A_191] : memref<10000x128xf32, #tpu.memory_space<vmem_shared>> -> memref<10000x128xf32, #tpu.memory_space<vmem_shared>>
          tpu.wait_indirect_dma semaphore(%run_scoped3A_172 : memref<!tpu.dma_semaphore, #tpu.memory_space<semaphore_mem>>) src(%dma_wait3A_186 : memref<128x128xf32, #tpu.memory_space<vmem>>) dst(%dma_wait3A_192 : memref<10000x128xf32, #tpu.memory_space<vmem_shared>>)
          tpu.yield
        }) : () -> ()
      } else {
      }
      %mul3A_122 = arith.constant 6 : i32
      %mul3A_123 = arith.muli %mul3A_122, %scan3A_89 : i32
      %add3A_124 = arith.constant 4 : i32
      %add3A_125 = arith.addi %mul3A_123, %add3A_124 : i32
      %lt3A_126 = arith.cmpi slt, %add3A_125, %select_n3A : i32
      %convert_element_type3A_127 = arith.extui %lt3A_126 : i1 to i32
      %cond3A_128 = arith.constant 0 : i32
      %cond3A_129 = arith.cmpi ne, %convert_element_type3A_127, %cond3A_128 : i32
      scf.if %cond3A_129 {
        %dma_wait3A_138 = arith.constant 0 : i32
        %dma_wait3A_139 = arith.constant 0 : i32
        %dma_wait3A_140 = arith.constant 0 : i32
        %dma_wait3A_141 = tpu.memref_slice %arg9[%dma_wait3A_138, %dma_wait3A_139, %dma_wait3A_140] : memref<2x128x128xf32, #tpu.memory_space<vmem>> -> memref<1x128x128xf32, #tpu.memory_space<vmem>>
        %dma_wait3A_142 = tpu.memref_squeeze %dma_wait3A_141 : memref<1x128x128xf32, #tpu.memory_space<vmem>> -> memref<128x128xf32, #tpu.memory_space<vmem>>
        %dma_wait3A_143 = arith.constant 0 : i32
        %dma_wait3A_144 = tpu.memref_slice %arg7[%dma_wait3A_143] : memref<10112xi32, #tpu.memory_space<vmem>> -> memref<128xi32, #tpu.memory_space<vmem>>
        %dma_wait3A_145 = arith.constant 0 : i32
        %dma_wait3A_146 = arith.constant 0 : i32
        %dma_wait3A_147 = tpu.memref_slice %arg4[%dma_wait3A_145, %dma_wait3A_146] : memref<10000x128xf32, #tpu.memory_space<hbm>> -> memref<10000x128xf32, #tpu.memory_space<hbm>>
        tpu.wait_indirect_dma semaphore(%arg12 : memref<!tpu.dma_semaphore, #tpu.memory_space<semaphore_mem>>) src(%dma_wait3A_147 : memref<10000x128xf32, #tpu.memory_space<hbm>>) dst(%dma_wait3A_142 : memref<128x128xf32, #tpu.memory_space<vmem>>)
        %dma_wait3A_148 = arith.constant 4 : i32
        %dma_wait3A_149 = arith.constant 0 : i32
        %dma_wait3A_150 = tpu.memref_slice %arg8[%dma_wait3A_148, %dma_wait3A_149] : memref<6x128xi32, #tpu.memory_space<vmem>> -> memref<1x128xi32, #tpu.memory_space<vmem>>
        %dma_wait3A_151 = tpu.memref_squeeze %dma_wait3A_150 : memref<1x128xi32, #tpu.memory_space<vmem>> -> memref<128xi32, #tpu.memory_space<vmem>>
        %dma_wait3A_152 = arith.constant 0 : i32
        %dma_wait3A_153 = tpu.memref_slice %arg3[%dma_wait3A_152] : memref<320000xi32, #tpu.memory_space<hbm>> -> memref<128xi32, #tpu.memory_space<hbm>>
        %dma_wait3A_154 = arith.constant 0 : i32
        %dma_wait3A_155 = tpu.memref_slice %arg8[%dma_wait3A_148, %dma_wait3A_154] : memref<6x128xi32, #tpu.memory_space<vmem>> -> memref<1x128xi32, #tpu.memory_space<vmem>>
        %dma_wait3A_156 = tpu.memref_squeeze %dma_wait3A_155 : memref<1x128xi32, #tpu.memory_space<vmem>> -> memref<128xi32, #tpu.memory_space<vmem>>
        %dma_wait3A_157 = arith.constant 0 : i32
        %dma_wait3A_158 = tpu.memref_slice %arg3[%dma_wait3A_157] : memref<320000xi32, #tpu.memory_space<hbm>> -> memref<128xi32, #tpu.memory_space<hbm>>
        tpu.wait_dma2 semaphore(%arg13 : memref<!tpu.dma_semaphore, #tpu.memory_space<semaphore_mem>>) src(%dma_wait3A_158 : memref<128xi32, #tpu.memory_space<hbm>>) dst(%dma_wait3A_156 : memref<128xi32, #tpu.memory_space<vmem>>)
        %add3A_159 = arith.constant 1 : i32
        %add3A_160 = arith.addi %add3A_125, %add3A_159 : i32
        %lt3A_161 = arith.cmpi slt, %add3A_160, %select_n3A : i32
        %convert_element_type3A_162 = arith.extui %lt3A_161 : i1 to i32
        %cond3A_163 = arith.constant 0 : i32
        %cond3A_164 = arith.cmpi ne, %convert_element_type3A_162, %cond3A_163 : i32
        scf.if %cond3A_164 {
          %add3A_172 = arith.constant 1 : i32
          %add3A_173 = arith.addi %add3A_125, %add3A_172 : i32
          %mul3A_174 = arith.constant 128 : i32
          %mul3A_175 = arith.muli %add3A_173, %mul3A_174 : i32
          %dma_start3A_176 = arith.constant 1 : i32
          %dma_start3A_177 = arith.constant 0 : i32
          %dma_start3A_178 = arith.constant 0 : i32
          %dma_start3A_179 = tpu.memref_slice %arg9[%dma_start3A_176, %dma_start3A_177, %dma_start3A_178] : memref<2x128x128xf32, #tpu.memory_space<vmem>> -> memref<1x128x128xf32, #tpu.memory_space<vmem>>
          %dma_start3A_180 = tpu.memref_squeeze %dma_start3A_179 : memref<1x128x128xf32, #tpu.memory_space<vmem>> -> memref<128x128xf32, #tpu.memory_space<vmem>>
          %dma_start3A_181 = tpu.memref_slice %arg7[%mul3A_175] : memref<10112xi32, #tpu.memory_space<vmem>> -> memref<128xi32, #tpu.memory_space<vmem>>
          %dma_start3A_182 = arith.constant 0 : i32
          %dma_start3A_183 = arith.constant 0 : i32
          %dma_start3A_184 = tpu.memref_slice %arg4[%dma_start3A_182, %dma_start3A_183] : memref<10000x128xf32, #tpu.memory_space<hbm>> -> memref<10000x128xf32, #tpu.memory_space<hbm>>
          tpu.enqueue_indirect_dma source(%dma_start3A_184 : memref<10000x128xf32, #tpu.memory_space<hbm>>) target(%dma_start3A_180 : memref<128x128xf32, #tpu.memory_space<vmem>>) offsets(%dma_start3A_181 : memref<128xi32, #tpu.memory_space<vmem>>) semaphore(%arg12 : memref<!tpu.dma_semaphore, #tpu.memory_space<semaphore_mem>>)
        } else {
        }
        %add3A_165 = arith.constant 2 : i32
        %add3A_166 = arith.addi %add3A_125, %add3A_165 : i32
        %lt3A_167 = arith.cmpi slt, %add3A_166, %select_n3A : i32
        %convert_element_type3A_168 = arith.extui %lt3A_167 : i1 to i32
        %cond3A_169 = arith.constant 0 : i32
        %cond3A_170 = arith.cmpi ne, %convert_element_type3A_168, %cond3A_169 : i32
        scf.if %cond3A_170 {
          %add3A_172 = arith.constant 2 : i32
          %add3A_173 = arith.addi %add3A_125, %add3A_172 : i32
          %add3A_174 = arith.addi %add3A_4, %add3A_173 : i32
          %mul3A_175 = arith.constant 128 : i32
          %mul3A_176 = arith.muli %add3A_174, %mul3A_175 : i32
          %dma_start3A_177 = arith.constant 0 : i32
          %dma_start3A_178 = arith.constant 0 : i32
          %dma_start3A_179 = tpu.memref_slice %arg8[%dma_start3A_177, %dma_start3A_178] : memref<6x128xi32, #tpu.memory_space<vmem>> -> memref<1x128xi32, #tpu.memory_space<vmem>>
          %dma_start3A_180 = tpu.memref_squeeze %dma_start3A_179 : memref<1x128xi32, #tpu.memory_space<vmem>> -> memref<128xi32, #tpu.memory_space<vmem>>
          %dma_start3A_181 = tpu.memref_slice %arg3[%mul3A_176] : memref<320000xi32, #tpu.memory_space<hbm>> -> memref<128xi32, #tpu.memory_space<hbm>>
          %dma_start3A_182 = arith.constant 0 : i32
          %dma_start3A_183 = tpu.memref_slice %arg8[%dma_start3A_177, %dma_start3A_182] : memref<6x128xi32, #tpu.memory_space<vmem>> -> memref<1x128xi32, #tpu.memory_space<vmem>>
          %dma_start3A_184 = tpu.memref_squeeze %dma_start3A_183 : memref<1x128xi32, #tpu.memory_space<vmem>> -> memref<128xi32, #tpu.memory_space<vmem>>
          %dma_start3A_185 = tpu.memref_slice %arg3[%mul3A_176] : memref<320000xi32, #tpu.memory_space<hbm>> -> memref<128xi32, #tpu.memory_space<hbm>>
          tpu.enqueue_dma source(%dma_start3A_185 : memref<128xi32, #tpu.memory_space<hbm>>) target(%dma_start3A_184 : memref<128xi32, #tpu.memory_space<vmem>>) target_semaphore(%arg13 : memref<!tpu.dma_semaphore, #tpu.memory_space<semaphore_mem>>)
        } else {
        }
        %run_scoped3A = arith.constant 0 : i32
        %run_scoped3A_171 = arith.constant 4 : i32
        "tpu.region"() ({
          %run_scoped3A_172 = tpu.sem_alloc : memref<!tpu.dma_semaphore, #tpu.memory_space<semaphore_mem>>
          %dma_start3A_173 = arith.constant 0 : i32
          %dma_start3A_174 = arith.constant 0 : i32
          %dma_start3A_175 = tpu.memref_slice %arg9[%run_scoped3A, %dma_start3A_173, %dma_start3A_174] : memref<2x128x128xf32, #tpu.memory_space<vmem>> -> memref<1x128x128xf32, #tpu.memory_space<vmem>>
          %dma_start3A_176 = tpu.memref_squeeze %dma_start3A_175 : memref<1x128x128xf32, #tpu.memory_space<vmem>> -> memref<128x128xf32, #tpu.memory_space<vmem>>
          %dma_start3A_177 = arith.constant 0 : i32
          %dma_start3A_178 = tpu.memref_slice %arg8[%run_scoped3A_171, %dma_start3A_177] : memref<6x128xi32, #tpu.memory_space<vmem>> -> memref<1x128xi32, #tpu.memory_space<vmem>>
          %dma_start3A_179 = tpu.memref_squeeze %dma_start3A_178 : memref<1x128xi32, #tpu.memory_space<vmem>> -> memref<128xi32, #tpu.memory_space<vmem>>
          %dma_start3A_180 = arith.constant 0 : i32
          %dma_start3A_181 = arith.constant 0 : i32
          %dma_start3A_182 = tpu.memref_slice %arg10[%dma_start3A_180, %dma_start3A_181] : memref<10000x128xf32, #tpu.memory_space<vmem_shared>> -> memref<10000x128xf32, #tpu.memory_space<vmem_shared>>
          tpu.enqueue_indirect_dma source(%dma_start3A_176 : memref<128x128xf32, #tpu.memory_space<vmem>>) target(%dma_start3A_182 : memref<10000x128xf32, #tpu.memory_space<vmem_shared>>) offsets(%dma_start3A_179 : memref<128xi32, #tpu.memory_space<vmem>>) semaphore(%run_scoped3A_172 : memref<!tpu.dma_semaphore, #tpu.memory_space<semaphore_mem>>) {add = true}
          %dma_wait3A_183 = arith.constant 0 : i32
          %dma_wait3A_184 = arith.constant 0 : i32
          %dma_wait3A_185 = tpu.memref_slice %arg9[%run_scoped3A, %dma_wait3A_183, %dma_wait3A_184] : memref<2x128x128xf32, #tpu.memory_space<vmem>> -> memref<1x128x128xf32, #tpu.memory_space<vmem>>
          %dma_wait3A_186 = tpu.memref_squeeze %dma_wait3A_185 : memref<1x128x128xf32, #tpu.memory_space<vmem>> -> memref<128x128xf32, #tpu.memory_space<vmem>>
          %dma_wait3A_187 = arith.constant 0 : i32
          %dma_wait3A_188 = tpu.memref_slice %arg8[%run_scoped3A_171, %dma_wait3A_187] : memref<6x128xi32, #tpu.memory_space<vmem>> -> memref<1x128xi32, #tpu.memory_space<vmem>>
          %dma_wait3A_189 = tpu.memref_squeeze %dma_wait3A_188 : memref<1x128xi32, #tpu.memory_space<vmem>> -> memref<128xi32, #tpu.memory_space<vmem>>
          %dma_wait3A_190 = arith.constant 0 : i32
          %dma_wait3A_191 = arith.constant 0 : i32
          %dma_wait3A_192 = tpu.memref_slice %arg10[%dma_wait3A_190, %dma_wait3A_191] : memref<10000x128xf32, #tpu.memory_space<vmem_shared>> -> memref<10000x128xf32, #tpu.memory_space<vmem_shared>>
          tpu.wait_indirect_dma semaphore(%run_scoped3A_172 : memref<!tpu.dma_semaphore, #tpu.memory_space<semaphore_mem>>) src(%dma_wait3A_186 : memref<128x128xf32, #tpu.memory_space<vmem>>) dst(%dma_wait3A_192 : memref<10000x128xf32, #tpu.memory_space<vmem_shared>>)
          tpu.yield
        }) : () -> ()
      } else {
      }
      %mul3A_130 = arith.constant 6 : i32
      %mul3A_131 = arith.muli %mul3A_130, %scan3A_89 : i32
      %add3A_132 = arith.constant 5 : i32
      %add3A_133 = arith.addi %mul3A_131, %add3A_132 : i32
      %lt3A_134 = arith.cmpi slt, %add3A_133, %select_n3A : i32
      %convert_element_type3A_135 = arith.extui %lt3A_134 : i1 to i32
      %cond3A_136 = arith.constant 0 : i32
      %cond3A_137 = arith.cmpi ne, %convert_element_type3A_135, %cond3A_136 : i32
      scf.if %cond3A_137 {
        %dma_wait3A_138 = arith.constant 1 : i32
        %dma_wait3A_139 = arith.constant 0 : i32
        %dma_wait3A_140 = arith.constant 0 : i32
        %dma_wait3A_141 = tpu.memref_slice %arg9[%dma_wait3A_138, %dma_wait3A_139, %dma_wait3A_140] : memref<2x128x128xf32, #tpu.memory_space<vmem>> -> memref<1x128x128xf32, #tpu.memory_space<vmem>>
        %dma_wait3A_142 = tpu.memref_squeeze %dma_wait3A_141 : memref<1x128x128xf32, #tpu.memory_space<vmem>> -> memref<128x128xf32, #tpu.memory_space<vmem>>
        %dma_wait3A_143 = arith.constant 0 : i32
        %dma_wait3A_144 = tpu.memref_slice %arg7[%dma_wait3A_143] : memref<10112xi32, #tpu.memory_space<vmem>> -> memref<128xi32, #tpu.memory_space<vmem>>
        %dma_wait3A_145 = arith.constant 0 : i32
        %dma_wait3A_146 = arith.constant 0 : i32
        %dma_wait3A_147 = tpu.memref_slice %arg4[%dma_wait3A_145, %dma_wait3A_146] : memref<10000x128xf32, #tpu.memory_space<hbm>> -> memref<10000x128xf32, #tpu.memory_space<hbm>>
        tpu.wait_indirect_dma semaphore(%arg12 : memref<!tpu.dma_semaphore, #tpu.memory_space<semaphore_mem>>) src(%dma_wait3A_147 : memref<10000x128xf32, #tpu.memory_space<hbm>>) dst(%dma_wait3A_142 : memref<128x128xf32, #tpu.memory_space<vmem>>)
        %dma_wait3A_148 = arith.constant 5 : i32
        %dma_wait3A_149 = arith.constant 0 : i32
        %dma_wait3A_150 = tpu.memref_slice %arg8[%dma_wait3A_148, %dma_wait3A_149] : memref<6x128xi32, #tpu.memory_space<vmem>> -> memref<1x128xi32, #tpu.memory_space<vmem>>
        %dma_wait3A_151 = tpu.memref_squeeze %dma_wait3A_150 : memref<1x128xi32, #tpu.memory_space<vmem>> -> memref<128xi32, #tpu.memory_space<vmem>>
        %dma_wait3A_152 = arith.constant 0 : i32
        %dma_wait3A_153 = tpu.memref_slice %arg3[%dma_wait3A_152] : memref<320000xi32, #tpu.memory_space<hbm>> -> memref<128xi32, #tpu.memory_space<hbm>>
        %dma_wait3A_154 = arith.constant 0 : i32
        %dma_wait3A_155 = tpu.memref_slice %arg8[%dma_wait3A_148, %dma_wait3A_154] : memref<6x128xi32, #tpu.memory_space<vmem>> -> memref<1x128xi32, #tpu.memory_space<vmem>>
        %dma_wait3A_156 = tpu.memref_squeeze %dma_wait3A_155 : memref<1x128xi32, #tpu.memory_space<vmem>> -> memref<128xi32, #tpu.memory_space<vmem>>
        %dma_wait3A_157 = arith.constant 0 : i32
        %dma_wait3A_158 = tpu.memref_slice %arg3[%dma_wait3A_157] : memref<320000xi32, #tpu.memory_space<hbm>> -> memref<128xi32, #tpu.memory_space<hbm>>
        tpu.wait_dma2 semaphore(%arg14 : memref<!tpu.dma_semaphore, #tpu.memory_space<semaphore_mem>>) src(%dma_wait3A_158 : memref<128xi32, #tpu.memory_space<hbm>>) dst(%dma_wait3A_156 : memref<128xi32, #tpu.memory_space<vmem>>)
        %add3A_159 = arith.constant 1 : i32
        %add3A_160 = arith.addi %add3A_133, %add3A_159 : i32
        %lt3A_161 = arith.cmpi slt, %add3A_160, %select_n3A : i32
        %convert_element_type3A_162 = arith.extui %lt3A_161 : i1 to i32
        %cond3A_163 = arith.constant 0 : i32
        %cond3A_164 = arith.cmpi ne, %convert_element_type3A_162, %cond3A_163 : i32
        scf.if %cond3A_164 {
          %add3A_172 = arith.constant 1 : i32
          %add3A_173 = arith.addi %add3A_133, %add3A_172 : i32
          %mul3A_174 = arith.constant 128 : i32
          %mul3A_175 = arith.muli %add3A_173, %mul3A_174 : i32
          %dma_start3A_176 = arith.constant 0 : i32
          %dma_start3A_177 = arith.constant 0 : i32
          %dma_start3A_178 = arith.constant 0 : i32
          %dma_start3A_179 = tpu.memref_slice %arg9[%dma_start3A_176, %dma_start3A_177, %dma_start3A_178] : memref<2x128x128xf32, #tpu.memory_space<vmem>> -> memref<1x128x128xf32, #tpu.memory_space<vmem>>
          %dma_start3A_180 = tpu.memref_squeeze %dma_start3A_179 : memref<1x128x128xf32, #tpu.memory_space<vmem>> -> memref<128x128xf32, #tpu.memory_space<vmem>>
          %dma_start3A_181 = tpu.memref_slice %arg7[%mul3A_175] : memref<10112xi32, #tpu.memory_space<vmem>> -> memref<128xi32, #tpu.memory_space<vmem>>
          %dma_start3A_182 = arith.constant 0 : i32
          %dma_start3A_183 = arith.constant 0 : i32
          %dma_start3A_184 = tpu.memref_slice %arg4[%dma_start3A_182, %dma_start3A_183] : memref<10000x128xf32, #tpu.memory_space<hbm>> -> memref<10000x128xf32, #tpu.memory_space<hbm>>
          tpu.enqueue_indirect_dma source(%dma_start3A_184 : memref<10000x128xf32, #tpu.memory_space<hbm>>) target(%dma_start3A_180 : memref<128x128xf32, #tpu.memory_space<vmem>>) offsets(%dma_start3A_181 : memref<128xi32, #tpu.memory_space<vmem>>) semaphore(%arg12 : memref<!tpu.dma_semaphore, #tpu.memory_space<semaphore_mem>>)
        } else {
        }
        %add3A_165 = arith.constant 2 : i32
        %add3A_166 = arith.addi %add3A_133, %add3A_165 : i32
        %lt3A_167 = arith.cmpi slt, %add3A_166, %select_n3A : i32
        %convert_element_type3A_168 = arith.extui %lt3A_167 : i1 to i32
        %cond3A_169 = arith.constant 0 : i32
        %cond3A_170 = arith.cmpi ne, %convert_element_type3A_168, %cond3A_169 : i32
        scf.if %cond3A_170 {
          %add3A_172 = arith.constant 2 : i32
          %add3A_173 = arith.addi %add3A_133, %add3A_172 : i32
          %add3A_174 = arith.addi %add3A_4, %add3A_173 : i32
          %mul3A_175 = arith.constant 128 : i32
          %mul3A_176 = arith.muli %add3A_174, %mul3A_175 : i32
          %dma_start3A_177 = arith.constant 1 : i32
          %dma_start3A_178 = arith.constant 0 : i32
          %dma_start3A_179 = tpu.memref_slice %arg8[%dma_start3A_177, %dma_start3A_178] : memref<6x128xi32, #tpu.memory_space<vmem>> -> memref<1x128xi32, #tpu.memory_space<vmem>>
          %dma_start3A_180 = tpu.memref_squeeze %dma_start3A_179 : memref<1x128xi32, #tpu.memory_space<vmem>> -> memref<128xi32, #tpu.memory_space<vmem>>
          %dma_start3A_181 = tpu.memref_slice %arg3[%mul3A_176] : memref<320000xi32, #tpu.memory_space<hbm>> -> memref<128xi32, #tpu.memory_space<hbm>>
          %dma_start3A_182 = arith.constant 0 : i32
          %dma_start3A_183 = tpu.memref_slice %arg8[%dma_start3A_177, %dma_start3A_182] : memref<6x128xi32, #tpu.memory_space<vmem>> -> memref<1x128xi32, #tpu.memory_space<vmem>>
          %dma_start3A_184 = tpu.memref_squeeze %dma_start3A_183 : memref<1x128xi32, #tpu.memory_space<vmem>> -> memref<128xi32, #tpu.memory_space<vmem>>
          %dma_start3A_185 = tpu.memref_slice %arg3[%mul3A_176] : memref<320000xi32, #tpu.memory_space<hbm>> -> memref<128xi32, #tpu.memory_space<hbm>>
          tpu.enqueue_dma source(%dma_start3A_185 : memref<128xi32, #tpu.memory_space<hbm>>) target(%dma_start3A_184 : memref<128xi32, #tpu.memory_space<vmem>>) target_semaphore(%arg14 : memref<!tpu.dma_semaphore, #tpu.memory_space<semaphore_mem>>)
        } else {
        }
        %run_scoped3A = arith.constant 1 : i32
        %run_scoped3A_171 = arith.constant 5 : i32
        "tpu.region"() ({
          %run_scoped3A_172 = tpu.sem_alloc : memref<!tpu.dma_semaphore, #tpu.memory_space<semaphore_mem>>
          %dma_start3A_173 = arith.constant 0 : i32
          %dma_start3A_174 = arith.constant 0 : i32
          %dma_start3A_175 = tpu.memref_slice %arg9[%run_scoped3A, %dma_start3A_173, %dma_start3A_174] : memref<2x128x128xf32, #tpu.memory_space<vmem>> -> memref<1x128x128xf32, #tpu.memory_space<vmem>>
          %dma_start3A_176 = tpu.memref_squeeze %dma_start3A_175 : memref<1x128x128xf32, #tpu.memory_space<vmem>> -> memref<128x128xf32, #tpu.memory_space<vmem>>
          %dma_start3A_177 = arith.constant 0 : i32
          %dma_start3A_178 = tpu.memref_slice %arg8[%run_scoped3A_171, %dma_start3A_177] : memref<6x128xi32, #tpu.memory_space<vmem>> -> memref<1x128xi32, #tpu.memory_space<vmem>>
          %dma_start3A_179 = tpu.memref_squeeze %dma_start3A_178 : memref<1x128xi32, #tpu.memory_space<vmem>> -> memref<128xi32, #tpu.memory_space<vmem>>
          %dma_start3A_180 = arith.constant 0 : i32
          %dma_start3A_181 = arith.constant 0 : i32
          %dma_start3A_182 = tpu.memref_slice %arg10[%dma_start3A_180, %dma_start3A_181] : memref<10000x128xf32, #tpu.memory_space<vmem_shared>> -> memref<10000x128xf32, #tpu.memory_space<vmem_shared>>
          tpu.enqueue_indirect_dma source(%dma_start3A_176 : memref<128x128xf32, #tpu.memory_space<vmem>>) target(%dma_start3A_182 : memref<10000x128xf32, #tpu.memory_space<vmem_shared>>) offsets(%dma_start3A_179 : memref<128xi32, #tpu.memory_space<vmem>>) semaphore(%run_scoped3A_172 : memref<!tpu.dma_semaphore, #tpu.memory_space<semaphore_mem>>) {add = true}
          %dma_wait3A_183 = arith.constant 0 : i32
          %dma_wait3A_184 = arith.constant 0 : i32
          %dma_wait3A_185 = tpu.memref_slice %arg9[%run_scoped3A, %dma_wait3A_183, %dma_wait3A_184] : memref<2x128x128xf32, #tpu.memory_space<vmem>> -> memref<1x128x128xf32, #tpu.memory_space<vmem>>
          %dma_wait3A_186 = tpu.memref_squeeze %dma_wait3A_185 : memref<1x128x128xf32, #tpu.memory_space<vmem>> -> memref<128x128xf32, #tpu.memory_space<vmem>>
          %dma_wait3A_187 = arith.constant 0 : i32
          %dma_wait3A_188 = tpu.memref_slice %arg8[%run_scoped3A_171, %dma_wait3A_187] : memref<6x128xi32, #tpu.memory_space<vmem>> -> memref<1x128xi32, #tpu.memory_space<vmem>>
          %dma_wait3A_189 = tpu.memref_squeeze %dma_wait3A_188 : memref<1x128xi32, #tpu.memory_space<vmem>> -> memref<128xi32, #tpu.memory_space<vmem>>
          %dma_wait3A_190 = arith.constant 0 : i32
          %dma_wait3A_191 = arith.constant 0 : i32
          %dma_wait3A_192 = tpu.memref_slice %arg10[%dma_wait3A_190, %dma_wait3A_191] : memref<10000x128xf32, #tpu.memory_space<vmem_shared>> -> memref<10000x128xf32, #tpu.memory_space<vmem_shared>>
          tpu.wait_indirect_dma semaphore(%run_scoped3A_172 : memref<!tpu.dma_semaphore, #tpu.memory_space<semaphore_mem>>) src(%dma_wait3A_186 : memref<128x128xf32, #tpu.memory_space<vmem>>) dst(%dma_wait3A_192 : memref<10000x128xf32, #tpu.memory_space<vmem_shared>>)
          tpu.yield
        }) : () -> ()
      } else {
      }
    }
    %scan3A_78 = arith.constant 14 : i32
    %barrier3A_79 = arith.constant 0 : index
    tpu.barrier barrier_id(%barrier3A_79)
    %mul3A_80 = arith.constant 624 : i32
    %mul3A_81 = arith.muli %arg1, %mul3A_80 : i32
    %mul3A_82 = arith.constant 624 : i32
    %mul3A_83 = arith.muli %arg1, %mul3A_82 : i32
    "tpu.region"() ({
      %run_scoped3A = tpu.sem_alloc : memref<!tpu.dma_semaphore, #tpu.memory_space<semaphore_mem>>
      %dma_start3A_89 = arith.constant 0 : i32
      %dma_start3A_90 = tpu.memref_slice %arg6[%arg0, %mul3A_83, %dma_start3A_89] : memref<2x10000x128xf32, #tpu.memory_space<hbm>> -> memref<1x624x128xf32, #tpu.memory_space<hbm>>
      %dma_start3A_91 = tpu.memref_squeeze %dma_start3A_90 : memref<1x624x128xf32, #tpu.memory_space<hbm>> -> memref<624x128xf32, #tpu.memory_space<hbm>>
      %dma_start3A_92 = arith.constant 0 : i32
      %dma_start3A_93 = tpu.memref_slice %arg10[%mul3A_81, %dma_start3A_92] : memref<10000x128xf32, #tpu.memory_space<vmem_shared>> -> memref<624x128xf32, #tpu.memory_space<vmem_shared>>
      tpu.enqueue_dma source(%dma_start3A_93 : memref<624x128xf32, #tpu.memory_space<vmem_shared>>) target(%dma_start3A_91 : memref<624x128xf32, #tpu.memory_space<hbm>>) target_semaphore(%run_scoped3A : memref<!tpu.dma_semaphore, #tpu.memory_space<semaphore_mem>>)
      %dma_wait3A_94 = arith.constant 0 : i32
      %dma_wait3A_95 = tpu.memref_slice %arg6[%arg0, %mul3A_83, %dma_wait3A_94] : memref<2x10000x128xf32, #tpu.memory_space<hbm>> -> memref<1x624x128xf32, #tpu.memory_space<hbm>>
      %dma_wait3A_96 = tpu.memref_squeeze %dma_wait3A_95 : memref<1x624x128xf32, #tpu.memory_space<hbm>> -> memref<624x128xf32, #tpu.memory_space<hbm>>
      %dma_wait3A_97 = arith.constant 0 : i32
      %dma_wait3A_98 = tpu.memref_slice %arg10[%mul3A_81, %dma_wait3A_97] : memref<10000x128xf32, #tpu.memory_space<vmem_shared>> -> memref<624x128xf32, #tpu.memory_space<vmem_shared>>
      tpu.wait_dma2 semaphore(%run_scoped3A : memref<!tpu.dma_semaphore, #tpu.memory_space<semaphore_mem>>) src(%dma_wait3A_98 : memref<624x128xf32, #tpu.memory_space<vmem_shared>>) dst(%dma_wait3A_96 : memref<624x128xf32, #tpu.memory_space<hbm>>)
      tpu.yield
    }) : () -> ()
    %eq3A_84 = arith.constant 15 : i32
    %eq3A_85 = arith.cmpi eq, %arg1, %eq3A_84 : i32
    %convert_element_type3A_86 = arith.extui %eq3A_85 : i1 to i32
    %cond3A_87 = arith.constant 0 : i32
    %cond3A_88 = arith.cmpi ne, %convert_element_type3A_86, %cond3A_87 : i32
    scf.if %cond3A_88 {
      "tpu.region"() ({
        %run_scoped3A = tpu.sem_alloc : memref<!tpu.dma_semaphore, #tpu.memory_space<semaphore_mem>>
        %dma_start3A_89 = arith.constant 9984 : i32
        %dma_start3A_90 = arith.constant 0 : i32
        %dma_start3A_91 = tpu.memref_slice %arg6[%arg0, %dma_start3A_89, %dma_start3A_90] : memref<2x10000x128xf32, #tpu.memory_space<hbm>> -> memref<1x16x128xf32, #tpu.memory_space<hbm>>
        %dma_start3A_92 = tpu.memref_squeeze %dma_start3A_91 : memref<1x16x128xf32, #tpu.memory_space<hbm>> -> memref<16x128xf32, #tpu.memory_space<hbm>>
        %dma_start3A_93 = arith.constant 9984 : i32
        %dma_start3A_94 = arith.constant 0 : i32
        %dma_start3A_95 = tpu.memref_slice %arg10[%dma_start3A_93, %dma_start3A_94] : memref<10000x128xf32, #tpu.memory_space<vmem_shared>> -> memref<16x128xf32, #tpu.memory_space<vmem_shared>>
        tpu.enqueue_dma source(%dma_start3A_95 : memref<16x128xf32, #tpu.memory_space<vmem_shared>>) target(%dma_start3A_92 : memref<16x128xf32, #tpu.memory_space<hbm>>) target_semaphore(%run_scoped3A : memref<!tpu.dma_semaphore, #tpu.memory_space<semaphore_mem>>)
        %dma_wait3A_96 = arith.constant 9984 : i32
        %dma_wait3A_97 = arith.constant 0 : i32
        %dma_wait3A_98 = tpu.memref_slice %arg6[%arg0, %dma_wait3A_96, %dma_wait3A_97] : memref<2x10000x128xf32, #tpu.memory_space<hbm>> -> memref<1x16x128xf32, #tpu.memory_space<hbm>>
        %dma_wait3A_99 = tpu.memref_squeeze %dma_wait3A_98 : memref<1x16x128xf32, #tpu.memory_space<hbm>> -> memref<16x128xf32, #tpu.memory_space<hbm>>
        %dma_wait3A_100 = arith.constant 9984 : i32
        %dma_wait3A_101 = arith.constant 0 : i32
        %dma_wait3A_102 = tpu.memref_slice %arg10[%dma_wait3A_100, %dma_wait3A_101] : memref<10000x128xf32, #tpu.memory_space<vmem_shared>> -> memref<16x128xf32, #tpu.memory_space<vmem_shared>>
        tpu.wait_dma2 semaphore(%run_scoped3A : memref<!tpu.dma_semaphore, #tpu.memory_space<semaphore_mem>>) src(%dma_wait3A_102 : memref<16x128xf32, #tpu.memory_space<vmem_shared>>) dst(%dma_wait3A_99 : memref<16x128xf32, #tpu.memory_space<hbm>>)
        tpu.yield
      }) : () -> ()
    } else {
    }
    return
  }
}

#map = affine_map<(d0, d1) -> (0)>
#map1 = affine_map<(d0, d1) -> (0, 0)>
#map2 = affine_map<(d0, d1) -> (0, 0, 0)>
module attributes {stable_mosaic.version = 14 : i64} {
  func.func @agg(%arg0: i32, %arg1: i32, %arg2: memref<320000xi32, #tpu.memory_space<hbm>>, %arg3: memref<320000xi32, #tpu.memory_space<hbm>>, %arg4: memref<10000x128xf32, #tpu.memory_space<hbm>>, %arg5: memref<10000x128xf32, #tpu.memory_space<hbm>>, %arg6: memref<2x10000x128xf32, #tpu.memory_space<hbm>>, %arg7: memref<10112xi32, #tpu.memory_space<vmem>>, %arg8: memref<6x128xi32, #tpu.memory_space<vmem>>, %arg9: memref<2x128x128xf32, #tpu.memory_space<vmem>>, %arg10: memref<10000x128xf32, #tpu.memory_space<vmem_shared>>, %arg11: memref<!tpu.dma_semaphore, #tpu.memory_space<semaphore_mem>>, %arg12: memref<!tpu.dma_semaphore, #tpu.memory_space<semaphore_mem>>, %arg13: memref<!tpu.dma_semaphore, #tpu.memory_space<semaphore_mem>>, %arg14: memref<!tpu.dma_semaphore, #tpu.memory_space<semaphore_mem>>) attributes {dimension_semantics = [#tpu.dimension_semantics<core_parallel>, #tpu.dimension_semantics<subcore_parallel>], iteration_bounds = array<i64: 2, 16>, scalar_prefetch = 0 : i64, scratch_operands = 8 : i64, tpu.core_type = #tpu.core_type<sc_vector_subcore>, window_params = [{transform_indices = #map}, {transform_indices = #map}, {transform_indices = #map1}, {transform_indices = #map1}, {transform_indices = #map2}]} {
    %mul3A = arith.constant 16 : i32
    %mul3A_0 = arith.muli %arg0, %mul3A : i32
    %add3A = arith.addi %mul3A_0, %arg1 : i32
    %mul3A_1 = arith.constant 78 : i32
    %mul3A_2 = arith.muli %add3A, %mul3A_1 : i32
    %min3A = arith.constant 4 : i32
    %min3A_3 = arith.minsi %add3A, %min3A : i32
    %add3A_4 = arith.addi %mul3A_2, %min3A_3 : i32
    %lt3A = arith.constant 4 : i32
    %lt3A_5 = arith.cmpi slt, %add3A, %lt3A : i32
    %jit3A = arith.constant 79 : i32
    %jit3A_6 = arith.constant 78 : i32
    %select_n3A = arith.select %lt3A_5, %jit3A, %jit3A_6 : i32
    %mul3A_7 = arith.constant 128 : i32
    %mul3A_8 = arith.muli %add3A_4, %mul3A_7 : i32
    %dma_start3A = arith.constant 0 : i32
    %dma_start3A_9 = tpu.memref_slice %arg7[%dma_start3A] : memref<10112xi32, #tpu.memory_space<vmem>> -> memref<9984xi32, #tpu.memory_space<vmem>>
    %dma_start3A_10 = tpu.memref_slice %arg2[%mul3A_8] : memref<320000xi32, #tpu.memory_space<hbm>> -> memref<9984xi32, #tpu.memory_space<hbm>>
    %dma_start3A_11 = arith.constant 0 : i32
    %dma_start3A_12 = tpu.memref_slice %arg7[%dma_start3A_11] : memref<10112xi32, #tpu.memory_space<vmem>> -> memref<9984xi32, #tpu.memory_space<vmem>>
    %dma_start3A_13 = tpu.memref_slice %arg2[%mul3A_8] : memref<320000xi32, #tpu.memory_space<hbm>> -> memref<9984xi32, #tpu.memory_space<hbm>>
    tpu.enqueue_dma source(%dma_start3A_13 : memref<9984xi32, #tpu.memory_space<hbm>>) target(%dma_start3A_12 : memref<9984xi32, #tpu.memory_space<vmem>>) target_semaphore(%arg11 : memref<!tpu.dma_semaphore, #tpu.memory_space<semaphore_mem>>)
    %eq3A = arith.constant 79 : i32
    %eq3A_14 = arith.cmpi eq, %select_n3A, %eq3A : i32
    %convert_element_type3A = arith.extui %eq3A_14 : i1 to i32
    %cond3A = arith.constant 0 : i32
    %cond3A_15 = arith.cmpi ne, %convert_element_type3A, %cond3A : i32
    scf.if %cond3A_15 {
      %add3A_89 = arith.constant 78 : i32
      %add3A_90 = arith.addi %add3A_4, %add3A_89 : i32
      %mul3A_91 = arith.constant 128 : i32
      %mul3A_92 = arith.muli %add3A_90, %mul3A_91 : i32
      %dma_start3A_93 = arith.constant 9984 : i32
      %dma_start3A_94 = tpu.memref_slice %arg7[%dma_start3A_93] : memref<10112xi32, #tpu.memory_space<vmem>> -> memref<128xi32, #tpu.memory_space<vmem>>
      %dma_start3A_95 = tpu.memref_slice %arg2[%mul3A_92] : memref<320000xi32, #tpu.memory_space<hbm>> -> memref<128xi32, #tpu.memory_space<hbm>>
      %dma_start3A_96 = arith.constant 9984 : i32
      %dma_start3A_97 = tpu.memref_slice %arg7[%dma_start3A_96] : memref<10112xi32, #tpu.memory_space<vmem>> -> memref<128xi32, #tpu.memory_space<vmem>>
      %dma_start3A_98 = tpu.memref_slice %arg2[%mul3A_92] : memref<320000xi32, #tpu.memory_space<hbm>> -> memref<128xi32, #tpu.memory_space<hbm>>
      tpu.enqueue_dma source(%dma_start3A_98 : memref<128xi32, #tpu.memory_space<hbm>>) target(%dma_start3A_97 : memref<128xi32, #tpu.memory_space<vmem>>) target_semaphore(%arg11 : memref<!tpu.dma_semaphore, #tpu.memory_space<semaphore_mem>>)
    } else {
    }
    %add3A_16 = arith.constant 0 : i32
    %add3A_17 = arith.addi %add3A_4, %add3A_16 : i32
    %mul3A_18 = arith.constant 128 : i32
    %mul3A_19 = arith.muli %add3A_17, %mul3A_18 : i32
    %dma_start3A_20 = arith.constant 0 : i32
    %dma_start3A_21 = arith.constant 0 : i32
    %dma_start3A_22 = tpu.memref_slice %arg8[%dma_start3A_20, %dma_start3A_21] : memref<6x128xi32, #tpu.memory_space<vmem>> -> memref<1x128xi32, #tpu.memory_space<vmem>>
    %dma_start3A_23 = tpu.memref_squeeze %dma_start3A_22 : memref<1x128xi32, #tpu.memory_space<vmem>> -> memref<128xi32, #tpu.memory_space<vmem>>
    %dma_start3A_24 = tpu.memref_slice %arg3[%mul3A_19] : memref<320000xi32, #tpu.memory_space<hbm>> -> memref<128xi32, #tpu.memory_space<hbm>>
    %dma_start3A_25 = arith.constant 0 : i32
    %dma_start3A_26 = tpu.memref_slice %arg8[%dma_start3A_20, %dma_start3A_25] : memref<6x128xi32, #tpu.memory_space<vmem>> -> memref<1x128xi32, #tpu.memory_space<vmem>>
    %dma_start3A_27 = tpu.memref_squeeze %dma_start3A_26 : memref<1x128xi32, #tpu.memory_space<vmem>> -> memref<128xi32, #tpu.memory_space<vmem>>
    %dma_start3A_28 = tpu.memref_slice %arg3[%mul3A_19] : memref<320000xi32, #tpu.memory_space<hbm>> -> memref<128xi32, #tpu.memory_space<hbm>>
    tpu.enqueue_dma source(%dma_start3A_28 : memref<128xi32, #tpu.memory_space<hbm>>) target(%dma_start3A_27 : memref<128xi32, #tpu.memory_space<vmem>>) target_semaphore(%arg13 : memref<!tpu.dma_semaphore, #tpu.memory_space<semaphore_mem>>)
    %add3A_29 = arith.constant 1 : i32
    %add3A_30 = arith.addi %add3A_4, %add3A_29 : i32
    %mul3A_31 = arith.constant 128 : i32
    %mul3A_32 = arith.muli %add3A_30, %mul3A_31 : i32
    %dma_start3A_33 = arith.constant 1 : i32
    %dma_start3A_34 = arith.constant 0 : i32
    %dma_start3A_35 = tpu.memref_slice %arg8[%dma_start3A_33, %dma_start3A_34] : memref<6x128xi32, #tpu.memory_space<vmem>> -> memref<1x128xi32, #tpu.memory_space<vmem>>
    %dma_start3A_36 = tpu.memref_squeeze %dma_start3A_35 : memref<1x128xi32, #tpu.memory_space<vmem>> -> memref<128xi32, #tpu.memory_space<vmem>>
    %dma_start3A_37 = tpu.memref_slice %arg3[%mul3A_32] : memref<320000xi32, #tpu.memory_space<hbm>> -> memref<128xi32, #tpu.memory_space<hbm>>
    %dma_start3A_38 = arith.constant 0 : i32
    %dma_start3A_39 = tpu.memref_slice %arg8[%dma_start3A_33, %dma_start3A_38] : memref<6x128xi32, #tpu.memory_space<vmem>> -> memref<1x128xi32, #tpu.memory_space<vmem>>
    %dma_start3A_40 = tpu.memref_squeeze %dma_start3A_39 : memref<1x128xi32, #tpu.memory_space<vmem>> -> memref<128xi32, #tpu.memory_space<vmem>>
    %dma_start3A_41 = tpu.memref_slice %arg3[%mul3A_32] : memref<320000xi32, #tpu.memory_space<hbm>> -> memref<128xi32, #tpu.memory_space<hbm>>
    tpu.enqueue_dma source(%dma_start3A_41 : memref<128xi32, #tpu.memory_space<hbm>>) target(%dma_start3A_40 : memref<128xi32, #tpu.memory_space<vmem>>) target_semaphore(%arg14 : memref<!tpu.dma_semaphore, #tpu.memory_space<semaphore_mem>>)
    %eq3A_42 = arith.constant 0 : i32
    %eq3A_43 = arith.cmpi eq, %arg0, %eq3A_42 : i32
    %convert_element_type3A_44 = arith.extui %eq3A_43 : i1 to i32
    %cond3A_45 = arith.constant 0 : i32
    %cond3A_46 = arith.cmpi ne, %convert_element_type3A_44, %cond3A_45 : i32
    scf.if %cond3A_46 {
      %mul3A_89 = arith.constant 624 : i32
      %mul3A_90 = arith.muli %arg1, %mul3A_89 : i32
      %mul3A_91 = arith.constant 624 : i32
      %mul3A_92 = arith.muli %arg1, %mul3A_91 : i32
      "tpu.region"() ({
        %run_scoped3A = tpu.sem_alloc : memref<!tpu.dma_semaphore, #tpu.memory_space<semaphore_mem>>
        %dma_start3A_98 = arith.constant 0 : i32
        %dma_start3A_99 = tpu.memref_slice %arg10[%mul3A_92, %dma_start3A_98] : memref<10000x128xf32, #tpu.memory_space<vmem_shared>> -> memref<624x128xf32, #tpu.memory_space<vmem_shared>>
        %dma_start3A_100 = arith.constant 0 : i32
        %dma_start3A_101 = tpu.memref_slice %arg4[%mul3A_90, %dma_start3A_100] : memref<10000x128xf32, #tpu.memory_space<hbm>> -> memref<624x128xf32, #tpu.memory_space<hbm>>
        tpu.enqueue_dma source(%dma_start3A_101 : memref<624x128xf32, #tpu.memory_space<hbm>>) target(%dma_start3A_99 : memref<624x128xf32, #tpu.memory_space<vmem_shared>>) target_semaphore(%run_scoped3A : memref<!tpu.dma_semaphore, #tpu.memory_space<semaphore_mem>>)
        %dma_wait3A_102 = arith.constant 0 : i32
        %dma_wait3A_103 = tpu.memref_slice %arg10[%mul3A_92, %dma_wait3A_102] : memref<10000x128xf32, #tpu.memory_space<vmem_shared>> -> memref<624x128xf32, #tpu.memory_space<vmem_shared>>
        %dma_wait3A_104 = arith.constant 0 : i32
        %dma_wait3A_105 = tpu.memref_slice %arg4[%mul3A_90, %dma_wait3A_104] : memref<10000x128xf32, #tpu.memory_space<hbm>> -> memref<624x128xf32, #tpu.memory_space<hbm>>
        tpu.wait_dma2 semaphore(%run_scoped3A : memref<!tpu.dma_semaphore, #tpu.memory_space<semaphore_mem>>) src(%dma_wait3A_105 : memref<624x128xf32, #tpu.memory_space<hbm>>) dst(%dma_wait3A_103 : memref<624x128xf32, #tpu.memory_space<vmem_shared>>)
        tpu.yield
      }) : () -> ()
      %eq3A_93 = arith.constant 15 : i32
      %eq3A_94 = arith.cmpi eq, %arg1, %eq3A_93 : i32
      %convert_element_type3A_95 = arith.extui %eq3A_94 : i1 to i32
      %cond3A_96 = arith.constant 0 : i32
      %cond3A_97 = arith.cmpi ne, %convert_element_type3A_95, %cond3A_96 : i32
      scf.if %cond3A_97 {
        "tpu.region"() ({
          %run_scoped3A = tpu.sem_alloc : memref<!tpu.dma_semaphore, #tpu.memory_space<semaphore_mem>>
          %dma_start3A_98 = arith.constant 9984 : i32
          %dma_start3A_99 = arith.constant 0 : i32
          %dma_start3A_100 = tpu.memref_slice %arg10[%dma_start3A_98, %dma_start3A_99] : memref<10000x128xf32, #tpu.memory_space<vmem_shared>> -> memref<16x128xf32, #tpu.memory_space<vmem_shared>>
          %dma_start3A_101 = arith.constant 9984 : i32
          %dma_start3A_102 = arith.constant 0 : i32
          %dma_start3A_103 = tpu.memref_slice %arg4[%dma_start3A_101, %dma_start3A_102] : memref<10000x128xf32, #tpu.memory_space<hbm>> -> memref<16x128xf32, #tpu.memory_space<hbm>>
          tpu.enqueue_dma source(%dma_start3A_103 : memref<16x128xf32, #tpu.memory_space<hbm>>) target(%dma_start3A_100 : memref<16x128xf32, #tpu.memory_space<vmem_shared>>) target_semaphore(%run_scoped3A : memref<!tpu.dma_semaphore, #tpu.memory_space<semaphore_mem>>)
          %dma_wait3A_104 = arith.constant 9984 : i32
          %dma_wait3A_105 = arith.constant 0 : i32
          %dma_wait3A_106 = tpu.memref_slice %arg10[%dma_wait3A_104, %dma_wait3A_105] : memref<10000x128xf32, #tpu.memory_space<vmem_shared>> -> memref<16x128xf32, #tpu.memory_space<vmem_shared>>
          %dma_wait3A_107 = arith.constant 9984 : i32
          %dma_wait3A_108 = arith.constant 0 : i32
          %dma_wait3A_109 = tpu.memref_slice %arg4[%dma_wait3A_107, %dma_wait3A_108] : memref<10000x128xf32, #tpu.memory_space<hbm>> -> memref<16x128xf32, #tpu.memory_space<hbm>>
          tpu.wait_dma2 semaphore(%run_scoped3A : memref<!tpu.dma_semaphore, #tpu.memory_space<semaphore_mem>>) src(%dma_wait3A_109 : memref<16x128xf32, #tpu.memory_space<hbm>>) dst(%dma_wait3A_106 : memref<16x128xf32, #tpu.memory_space<vmem_shared>>)
          tpu.yield
        }) : () -> ()
      } else {
      }
    } else {
    }
    %eq3A_47 = arith.constant 1 : i32
    %eq3A_48 = arith.cmpi eq, %arg0, %eq3A_47 : i32
    %convert_element_type3A_49 = arith.extui %eq3A_48 : i1 to i32
    %cond3A_50 = arith.constant 0 : i32
    %cond3A_51 = arith.cmpi ne, %convert_element_type3A_49, %cond3A_50 : i32
    scf.if %cond3A_51 {
      %mul3A_89 = arith.constant 624 : i32
      %mul3A_90 = arith.muli %arg1, %mul3A_89 : i32
      %mul3A_91 = arith.constant 624 : i32
      %mul3A_92 = arith.muli %arg1, %mul3A_91 : i32
      "tpu.region"() ({
        %run_scoped3A = tpu.sem_alloc : memref<!tpu.dma_semaphore, #tpu.memory_space<semaphore_mem>>
        %dma_start3A_98 = arith.constant 0 : i32
        %dma_start3A_99 = tpu.memref_slice %arg10[%mul3A_92, %dma_start3A_98] : memref<10000x128xf32, #tpu.memory_space<vmem_shared>> -> memref<624x128xf32, #tpu.memory_space<vmem_shared>>
        %dma_start3A_100 = arith.constant 0 : i32
        %dma_start3A_101 = tpu.memref_slice %arg5[%mul3A_90, %dma_start3A_100] : memref<10000x128xf32, #tpu.memory_space<hbm>> -> memref<624x128xf32, #tpu.memory_space<hbm>>
        tpu.enqueue_dma source(%dma_start3A_101 : memref<624x128xf32, #tpu.memory_space<hbm>>) target(%dma_start3A_99 : memref<624x128xf32, #tpu.memory_space<vmem_shared>>) target_semaphore(%run_scoped3A : memref<!tpu.dma_semaphore, #tpu.memory_space<semaphore_mem>>)
        %dma_wait3A_102 = arith.constant 0 : i32
        %dma_wait3A_103 = tpu.memref_slice %arg10[%mul3A_92, %dma_wait3A_102] : memref<10000x128xf32, #tpu.memory_space<vmem_shared>> -> memref<624x128xf32, #tpu.memory_space<vmem_shared>>
        %dma_wait3A_104 = arith.constant 0 : i32
        %dma_wait3A_105 = tpu.memref_slice %arg5[%mul3A_90, %dma_wait3A_104] : memref<10000x128xf32, #tpu.memory_space<hbm>> -> memref<624x128xf32, #tpu.memory_space<hbm>>
        tpu.wait_dma2 semaphore(%run_scoped3A : memref<!tpu.dma_semaphore, #tpu.memory_space<semaphore_mem>>) src(%dma_wait3A_105 : memref<624x128xf32, #tpu.memory_space<hbm>>) dst(%dma_wait3A_103 : memref<624x128xf32, #tpu.memory_space<vmem_shared>>)
        tpu.yield
      }) : () -> ()
      %eq3A_93 = arith.constant 15 : i32
      %eq3A_94 = arith.cmpi eq, %arg1, %eq3A_93 : i32
      %convert_element_type3A_95 = arith.extui %eq3A_94 : i1 to i32
      %cond3A_96 = arith.constant 0 : i32
      %cond3A_97 = arith.cmpi ne, %convert_element_type3A_95, %cond3A_96 : i32
      scf.if %cond3A_97 {
        "tpu.region"() ({
          %run_scoped3A = tpu.sem_alloc : memref<!tpu.dma_semaphore, #tpu.memory_space<semaphore_mem>>
          %dma_start3A_98 = arith.constant 9984 : i32
          %dma_start3A_99 = arith.constant 0 : i32
          %dma_start3A_100 = tpu.memref_slice %arg10[%dma_start3A_98, %dma_start3A_99] : memref<10000x128xf32, #tpu.memory_space<vmem_shared>> -> memref<16x128xf32, #tpu.memory_space<vmem_shared>>
          %dma_start3A_101 = arith.constant 9984 : i32
          %dma_start3A_102 = arith.constant 0 : i32
          %dma_start3A_103 = tpu.memref_slice %arg5[%dma_start3A_101, %dma_start3A_102] : memref<10000x128xf32, #tpu.memory_space<hbm>> -> memref<16x128xf32, #tpu.memory_space<hbm>>
          tpu.enqueue_dma source(%dma_start3A_103 : memref<16x128xf32, #tpu.memory_space<hbm>>) target(%dma_start3A_100 : memref<16x128xf32, #tpu.memory_space<vmem_shared>>) target_semaphore(%run_scoped3A : memref<!tpu.dma_semaphore, #tpu.memory_space<semaphore_mem>>)
          %dma_wait3A_104 = arith.constant 9984 : i32
          %dma_wait3A_105 = arith.constant 0 : i32
          %dma_wait3A_106 = tpu.memref_slice %arg10[%dma_wait3A_104, %dma_wait3A_105] : memref<10000x128xf32, #tpu.memory_space<vmem_shared>> -> memref<16x128xf32, #tpu.memory_space<vmem_shared>>
          %dma_wait3A_107 = arith.constant 9984 : i32
          %dma_wait3A_108 = arith.constant 0 : i32
          %dma_wait3A_109 = tpu.memref_slice %arg5[%dma_wait3A_107, %dma_wait3A_108] : memref<10000x128xf32, #tpu.memory_space<hbm>> -> memref<16x128xf32, #tpu.memory_space<hbm>>
          tpu.wait_dma2 semaphore(%run_scoped3A : memref<!tpu.dma_semaphore, #tpu.memory_space<semaphore_mem>>) src(%dma_wait3A_109 : memref<16x128xf32, #tpu.memory_space<hbm>>) dst(%dma_wait3A_106 : memref<16x128xf32, #tpu.memory_space<vmem_shared>>)
          tpu.yield
        }) : () -> ()
      } else {
      }
    } else {
    }
    %dma_wait3A = arith.constant 0 : i32
    %dma_wait3A_52 = tpu.memref_slice %arg7[%dma_wait3A] : memref<10112xi32, #tpu.memory_space<vmem>> -> memref<9984xi32, #tpu.memory_space<vmem>>
    %dma_wait3A_53 = arith.constant 0 : i32
    %dma_wait3A_54 = tpu.memref_slice %arg2[%dma_wait3A_53] : memref<320000xi32, #tpu.memory_space<hbm>> -> memref<9984xi32, #tpu.memory_space<hbm>>
    %dma_wait3A_55 = arith.constant 0 : i32
    %dma_wait3A_56 = tpu.memref_slice %arg7[%dma_wait3A_55] : memref<10112xi32, #tpu.memory_space<vmem>> -> memref<9984xi32, #tpu.memory_space<vmem>>
    %dma_wait3A_57 = arith.constant 0 : i32
    %dma_wait3A_58 = tpu.memref_slice %arg2[%dma_wait3A_57] : memref<320000xi32, #tpu.memory_space<hbm>> -> memref<9984xi32, #tpu.memory_space<hbm>>
    tpu.wait_dma2 semaphore(%arg11 : memref<!tpu.dma_semaphore, #tpu.memory_space<semaphore_mem>>) src(%dma_wait3A_58 : memref<9984xi32, #tpu.memory_space<hbm>>) dst(%dma_wait3A_56 : memref<9984xi32, #tpu.memory_space<vmem>>)
    %eq3A_59 = arith.constant 79 : i32
    %eq3A_60 = arith.cmpi eq, %select_n3A, %eq3A_59 : i32
    %convert_element_type3A_61 = arith.extui %eq3A_60 : i1 to i32
    %cond3A_62 = arith.constant 0 : i32
    %cond3A_63 = arith.cmpi ne, %convert_element_type3A_61, %cond3A_62 : i32
    scf.if %cond3A_63 {
      %dma_wait3A_89 = arith.constant 0 : i32
      %dma_wait3A_90 = tpu.memref_slice %arg7[%dma_wait3A_89] : memref<10112xi32, #tpu.memory_space<vmem>> -> memref<128xi32, #tpu.memory_space<vmem>>
      %dma_wait3A_91 = arith.constant 0 : i32
      %dma_wait3A_92 = tpu.memref_slice %arg2[%dma_wait3A_91] : memref<320000xi32, #tpu.memory_space<hbm>> -> memref<128xi32, #tpu.memory_space<hbm>>
      %dma_wait3A_93 = arith.constant 0 : i32
      %dma_wait3A_94 = tpu.memref_slice %arg7[%dma_wait3A_93] : memref<10112xi32, #tpu.memory_space<vmem>> -> memref<128xi32, #tpu.memory_space<vmem>>
      %dma_wait3A_95 = arith.constant 0 : i32
      %dma_wait3A_96 = tpu.memref_slice %arg2[%dma_wait3A_95] : memref<320000xi32, #tpu.memory_space<hbm>> -> memref<128xi32, #tpu.memory_space<hbm>>
      tpu.wait_dma2 semaphore(%arg11 : memref<!tpu.dma_semaphore, #tpu.memory_space<semaphore_mem>>) src(%dma_wait3A_96 : memref<128xi32, #tpu.memory_space<hbm>>) dst(%dma_wait3A_94 : memref<128xi32, #tpu.memory_space<vmem>>)
    } else {
    }
    %barrier3A = arith.constant 0 : index
    tpu.barrier barrier_id(%barrier3A)
    %dma_start3A_64 = arith.constant 0 : i32
    %dma_start3A_65 = arith.constant 0 : i32
    %dma_start3A_66 = arith.constant 0 : i32
    %dma_start3A_67 = tpu.memref_slice %arg9[%dma_start3A_64, %dma_start3A_65, %dma_start3A_66] : memref<2x128x128xf32, #tpu.memory_space<vmem>> -> memref<1x128x128xf32, #tpu.memory_space<vmem>>
    %dma_start3A_68 = tpu.memref_squeeze %dma_start3A_67 : memref<1x128x128xf32, #tpu.memory_space<vmem>> -> memref<128x128xf32, #tpu.memory_space<vmem>>
    %dma_start3A_69 = arith.constant 0 : i32
    %dma_start3A_70 = tpu.memref_slice %arg7[%dma_start3A_69] : memref<10112xi32, #tpu.memory_space<vmem>> -> memref<128xi32, #tpu.memory_space<vmem>>
    %dma_start3A_71 = arith.constant 0 : i32
    %dma_start3A_72 = arith.constant 0 : i32
    %dma_start3A_73 = tpu.memref_slice %arg4[%dma_start3A_71, %dma_start3A_72] : memref<10000x128xf32, #tpu.memory_space<hbm>> -> memref<10000x128xf32, #tpu.memory_space<hbm>>
    tpu.enqueue_indirect_dma source(%dma_start3A_73 : memref<10000x128xf32, #tpu.memory_space<hbm>>) target(%dma_start3A_68 : memref<128x128xf32, #tpu.memory_space<vmem>>) offsets(%dma_start3A_70 : memref<128xi32, #tpu.memory_space<vmem>>) semaphore(%arg12 : memref<!tpu.dma_semaphore, #tpu.memory_space<semaphore_mem>>)
    %scan3A = arith.constant 0 : i32
    %scan3A_74 = arith.constant 0 : i32
    %scan3A_75 = arith.constant 14 : i32
    %scan3A_76 = arith.addi %scan3A_74, %scan3A_75 : i32
    %scan3A_77 = arith.constant 1 : i32
    scf.for %scan3A_89 = %scan3A_74 to %scan3A_76 step %scan3A_77  : i32 {
      %mul3A_90 = arith.constant 6 : i32
      %mul3A_91 = arith.muli %mul3A_90, %scan3A_89 : i32
      %add3A_92 = arith.constant 0 : i32
      %add3A_93 = arith.addi %mul3A_91, %add3A_92 : i32
      %lt3A_94 = arith.cmpi slt, %add3A_93, %select_n3A : i32
      %convert_element_type3A_95 = arith.extui %lt3A_94 : i1 to i32
      %cond3A_96 = arith.constant 0 : i32
      %cond3A_97 = arith.cmpi ne, %convert_element_type3A_95, %cond3A_96 : i32
      scf.if %cond3A_97 {
        %dma_wait3A_138 = arith.constant 0 : i32
        %dma_wait3A_139 = arith.constant 0 : i32
        %dma_wait3A_140 = arith.constant 0 : i32
        %dma_wait3A_141 = tpu.memref_slice %arg9[%dma_wait3A_138, %dma_wait3A_139, %dma_wait3A_140] : memref<2x128x128xf32, #tpu.memory_space<vmem>> -> memref<1x128x128xf32, #tpu.memory_space<vmem>>
        %dma_wait3A_142 = tpu.memref_squeeze %dma_wait3A_141 : memref<1x128x128xf32, #tpu.memory_space<vmem>> -> memref<128x128xf32, #tpu.memory_space<vmem>>
        %dma_wait3A_143 = arith.constant 0 : i32
        %dma_wait3A_144 = tpu.memref_slice %arg7[%dma_wait3A_143] : memref<10112xi32, #tpu.memory_space<vmem>> -> memref<128xi32, #tpu.memory_space<vmem>>
        %dma_wait3A_145 = arith.constant 0 : i32
        %dma_wait3A_146 = arith.constant 0 : i32
        %dma_wait3A_147 = tpu.memref_slice %arg4[%dma_wait3A_145, %dma_wait3A_146] : memref<10000x128xf32, #tpu.memory_space<hbm>> -> memref<10000x128xf32, #tpu.memory_space<hbm>>
        tpu.wait_indirect_dma semaphore(%arg12 : memref<!tpu.dma_semaphore, #tpu.memory_space<semaphore_mem>>) src(%dma_wait3A_147 : memref<10000x128xf32, #tpu.memory_space<hbm>>) dst(%dma_wait3A_142 : memref<128x128xf32, #tpu.memory_space<vmem>>)
        %dma_wait3A_148 = arith.constant 0 : i32
        %dma_wait3A_149 = arith.constant 0 : i32
        %dma_wait3A_150 = tpu.memref_slice %arg8[%dma_wait3A_148, %dma_wait3A_149] : memref<6x128xi32, #tpu.memory_space<vmem>> -> memref<1x128xi32, #tpu.memory_space<vmem>>
        %dma_wait3A_151 = tpu.memref_squeeze %dma_wait3A_150 : memref<1x128xi32, #tpu.memory_space<vmem>> -> memref<128xi32, #tpu.memory_space<vmem>>
        %dma_wait3A_152 = arith.constant 0 : i32
        %dma_wait3A_153 = tpu.memref_slice %arg3[%dma_wait3A_152] : memref<320000xi32, #tpu.memory_space<hbm>> -> memref<128xi32, #tpu.memory_space<hbm>>
        %dma_wait3A_154 = arith.constant 0 : i32
        %dma_wait3A_155 = tpu.memref_slice %arg8[%dma_wait3A_148, %dma_wait3A_154] : memref<6x128xi32, #tpu.memory_space<vmem>> -> memref<1x128xi32, #tpu.memory_space<vmem>>
        %dma_wait3A_156 = tpu.memref_squeeze %dma_wait3A_155 : memref<1x128xi32, #tpu.memory_space<vmem>> -> memref<128xi32, #tpu.memory_space<vmem>>
        %dma_wait3A_157 = arith.constant 0 : i32
        %dma_wait3A_158 = tpu.memref_slice %arg3[%dma_wait3A_157] : memref<320000xi32, #tpu.memory_space<hbm>> -> memref<128xi32, #tpu.memory_space<hbm>>
        tpu.wait_dma2 semaphore(%arg13 : memref<!tpu.dma_semaphore, #tpu.memory_space<semaphore_mem>>) src(%dma_wait3A_158 : memref<128xi32, #tpu.memory_space<hbm>>) dst(%dma_wait3A_156 : memref<128xi32, #tpu.memory_space<vmem>>)
        %add3A_159 = arith.constant 1 : i32
        %add3A_160 = arith.addi %add3A_93, %add3A_159 : i32
        %lt3A_161 = arith.cmpi slt, %add3A_160, %select_n3A : i32
        %convert_element_type3A_162 = arith.extui %lt3A_161 : i1 to i32
        %cond3A_163 = arith.constant 0 : i32
        %cond3A_164 = arith.cmpi ne, %convert_element_type3A_162, %cond3A_163 : i32
        scf.if %cond3A_164 {
          %add3A_172 = arith.constant 1 : i32
          %add3A_173 = arith.addi %add3A_93, %add3A_172 : i32
          %mul3A_174 = arith.constant 128 : i32
          %mul3A_175 = arith.muli %add3A_173, %mul3A_174 : i32
          %dma_start3A_176 = arith.constant 1 : i32
          %dma_start3A_177 = arith.constant 0 : i32
          %dma_start3A_178 = arith.constant 0 : i32
          %dma_start3A_179 = tpu.memref_slice %arg9[%dma_start3A_176, %dma_start3A_177, %dma_start3A_178] : memref<2x128x128xf32, #tpu.memory_space<vmem>> -> memref<1x128x128xf32, #tpu.memory_space<vmem>>
          %dma_start3A_180 = tpu.memref_squeeze %dma_start3A_179 : memref<1x128x128xf32, #tpu.memory_space<vmem>> -> memref<128x128xf32, #tpu.memory_space<vmem>>
          %dma_start3A_181 = tpu.memref_slice %arg7[%mul3A_175] : memref<10112xi32, #tpu.memory_space<vmem>> -> memref<128xi32, #tpu.memory_space<vmem>>
          %dma_start3A_182 = arith.constant 0 : i32
          %dma_start3A_183 = arith.constant 0 : i32
          %dma_start3A_184 = tpu.memref_slice %arg4[%dma_start3A_182, %dma_start3A_183] : memref<10000x128xf32, #tpu.memory_space<hbm>> -> memref<10000x128xf32, #tpu.memory_space<hbm>>
          tpu.enqueue_indirect_dma source(%dma_start3A_184 : memref<10000x128xf32, #tpu.memory_space<hbm>>) target(%dma_start3A_180 : memref<128x128xf32, #tpu.memory_space<vmem>>) offsets(%dma_start3A_181 : memref<128xi32, #tpu.memory_space<vmem>>) semaphore(%arg12 : memref<!tpu.dma_semaphore, #tpu.memory_space<semaphore_mem>>)
        } else {
        }
        %add3A_165 = arith.constant 2 : i32
        %add3A_166 = arith.addi %add3A_93, %add3A_165 : i32
        %lt3A_167 = arith.cmpi slt, %add3A_166, %select_n3A : i32
        %convert_element_type3A_168 = arith.extui %lt3A_167 : i1 to i32
        %cond3A_169 = arith.constant 0 : i32
        %cond3A_170 = arith.cmpi ne, %convert_element_type3A_168, %cond3A_169 : i32
        scf.if %cond3A_170 {
          %add3A_172 = arith.constant 2 : i32
          %add3A_173 = arith.addi %add3A_93, %add3A_172 : i32
          %add3A_174 = arith.addi %add3A_4, %add3A_173 : i32
          %mul3A_175 = arith.constant 128 : i32
          %mul3A_176 = arith.muli %add3A_174, %mul3A_175 : i32
          %dma_start3A_177 = arith.constant 2 : i32
          %dma_start3A_178 = arith.constant 0 : i32
          %dma_start3A_179 = tpu.memref_slice %arg8[%dma_start3A_177, %dma_start3A_178] : memref<6x128xi32, #tpu.memory_space<vmem>> -> memref<1x128xi32, #tpu.memory_space<vmem>>
          %dma_start3A_180 = tpu.memref_squeeze %dma_start3A_179 : memref<1x128xi32, #tpu.memory_space<vmem>> -> memref<128xi32, #tpu.memory_space<vmem>>
          %dma_start3A_181 = tpu.memref_slice %arg3[%mul3A_176] : memref<320000xi32, #tpu.memory_space<hbm>> -> memref<128xi32, #tpu.memory_space<hbm>>
          %dma_start3A_182 = arith.constant 0 : i32
          %dma_start3A_183 = tpu.memref_slice %arg8[%dma_start3A_177, %dma_start3A_182] : memref<6x128xi32, #tpu.memory_space<vmem>> -> memref<1x128xi32, #tpu.memory_space<vmem>>
          %dma_start3A_184 = tpu.memref_squeeze %dma_start3A_183 : memref<1x128xi32, #tpu.memory_space<vmem>> -> memref<128xi32, #tpu.memory_space<vmem>>
          %dma_start3A_185 = tpu.memref_slice %arg3[%mul3A_176] : memref<320000xi32, #tpu.memory_space<hbm>> -> memref<128xi32, #tpu.memory_space<hbm>>
          tpu.enqueue_dma source(%dma_start3A_185 : memref<128xi32, #tpu.memory_space<hbm>>) target(%dma_start3A_184 : memref<128xi32, #tpu.memory_space<vmem>>) target_semaphore(%arg13 : memref<!tpu.dma_semaphore, #tpu.memory_space<semaphore_mem>>)
        } else {
        }
        %run_scoped3A = arith.constant 0 : i32
        %run_scoped3A_171 = arith.constant 0 : i32
        "tpu.region"() ({
          %run_scoped3A_172 = tpu.sem_alloc : memref<!tpu.dma_semaphore, #tpu.memory_space<semaphore_mem>>
          %dma_start3A_173 = arith.constant 0 : i32
          %dma_start3A_174 = arith.constant 0 : i32
          %dma_start3A_175 = tpu.memref_slice %arg9[%run_scoped3A, %dma_start3A_173, %dma_start3A_174] : memref<2x128x128xf32, #tpu.memory_space<vmem>> -> memref<1x128x128xf32, #tpu.memory_space<vmem>>
          %dma_start3A_176 = tpu.memref_squeeze %dma_start3A_175 : memref<1x128x128xf32, #tpu.memory_space<vmem>> -> memref<128x128xf32, #tpu.memory_space<vmem>>
          %dma_start3A_177 = arith.constant 0 : i32
          %dma_start3A_178 = tpu.memref_slice %arg8[%run_scoped3A_171, %dma_start3A_177] : memref<6x128xi32, #tpu.memory_space<vmem>> -> memref<1x128xi32, #tpu.memory_space<vmem>>
          %dma_start3A_179 = tpu.memref_squeeze %dma_start3A_178 : memref<1x128xi32, #tpu.memory_space<vmem>> -> memref<128xi32, #tpu.memory_space<vmem>>
          %dma_start3A_180 = arith.constant 0 : i32
          %dma_start3A_181 = arith.constant 0 : i32
          %dma_start3A_182 = tpu.memref_slice %arg10[%dma_start3A_180, %dma_start3A_181] : memref<10000x128xf32, #tpu.memory_space<vmem_shared>> -> memref<10000x128xf32, #tpu.memory_space<vmem_shared>>
          tpu.enqueue_indirect_dma source(%dma_start3A_176 : memref<128x128xf32, #tpu.memory_space<vmem>>) target(%dma_start3A_182 : memref<10000x128xf32, #tpu.memory_space<vmem_shared>>) offsets(%dma_start3A_179 : memref<128xi32, #tpu.memory_space<vmem>>) semaphore(%run_scoped3A_172 : memref<!tpu.dma_semaphore, #tpu.memory_space<semaphore_mem>>) {add = true}
          %dma_wait3A_183 = arith.constant 0 : i32
          %dma_wait3A_184 = arith.constant 0 : i32
          %dma_wait3A_185 = tpu.memref_slice %arg9[%run_scoped3A, %dma_wait3A_183, %dma_wait3A_184] : memref<2x128x128xf32, #tpu.memory_space<vmem>> -> memref<1x128x128xf32, #tpu.memory_space<vmem>>
          %dma_wait3A_186 = tpu.memref_squeeze %dma_wait3A_185 : memref<1x128x128xf32, #tpu.memory_space<vmem>> -> memref<128x128xf32, #tpu.memory_space<vmem>>
          %dma_wait3A_187 = arith.constant 0 : i32
          %dma_wait3A_188 = tpu.memref_slice %arg8[%run_scoped3A_171, %dma_wait3A_187] : memref<6x128xi32, #tpu.memory_space<vmem>> -> memref<1x128xi32, #tpu.memory_space<vmem>>
          %dma_wait3A_189 = tpu.memref_squeeze %dma_wait3A_188 : memref<1x128xi32, #tpu.memory_space<vmem>> -> memref<128xi32, #tpu.memory_space<vmem>>
          %dma_wait3A_190 = arith.constant 0 : i32
          %dma_wait3A_191 = arith.constant 0 : i32
          %dma_wait3A_192 = tpu.memref_slice %arg10[%dma_wait3A_190, %dma_wait3A_191] : memref<10000x128xf32, #tpu.memory_space<vmem_shared>> -> memref<10000x128xf32, #tpu.memory_space<vmem_shared>>
          tpu.wait_indirect_dma semaphore(%run_scoped3A_172 : memref<!tpu.dma_semaphore, #tpu.memory_space<semaphore_mem>>) src(%dma_wait3A_186 : memref<128x128xf32, #tpu.memory_space<vmem>>) dst(%dma_wait3A_192 : memref<10000x128xf32, #tpu.memory_space<vmem_shared>>)
          tpu.yield
        }) : () -> ()
      } else {
      }
      %mul3A_98 = arith.constant 6 : i32
      %mul3A_99 = arith.muli %mul3A_98, %scan3A_89 : i32
      %add3A_100 = arith.constant 1 : i32
      %add3A_101 = arith.addi %mul3A_99, %add3A_100 : i32
      %lt3A_102 = arith.cmpi slt, %add3A_101, %select_n3A : i32
      %convert_element_type3A_103 = arith.extui %lt3A_102 : i1 to i32
      %cond3A_104 = arith.constant 0 : i32
      %cond3A_105 = arith.cmpi ne, %convert_element_type3A_103, %cond3A_104 : i32
      scf.if %cond3A_105 {
        %dma_wait3A_138 = arith.constant 1 : i32
        %dma_wait3A_139 = arith.constant 0 : i32
        %dma_wait3A_140 = arith.constant 0 : i32
        %dma_wait3A_141 = tpu.memref_slice %arg9[%dma_wait3A_138, %dma_wait3A_139, %dma_wait3A_140] : memref<2x128x128xf32, #tpu.memory_space<vmem>> -> memref<1x128x128xf32, #tpu.memory_space<vmem>>
        %dma_wait3A_142 = tpu.memref_squeeze %dma_wait3A_141 : memref<1x128x128xf32, #tpu.memory_space<vmem>> -> memref<128x128xf32, #tpu.memory_space<vmem>>
        %dma_wait3A_143 = arith.constant 0 : i32
        %dma_wait3A_144 = tpu.memref_slice %arg7[%dma_wait3A_143] : memref<10112xi32, #tpu.memory_space<vmem>> -> memref<128xi32, #tpu.memory_space<vmem>>
        %dma_wait3A_145 = arith.constant 0 : i32
        %dma_wait3A_146 = arith.constant 0 : i32
        %dma_wait3A_147 = tpu.memref_slice %arg4[%dma_wait3A_145, %dma_wait3A_146] : memref<10000x128xf32, #tpu.memory_space<hbm>> -> memref<10000x128xf32, #tpu.memory_space<hbm>>
        tpu.wait_indirect_dma semaphore(%arg12 : memref<!tpu.dma_semaphore, #tpu.memory_space<semaphore_mem>>) src(%dma_wait3A_147 : memref<10000x128xf32, #tpu.memory_space<hbm>>) dst(%dma_wait3A_142 : memref<128x128xf32, #tpu.memory_space<vmem>>)
        %dma_wait3A_148 = arith.constant 1 : i32
        %dma_wait3A_149 = arith.constant 0 : i32
        %dma_wait3A_150 = tpu.memref_slice %arg8[%dma_wait3A_148, %dma_wait3A_149] : memref<6x128xi32, #tpu.memory_space<vmem>> -> memref<1x128xi32, #tpu.memory_space<vmem>>
        %dma_wait3A_151 = tpu.memref_squeeze %dma_wait3A_150 : memref<1x128xi32, #tpu.memory_space<vmem>> -> memref<128xi32, #tpu.memory_space<vmem>>
        %dma_wait3A_152 = arith.constant 0 : i32
        %dma_wait3A_153 = tpu.memref_slice %arg3[%dma_wait3A_152] : memref<320000xi32, #tpu.memory_space<hbm>> -> memref<128xi32, #tpu.memory_space<hbm>>
        %dma_wait3A_154 = arith.constant 0 : i32
        %dma_wait3A_155 = tpu.memref_slice %arg8[%dma_wait3A_148, %dma_wait3A_154] : memref<6x128xi32, #tpu.memory_space<vmem>> -> memref<1x128xi32, #tpu.memory_space<vmem>>
        %dma_wait3A_156 = tpu.memref_squeeze %dma_wait3A_155 : memref<1x128xi32, #tpu.memory_space<vmem>> -> memref<128xi32, #tpu.memory_space<vmem>>
        %dma_wait3A_157 = arith.constant 0 : i32
        %dma_wait3A_158 = tpu.memref_slice %arg3[%dma_wait3A_157] : memref<320000xi32, #tpu.memory_space<hbm>> -> memref<128xi32, #tpu.memory_space<hbm>>
        tpu.wait_dma2 semaphore(%arg14 : memref<!tpu.dma_semaphore, #tpu.memory_space<semaphore_mem>>) src(%dma_wait3A_158 : memref<128xi32, #tpu.memory_space<hbm>>) dst(%dma_wait3A_156 : memref<128xi32, #tpu.memory_space<vmem>>)
        %add3A_159 = arith.constant 1 : i32
        %add3A_160 = arith.addi %add3A_101, %add3A_159 : i32
        %lt3A_161 = arith.cmpi slt, %add3A_160, %select_n3A : i32
        %convert_element_type3A_162 = arith.extui %lt3A_161 : i1 to i32
        %cond3A_163 = arith.constant 0 : i32
        %cond3A_164 = arith.cmpi ne, %convert_element_type3A_162, %cond3A_163 : i32
        scf.if %cond3A_164 {
          %add3A_172 = arith.constant 1 : i32
          %add3A_173 = arith.addi %add3A_101, %add3A_172 : i32
          %mul3A_174 = arith.constant 128 : i32
          %mul3A_175 = arith.muli %add3A_173, %mul3A_174 : i32
          %dma_start3A_176 = arith.constant 0 : i32
          %dma_start3A_177 = arith.constant 0 : i32
          %dma_start3A_178 = arith.constant 0 : i32
          %dma_start3A_179 = tpu.memref_slice %arg9[%dma_start3A_176, %dma_start3A_177, %dma_start3A_178] : memref<2x128x128xf32, #tpu.memory_space<vmem>> -> memref<1x128x128xf32, #tpu.memory_space<vmem>>
          %dma_start3A_180 = tpu.memref_squeeze %dma_start3A_179 : memref<1x128x128xf32, #tpu.memory_space<vmem>> -> memref<128x128xf32, #tpu.memory_space<vmem>>
          %dma_start3A_181 = tpu.memref_slice %arg7[%mul3A_175] : memref<10112xi32, #tpu.memory_space<vmem>> -> memref<128xi32, #tpu.memory_space<vmem>>
          %dma_start3A_182 = arith.constant 0 : i32
          %dma_start3A_183 = arith.constant 0 : i32
          %dma_start3A_184 = tpu.memref_slice %arg4[%dma_start3A_182, %dma_start3A_183] : memref<10000x128xf32, #tpu.memory_space<hbm>> -> memref<10000x128xf32, #tpu.memory_space<hbm>>
          tpu.enqueue_indirect_dma source(%dma_start3A_184 : memref<10000x128xf32, #tpu.memory_space<hbm>>) target(%dma_start3A_180 : memref<128x128xf32, #tpu.memory_space<vmem>>) offsets(%dma_start3A_181 : memref<128xi32, #tpu.memory_space<vmem>>) semaphore(%arg12 : memref<!tpu.dma_semaphore, #tpu.memory_space<semaphore_mem>>)
        } else {
        }
        %add3A_165 = arith.constant 2 : i32
        %add3A_166 = arith.addi %add3A_101, %add3A_165 : i32
        %lt3A_167 = arith.cmpi slt, %add3A_166, %select_n3A : i32
        %convert_element_type3A_168 = arith.extui %lt3A_167 : i1 to i32
        %cond3A_169 = arith.constant 0 : i32
        %cond3A_170 = arith.cmpi ne, %convert_element_type3A_168, %cond3A_169 : i32
        scf.if %cond3A_170 {
          %add3A_172 = arith.constant 2 : i32
          %add3A_173 = arith.addi %add3A_101, %add3A_172 : i32
          %add3A_174 = arith.addi %add3A_4, %add3A_173 : i32
          %mul3A_175 = arith.constant 128 : i32
          %mul3A_176 = arith.muli %add3A_174, %mul3A_175 : i32
          %dma_start3A_177 = arith.constant 3 : i32
          %dma_start3A_178 = arith.constant 0 : i32
          %dma_start3A_179 = tpu.memref_slice %arg8[%dma_start3A_177, %dma_start3A_178] : memref<6x128xi32, #tpu.memory_space<vmem>> -> memref<1x128xi32, #tpu.memory_space<vmem>>
          %dma_start3A_180 = tpu.memref_squeeze %dma_start3A_179 : memref<1x128xi32, #tpu.memory_space<vmem>> -> memref<128xi32, #tpu.memory_space<vmem>>
          %dma_start3A_181 = tpu.memref_slice %arg3[%mul3A_176] : memref<320000xi32, #tpu.memory_space<hbm>> -> memref<128xi32, #tpu.memory_space<hbm>>
          %dma_start3A_182 = arith.constant 0 : i32
          %dma_start3A_183 = tpu.memref_slice %arg8[%dma_start3A_177, %dma_start3A_182] : memref<6x128xi32, #tpu.memory_space<vmem>> -> memref<1x128xi32, #tpu.memory_space<vmem>>
          %dma_start3A_184 = tpu.memref_squeeze %dma_start3A_183 : memref<1x128xi32, #tpu.memory_space<vmem>> -> memref<128xi32, #tpu.memory_space<vmem>>
          %dma_start3A_185 = tpu.memref_slice %arg3[%mul3A_176] : memref<320000xi32, #tpu.memory_space<hbm>> -> memref<128xi32, #tpu.memory_space<hbm>>
          tpu.enqueue_dma source(%dma_start3A_185 : memref<128xi32, #tpu.memory_space<hbm>>) target(%dma_start3A_184 : memref<128xi32, #tpu.memory_space<vmem>>) target_semaphore(%arg14 : memref<!tpu.dma_semaphore, #tpu.memory_space<semaphore_mem>>)
        } else {
        }
        %run_scoped3A = arith.constant 1 : i32
        %run_scoped3A_171 = arith.constant 1 : i32
        "tpu.region"() ({
          %run_scoped3A_172 = tpu.sem_alloc : memref<!tpu.dma_semaphore, #tpu.memory_space<semaphore_mem>>
          %dma_start3A_173 = arith.constant 0 : i32
          %dma_start3A_174 = arith.constant 0 : i32
          %dma_start3A_175 = tpu.memref_slice %arg9[%run_scoped3A, %dma_start3A_173, %dma_start3A_174] : memref<2x128x128xf32, #tpu.memory_space<vmem>> -> memref<1x128x128xf32, #tpu.memory_space<vmem>>
          %dma_start3A_176 = tpu.memref_squeeze %dma_start3A_175 : memref<1x128x128xf32, #tpu.memory_space<vmem>> -> memref<128x128xf32, #tpu.memory_space<vmem>>
          %dma_start3A_177 = arith.constant 0 : i32
          %dma_start3A_178 = tpu.memref_slice %arg8[%run_scoped3A_171, %dma_start3A_177] : memref<6x128xi32, #tpu.memory_space<vmem>> -> memref<1x128xi32, #tpu.memory_space<vmem>>
          %dma_start3A_179 = tpu.memref_squeeze %dma_start3A_178 : memref<1x128xi32, #tpu.memory_space<vmem>> -> memref<128xi32, #tpu.memory_space<vmem>>
          %dma_start3A_180 = arith.constant 0 : i32
          %dma_start3A_181 = arith.constant 0 : i32
          %dma_start3A_182 = tpu.memref_slice %arg10[%dma_start3A_180, %dma_start3A_181] : memref<10000x128xf32, #tpu.memory_space<vmem_shared>> -> memref<10000x128xf32, #tpu.memory_space<vmem_shared>>
          tpu.enqueue_indirect_dma source(%dma_start3A_176 : memref<128x128xf32, #tpu.memory_space<vmem>>) target(%dma_start3A_182 : memref<10000x128xf32, #tpu.memory_space<vmem_shared>>) offsets(%dma_start3A_179 : memref<128xi32, #tpu.memory_space<vmem>>) semaphore(%run_scoped3A_172 : memref<!tpu.dma_semaphore, #tpu.memory_space<semaphore_mem>>) {add = true}
          %dma_wait3A_183 = arith.constant 0 : i32
          %dma_wait3A_184 = arith.constant 0 : i32
          %dma_wait3A_185 = tpu.memref_slice %arg9[%run_scoped3A, %dma_wait3A_183, %dma_wait3A_184] : memref<2x128x128xf32, #tpu.memory_space<vmem>> -> memref<1x128x128xf32, #tpu.memory_space<vmem>>
          %dma_wait3A_186 = tpu.memref_squeeze %dma_wait3A_185 : memref<1x128x128xf32, #tpu.memory_space<vmem>> -> memref<128x128xf32, #tpu.memory_space<vmem>>
          %dma_wait3A_187 = arith.constant 0 : i32
          %dma_wait3A_188 = tpu.memref_slice %arg8[%run_scoped3A_171, %dma_wait3A_187] : memref<6x128xi32, #tpu.memory_space<vmem>> -> memref<1x128xi32, #tpu.memory_space<vmem>>
          %dma_wait3A_189 = tpu.memref_squeeze %dma_wait3A_188 : memref<1x128xi32, #tpu.memory_space<vmem>> -> memref<128xi32, #tpu.memory_space<vmem>>
          %dma_wait3A_190 = arith.constant 0 : i32
          %dma_wait3A_191 = arith.constant 0 : i32
          %dma_wait3A_192 = tpu.memref_slice %arg10[%dma_wait3A_190, %dma_wait3A_191] : memref<10000x128xf32, #tpu.memory_space<vmem_shared>> -> memref<10000x128xf32, #tpu.memory_space<vmem_shared>>
          tpu.wait_indirect_dma semaphore(%run_scoped3A_172 : memref<!tpu.dma_semaphore, #tpu.memory_space<semaphore_mem>>) src(%dma_wait3A_186 : memref<128x128xf32, #tpu.memory_space<vmem>>) dst(%dma_wait3A_192 : memref<10000x128xf32, #tpu.memory_space<vmem_shared>>)
          tpu.yield
        }) : () -> ()
      } else {
      }
      %mul3A_106 = arith.constant 6 : i32
      %mul3A_107 = arith.muli %mul3A_106, %scan3A_89 : i32
      %add3A_108 = arith.constant 2 : i32
      %add3A_109 = arith.addi %mul3A_107, %add3A_108 : i32
      %lt3A_110 = arith.cmpi slt, %add3A_109, %select_n3A : i32
      %convert_element_type3A_111 = arith.extui %lt3A_110 : i1 to i32
      %cond3A_112 = arith.constant 0 : i32
      %cond3A_113 = arith.cmpi ne, %convert_element_type3A_111, %cond3A_112 : i32
      scf.if %cond3A_113 {
        %dma_wait3A_138 = arith.constant 0 : i32
        %dma_wait3A_139 = arith.constant 0 : i32
        %dma_wait3A_140 = arith.constant 0 : i32
        %dma_wait3A_141 = tpu.memref_slice %arg9[%dma_wait3A_138, %dma_wait3A_139, %dma_wait3A_140] : memref<2x128x128xf32, #tpu.memory_space<vmem>> -> memref<1x128x128xf32, #tpu.memory_space<vmem>>
        %dma_wait3A_142 = tpu.memref_squeeze %dma_wait3A_141 : memref<1x128x128xf32, #tpu.memory_space<vmem>> -> memref<128x128xf32, #tpu.memory_space<vmem>>
        %dma_wait3A_143 = arith.constant 0 : i32
        %dma_wait3A_144 = tpu.memref_slice %arg7[%dma_wait3A_143] : memref<10112xi32, #tpu.memory_space<vmem>> -> memref<128xi32, #tpu.memory_space<vmem>>
        %dma_wait3A_145 = arith.constant 0 : i32
        %dma_wait3A_146 = arith.constant 0 : i32
        %dma_wait3A_147 = tpu.memref_slice %arg4[%dma_wait3A_145, %dma_wait3A_146] : memref<10000x128xf32, #tpu.memory_space<hbm>> -> memref<10000x128xf32, #tpu.memory_space<hbm>>
        tpu.wait_indirect_dma semaphore(%arg12 : memref<!tpu.dma_semaphore, #tpu.memory_space<semaphore_mem>>) src(%dma_wait3A_147 : memref<10000x128xf32, #tpu.memory_space<hbm>>) dst(%dma_wait3A_142 : memref<128x128xf32, #tpu.memory_space<vmem>>)
        %dma_wait3A_148 = arith.constant 2 : i32
        %dma_wait3A_149 = arith.constant 0 : i32
        %dma_wait3A_150 = tpu.memref_slice %arg8[%dma_wait3A_148, %dma_wait3A_149] : memref<6x128xi32, #tpu.memory_space<vmem>> -> memref<1x128xi32, #tpu.memory_space<vmem>>
        %dma_wait3A_151 = tpu.memref_squeeze %dma_wait3A_150 : memref<1x128xi32, #tpu.memory_space<vmem>> -> memref<128xi32, #tpu.memory_space<vmem>>
        %dma_wait3A_152 = arith.constant 0 : i32
        %dma_wait3A_153 = tpu.memref_slice %arg3[%dma_wait3A_152] : memref<320000xi32, #tpu.memory_space<hbm>> -> memref<128xi32, #tpu.memory_space<hbm>>
        %dma_wait3A_154 = arith.constant 0 : i32
        %dma_wait3A_155 = tpu.memref_slice %arg8[%dma_wait3A_148, %dma_wait3A_154] : memref<6x128xi32, #tpu.memory_space<vmem>> -> memref<1x128xi32, #tpu.memory_space<vmem>>
        %dma_wait3A_156 = tpu.memref_squeeze %dma_wait3A_155 : memref<1x128xi32, #tpu.memory_space<vmem>> -> memref<128xi32, #tpu.memory_space<vmem>>
        %dma_wait3A_157 = arith.constant 0 : i32
        %dma_wait3A_158 = tpu.memref_slice %arg3[%dma_wait3A_157] : memref<320000xi32, #tpu.memory_space<hbm>> -> memref<128xi32, #tpu.memory_space<hbm>>
        tpu.wait_dma2 semaphore(%arg13 : memref<!tpu.dma_semaphore, #tpu.memory_space<semaphore_mem>>) src(%dma_wait3A_158 : memref<128xi32, #tpu.memory_space<hbm>>) dst(%dma_wait3A_156 : memref<128xi32, #tpu.memory_space<vmem>>)
        %add3A_159 = arith.constant 1 : i32
        %add3A_160 = arith.addi %add3A_109, %add3A_159 : i32
        %lt3A_161 = arith.cmpi slt, %add3A_160, %select_n3A : i32
        %convert_element_type3A_162 = arith.extui %lt3A_161 : i1 to i32
        %cond3A_163 = arith.constant 0 : i32
        %cond3A_164 = arith.cmpi ne, %convert_element_type3A_162, %cond3A_163 : i32
        scf.if %cond3A_164 {
          %add3A_172 = arith.constant 1 : i32
          %add3A_173 = arith.addi %add3A_109, %add3A_172 : i32
          %mul3A_174 = arith.constant 128 : i32
          %mul3A_175 = arith.muli %add3A_173, %mul3A_174 : i32
          %dma_start3A_176 = arith.constant 1 : i32
          %dma_start3A_177 = arith.constant 0 : i32
          %dma_start3A_178 = arith.constant 0 : i32
          %dma_start3A_179 = tpu.memref_slice %arg9[%dma_start3A_176, %dma_start3A_177, %dma_start3A_178] : memref<2x128x128xf32, #tpu.memory_space<vmem>> -> memref<1x128x128xf32, #tpu.memory_space<vmem>>
          %dma_start3A_180 = tpu.memref_squeeze %dma_start3A_179 : memref<1x128x128xf32, #tpu.memory_space<vmem>> -> memref<128x128xf32, #tpu.memory_space<vmem>>
          %dma_start3A_181 = tpu.memref_slice %arg7[%mul3A_175] : memref<10112xi32, #tpu.memory_space<vmem>> -> memref<128xi32, #tpu.memory_space<vmem>>
          %dma_start3A_182 = arith.constant 0 : i32
          %dma_start3A_183 = arith.constant 0 : i32
          %dma_start3A_184 = tpu.memref_slice %arg4[%dma_start3A_182, %dma_start3A_183] : memref<10000x128xf32, #tpu.memory_space<hbm>> -> memref<10000x128xf32, #tpu.memory_space<hbm>>
          tpu.enqueue_indirect_dma source(%dma_start3A_184 : memref<10000x128xf32, #tpu.memory_space<hbm>>) target(%dma_start3A_180 : memref<128x128xf32, #tpu.memory_space<vmem>>) offsets(%dma_start3A_181 : memref<128xi32, #tpu.memory_space<vmem>>) semaphore(%arg12 : memref<!tpu.dma_semaphore, #tpu.memory_space<semaphore_mem>>)
        } else {
        }
        %add3A_165 = arith.constant 2 : i32
        %add3A_166 = arith.addi %add3A_109, %add3A_165 : i32
        %lt3A_167 = arith.cmpi slt, %add3A_166, %select_n3A : i32
        %convert_element_type3A_168 = arith.extui %lt3A_167 : i1 to i32
        %cond3A_169 = arith.constant 0 : i32
        %cond3A_170 = arith.cmpi ne, %convert_element_type3A_168, %cond3A_169 : i32
        scf.if %cond3A_170 {
          %add3A_172 = arith.constant 2 : i32
          %add3A_173 = arith.addi %add3A_109, %add3A_172 : i32
          %add3A_174 = arith.addi %add3A_4, %add3A_173 : i32
          %mul3A_175 = arith.constant 128 : i32
          %mul3A_176 = arith.muli %add3A_174, %mul3A_175 : i32
          %dma_start3A_177 = arith.constant 4 : i32
          %dma_start3A_178 = arith.constant 0 : i32
          %dma_start3A_179 = tpu.memref_slice %arg8[%dma_start3A_177, %dma_start3A_178] : memref<6x128xi32, #tpu.memory_space<vmem>> -> memref<1x128xi32, #tpu.memory_space<vmem>>
          %dma_start3A_180 = tpu.memref_squeeze %dma_start3A_179 : memref<1x128xi32, #tpu.memory_space<vmem>> -> memref<128xi32, #tpu.memory_space<vmem>>
          %dma_start3A_181 = tpu.memref_slice %arg3[%mul3A_176] : memref<320000xi32, #tpu.memory_space<hbm>> -> memref<128xi32, #tpu.memory_space<hbm>>
          %dma_start3A_182 = arith.constant 0 : i32
          %dma_start3A_183 = tpu.memref_slice %arg8[%dma_start3A_177, %dma_start3A_182] : memref<6x128xi32, #tpu.memory_space<vmem>> -> memref<1x128xi32, #tpu.memory_space<vmem>>
          %dma_start3A_184 = tpu.memref_squeeze %dma_start3A_183 : memref<1x128xi32, #tpu.memory_space<vmem>> -> memref<128xi32, #tpu.memory_space<vmem>>
          %dma_start3A_185 = tpu.memref_slice %arg3[%mul3A_176] : memref<320000xi32, #tpu.memory_space<hbm>> -> memref<128xi32, #tpu.memory_space<hbm>>
          tpu.enqueue_dma source(%dma_start3A_185 : memref<128xi32, #tpu.memory_space<hbm>>) target(%dma_start3A_184 : memref<128xi32, #tpu.memory_space<vmem>>) target_semaphore(%arg13 : memref<!tpu.dma_semaphore, #tpu.memory_space<semaphore_mem>>)
        } else {
        }
        %run_scoped3A = arith.constant 0 : i32
        %run_scoped3A_171 = arith.constant 2 : i32
        "tpu.region"() ({
          %run_scoped3A_172 = tpu.sem_alloc : memref<!tpu.dma_semaphore, #tpu.memory_space<semaphore_mem>>
          %dma_start3A_173 = arith.constant 0 : i32
          %dma_start3A_174 = arith.constant 0 : i32
          %dma_start3A_175 = tpu.memref_slice %arg9[%run_scoped3A, %dma_start3A_173, %dma_start3A_174] : memref<2x128x128xf32, #tpu.memory_space<vmem>> -> memref<1x128x128xf32, #tpu.memory_space<vmem>>
          %dma_start3A_176 = tpu.memref_squeeze %dma_start3A_175 : memref<1x128x128xf32, #tpu.memory_space<vmem>> -> memref<128x128xf32, #tpu.memory_space<vmem>>
          %dma_start3A_177 = arith.constant 0 : i32
          %dma_start3A_178 = tpu.memref_slice %arg8[%run_scoped3A_171, %dma_start3A_177] : memref<6x128xi32, #tpu.memory_space<vmem>> -> memref<1x128xi32, #tpu.memory_space<vmem>>
          %dma_start3A_179 = tpu.memref_squeeze %dma_start3A_178 : memref<1x128xi32, #tpu.memory_space<vmem>> -> memref<128xi32, #tpu.memory_space<vmem>>
          %dma_start3A_180 = arith.constant 0 : i32
          %dma_start3A_181 = arith.constant 0 : i32
          %dma_start3A_182 = tpu.memref_slice %arg10[%dma_start3A_180, %dma_start3A_181] : memref<10000x128xf32, #tpu.memory_space<vmem_shared>> -> memref<10000x128xf32, #tpu.memory_space<vmem_shared>>
          tpu.enqueue_indirect_dma source(%dma_start3A_176 : memref<128x128xf32, #tpu.memory_space<vmem>>) target(%dma_start3A_182 : memref<10000x128xf32, #tpu.memory_space<vmem_shared>>) offsets(%dma_start3A_179 : memref<128xi32, #tpu.memory_space<vmem>>) semaphore(%run_scoped3A_172 : memref<!tpu.dma_semaphore, #tpu.memory_space<semaphore_mem>>) {add = true}
          %dma_wait3A_183 = arith.constant 0 : i32
          %dma_wait3A_184 = arith.constant 0 : i32
          %dma_wait3A_185 = tpu.memref_slice %arg9[%run_scoped3A, %dma_wait3A_183, %dma_wait3A_184] : memref<2x128x128xf32, #tpu.memory_space<vmem>> -> memref<1x128x128xf32, #tpu.memory_space<vmem>>
          %dma_wait3A_186 = tpu.memref_squeeze %dma_wait3A_185 : memref<1x128x128xf32, #tpu.memory_space<vmem>> -> memref<128x128xf32, #tpu.memory_space<vmem>>
          %dma_wait3A_187 = arith.constant 0 : i32
          %dma_wait3A_188 = tpu.memref_slice %arg8[%run_scoped3A_171, %dma_wait3A_187] : memref<6x128xi32, #tpu.memory_space<vmem>> -> memref<1x128xi32, #tpu.memory_space<vmem>>
          %dma_wait3A_189 = tpu.memref_squeeze %dma_wait3A_188 : memref<1x128xi32, #tpu.memory_space<vmem>> -> memref<128xi32, #tpu.memory_space<vmem>>
          %dma_wait3A_190 = arith.constant 0 : i32
          %dma_wait3A_191 = arith.constant 0 : i32
          %dma_wait3A_192 = tpu.memref_slice %arg10[%dma_wait3A_190, %dma_wait3A_191] : memref<10000x128xf32, #tpu.memory_space<vmem_shared>> -> memref<10000x128xf32, #tpu.memory_space<vmem_shared>>
          tpu.wait_indirect_dma semaphore(%run_scoped3A_172 : memref<!tpu.dma_semaphore, #tpu.memory_space<semaphore_mem>>) src(%dma_wait3A_186 : memref<128x128xf32, #tpu.memory_space<vmem>>) dst(%dma_wait3A_192 : memref<10000x128xf32, #tpu.memory_space<vmem_shared>>)
          tpu.yield
        }) : () -> ()
      } else {
      }
      %mul3A_114 = arith.constant 6 : i32
      %mul3A_115 = arith.muli %mul3A_114, %scan3A_89 : i32
      %add3A_116 = arith.constant 3 : i32
      %add3A_117 = arith.addi %mul3A_115, %add3A_116 : i32
      %lt3A_118 = arith.cmpi slt, %add3A_117, %select_n3A : i32
      %convert_element_type3A_119 = arith.extui %lt3A_118 : i1 to i32
      %cond3A_120 = arith.constant 0 : i32
      %cond3A_121 = arith.cmpi ne, %convert_element_type3A_119, %cond3A_120 : i32
      scf.if %cond3A_121 {
        %dma_wait3A_138 = arith.constant 1 : i32
        %dma_wait3A_139 = arith.constant 0 : i32
        %dma_wait3A_140 = arith.constant 0 : i32
        %dma_wait3A_141 = tpu.memref_slice %arg9[%dma_wait3A_138, %dma_wait3A_139, %dma_wait3A_140] : memref<2x128x128xf32, #tpu.memory_space<vmem>> -> memref<1x128x128xf32, #tpu.memory_space<vmem>>
        %dma_wait3A_142 = tpu.memref_squeeze %dma_wait3A_141 : memref<1x128x128xf32, #tpu.memory_space<vmem>> -> memref<128x128xf32, #tpu.memory_space<vmem>>
        %dma_wait3A_143 = arith.constant 0 : i32
        %dma_wait3A_144 = tpu.memref_slice %arg7[%dma_wait3A_143] : memref<10112xi32, #tpu.memory_space<vmem>> -> memref<128xi32, #tpu.memory_space<vmem>>
        %dma_wait3A_145 = arith.constant 0 : i32
        %dma_wait3A_146 = arith.constant 0 : i32
        %dma_wait3A_147 = tpu.memref_slice %arg4[%dma_wait3A_145, %dma_wait3A_146] : memref<10000x128xf32, #tpu.memory_space<hbm>> -> memref<10000x128xf32, #tpu.memory_space<hbm>>
        tpu.wait_indirect_dma semaphore(%arg12 : memref<!tpu.dma_semaphore, #tpu.memory_space<semaphore_mem>>) src(%dma_wait3A_147 : memref<10000x128xf32, #tpu.memory_space<hbm>>) dst(%dma_wait3A_142 : memref<128x128xf32, #tpu.memory_space<vmem>>)
        %dma_wait3A_148 = arith.constant 3 : i32
        %dma_wait3A_149 = arith.constant 0 : i32
        %dma_wait3A_150 = tpu.memref_slice %arg8[%dma_wait3A_148, %dma_wait3A_149] : memref<6x128xi32, #tpu.memory_space<vmem>> -> memref<1x128xi32, #tpu.memory_space<vmem>>
        %dma_wait3A_151 = tpu.memref_squeeze %dma_wait3A_150 : memref<1x128xi32, #tpu.memory_space<vmem>> -> memref<128xi32, #tpu.memory_space<vmem>>
        %dma_wait3A_152 = arith.constant 0 : i32
        %dma_wait3A_153 = tpu.memref_slice %arg3[%dma_wait3A_152] : memref<320000xi32, #tpu.memory_space<hbm>> -> memref<128xi32, #tpu.memory_space<hbm>>
        %dma_wait3A_154 = arith.constant 0 : i32
        %dma_wait3A_155 = tpu.memref_slice %arg8[%dma_wait3A_148, %dma_wait3A_154] : memref<6x128xi32, #tpu.memory_space<vmem>> -> memref<1x128xi32, #tpu.memory_space<vmem>>
        %dma_wait3A_156 = tpu.memref_squeeze %dma_wait3A_155 : memref<1x128xi32, #tpu.memory_space<vmem>> -> memref<128xi32, #tpu.memory_space<vmem>>
        %dma_wait3A_157 = arith.constant 0 : i32
        %dma_wait3A_158 = tpu.memref_slice %arg3[%dma_wait3A_157] : memref<320000xi32, #tpu.memory_space<hbm>> -> memref<128xi32, #tpu.memory_space<hbm>>
        tpu.wait_dma2 semaphore(%arg14 : memref<!tpu.dma_semaphore, #tpu.memory_space<semaphore_mem>>) src(%dma_wait3A_158 : memref<128xi32, #tpu.memory_space<hbm>>) dst(%dma_wait3A_156 : memref<128xi32, #tpu.memory_space<vmem>>)
        %add3A_159 = arith.constant 1 : i32
        %add3A_160 = arith.addi %add3A_117, %add3A_159 : i32
        %lt3A_161 = arith.cmpi slt, %add3A_160, %select_n3A : i32
        %convert_element_type3A_162 = arith.extui %lt3A_161 : i1 to i32
        %cond3A_163 = arith.constant 0 : i32
        %cond3A_164 = arith.cmpi ne, %convert_element_type3A_162, %cond3A_163 : i32
        scf.if %cond3A_164 {
          %add3A_172 = arith.constant 1 : i32
          %add3A_173 = arith.addi %add3A_117, %add3A_172 : i32
          %mul3A_174 = arith.constant 128 : i32
          %mul3A_175 = arith.muli %add3A_173, %mul3A_174 : i32
          %dma_start3A_176 = arith.constant 0 : i32
          %dma_start3A_177 = arith.constant 0 : i32
          %dma_start3A_178 = arith.constant 0 : i32
          %dma_start3A_179 = tpu.memref_slice %arg9[%dma_start3A_176, %dma_start3A_177, %dma_start3A_178] : memref<2x128x128xf32, #tpu.memory_space<vmem>> -> memref<1x128x128xf32, #tpu.memory_space<vmem>>
          %dma_start3A_180 = tpu.memref_squeeze %dma_start3A_179 : memref<1x128x128xf32, #tpu.memory_space<vmem>> -> memref<128x128xf32, #tpu.memory_space<vmem>>
          %dma_start3A_181 = tpu.memref_slice %arg7[%mul3A_175] : memref<10112xi32, #tpu.memory_space<vmem>> -> memref<128xi32, #tpu.memory_space<vmem>>
          %dma_start3A_182 = arith.constant 0 : i32
          %dma_start3A_183 = arith.constant 0 : i32
          %dma_start3A_184 = tpu.memref_slice %arg4[%dma_start3A_182, %dma_start3A_183] : memref<10000x128xf32, #tpu.memory_space<hbm>> -> memref<10000x128xf32, #tpu.memory_space<hbm>>
          tpu.enqueue_indirect_dma source(%dma_start3A_184 : memref<10000x128xf32, #tpu.memory_space<hbm>>) target(%dma_start3A_180 : memref<128x128xf32, #tpu.memory_space<vmem>>) offsets(%dma_start3A_181 : memref<128xi32, #tpu.memory_space<vmem>>) semaphore(%arg12 : memref<!tpu.dma_semaphore, #tpu.memory_space<semaphore_mem>>)
        } else {
        }
        %add3A_165 = arith.constant 2 : i32
        %add3A_166 = arith.addi %add3A_117, %add3A_165 : i32
        %lt3A_167 = arith.cmpi slt, %add3A_166, %select_n3A : i32
        %convert_element_type3A_168 = arith.extui %lt3A_167 : i1 to i32
        %cond3A_169 = arith.constant 0 : i32
        %cond3A_170 = arith.cmpi ne, %convert_element_type3A_168, %cond3A_169 : i32
        scf.if %cond3A_170 {
          %add3A_172 = arith.constant 2 : i32
          %add3A_173 = arith.addi %add3A_117, %add3A_172 : i32
          %add3A_174 = arith.addi %add3A_4, %add3A_173 : i32
          %mul3A_175 = arith.constant 128 : i32
          %mul3A_176 = arith.muli %add3A_174, %mul3A_175 : i32
          %dma_start3A_177 = arith.constant 5 : i32
          %dma_start3A_178 = arith.constant 0 : i32
          %dma_start3A_179 = tpu.memref_slice %arg8[%dma_start3A_177, %dma_start3A_178] : memref<6x128xi32, #tpu.memory_space<vmem>> -> memref<1x128xi32, #tpu.memory_space<vmem>>
          %dma_start3A_180 = tpu.memref_squeeze %dma_start3A_179 : memref<1x128xi32, #tpu.memory_space<vmem>> -> memref<128xi32, #tpu.memory_space<vmem>>
          %dma_start3A_181 = tpu.memref_slice %arg3[%mul3A_176] : memref<320000xi32, #tpu.memory_space<hbm>> -> memref<128xi32, #tpu.memory_space<hbm>>
          %dma_start3A_182 = arith.constant 0 : i32
          %dma_start3A_183 = tpu.memref_slice %arg8[%dma_start3A_177, %dma_start3A_182] : memref<6x128xi32, #tpu.memory_space<vmem>> -> memref<1x128xi32, #tpu.memory_space<vmem>>
          %dma_start3A_184 = tpu.memref_squeeze %dma_start3A_183 : memref<1x128xi32, #tpu.memory_space<vmem>> -> memref<128xi32, #tpu.memory_space<vmem>>
          %dma_start3A_185 = tpu.memref_slice %arg3[%mul3A_176] : memref<320000xi32, #tpu.memory_space<hbm>> -> memref<128xi32, #tpu.memory_space<hbm>>
          tpu.enqueue_dma source(%dma_start3A_185 : memref<128xi32, #tpu.memory_space<hbm>>) target(%dma_start3A_184 : memref<128xi32, #tpu.memory_space<vmem>>) target_semaphore(%arg14 : memref<!tpu.dma_semaphore, #tpu.memory_space<semaphore_mem>>)
        } else {
        }
        %run_scoped3A = arith.constant 1 : i32
        %run_scoped3A_171 = arith.constant 3 : i32
        "tpu.region"() ({
          %run_scoped3A_172 = tpu.sem_alloc : memref<!tpu.dma_semaphore, #tpu.memory_space<semaphore_mem>>
          %dma_start3A_173 = arith.constant 0 : i32
          %dma_start3A_174 = arith.constant 0 : i32
          %dma_start3A_175 = tpu.memref_slice %arg9[%run_scoped3A, %dma_start3A_173, %dma_start3A_174] : memref<2x128x128xf32, #tpu.memory_space<vmem>> -> memref<1x128x128xf32, #tpu.memory_space<vmem>>
          %dma_start3A_176 = tpu.memref_squeeze %dma_start3A_175 : memref<1x128x128xf32, #tpu.memory_space<vmem>> -> memref<128x128xf32, #tpu.memory_space<vmem>>
          %dma_start3A_177 = arith.constant 0 : i32
          %dma_start3A_178 = tpu.memref_slice %arg8[%run_scoped3A_171, %dma_start3A_177] : memref<6x128xi32, #tpu.memory_space<vmem>> -> memref<1x128xi32, #tpu.memory_space<vmem>>
          %dma_start3A_179 = tpu.memref_squeeze %dma_start3A_178 : memref<1x128xi32, #tpu.memory_space<vmem>> -> memref<128xi32, #tpu.memory_space<vmem>>
          %dma_start3A_180 = arith.constant 0 : i32
          %dma_start3A_181 = arith.constant 0 : i32
          %dma_start3A_182 = tpu.memref_slice %arg10[%dma_start3A_180, %dma_start3A_181] : memref<10000x128xf32, #tpu.memory_space<vmem_shared>> -> memref<10000x128xf32, #tpu.memory_space<vmem_shared>>
          tpu.enqueue_indirect_dma source(%dma_start3A_176 : memref<128x128xf32, #tpu.memory_space<vmem>>) target(%dma_start3A_182 : memref<10000x128xf32, #tpu.memory_space<vmem_shared>>) offsets(%dma_start3A_179 : memref<128xi32, #tpu.memory_space<vmem>>) semaphore(%run_scoped3A_172 : memref<!tpu.dma_semaphore, #tpu.memory_space<semaphore_mem>>) {add = true}
          %dma_wait3A_183 = arith.constant 0 : i32
          %dma_wait3A_184 = arith.constant 0 : i32
          %dma_wait3A_185 = tpu.memref_slice %arg9[%run_scoped3A, %dma_wait3A_183, %dma_wait3A_184] : memref<2x128x128xf32, #tpu.memory_space<vmem>> -> memref<1x128x128xf32, #tpu.memory_space<vmem>>
          %dma_wait3A_186 = tpu.memref_squeeze %dma_wait3A_185 : memref<1x128x128xf32, #tpu.memory_space<vmem>> -> memref<128x128xf32, #tpu.memory_space<vmem>>
          %dma_wait3A_187 = arith.constant 0 : i32
          %dma_wait3A_188 = tpu.memref_slice %arg8[%run_scoped3A_171, %dma_wait3A_187] : memref<6x128xi32, #tpu.memory_space<vmem>> -> memref<1x128xi32, #tpu.memory_space<vmem>>
          %dma_wait3A_189 = tpu.memref_squeeze %dma_wait3A_188 : memref<1x128xi32, #tpu.memory_space<vmem>> -> memref<128xi32, #tpu.memory_space<vmem>>
          %dma_wait3A_190 = arith.constant 0 : i32
          %dma_wait3A_191 = arith.constant 0 : i32
          %dma_wait3A_192 = tpu.memref_slice %arg10[%dma_wait3A_190, %dma_wait3A_191] : memref<10000x128xf32, #tpu.memory_space<vmem_shared>> -> memref<10000x128xf32, #tpu.memory_space<vmem_shared>>
          tpu.wait_indirect_dma semaphore(%run_scoped3A_172 : memref<!tpu.dma_semaphore, #tpu.memory_space<semaphore_mem>>) src(%dma_wait3A_186 : memref<128x128xf32, #tpu.memory_space<vmem>>) dst(%dma_wait3A_192 : memref<10000x128xf32, #tpu.memory_space<vmem_shared>>)
          tpu.yield
        }) : () -> ()
      } else {
      }
      %mul3A_122 = arith.constant 6 : i32
      %mul3A_123 = arith.muli %mul3A_122, %scan3A_89 : i32
      %add3A_124 = arith.constant 4 : i32
      %add3A_125 = arith.addi %mul3A_123, %add3A_124 : i32
      %lt3A_126 = arith.cmpi slt, %add3A_125, %select_n3A : i32
      %convert_element_type3A_127 = arith.extui %lt3A_126 : i1 to i32
      %cond3A_128 = arith.constant 0 : i32
      %cond3A_129 = arith.cmpi ne, %convert_element_type3A_127, %cond3A_128 : i32
      scf.if %cond3A_129 {
        %dma_wait3A_138 = arith.constant 0 : i32
        %dma_wait3A_139 = arith.constant 0 : i32
        %dma_wait3A_140 = arith.constant 0 : i32
        %dma_wait3A_141 = tpu.memref_slice %arg9[%dma_wait3A_138, %dma_wait3A_139, %dma_wait3A_140] : memref<2x128x128xf32, #tpu.memory_space<vmem>> -> memref<1x128x128xf32, #tpu.memory_space<vmem>>
        %dma_wait3A_142 = tpu.memref_squeeze %dma_wait3A_141 : memref<1x128x128xf32, #tpu.memory_space<vmem>> -> memref<128x128xf32, #tpu.memory_space<vmem>>
        %dma_wait3A_143 = arith.constant 0 : i32
        %dma_wait3A_144 = tpu.memref_slice %arg7[%dma_wait3A_143] : memref<10112xi32, #tpu.memory_space<vmem>> -> memref<128xi32, #tpu.memory_space<vmem>>
        %dma_wait3A_145 = arith.constant 0 : i32
        %dma_wait3A_146 = arith.constant 0 : i32
        %dma_wait3A_147 = tpu.memref_slice %arg4[%dma_wait3A_145, %dma_wait3A_146] : memref<10000x128xf32, #tpu.memory_space<hbm>> -> memref<10000x128xf32, #tpu.memory_space<hbm>>
        tpu.wait_indirect_dma semaphore(%arg12 : memref<!tpu.dma_semaphore, #tpu.memory_space<semaphore_mem>>) src(%dma_wait3A_147 : memref<10000x128xf32, #tpu.memory_space<hbm>>) dst(%dma_wait3A_142 : memref<128x128xf32, #tpu.memory_space<vmem>>)
        %dma_wait3A_148 = arith.constant 4 : i32
        %dma_wait3A_149 = arith.constant 0 : i32
        %dma_wait3A_150 = tpu.memref_slice %arg8[%dma_wait3A_148, %dma_wait3A_149] : memref<6x128xi32, #tpu.memory_space<vmem>> -> memref<1x128xi32, #tpu.memory_space<vmem>>
        %dma_wait3A_151 = tpu.memref_squeeze %dma_wait3A_150 : memref<1x128xi32, #tpu.memory_space<vmem>> -> memref<128xi32, #tpu.memory_space<vmem>>
        %dma_wait3A_152 = arith.constant 0 : i32
        %dma_wait3A_153 = tpu.memref_slice %arg3[%dma_wait3A_152] : memref<320000xi32, #tpu.memory_space<hbm>> -> memref<128xi32, #tpu.memory_space<hbm>>
        %dma_wait3A_154 = arith.constant 0 : i32
        %dma_wait3A_155 = tpu.memref_slice %arg8[%dma_wait3A_148, %dma_wait3A_154] : memref<6x128xi32, #tpu.memory_space<vmem>> -> memref<1x128xi32, #tpu.memory_space<vmem>>
        %dma_wait3A_156 = tpu.memref_squeeze %dma_wait3A_155 : memref<1x128xi32, #tpu.memory_space<vmem>> -> memref<128xi32, #tpu.memory_space<vmem>>
        %dma_wait3A_157 = arith.constant 0 : i32
        %dma_wait3A_158 = tpu.memref_slice %arg3[%dma_wait3A_157] : memref<320000xi32, #tpu.memory_space<hbm>> -> memref<128xi32, #tpu.memory_space<hbm>>
        tpu.wait_dma2 semaphore(%arg13 : memref<!tpu.dma_semaphore, #tpu.memory_space<semaphore_mem>>) src(%dma_wait3A_158 : memref<128xi32, #tpu.memory_space<hbm>>) dst(%dma_wait3A_156 : memref<128xi32, #tpu.memory_space<vmem>>)
        %add3A_159 = arith.constant 1 : i32
        %add3A_160 = arith.addi %add3A_125, %add3A_159 : i32
        %lt3A_161 = arith.cmpi slt, %add3A_160, %select_n3A : i32
        %convert_element_type3A_162 = arith.extui %lt3A_161 : i1 to i32
        %cond3A_163 = arith.constant 0 : i32
        %cond3A_164 = arith.cmpi ne, %convert_element_type3A_162, %cond3A_163 : i32
        scf.if %cond3A_164 {
          %add3A_172 = arith.constant 1 : i32
          %add3A_173 = arith.addi %add3A_125, %add3A_172 : i32
          %mul3A_174 = arith.constant 128 : i32
          %mul3A_175 = arith.muli %add3A_173, %mul3A_174 : i32
          %dma_start3A_176 = arith.constant 1 : i32
          %dma_start3A_177 = arith.constant 0 : i32
          %dma_start3A_178 = arith.constant 0 : i32
          %dma_start3A_179 = tpu.memref_slice %arg9[%dma_start3A_176, %dma_start3A_177, %dma_start3A_178] : memref<2x128x128xf32, #tpu.memory_space<vmem>> -> memref<1x128x128xf32, #tpu.memory_space<vmem>>
          %dma_start3A_180 = tpu.memref_squeeze %dma_start3A_179 : memref<1x128x128xf32, #tpu.memory_space<vmem>> -> memref<128x128xf32, #tpu.memory_space<vmem>>
          %dma_start3A_181 = tpu.memref_slice %arg7[%mul3A_175] : memref<10112xi32, #tpu.memory_space<vmem>> -> memref<128xi32, #tpu.memory_space<vmem>>
          %dma_start3A_182 = arith.constant 0 : i32
          %dma_start3A_183 = arith.constant 0 : i32
          %dma_start3A_184 = tpu.memref_slice %arg4[%dma_start3A_182, %dma_start3A_183] : memref<10000x128xf32, #tpu.memory_space<hbm>> -> memref<10000x128xf32, #tpu.memory_space<hbm>>
          tpu.enqueue_indirect_dma source(%dma_start3A_184 : memref<10000x128xf32, #tpu.memory_space<hbm>>) target(%dma_start3A_180 : memref<128x128xf32, #tpu.memory_space<vmem>>) offsets(%dma_start3A_181 : memref<128xi32, #tpu.memory_space<vmem>>) semaphore(%arg12 : memref<!tpu.dma_semaphore, #tpu.memory_space<semaphore_mem>>)
        } else {
        }
        %add3A_165 = arith.constant 2 : i32
        %add3A_166 = arith.addi %add3A_125, %add3A_165 : i32
        %lt3A_167 = arith.cmpi slt, %add3A_166, %select_n3A : i32
        %convert_element_type3A_168 = arith.extui %lt3A_167 : i1 to i32
        %cond3A_169 = arith.constant 0 : i32
        %cond3A_170 = arith.cmpi ne, %convert_element_type3A_168, %cond3A_169 : i32
        scf.if %cond3A_170 {
          %add3A_172 = arith.constant 2 : i32
          %add3A_173 = arith.addi %add3A_125, %add3A_172 : i32
          %add3A_174 = arith.addi %add3A_4, %add3A_173 : i32
          %mul3A_175 = arith.constant 128 : i32
          %mul3A_176 = arith.muli %add3A_174, %mul3A_175 : i32
          %dma_start3A_177 = arith.constant 0 : i32
          %dma_start3A_178 = arith.constant 0 : i32
          %dma_start3A_179 = tpu.memref_slice %arg8[%dma_start3A_177, %dma_start3A_178] : memref<6x128xi32, #tpu.memory_space<vmem>> -> memref<1x128xi32, #tpu.memory_space<vmem>>
          %dma_start3A_180 = tpu.memref_squeeze %dma_start3A_179 : memref<1x128xi32, #tpu.memory_space<vmem>> -> memref<128xi32, #tpu.memory_space<vmem>>
          %dma_start3A_181 = tpu.memref_slice %arg3[%mul3A_176] : memref<320000xi32, #tpu.memory_space<hbm>> -> memref<128xi32, #tpu.memory_space<hbm>>
          %dma_start3A_182 = arith.constant 0 : i32
          %dma_start3A_183 = tpu.memref_slice %arg8[%dma_start3A_177, %dma_start3A_182] : memref<6x128xi32, #tpu.memory_space<vmem>> -> memref<1x128xi32, #tpu.memory_space<vmem>>
          %dma_start3A_184 = tpu.memref_squeeze %dma_start3A_183 : memref<1x128xi32, #tpu.memory_space<vmem>> -> memref<128xi32, #tpu.memory_space<vmem>>
          %dma_start3A_185 = tpu.memref_slice %arg3[%mul3A_176] : memref<320000xi32, #tpu.memory_space<hbm>> -> memref<128xi32, #tpu.memory_space<hbm>>
          tpu.enqueue_dma source(%dma_start3A_185 : memref<128xi32, #tpu.memory_space<hbm>>) target(%dma_start3A_184 : memref<128xi32, #tpu.memory_space<vmem>>) target_semaphore(%arg13 : memref<!tpu.dma_semaphore, #tpu.memory_space<semaphore_mem>>)
        } else {
        }
        %run_scoped3A = arith.constant 0 : i32
        %run_scoped3A_171 = arith.constant 4 : i32
        "tpu.region"() ({
          %run_scoped3A_172 = tpu.sem_alloc : memref<!tpu.dma_semaphore, #tpu.memory_space<semaphore_mem>>
          %dma_start3A_173 = arith.constant 0 : i32
          %dma_start3A_174 = arith.constant 0 : i32
          %dma_start3A_175 = tpu.memref_slice %arg9[%run_scoped3A, %dma_start3A_173, %dma_start3A_174] : memref<2x128x128xf32, #tpu.memory_space<vmem>> -> memref<1x128x128xf32, #tpu.memory_space<vmem>>
          %dma_start3A_176 = tpu.memref_squeeze %dma_start3A_175 : memref<1x128x128xf32, #tpu.memory_space<vmem>> -> memref<128x128xf32, #tpu.memory_space<vmem>>
          %dma_start3A_177 = arith.constant 0 : i32
          %dma_start3A_178 = tpu.memref_slice %arg8[%run_scoped3A_171, %dma_start3A_177] : memref<6x128xi32, #tpu.memory_space<vmem>> -> memref<1x128xi32, #tpu.memory_space<vmem>>
          %dma_start3A_179 = tpu.memref_squeeze %dma_start3A_178 : memref<1x128xi32, #tpu.memory_space<vmem>> -> memref<128xi32, #tpu.memory_space<vmem>>
          %dma_start3A_180 = arith.constant 0 : i32
          %dma_start3A_181 = arith.constant 0 : i32
          %dma_start3A_182 = tpu.memref_slice %arg10[%dma_start3A_180, %dma_start3A_181] : memref<10000x128xf32, #tpu.memory_space<vmem_shared>> -> memref<10000x128xf32, #tpu.memory_space<vmem_shared>>
          tpu.enqueue_indirect_dma source(%dma_start3A_176 : memref<128x128xf32, #tpu.memory_space<vmem>>) target(%dma_start3A_182 : memref<10000x128xf32, #tpu.memory_space<vmem_shared>>) offsets(%dma_start3A_179 : memref<128xi32, #tpu.memory_space<vmem>>) semaphore(%run_scoped3A_172 : memref<!tpu.dma_semaphore, #tpu.memory_space<semaphore_mem>>) {add = true}
          %dma_wait3A_183 = arith.constant 0 : i32
          %dma_wait3A_184 = arith.constant 0 : i32
          %dma_wait3A_185 = tpu.memref_slice %arg9[%run_scoped3A, %dma_wait3A_183, %dma_wait3A_184] : memref<2x128x128xf32, #tpu.memory_space<vmem>> -> memref<1x128x128xf32, #tpu.memory_space<vmem>>
          %dma_wait3A_186 = tpu.memref_squeeze %dma_wait3A_185 : memref<1x128x128xf32, #tpu.memory_space<vmem>> -> memref<128x128xf32, #tpu.memory_space<vmem>>
          %dma_wait3A_187 = arith.constant 0 : i32
          %dma_wait3A_188 = tpu.memref_slice %arg8[%run_scoped3A_171, %dma_wait3A_187] : memref<6x128xi32, #tpu.memory_space<vmem>> -> memref<1x128xi32, #tpu.memory_space<vmem>>
          %dma_wait3A_189 = tpu.memref_squeeze %dma_wait3A_188 : memref<1x128xi32, #tpu.memory_space<vmem>> -> memref<128xi32, #tpu.memory_space<vmem>>
          %dma_wait3A_190 = arith.constant 0 : i32
          %dma_wait3A_191 = arith.constant 0 : i32
          %dma_wait3A_192 = tpu.memref_slice %arg10[%dma_wait3A_190, %dma_wait3A_191] : memref<10000x128xf32, #tpu.memory_space<vmem_shared>> -> memref<10000x128xf32, #tpu.memory_space<vmem_shared>>
          tpu.wait_indirect_dma semaphore(%run_scoped3A_172 : memref<!tpu.dma_semaphore, #tpu.memory_space<semaphore_mem>>) src(%dma_wait3A_186 : memref<128x128xf32, #tpu.memory_space<vmem>>) dst(%dma_wait3A_192 : memref<10000x128xf32, #tpu.memory_space<vmem_shared>>)
          tpu.yield
        }) : () -> ()
      } else {
      }
      %mul3A_130 = arith.constant 6 : i32
      %mul3A_131 = arith.muli %mul3A_130, %scan3A_89 : i32
      %add3A_132 = arith.constant 5 : i32
      %add3A_133 = arith.addi %mul3A_131, %add3A_132 : i32
      %lt3A_134 = arith.cmpi slt, %add3A_133, %select_n3A : i32
      %convert_element_type3A_135 = arith.extui %lt3A_134 : i1 to i32
      %cond3A_136 = arith.constant 0 : i32
      %cond3A_137 = arith.cmpi ne, %convert_element_type3A_135, %cond3A_136 : i32
      scf.if %cond3A_137 {
        %dma_wait3A_138 = arith.constant 1 : i32
        %dma_wait3A_139 = arith.constant 0 : i32
        %dma_wait3A_140 = arith.constant 0 : i32
        %dma_wait3A_141 = tpu.memref_slice %arg9[%dma_wait3A_138, %dma_wait3A_139, %dma_wait3A_140] : memref<2x128x128xf32, #tpu.memory_space<vmem>> -> memref<1x128x128xf32, #tpu.memory_space<vmem>>
        %dma_wait3A_142 = tpu.memref_squeeze %dma_wait3A_141 : memref<1x128x128xf32, #tpu.memory_space<vmem>> -> memref<128x128xf32, #tpu.memory_space<vmem>>
        %dma_wait3A_143 = arith.constant 0 : i32
        %dma_wait3A_144 = tpu.memref_slice %arg7[%dma_wait3A_143] : memref<10112xi32, #tpu.memory_space<vmem>> -> memref<128xi32, #tpu.memory_space<vmem>>
        %dma_wait3A_145 = arith.constant 0 : i32
        %dma_wait3A_146 = arith.constant 0 : i32
        %dma_wait3A_147 = tpu.memref_slice %arg4[%dma_wait3A_145, %dma_wait3A_146] : memref<10000x128xf32, #tpu.memory_space<hbm>> -> memref<10000x128xf32, #tpu.memory_space<hbm>>
        tpu.wait_indirect_dma semaphore(%arg12 : memref<!tpu.dma_semaphore, #tpu.memory_space<semaphore_mem>>) src(%dma_wait3A_147 : memref<10000x128xf32, #tpu.memory_space<hbm>>) dst(%dma_wait3A_142 : memref<128x128xf32, #tpu.memory_space<vmem>>)
        %dma_wait3A_148 = arith.constant 5 : i32
        %dma_wait3A_149 = arith.constant 0 : i32
        %dma_wait3A_150 = tpu.memref_slice %arg8[%dma_wait3A_148, %dma_wait3A_149] : memref<6x128xi32, #tpu.memory_space<vmem>> -> memref<1x128xi32, #tpu.memory_space<vmem>>
        %dma_wait3A_151 = tpu.memref_squeeze %dma_wait3A_150 : memref<1x128xi32, #tpu.memory_space<vmem>> -> memref<128xi32, #tpu.memory_space<vmem>>
        %dma_wait3A_152 = arith.constant 0 : i32
        %dma_wait3A_153 = tpu.memref_slice %arg3[%dma_wait3A_152] : memref<320000xi32, #tpu.memory_space<hbm>> -> memref<128xi32, #tpu.memory_space<hbm>>
        %dma_wait3A_154 = arith.constant 0 : i32
        %dma_wait3A_155 = tpu.memref_slice %arg8[%dma_wait3A_148, %dma_wait3A_154] : memref<6x128xi32, #tpu.memory_space<vmem>> -> memref<1x128xi32, #tpu.memory_space<vmem>>
        %dma_wait3A_156 = tpu.memref_squeeze %dma_wait3A_155 : memref<1x128xi32, #tpu.memory_space<vmem>> -> memref<128xi32, #tpu.memory_space<vmem>>
        %dma_wait3A_157 = arith.constant 0 : i32
        %dma_wait3A_158 = tpu.memref_slice %arg3[%dma_wait3A_157] : memref<320000xi32, #tpu.memory_space<hbm>> -> memref<128xi32, #tpu.memory_space<hbm>>
        tpu.wait_dma2 semaphore(%arg14 : memref<!tpu.dma_semaphore, #tpu.memory_space<semaphore_mem>>) src(%dma_wait3A_158 : memref<128xi32, #tpu.memory_space<hbm>>) dst(%dma_wait3A_156 : memref<128xi32, #tpu.memory_space<vmem>>)
        %add3A_159 = arith.constant 1 : i32
        %add3A_160 = arith.addi %add3A_133, %add3A_159 : i32
        %lt3A_161 = arith.cmpi slt, %add3A_160, %select_n3A : i32
        %convert_element_type3A_162 = arith.extui %lt3A_161 : i1 to i32
        %cond3A_163 = arith.constant 0 : i32
        %cond3A_164 = arith.cmpi ne, %convert_element_type3A_162, %cond3A_163 : i32
        scf.if %cond3A_164 {
          %add3A_172 = arith.constant 1 : i32
          %add3A_173 = arith.addi %add3A_133, %add3A_172 : i32
          %mul3A_174 = arith.constant 128 : i32
          %mul3A_175 = arith.muli %add3A_173, %mul3A_174 : i32
          %dma_start3A_176 = arith.constant 0 : i32
          %dma_start3A_177 = arith.constant 0 : i32
          %dma_start3A_178 = arith.constant 0 : i32
          %dma_start3A_179 = tpu.memref_slice %arg9[%dma_start3A_176, %dma_start3A_177, %dma_start3A_178] : memref<2x128x128xf32, #tpu.memory_space<vmem>> -> memref<1x128x128xf32, #tpu.memory_space<vmem>>
          %dma_start3A_180 = tpu.memref_squeeze %dma_start3A_179 : memref<1x128x128xf32, #tpu.memory_space<vmem>> -> memref<128x128xf32, #tpu.memory_space<vmem>>
          %dma_start3A_181 = tpu.memref_slice %arg7[%mul3A_175] : memref<10112xi32, #tpu.memory_space<vmem>> -> memref<128xi32, #tpu.memory_space<vmem>>
          %dma_start3A_182 = arith.constant 0 : i32
          %dma_start3A_183 = arith.constant 0 : i32
          %dma_start3A_184 = tpu.memref_slice %arg4[%dma_start3A_182, %dma_start3A_183] : memref<10000x128xf32, #tpu.memory_space<hbm>> -> memref<10000x128xf32, #tpu.memory_space<hbm>>
          tpu.enqueue_indirect_dma source(%dma_start3A_184 : memref<10000x128xf32, #tpu.memory_space<hbm>>) target(%dma_start3A_180 : memref<128x128xf32, #tpu.memory_space<vmem>>) offsets(%dma_start3A_181 : memref<128xi32, #tpu.memory_space<vmem>>) semaphore(%arg12 : memref<!tpu.dma_semaphore, #tpu.memory_space<semaphore_mem>>)
        } else {
        }
        %add3A_165 = arith.constant 2 : i32
        %add3A_166 = arith.addi %add3A_133, %add3A_165 : i32
        %lt3A_167 = arith.cmpi slt, %add3A_166, %select_n3A : i32
        %convert_element_type3A_168 = arith.extui %lt3A_167 : i1 to i32
        %cond3A_169 = arith.constant 0 : i32
        %cond3A_170 = arith.cmpi ne, %convert_element_type3A_168, %cond3A_169 : i32
        scf.if %cond3A_170 {
          %add3A_172 = arith.constant 2 : i32
          %add3A_173 = arith.addi %add3A_133, %add3A_172 : i32
          %add3A_174 = arith.addi %add3A_4, %add3A_173 : i32
          %mul3A_175 = arith.constant 128 : i32
          %mul3A_176 = arith.muli %add3A_174, %mul3A_175 : i32
          %dma_start3A_177 = arith.constant 1 : i32
          %dma_start3A_178 = arith.constant 0 : i32
          %dma_start3A_179 = tpu.memref_slice %arg8[%dma_start3A_177, %dma_start3A_178] : memref<6x128xi32, #tpu.memory_space<vmem>> -> memref<1x128xi32, #tpu.memory_space<vmem>>
          %dma_start3A_180 = tpu.memref_squeeze %dma_start3A_179 : memref<1x128xi32, #tpu.memory_space<vmem>> -> memref<128xi32, #tpu.memory_space<vmem>>
          %dma_start3A_181 = tpu.memref_slice %arg3[%mul3A_176] : memref<320000xi32, #tpu.memory_space<hbm>> -> memref<128xi32, #tpu.memory_space<hbm>>
          %dma_start3A_182 = arith.constant 0 : i32
          %dma_start3A_183 = tpu.memref_slice %arg8[%dma_start3A_177, %dma_start3A_182] : memref<6x128xi32, #tpu.memory_space<vmem>> -> memref<1x128xi32, #tpu.memory_space<vmem>>
          %dma_start3A_184 = tpu.memref_squeeze %dma_start3A_183 : memref<1x128xi32, #tpu.memory_space<vmem>> -> memref<128xi32, #tpu.memory_space<vmem>>
          %dma_start3A_185 = tpu.memref_slice %arg3[%mul3A_176] : memref<320000xi32, #tpu.memory_space<hbm>> -> memref<128xi32, #tpu.memory_space<hbm>>
          tpu.enqueue_dma source(%dma_start3A_185 : memref<128xi32, #tpu.memory_space<hbm>>) target(%dma_start3A_184 : memref<128xi32, #tpu.memory_space<vmem>>) target_semaphore(%arg14 : memref<!tpu.dma_semaphore, #tpu.memory_space<semaphore_mem>>)
        } else {
        }
        %run_scoped3A = arith.constant 1 : i32
        %run_scoped3A_171 = arith.constant 5 : i32
        "tpu.region"() ({
          %run_scoped3A_172 = tpu.sem_alloc : memref<!tpu.dma_semaphore, #tpu.memory_space<semaphore_mem>>
          %dma_start3A_173 = arith.constant 0 : i32
          %dma_start3A_174 = arith.constant 0 : i32
          %dma_start3A_175 = tpu.memref_slice %arg9[%run_scoped3A, %dma_start3A_173, %dma_start3A_174] : memref<2x128x128xf32, #tpu.memory_space<vmem>> -> memref<1x128x128xf32, #tpu.memory_space<vmem>>
          %dma_start3A_176 = tpu.memref_squeeze %dma_start3A_175 : memref<1x128x128xf32, #tpu.memory_space<vmem>> -> memref<128x128xf32, #tpu.memory_space<vmem>>
          %dma_start3A_177 = arith.constant 0 : i32
          %dma_start3A_178 = tpu.memref_slice %arg8[%run_scoped3A_171, %dma_start3A_177] : memref<6x128xi32, #tpu.memory_space<vmem>> -> memref<1x128xi32, #tpu.memory_space<vmem>>
          %dma_start3A_179 = tpu.memref_squeeze %dma_start3A_178 : memref<1x128xi32, #tpu.memory_space<vmem>> -> memref<128xi32, #tpu.memory_space<vmem>>
          %dma_start3A_180 = arith.constant 0 : i32
          %dma_start3A_181 = arith.constant 0 : i32
          %dma_start3A_182 = tpu.memref_slice %arg10[%dma_start3A_180, %dma_start3A_181] : memref<10000x128xf32, #tpu.memory_space<vmem_shared>> -> memref<10000x128xf32, #tpu.memory_space<vmem_shared>>
          tpu.enqueue_indirect_dma source(%dma_start3A_176 : memref<128x128xf32, #tpu.memory_space<vmem>>) target(%dma_start3A_182 : memref<10000x128xf32, #tpu.memory_space<vmem_shared>>) offsets(%dma_start3A_179 : memref<128xi32, #tpu.memory_space<vmem>>) semaphore(%run_scoped3A_172 : memref<!tpu.dma_semaphore, #tpu.memory_space<semaphore_mem>>) {add = true}
          %dma_wait3A_183 = arith.constant 0 : i32
          %dma_wait3A_184 = arith.constant 0 : i32
          %dma_wait3A_185 = tpu.memref_slice %arg9[%run_scoped3A, %dma_wait3A_183, %dma_wait3A_184] : memref<2x128x128xf32, #tpu.memory_space<vmem>> -> memref<1x128x128xf32, #tpu.memory_space<vmem>>
          %dma_wait3A_186 = tpu.memref_squeeze %dma_wait3A_185 : memref<1x128x128xf32, #tpu.memory_space<vmem>> -> memref<128x128xf32, #tpu.memory_space<vmem>>
          %dma_wait3A_187 = arith.constant 0 : i32
          %dma_wait3A_188 = tpu.memref_slice %arg8[%run_scoped3A_171, %dma_wait3A_187] : memref<6x128xi32, #tpu.memory_space<vmem>> -> memref<1x128xi32, #tpu.memory_space<vmem>>
          %dma_wait3A_189 = tpu.memref_squeeze %dma_wait3A_188 : memref<1x128xi32, #tpu.memory_space<vmem>> -> memref<128xi32, #tpu.memory_space<vmem>>
          %dma_wait3A_190 = arith.constant 0 : i32
          %dma_wait3A_191 = arith.constant 0 : i32
          %dma_wait3A_192 = tpu.memref_slice %arg10[%dma_wait3A_190, %dma_wait3A_191] : memref<10000x128xf32, #tpu.memory_space<vmem_shared>> -> memref<10000x128xf32, #tpu.memory_space<vmem_shared>>
          tpu.wait_indirect_dma semaphore(%run_scoped3A_172 : memref<!tpu.dma_semaphore, #tpu.memory_space<semaphore_mem>>) src(%dma_wait3A_186 : memref<128x128xf32, #tpu.memory_space<vmem>>) dst(%dma_wait3A_192 : memref<10000x128xf32, #tpu.memory_space<vmem_shared>>)
          tpu.yield
        }) : () -> ()
      } else {
      }
    }
    %scan3A_78 = arith.constant 14 : i32
    %barrier3A_79 = arith.constant 0 : index
    tpu.barrier barrier_id(%barrier3A_79)
    %mul3A_80 = arith.constant 624 : i32
    %mul3A_81 = arith.muli %arg1, %mul3A_80 : i32
    %mul3A_82 = arith.constant 624 : i32
    %mul3A_83 = arith.muli %arg1, %mul3A_82 : i32
    "tpu.region"() ({
      %run_scoped3A = tpu.sem_alloc : memref<!tpu.dma_semaphore, #tpu.memory_space<semaphore_mem>>
      %dma_start3A_89 = arith.constant 0 : i32
      %dma_start3A_90 = tpu.memref_slice %arg6[%arg0, %mul3A_83, %dma_start3A_89] : memref<2x10000x128xf32, #tpu.memory_space<hbm>> -> memref<1x624x128xf32, #tpu.memory_space<hbm>>
      %dma_start3A_91 = tpu.memref_squeeze %dma_start3A_90 : memref<1x624x128xf32, #tpu.memory_space<hbm>> -> memref<624x128xf32, #tpu.memory_space<hbm>>
      %dma_start3A_92 = arith.constant 0 : i32
      %dma_start3A_93 = tpu.memref_slice %arg10[%mul3A_81, %dma_start3A_92] : memref<10000x128xf32, #tpu.memory_space<vmem_shared>> -> memref<624x128xf32, #tpu.memory_space<vmem_shared>>
      tpu.enqueue_dma source(%dma_start3A_93 : memref<624x128xf32, #tpu.memory_space<vmem_shared>>) target(%dma_start3A_91 : memref<624x128xf32, #tpu.memory_space<hbm>>) target_semaphore(%run_scoped3A : memref<!tpu.dma_semaphore, #tpu.memory_space<semaphore_mem>>)
      %dma_wait3A_94 = arith.constant 0 : i32
      %dma_wait3A_95 = tpu.memref_slice %arg6[%arg0, %mul3A_83, %dma_wait3A_94] : memref<2x10000x128xf32, #tpu.memory_space<hbm>> -> memref<1x624x128xf32, #tpu.memory_space<hbm>>
      %dma_wait3A_96 = tpu.memref_squeeze %dma_wait3A_95 : memref<1x624x128xf32, #tpu.memory_space<hbm>> -> memref<624x128xf32, #tpu.memory_space<hbm>>
      %dma_wait3A_97 = arith.constant 0 : i32
      %dma_wait3A_98 = tpu.memref_slice %arg10[%mul3A_81, %dma_wait3A_97] : memref<10000x128xf32, #tpu.memory_space<vmem_shared>> -> memref<624x128xf32, #tpu.memory_space<vmem_shared>>
      tpu.wait_dma2 semaphore(%run_scoped3A : memref<!tpu.dma_semaphore, #tpu.memory_space<semaphore_mem>>) src(%dma_wait3A_98 : memref<624x128xf32, #tpu.memory_space<vmem_shared>>) dst(%dma_wait3A_96 : memref<624x128xf32, #tpu.memory_space<hbm>>)
      tpu.yield
    }) : () -> ()
    %eq3A_84 = arith.constant 15 : i32
    %eq3A_85 = arith.cmpi eq, %arg1, %eq3A_84 : i32
    %convert_element_type3A_86 = arith.extui %eq3A_85 : i1 to i32
    %cond3A_87 = arith.constant 0 : i32
    %cond3A_88 = arith.cmpi ne, %convert_element_type3A_86, %cond3A_87 : i32
    scf.if %cond3A_88 {
      "tpu.region"() ({
        %run_scoped3A = tpu.sem_alloc : memref<!tpu.dma_semaphore, #tpu.memory_space<semaphore_mem>>
        %dma_start3A_89 = arith.constant 9984 : i32
        %dma_start3A_90 = arith.constant 0 : i32
        %dma_start3A_91 = tpu.memref_slice %arg6[%arg0, %dma_start3A_89, %dma_start3A_90] : memref<2x10000x128xf32, #tpu.memory_space<hbm>> -> memref<1x16x128xf32, #tpu.memory_space<hbm>>
        %dma_start3A_92 = tpu.memref_squeeze %dma_start3A_91 : memref<1x16x128xf32, #tpu.memory_space<hbm>> -> memref<16x128xf32, #tpu.memory_space<hbm>>
        %dma_start3A_93 = arith.constant 9984 : i32
        %dma_start3A_94 = arith.constant 0 : i32
        %dma_start3A_95 = tpu.memref_slice %arg10[%dma_start3A_93, %dma_start3A_94] : memref<10000x128xf32, #tpu.memory_space<vmem_shared>> -> memref<16x128xf32, #tpu.memory_space<vmem_shared>>
        tpu.enqueue_dma source(%dma_start3A_95 : memref<16x128xf32, #tpu.memory_space<vmem_shared>>) target(%dma_start3A_92 : memref<16x128xf32, #tpu.memory_space<hbm>>) target_semaphore(%run_scoped3A : memref<!tpu.dma_semaphore, #tpu.memory_space<semaphore_mem>>)
        %dma_wait3A_96 = arith.constant 9984 : i32
        %dma_wait3A_97 = arith.constant 0 : i32
        %dma_wait3A_98 = tpu.memref_slice %arg6[%arg0, %dma_wait3A_96, %dma_wait3A_97] : memref<2x10000x128xf32, #tpu.memory_space<hbm>> -> memref<1x16x128xf32, #tpu.memory_space<hbm>>
        %dma_wait3A_99 = tpu.memref_squeeze %dma_wait3A_98 : memref<1x16x128xf32, #tpu.memory_space<hbm>> -> memref<16x128xf32, #tpu.memory_space<hbm>>
        %dma_wait3A_100 = arith.constant 9984 : i32
        %dma_wait3A_101 = arith.constant 0 : i32
        %dma_wait3A_102 = tpu.memref_slice %arg10[%dma_wait3A_100, %dma_wait3A_101] : memref<10000x128xf32, #tpu.memory_space<vmem_shared>> -> memref<16x128xf32, #tpu.memory_space<vmem_shared>>
        tpu.wait_dma2 semaphore(%run_scoped3A : memref<!tpu.dma_semaphore, #tpu.memory_space<semaphore_mem>>) src(%dma_wait3A_102 : memref<16x128xf32, #tpu.memory_space<vmem_shared>>) dst(%dma_wait3A_99 : memref<16x128xf32, #tpu.memory_space<hbm>>)
        tpu.yield
      }) : () -> ()
    } else {
    }
    return
  }
}

module attributes {stable_mosaic.version = 14 : i64} {
  func.func @_mm1_body(%arg0: i32, %arg1: memref<1000x128xf32, #tpu.memory_space<vmem>>, %arg2: memref<128x128xf32, #tpu.memory_space<vmem>>, %arg3: memref<2x1000x16xf32, #tpu.memory_space<vmem>>, %arg4: memref<1000x128xf32, #tpu.memory_space<vmem>>) attributes {dimension_semantics = [#tpu.dimension_semantics<arbitrary>], iteration_bounds = array<i64: 10>, scalar_prefetch = 0 : i64, scratch_operands = 0 : i64, tpu.core_type = #tpu.core_type<tc>, window_params = [{transform_indices = @transform_0, window_bounds = array<i64: 1000, 128>}, {pipeline_mode = #tpu.pipeline_mode<synchronous>, transform_indices = @transform_1, window_bounds = array<i64: 128, 128>}, {transform_indices = @transform_2, window_bounds = array<i64: 2, 1000, 16>}, {transform_indices = @transform_3, window_bounds = array<i64: 1000, 128>}]} {
    %get3A = arith.constant 0 : index
    %get3A_0 = arith.constant 0 : index
    %get3A_1 = vector.load %arg1[%get3A, %get3A_0] : memref<1000x128xf32, #tpu.memory_space<vmem>>, vector<1000x128xf32>
    %get3A_2 = arith.constant 0 : index
    %get3A_3 = arith.constant 0 : index
    %get3A_4 = vector.load %arg2[%get3A_2, %get3A_3] : memref<128x128xf32, #tpu.memory_space<vmem>>, vector<128x128xf32>
    %dot_general3A = arith.constant dense<0.000000e+00> : vector<1000x128xf32>
    %dot_general3A_5 = tpu.matmul %get3A_1, %get3A_4, %dot_general3A {dimension_numbers = #tpu.dot_dimension_numbers<[1], [0], [0], [1], [0, 0, 1, 1], [], []>, transpose_lhs_hint = false} : vector<1000x128xf32>, vector<128x128xf32>, vector<1000x128xf32> -> vector<1000x128xf32>
    %get3A_6 = arith.constant 0 : index
    %get3A_7 = arith.constant 0 : index
    %get3A_8 = arith.constant 0 : index
    %get3A_9 = vector.load %arg3[%get3A_6, %get3A_7, %get3A_8] : memref<2x1000x16xf32, #tpu.memory_space<vmem>>, vector<1x1000x1xf32>
    %get3A_10 = vector.shape_cast %get3A_9 : vector<1x1000x1xf32> to vector<1000x1xf32>
    %get3A_11 = arith.constant 1 : index
    %get3A_12 = arith.constant 0 : index
    %get3A_13 = arith.constant 0 : index
    %get3A_14 = vector.load %arg3[%get3A_11, %get3A_12, %get3A_13] : memref<2x1000x16xf32, #tpu.memory_space<vmem>>, vector<1x1000x1xf32>
    %get3A_15 = vector.shape_cast %get3A_14 : vector<1x1000x1xf32> to vector<1000x1xf32>
    %add3A = arith.addf %get3A_10, %get3A_15 : vector<1000x1xf32>
    %sub3A = arith.constant 1.000000e+00 : f32
    %sub3A_16 = vector.broadcast %sub3A : f32 to vector<1000x1xf32>
    %sub3A_17 = arith.subf %add3A, %sub3A_16 : vector<1000x1xf32>
    %rsqrt3A = math.rsqrt %sub3A_17 : vector<1000x1xf32>
    %mul3A = vector.broadcast %rsqrt3A : vector<1000x1xf32> to vector<1000x128xf32>
    %mul3A_18 = arith.mulf %dot_general3A_5, %mul3A : vector<1000x128xf32>
    %swap3A = arith.constant 0 : index
    %swap3A_19 = arith.constant 0 : index
    %swap3A_20 = vector.load %arg4[%swap3A, %swap3A_19] : memref<1000x128xf32, #tpu.memory_space<vmem>>, vector<1000x128xf32>
    tpu.vector_store %arg4[%swap3A, %swap3A_19], %mul3A_18 {strides = array<i32>} : memref<1000x128xf32, #tpu.memory_space<vmem>>, vector<1000x128xf32>,
    return
  }
  func.func @transform_0(%arg0: i32) -> (i32, i32) {
    %c0_i32 = arith.constant 0 : i32
    %c0_i32_0 = arith.constant 0 : i32
    return %arg0, %c0_i32 : i32, i32
  }
  func.func @transform_1(%arg0: i32) -> (i32, i32) {
    %c0_i32 = arith.constant 0 : i32
    %c0_i32_0 = arith.constant 0 : i32
    %c0_i32_1 = arith.constant 0 : i32
    return %c0_i32, %c0_i32_0 : i32, i32
  }
  func.func @transform_2(%arg0: i32) -> (i32, i32, i32) {
    %c0_i32 = arith.constant 0 : i32
    %c0_i32_0 = arith.constant 0 : i32
    %c0_i32_1 = arith.constant 0 : i32
    return %c0_i32, %arg0, %c0_i32_0 : i32, i32, i32
  }
  func.func @transform_3(%arg0: i32) -> (i32, i32) {
    %c0_i32 = arith.constant 0 : i32
    %c0_i32_0 = arith.constant 0 : i32
    return %arg0, %c0_i32 : i32, i32
  }
}

module attributes {stable_mosaic.version = 14 : i64} {
  func.func @_mm2_body(%arg0: i32, %arg1: memref<2x1000x128xf32, #tpu.memory_space<vmem>>, %arg2: memref<2x1000x16xf32, #tpu.memory_space<vmem>>, %arg3: memref<128xf32, #tpu.memory_space<vmem>>, %arg4: memref<128x128xf32, #tpu.memory_space<vmem>>, %arg5: memref<1000x128xf32, #tpu.memory_space<vmem>>) attributes {dimension_semantics = [#tpu.dimension_semantics<arbitrary>], iteration_bounds = array<i64: 10>, scalar_prefetch = 0 : i64, scratch_operands = 0 : i64, tpu.core_type = #tpu.core_type<tc>, window_params = [{transform_indices = @transform_0, window_bounds = array<i64: 2, 1000, 128>}, {transform_indices = @transform_1, window_bounds = array<i64: 2, 1000, 16>}, {pipeline_mode = #tpu.pipeline_mode<synchronous>, transform_indices = @transform_2, window_bounds = array<i64: 128>}, {pipeline_mode = #tpu.pipeline_mode<synchronous>, transform_indices = @transform_3, window_bounds = array<i64: 128, 128>}, {transform_indices = @transform_4, window_bounds = array<i64: 1000, 128>}]} {
    %get3A = arith.constant 0 : index
    %get3A_0 = arith.constant 0 : index
    %get3A_1 = arith.constant 0 : index
    %get3A_2 = vector.load %arg2[%get3A, %get3A_0, %get3A_1] : memref<2x1000x16xf32, #tpu.memory_space<vmem>>, vector<1x1000x1xf32>
    %get3A_3 = vector.shape_cast %get3A_2 : vector<1x1000x1xf32> to vector<1000x1xf32>
    %get3A_4 = arith.constant 1 : index
    %get3A_5 = arith.constant 0 : index
    %get3A_6 = arith.constant 0 : index
    %get3A_7 = vector.load %arg2[%get3A_4, %get3A_5, %get3A_6] : memref<2x1000x16xf32, #tpu.memory_space<vmem>>, vector<1x1000x1xf32>
    %get3A_8 = vector.shape_cast %get3A_7 : vector<1x1000x1xf32> to vector<1000x1xf32>
    %add3A = arith.addf %get3A_3, %get3A_8 : vector<1000x1xf32>
    %sub3A = arith.constant 1.000000e+00 : f32
    %sub3A_9 = vector.broadcast %sub3A : f32 to vector<1000x1xf32>
    %sub3A_10 = arith.subf %add3A, %sub3A_9 : vector<1000x1xf32>
    %rsqrt3A = math.rsqrt %sub3A_10 : vector<1000x1xf32>
    %get3A_11 = arith.constant 0 : index
    %get3A_12 = arith.constant 0 : index
    %get3A_13 = arith.constant 0 : index
    %get3A_14 = vector.load %arg1[%get3A_11, %get3A_12, %get3A_13] : memref<2x1000x128xf32, #tpu.memory_space<vmem>>, vector<1x1000x128xf32>
    %get3A_15 = vector.shape_cast %get3A_14 : vector<1x1000x128xf32> to vector<1000x128xf32>
    %get3A_16 = arith.constant 1 : index
    %get3A_17 = arith.constant 0 : index
    %get3A_18 = arith.constant 0 : index
    %get3A_19 = vector.load %arg1[%get3A_16, %get3A_17, %get3A_18] : memref<2x1000x128xf32, #tpu.memory_space<vmem>>, vector<1x1000x128xf32>
    %get3A_20 = vector.shape_cast %get3A_19 : vector<1x1000x128xf32> to vector<1000x128xf32>
    %add3A_21 = arith.addf %get3A_15, %get3A_20 : vector<1000x128xf32>
    %mul3A = vector.broadcast %rsqrt3A : vector<1000x1xf32> to vector<1000x128xf32>
    %mul3A_22 = arith.mulf %add3A_21, %mul3A : vector<1000x128xf32>
    %get3A_23 = arith.constant 0 : index
    %get3A_24 = vector.load %arg3[%get3A_23] : memref<128xf32, #tpu.memory_space<vmem>>, vector<128xf32>
    %broadcast_in_dim3A = vector.shape_cast %get3A_24 : vector<128xf32> to vector<1x128xf32>
    %add3A_25 = vector.broadcast %broadcast_in_dim3A : vector<1x128xf32> to vector<1000x128xf32>
    %add3A_26 = arith.addf %mul3A_22, %add3A_25 : vector<1000x128xf32>
    %max3A = arith.constant 0.000000e+00 : f32
    %max3A_27 = vector.broadcast %max3A : f32 to vector<1000x128xf32>
    %max3A_28 = arith.maximumf %add3A_26, %max3A_27 : vector<1000x128xf32>
    %get3A_29 = arith.constant 0 : index
    %get3A_30 = arith.constant 0 : index
    %get3A_31 = vector.load %arg4[%get3A_29, %get3A_30] : memref<128x128xf32, #tpu.memory_space<vmem>>, vector<128x128xf32>
    %dot_general3A = arith.constant dense<0.000000e+00> : vector<1000x128xf32>
    %dot_general3A_32 = tpu.matmul %max3A_28, %get3A_31, %dot_general3A {dimension_numbers = #tpu.dot_dimension_numbers<[1], [0], [0], [1], [0, 0, 1, 1], [], []>, transpose_lhs_hint = false} : vector<1000x128xf32>, vector<128x128xf32>, vector<1000x128xf32> -> vector<1000x128xf32>
    %mul3A_33 = vector.broadcast %rsqrt3A : vector<1000x1xf32> to vector<1000x128xf32>
    %mul3A_34 = arith.mulf %dot_general3A_32, %mul3A_33 : vector<1000x128xf32>
    %swap3A = arith.constant 0 : index
    %swap3A_35 = arith.constant 0 : index
    %swap3A_36 = vector.load %arg5[%swap3A, %swap3A_35] : memref<1000x128xf32, #tpu.memory_space<vmem>>, vector<1000x128xf32>
    tpu.vector_store %arg5[%swap3A, %swap3A_35], %mul3A_34 {strides = array<i32>} : memref<1000x128xf32, #tpu.memory_space<vmem>>, vector<1000x128xf32>,
    return
  }
  func.func @transform_0(%arg0: i32) -> (i32, i32, i32) {
    %c0_i32 = arith.constant 0 : i32
    %c0_i32_0 = arith.constant 0 : i32
    %c0_i32_1 = arith.constant 0 : i32
    return %c0_i32, %arg0, %c0_i32_0 : i32, i32, i32
  }
  func.func @transform_1(%arg0: i32) -> (i32, i32, i32) {
    %c0_i32 = arith.constant 0 : i32
    %c0_i32_0 = arith.constant 0 : i32
    %c0_i32_1 = arith.constant 0 : i32
    return %c0_i32, %arg0, %c0_i32_0 : i32, i32, i32
  }
  func.func @transform_2(%arg0: i32) -> i32 {
    %c0_i32 = arith.constant 0 : i32
    %c0_i32_0 = arith.constant 0 : i32
    return %c0_i32 : i32
  }
  func.func @transform_3(%arg0: i32) -> (i32, i32) {
    %c0_i32 = arith.constant 0 : i32
    %c0_i32_0 = arith.constant 0 : i32
    %c0_i32_1 = arith.constant 0 : i32
    return %c0_i32, %c0_i32_0 : i32, i32
  }
  func.func @transform_4(%arg0: i32) -> (i32, i32) {
    %c0_i32 = arith.constant 0 : i32
    %c0_i32_0 = arith.constant 0 : i32
    return %arg0, %c0_i32 : i32, i32
  }
}

module attributes {stable_mosaic.version = 14 : i64} {
  func.func @_final_body(%arg0: i32, %arg1: memref<2x1000x128xf32, #tpu.memory_space<vmem>>, %arg2: memref<2x1000x16xf32, #tpu.memory_space<vmem>>, %arg3: memref<64xf32, #tpu.memory_space<vmem>>, %arg4: memref<1000x64xf32, #tpu.memory_space<vmem>>) attributes {dimension_semantics = [#tpu.dimension_semantics<arbitrary>], iteration_bounds = array<i64: 10>, scalar_prefetch = 0 : i64, scratch_operands = 0 : i64, tpu.core_type = #tpu.core_type<tc>, window_params = [{transform_indices = @transform_0, window_bounds = array<i64: 2, 1000, 128>}, {transform_indices = @transform_1, window_bounds = array<i64: 2, 1000, 16>}, {pipeline_mode = #tpu.pipeline_mode<synchronous>, transform_indices = @transform_2, window_bounds = array<i64: 64>}, {transform_indices = @transform_3, window_bounds = array<i64: 1000, 64>}]} {
    %get3A = arith.constant 0 : index
    %get3A_0 = arith.constant 0 : index
    %get3A_1 = arith.constant 0 : index
    %get3A_2 = vector.load %arg2[%get3A, %get3A_0, %get3A_1] : memref<2x1000x16xf32, #tpu.memory_space<vmem>>, vector<1x1000x1xf32>
    %get3A_3 = vector.shape_cast %get3A_2 : vector<1x1000x1xf32> to vector<1000x1xf32>
    %get3A_4 = arith.constant 1 : index
    %get3A_5 = arith.constant 0 : index
    %get3A_6 = arith.constant 0 : index
    %get3A_7 = vector.load %arg2[%get3A_4, %get3A_5, %get3A_6] : memref<2x1000x16xf32, #tpu.memory_space<vmem>>, vector<1x1000x1xf32>
    %get3A_8 = vector.shape_cast %get3A_7 : vector<1x1000x1xf32> to vector<1000x1xf32>
    %add3A = arith.addf %get3A_3, %get3A_8 : vector<1000x1xf32>
    %sub3A = arith.constant 1.000000e+00 : f32
    %sub3A_9 = vector.broadcast %sub3A : f32 to vector<1000x1xf32>
    %sub3A_10 = arith.subf %add3A, %sub3A_9 : vector<1000x1xf32>
    %rsqrt3A = math.rsqrt %sub3A_10 : vector<1000x1xf32>
    %get3A_11 = arith.constant 0 : index
    %get3A_12 = arith.constant 0 : index
    %get3A_13 = arith.constant 0 : index
    %get3A_14 = vector.load %arg1[%get3A_11, %get3A_12, %get3A_13] : memref<2x1000x128xf32, #tpu.memory_space<vmem>>, vector<1x1000x64xf32>
    %get3A_15 = vector.shape_cast %get3A_14 : vector<1x1000x64xf32> to vector<1000x64xf32>
    %get3A_16 = arith.constant 1 : index
    %get3A_17 = arith.constant 0 : index
    %get3A_18 = arith.constant 0 : index
    %get3A_19 = vector.load %arg1[%get3A_16, %get3A_17, %get3A_18] : memref<2x1000x128xf32, #tpu.memory_space<vmem>>, vector<1x1000x64xf32>
    %get3A_20 = vector.shape_cast %get3A_19 : vector<1x1000x64xf32> to vector<1000x64xf32>
    %add3A_21 = arith.addf %get3A_15, %get3A_20 : vector<1000x64xf32>
    %mul3A = vector.broadcast %rsqrt3A : vector<1000x1xf32> to vector<1000x64xf32>
    %mul3A_22 = arith.mulf %add3A_21, %mul3A : vector<1000x64xf32>
    %get3A_23 = arith.constant 0 : index
    %get3A_24 = vector.load %arg3[%get3A_23] : memref<64xf32, #tpu.memory_space<vmem>>, vector<64xf32>
    %broadcast_in_dim3A = vector.shape_cast %get3A_24 : vector<64xf32> to vector<1x64xf32>
    %add3A_25 = vector.broadcast %broadcast_in_dim3A : vector<1x64xf32> to vector<1000x64xf32>
    %add3A_26 = arith.addf %mul3A_22, %add3A_25 : vector<1000x64xf32>
    %reduce_max3A = arith.constant dense<0xFF800000> : vector<1000xf32>
    %reduce_max3A_27 = vector.multi_reduction <maximumf>, %add3A_26, %reduce_max3A [1] : vector<1000x64xf32> to vector<1000xf32>
    %broadcast_in_dim3A_28 = vector.shape_cast %reduce_max3A_27 : vector<1000xf32> to vector<1000x1xf32>
    %sub3A_29 = vector.broadcast %broadcast_in_dim3A_28 : vector<1000x1xf32> to vector<1000x64xf32>
    %sub3A_30 = arith.subf %add3A_26, %sub3A_29 : vector<1000x64xf32>
    %exp3A = math.exp %sub3A_30 : vector<1000x64xf32>
    %reduce_sum3A = arith.constant dense<0.000000e+00> : vector<1000xf32>
    %reduce_sum3A_31 = vector.multi_reduction <add>, %exp3A, %reduce_sum3A [1] : vector<1000x64xf32> to vector<1000xf32>
    %broadcast_in_dim3A_32 = vector.shape_cast %reduce_sum3A_31 : vector<1000xf32> to vector<1000x1xf32>
    %log3A = math.log %broadcast_in_dim3A_32 : vector<1000x1xf32>
    %sub3A_33 = vector.broadcast %log3A : vector<1000x1xf32> to vector<1000x64xf32>
    %sub3A_34 = arith.subf %sub3A_30, %sub3A_33 : vector<1000x64xf32>
    %swap3A = arith.constant 0 : index
    %swap3A_35 = arith.constant 0 : index
    %swap3A_36 = vector.load %arg4[%swap3A, %swap3A_35] : memref<1000x64xf32, #tpu.memory_space<vmem>>, vector<1000x64xf32>
    tpu.vector_store %arg4[%swap3A, %swap3A_35], %sub3A_34 {strides = array<i32>} : memref<1000x64xf32, #tpu.memory_space<vmem>>, vector<1000x64xf32>,
    return
  }
  func.func @transform_0(%arg0: i32) -> (i32, i32, i32) {
    %c0_i32 = arith.constant 0 : i32
    %c0_i32_0 = arith.constant 0 : i32
    %c0_i32_1 = arith.constant 0 : i32
    return %c0_i32, %arg0, %c0_i32_0 : i32, i32, i32
  }
  func.func @transform_1(%arg0: i32) -> (i32, i32, i32) {
    %c0_i32 = arith.constant 0 : i32
    %c0_i32_0 = arith.constant 0 : i32
    %c0_i32_1 = arith.constant 0 : i32
    return %c0_i32, %arg0, %c0_i32_0 : i32, i32, i32
  }
  func.func @transform_2(%arg0: i32) -> i32 {
    %c0_i32 = arith.constant 0 : i32
    %c0_i32_0 = arith.constant 0 : i32
    return %c0_i32 : i32
  }
  func.func @transform_3(%arg0: i32) -> (i32, i32) {
    %c0_i32 = arith.constant 0 : i32
    %c0_i32_0 = arith.constant 0 : i32
    return %arg0, %c0_i32 : i32, i32
  }
}

</mosaic_0001>

<sc_bundles>
// kernel: kernel.11.cloned.1.call-start
scs
__scs_entry_jumppad:
0x0: {  	(pc) =	sbr.rel $0x88, $3  }
0x1: {  	(tag) =	ssettag $0x0;
	lr =	simm.s32 $0x1  }
0x2: {  	[smem:$0x3F9B] =	sst lr;
	_ =	strace $0xD0000000  }
0x3: {  	_ = 	snop  }
0x4: {  	_ = 	snop  }
0x5: {  	_ = 	snop  }
0x6: {  	_ = 	snop  }
0x7: {  	_ = 	snop  }
__scs_overlays_trampoline_lowered:
0x8: {  	[smem:$0x3FAA] =	sst s0  }
0x9: {  	[smem:$0x3FAB] =	sst s1  }
0xa: {  	[smem:$0x3FAC] =	sst s2  }
0xb: {  	[smem:$0x3FAD] =	sst s3  }
0xc: {  	[smem:$0x3FAE] =	sst s4  }
0xd: {  	[smem:$0x3FAF] =	sst s5  }
0xe: {  	[smem:$0x3FB0] =	sst s6  }
0xf: {  	[smem:$0x3FB1] =	sst s7  }
0x10: {  	[smem:$0x3FB2] =	sst s8  }
0x11: {  	[smem:$0x3FB3] =	sst s9;
	s0 =	simm.s32 @!p0 $0x0  }
0x12: {  	s1 =	sld [smem:$0x3F99];
	s0 =	simm.s32 @p0 $0x1  }
0x13: {  	[smem:$0x3FB4] =	sst s0;
	s0 =	simm.s32 @!p1 $0x0  }
0x14: {  	s2 =	sld [smem:$0x3F98];
	s0 =	simm.s32 @p1 $0x1  }
0x15: {  	[smem:$0x3FB5] =	sst s0;
	s0 =	simm.s32 @!p2 $0x0  }
0x16: {  	s3 =	sld [smem:$0x3FDB];
	s0 =	simm.s32 @p2 $0x1  }
0x17: {  	s4 =	simm.s32 $0x1BF5;
	[smem:$0x3FB7] =	sst s0  }
0x18: {  	s0 =	sld [smem:$0x3F9A];
	_ =	swait.ge [sflag:s4], $0x0  }
0x19: {  	s7 =	sld [smem:$0x3F9B]  }
0x1a: {  	s8 =	sadd.s32 $0xFFFFE003, lr  }
0x1b: {  	s9 =	sadd.s32 $0xFFFFFEF7, lr;
	s5 =	simm.s32 $0xFFFFFFFF;
	p2 =	slt.u32 s8, $0xFFFFF086  }
0x1c: {  	p1 =	slt.u32 s9, $0xF7A;
	s5 =	simm.s32 @!p2 $0x0  }
0x1d: {  	s5 =	simm.s32 @p1 $0x1;
	p0 =	seq.s32 s7, s2  }
0x1e: {  	s7 =	smul.u32 @!p0 $0xF7A, s2;
	p2 =	seq.s32 @!p0 s5, $0x0  }
0x1f: {  	s9 =	smul.u32 $0xF7A, s1;
	s8 =	simm.s32 @!p0 $0x1BF5;
	p2 =	por !p2, p0  }
0x20: {  	[sflag:s8] =	ssyncset.s32 @!p0 $0xFFFFF086;
	s6 =	sadd.s32 @!p0 s3, s7;
	s7 =	simm.s32 @!p0 $0x108  }
0x21: {  	s3 =	sadd.s32 s3, s9;
	s6 =	sadd.s32 @!p0 $0x88, s6;
	s7 =	simm.s32 @p2 $0x1082  }
0x22: {  	[simem:s7], [sflag:s8] =	dma.local @!p0 [hbm:s6], $0xF7A  }
0x23: {  	s9 =	sor.u32 $0xD0000000, s2;
	s6 =	simm.s32 $0x108;
	_ =	swait.ge @!p0 [sflag:s8], $0x0  }
0x24: {  	s3 =	sadd.s32 $0x88, s3;
	s6 =	simm.s32 @!p1 $0x1082;
	[sflag:s4] =	ssyncset.s32 $0xFFFFF086  }
0x25: {  	[simem:s6], [sflag:s4] =	dma.local [hbm:s3], $0xF7A  }
0x26: {  	[smem:$0x3F9B] =	sst s1;
	(tag) =	ssettag s2;
	_ =	strace s9  }
0x27: {  	s1 =	sld [smem:$0x3FAB]  }
0x28: {  	s2 =	sld [smem:$0x3FAC]  }
0x29: {  	s4 =	sld [smem:$0x3FAE]  }
0x2a: {  	p0 =	seq.s32 s5, $0x0;
	s5 =	sld [smem:$0x3FAF]  }
0x2b: {  	s6 =	sld [smem:$0x3FB0]  }
0x2c: {  	s7 =	sld [smem:$0x3FB1]  }
0x2d: {  	s3 =	simm.s32 $0x108;
	s8 =	sld [smem:$0x3FB2]  }
0x2e: {  	s3 =	simm.s32 @!p0 $0x1082;
	s9 =	sld [smem:$0x3FB3]  }
0x2f: {  	lr =	sadd.s32 s0, s3;
	s0 =	sld [smem:$0x3FAA]  }
0x30: {  	s3 =	sld [smem:$0x3FAD]  }
0x31: {  	[smem:$0x3FB6] =	sst s10  }
0x32: {  	s10 =	sld [smem:$0x3FB4];
	_ =	sdelay $0x3  }
0x33: {  	p0 =	seq.s32 s10, $0x1;
	s10 =	sld [smem:$0x3FB6];
	_ =	sdelay $0x3  }
0x34: {  	[smem:$0x3FB6] =	sst s10  }
0x35: {  	s10 =	sld [smem:$0x3FB5];
	_ =	sdelay $0x3  }
0x36: {  	p1 =	seq.s32 s10, $0x1;
	s10 =	sld [smem:$0x3FB6];
	_ =	sdelay $0x3  }
0x37: {  	[smem:$0x3FB6] =	sst s10  }
0x38: {  	s10 =	sld [smem:$0x3FB7]  }
0x39: {  	_ = 	snop;
	(pc) =	sbr.ind lr, $3  }
0x3a: {  	_ = 	snop  }
0x3b: {  	_ = 	snop  }
0x3c: {  	p2 =	seq.s32 s10, $0x1;
	s10 =	sld [smem:$0x3FB6]  }
0x3d: {  	_ =	shalt  }
0x3e: {  	_ =	shalt  }
0x3f: {  	_ =	shalt  }
0x40: {  	_ =	shalt  }
0x41: {  	_ =	shalt  }
0x42: {  	_ =	shalt  }
0x43: {  	_ =	shalt  }
0x44: {  	_ =	shalt  }
0x45: {  	_ =	shalt  }
0x46: {  	_ =	shalt  }
0x47: {  	_ =	shalt  }
0x48: {  	_ =	shalt  }
0x49: {  	_ =	shalt  }
0x4a: {  	_ =	shalt  }
0x4b: {  	_ =	shalt  }
0x4c: {  	_ =	shalt  }
0x4d: {  	_ =	shalt  }
0x4e: {  	_ =	shalt  }
0x4f: {  	_ =	shalt  }
0x50: {  	_ =	shalt  }
0x51: {  	_ =	shalt  }
0x52: {  	_ =	shalt  }
0x53: {  	_ =	shalt  }
0x54: {  	_ =	shalt  }
0x55: {  	_ =	shalt  }
0x56: {  	_ =	shalt  }
0x57: {  	_ =	shalt  }
0x58: {  	_ =	shalt  }
0x59: {  	_ =	shalt  }
0x5a: {  	_ =	shalt  }
0x5b: {  	_ =	shalt  }
0x5c: {  	_ =	shalt  }
0x5d: {  	_ =	shalt  }
0x5e: {  	_ =	shalt  }
0x5f: {  	_ =	shalt  }
0x60: {  	_ =	shalt  }
0x61: {  	_ =	shalt  }
0x62: {  	_ =	shalt  }
0x63: {  	_ =	shalt  }
0x64: {  	_ =	shalt  }
0x65: {  	_ =	shalt  }
0x66: {  	_ =	shalt  }
0x67: {  	_ =	shalt  }
0x68: {  	_ =	shalt  }
0x69: {  	_ =	shalt  }
0x6a: {  	_ =	shalt  }
0x6b: {  	_ =	shalt  }
0x6c: {  	_ =	shalt  }
0x6d: {  	_ =	shalt  }
0x6e: {  	_ =	shalt  }
0x6f: {  	_ =	shalt  }
0x70: {  	_ =	shalt  }
0x71: {  	_ =	shalt  }
0x72: {  	_ =	shalt  }
0x73: {  	_ =	shalt  }
0x74: {  	_ =	shalt  }
0x75: {  	_ =	shalt  }
0x76: {  	_ =	shalt  }
0x77: {  	_ =	shalt  }
0x78: {  	_ =	shalt  }
0x79: {  	_ =	shalt  }
0x7a: {  	_ =	shalt  }
0x7b: {  	_ =	shalt  }
0x7c: {  	_ =	shalt  }
0x7d: {  	_ =	shalt  }
0x7e: {  	_ =	shalt  }
0x7f: {  	_ =	shalt  }
0x80: {  	_ =	shalt  }
0x81: {  	_ =	shalt  }
0x82: {  	_ =	shalt  }
0x83: {  	_ =	shalt  }
0x84: {  	_ =	shalt  }
0x85: {  	_ =	shalt  }
0x86: {  	_ =	shalt  }
0x87: {  	_ =	shalt  }
.Lfunc_end0:
.L_simem_size_0:
called_computation.1_lowered:
.L_overlay_start_0:
0x88: {  	s2 =	sld [smem:$0x3FD9]  }
0x89: {  	s3 =	sld [smem:$0x3FFE];
	_ =	sdelay $0x1  }
0x8a: {  	s1 =	srdreg.scid  }
0x8b: {  	s0 =	sand.u32 $0x1, s1  }
0x8c: {  	s17 =	sshll.u32 s0, $0xA;
	s2 =	sadd.s32 s3, s2  }
0x8d: {  	s2 =	sadd.s32 s2, s17  }
0x8e: {  	[smem:$0x3FC2] =	sst s2  }
0x8f: {  	_ = 	snop  }
0x90: {  	s2 =	sld [smem:$0x3FD0];
	(tm) =	ssettm $0x1  }
0x91: {  	s18 =	sld [smem:$0x3FFB];
	_ =	sdelay $0x3  }
0x92: {  	_ =	strace s18  }
0x93: {  	s3 =	sld [smem:$0x3FFC];
	_ =	sdelay $0x3  }
0x94: {  	_ =	strace s3  }
0x95: {  	s3 =	sld [smem:$0x3FFD];
	_ =	sdelay $0x3  }
0x96: {  	_ =	strace s3  }
0x97: {  	_ =	strace $0x8FFFFFFF  }
0x98: {  	s19 =	sld [smem:$0x3FDB];
	_ =	sdelay $0x1  }
0x99: {  	s4 =	simm.s32 $_scs_section_size  }
0x9a: {  	s5 =	simm.s32 $_size__tile_overlayer_lowered;
	s6 =	simm.s32 $_tile_overlayer_lowered  }
0x9b: {  	s22 =	simm.s32 $0x1BFF;
	s21 =	sshll.u32 s6, $0x1;
	s3 =	sadd.s32 s4, s19  }
0x9c: {  	s7 =	simm.s32 $0x0;
	s20 =	sshll.u32 s5, $0x1;
	s5 =	sadd.s32 s21, s3  }
0x9d: {  	[timem:s7], [sflag:s22] =	dma.local [hbm:s5], s20  }
0x9e: {  	_ =	swait.ge [sflag:s22], s20  }
0x9f: {  	s4 =	ssub.s32 $0x0, s20;
	[sflag:s22] =	ssyncset.done $0x0  }
0xa0: {  	[sflag:s22] =	ssyncadd.s32 s4;
	_ =	sdelay $0x1  }
0xa1: {  	s23 =	simm.s32 $0x1B8B  }
0xa2: {  	_ =	swait.ge [sflag:s23], $0x1  }
0xa3: {  	[sflag:s23] =	ssyncset.done $0x0  }
0xa4: {  	s25 =	simm.s32 $0x1B8E;
	s24 =	sld [smem:$0x3FFE];
	[sflag:s23] =	ssyncadd.s32 $0xFFFFFFFF  }
0xa5: {  	s26 =	simm.s32 $execute0_lowered;
	[smem:$0x3FD2] =	sst s25  }
0xa6: {  	s5 =	sshll.u32 s26, $0x1;
	_ =	strace $0x80000049;
	[dreg:$0x1] =	wrdreg $0xFFFFFFFF  }
0xa7: {  	s28 =	simm.s32 $_size_execute0_lowered;
	s3 =	sadd.s32 s3, s5;
	[dreg:$0x0] =	wrdreg $0x0  }
0xa8: {  	s5 =	sshll.u32 s28, $0x1;
	[dreg:$0x2] =	wrdreg s3  }
0xa9: {  	[dreg:$0x3] =	wrdreg s5  }
0xaa: {  	[dreg:$0x4] =	wrdreg $0xC0  }
0xab: {  	_ =	task [dreg:s7], $0x5FFFF  }
0xac: {  	[dreg:$0x1] =	wrdreg $0xFFFFFFFF  }
0xad: {  	[dreg:$0x0] =	wrdreg $0x60  }
0xae: {  	[dreg:$0x2] =	wrdreg s24  }
0xaf: {  	[dreg:$0x3] =	wrdreg s2  }
0xb0: {  	[dreg:$0x4] =	wrdreg $0xAB800  }
0xb1: {  	[dreg:$0x5] =	wrdreg $0x9  }
0xb2: {  	_ =	task.clear_ibuf [dreg:s7], $0x6FFFF;
	_ =	strace $0x90000049  }
0xb3: {  	s29 =	simm.s32 $0x9;
	_ =	strace $0x8000004B  }
0xb4: {  	_ =	swait.ge [sflag:s29], $0x1  }
0xb5: {  	[sflag:s29] =	ssyncadd.s32 $0xFFFFFFFF  }
0xb6: {  	_ =	strace $0x9000004B  }
0xb7: {  	_ =	sfence  }
0xb8: {  	s30 =	sld [smem:$0x0];
	_ =	sdelay $0x2  }
0xb9: {  	s31 =	sshll.u32 s1, $0xD;
	s1 =	sshrl.u32 s1, $0x2  }
0xba: {  	s3 =	sand.u32 $0x4000, s31;
	s1 =	sadd.s32 s1, s30  }
0xbb: {  	s0 =	sor.u32 s3, s0;
	s1 =	sshll.u32 s1, $0x11  }
0xbc: {  	s0 =	sor.u32 s1, s0  }
0xbd: {  	s0 =	sadd.s32 $0x8F2B, s0  }
0xbe: {  	[sflag:s0] =	ssyncadd.remote.s32 $0x1  }
0xbf: {  	_ =	sfence.sel $0xFFFF  }
0xc0: {  	[dreg:$0x0] =	wrdreg $0xFFFFFFFF;
	(pc) =	sbr.abs _section_cstart, $3  }
0xc1: {  	[dreg:$0x1] =	wrdreg $0xFFFFFFFF  }
0xc2: {  	_ =	task.clear_ibuf [dreg:s7], $0x2FFFF;
	_ =	strace $0x9FFFFFFF  }
0xc3: {  	(tm) =	ssettm $0x7FFFFFFF  }
tec
execute0_lowered:
.L_overlay_start_1:
0x0: {  	(tag) =	ssettag $0x1  }
0x1: {  	s0 =	srdreg.scid;
	s5 =	rddreg [dreg:$0x0]  }
0x2: {  	s16 =	stileid.u32;
	s7 =	rddreg [dreg:$0x1]  }
0x3: {  	s2 =	rddreg [dreg:$0x2];
	s3 =	simm.s32 $0x0;
	s28 =	simm.s32 $0x1  }
0x4: {  	s31 =	simm.s32 $0x0;
	s1 =	sand.u32 $0x1, s0;
	s29 =	smul.u32 $0x4E000, s16  }
0x5: {  	[smem:$0x7FF] =	sst s3;
	s14 =	sadd.s32 $0x85600, s5;
	s30 =	smul.u32 $0x2700, s16  }
0x6: {  	s22 =	smul.u32 $0x4E, s16;
	p2 =	sne.s32 s16, $0xF;
	s0 =	sshll.u32 s1, $0x4  }
0x7: {  	_ =	strace $0x8000004A;
	s6 =	ssub.s32 $0x2, s1;
	[dreg:$0x9] =	wrdreg s14  }
0x8: {  	s19 =	smul.u32 $0x138800, s1;
	s0 =	sor.u32 s16, s0;
	s11 =	sshrl.u32 s6, $0x1  }
0x9: {  	s11 =	ssub.s32 s6, s11;
	p0 =	slt.u32 s0, $0x4;
	s6 =	simm.s32 $0x4F  }
0xa: {  	s17 =	sadd.s32 s14, s30;
	s4 =	smul.u32 $0x4E, s0;
	s6 =	simm.s32 @!p0 $0x4E  }
0xb: {  	s8 =	smin.u32 s0, $0x4;
	[dreg:$0x10] =	wrdreg s17;
	s18 =	sadd.s32 $0xFFFFFFFF, s6  }
0xc: {  	p0 =	seq.s32 s1, $0x1;
	s20 =	sadd.s32 $0xFFFFFFFE, s6;
	[dreg:$0x4] =	wrdreg s18  }
0xd: {  	s4 =	sadd.s32 s8, s4;
	s21 =	sadd.s32 $0xFFFFFFFD, s6;
	[dreg:$0x5] =	wrdreg s20  }
0xe: {  	s23 =	sadd.s32 $0xFFFFFFFC, s6;
	s24 =	sadd.s32 $0xFFFFFFFB, s6;
	[dreg:$0x6] =	wrdreg s21  }
0xf: {  	s9 =	sshll.u32 s4, $0x4;
	s4 =	sadd.s32 $0x5E400, s5;
	[dreg:$0x7] =	wrdreg s23  }
0x10: {  	[dreg:$0x8] =	wrdreg s24;
	s10 =	sadd.s32 s9, s5;
	s9 =	sadd.s32 s7, s9  }
0x11: {  	s1 =	smul.u32 $0x4E0, s1;
	s15 =	sadd.s32 s4, s30;
	[dreg:$0xc] =	wrdreg s9  }
0x12: {  	p1 =	sgt.u32 s0, $0x3;
	s30 =	smax.u32 s11, $0x1;
	[dreg:$0xf] =	wrdreg s15  }
0x13: {  	s1 =	sadd.s32 s22, s1;
	s12 =	sadd.s32 $0x1E00, s10;
	[dreg:$0x13] =	wrdreg s30  }
0x14: {  	s5 =	sadd.s32 $0xAC800, s5;
	s10 =	sadd.s32 $0x22E0, s10;
	[dreg:$0xa] =	wrdreg s12  }
0x15: {  	s1 =	sadd.s32 s8, s1;
	s9 =	sadd.s32 $0x10, s9;
	[dreg:$0xb] =	wrdreg s10  }
0x16: {  	s15 =	smul.u32 $0x13800, s16;
	s1 =	sshll.u32 s1, $0x4;
	[dreg:$0xd] =	wrdreg s9  }
0x17: {  	s9 =	simm.s32 @!p0 $0x0;
	s12 =	sshrl.u32 s29, $0x2;
	s29 =	sshrl.u32 s19, $0x3  }
0x18: {  	s1 =	sadd.s32 s1, s7;
	s9 =	simm.s32 @p0 $0x1;
	s13 =	sadd.s32 s12, s2  }
0x19: {  	s25 =	sadd.s32 s15, s19;
	s18 =	sadd.s32 $0x70, s1;
	s19 =	sadd.s32 $0x60, s1  }
0x1a: {  	s20 =	sadd.s32 $0x50, s1;
	s21 =	sadd.s32 $0x40, s1;
	s22 =	sadd.s32 $0x30, s1  }
0x1b: {  	p0 =	seq.s32 s16, $0xF;
	[smem:$0x7FC] =	sst s9;
	s26 =	sshrl.u32 s25, $0x3  }
0x1c: {  	[dreg:$0xe] =	wrdreg s13;
	s0 =	simm.s32 @!p0 $0x0;
	s8 =	sadd.s32 s5, s26  }
0x1d: {  	s5 =	sadd.s32 s5, s29;
	s0 =	simm.s32 @p0 $0x1;
	[dreg:$0x11] =	wrdreg s8  }
0x1e: {  	s23 =	sadd.s32 $0x20, s1;
	s5 =	sadd.s32 $0x27000, s5;
	[smem:$0x7FD] =	sst s0  }
0x1f: {  	s13 =	sadd.s32 $0x138000, s2;
	s26 =	simm.s32 $0x5;
	[dreg:$0x12] =	wrdreg s5  }
.LBB2_1:
0x20: {  	s0 =	rddreg [dreg:$0xa]  }
0x21: {  	s5 =	rddreg [dreg:$0xb]  }
0x22: {  	s30 =	sld [smem:$0x7FC]  }
0x23: {  	[tilespmem:s3], [sflag:$0x1] =	stream.linear.gather [hbm4b:s0+s3], $0x2700, $0x38;
	[tilespmem:$0x1E400] =	vst v63  }
0x24: {  	s1 =	simm.s32 @!p1 $0x2700;
	s15 =	rddreg [dreg:$0xc];
	s0 =	simm.s32 @!p1 $0x0  }
0x25: {  	[tilespmem:s1], [sflag:$0x1] =	stream.linear.gather @!p1 [hbm4b:s5+s0], $0x80, $0x38;
	[tilespmem:$0x1E400] =	vst v63  }
0x26: {  	s17 =	rddreg [dreg:$0xd];
	p0 =	seq.s32 s30, $0x1  }
.Ltmp0:
0x27: {  	s25 =	stileid.u32;
	(pc) =	sbr.rel @!p0 .LBB2_2-.Ltmp0, $4  }
0x28: {  	s16 =	simm.s32 $0x2780;
	s29 =	rddreg [dreg:$0xe];
	s1 =	sshll.u32 s25, $0x6  }
0x29: {  	[tilespmem:s16], [sflag:$0x3] =	stream.linear.gather [hbm4b:s15+s3], $0x80, $0x38;
	[tilespmem:$0x1E400] =	vst v63  }
0x2a: {  	s24 =	simm.s32 $0x2800;
	s12 =	sshrl.u32 s29, $0x3;
	s0 =	sor.u32 $0x1C05, s1  }
0x2b: {  	[tilespmem:s24], [sflag:$0x4] =	stream.linear.gather [hbm4b:s17+s3], $0x80, $0x38;
	[tilespmem:$0x1E400] =	vst v63  }
0x2c: {  	s0 =	sor.u32 $0x1C05, s1;
	s5 =	rddreg [dreg:$0x10]  }
0x2d: {  	[spmem:s12], [sflag:s0] =	dma.local [hbm:s5], $0x2700  }
.Ltmp1:
0x2e: {  	_ = 	snop;
	(pc) =	sbr.rel @p2 .LBB2_5-.Ltmp1, $4  }
.Ltmp2:
0x2f: {  	_ = 	snop;
	(pc) =	sbr.rel @!p2 .LBB2_4-.Ltmp2, $4  }
0x30: {  	_ =	swait.ge [sflag:s26], $0x2700  }
0x31: {  	[sflag:s26] =	ssyncset.done $0x0  }
0x32: {  	s5 =	rddreg [dreg:$0x9];
	[sflag:s26] =	ssyncadd.s32 $0xFFFFD900  }
0x33: {  	_ = 	snop  }
.LBB2_2:
0x34: {  	s5 =	rddreg [dreg:$0xf]  }
0x35: {  	[spmem:s12], [sflag:s0] =	dma.local [hbm:s5], $0x2700  }
0x36: {  	_ =	swait.ge [sflag:s26], $0x2700  }
0x37: {  	s7 =	sld [smem:$0x7FD];
	_ =	sdelay $0x2  }
0x38: {  	p0 =	seq.s32 s7, $0x1  }
.Ltmp3:
0x39: {  	_ = 	snop;
	(pc) =	sbr.rel @!p0 .LBB2_5-.Ltmp3, $3  }
0x3a: {  	_ =	sdelay $0x1  }
0x3b: {  	[sflag:s26] =	ssyncset.done $0x0  }
0x3c: {  	s5 =	smov.u32 s4;
	[sflag:s26] =	ssyncadd.s32 $0xFFFFD900  }
.LBB2_4:
0x3d: {  	s5 =	sadd.s32 $0x27000, s5;
	s7 =	sshrl.u32 s13, $0x3  }
0x3e: {  	[spmem:s7], [sflag:s0] =	dma.local [hbm:s5], $0x100  }
0x3f: {  	_ =	swait.ge [sflag:s26], $0x100  }
0x40: {  	[sflag:s26] =	ssyncset.done $0x0  }
0x41: {  	[sflag:s26] =	ssyncadd.s32 $0xFFFFFF00  }
.LBB2_5:
0x42: {  	_ =	swait.ge [sflag:s28], $0x2700  }
0x43: {  	[sflag:s28] =	ssyncset.done $0x0  }
0x44: {  	s0 =	simm.s32 @!p1 $0x1;
	[sflag:s28] =	ssyncadd.s32 $0xFFFFD900  }
0x45: {  	_ =	swait.ge @!p1 [sflag:s0], $0x80  }
0x46: {  	[sflag:s0] =	ssyncset.done @!p1 $0x0  }
0x47: {  	s14 =	simm.s32 $0x80;
	p5 =	sle.u32 s6, $0x0;
	[sflag:s0] =	ssyncadd.s32 @!p1 $0xFFFFFF80  }
0x48: {  	s5 =	simm.s32 $0x2B80;
	s0 =	simm.s32 @!p5 $0x2;
	[bflag:$0x0] =	sbarrier.arrive $0xFFFF  }
0x49: {  	[tilespmem:s5], [sflag:$0x2] =	stream.indirect.gather [hbm4b:s4+s14], $0x80, s3, s14, $0xb8;
	[tilespmem:$0x1E400] =	vst v63  }
0x4a: {  	_ =	swait.ge @!p5 [sflag:s0], $0x4000  }
0x4b: {  	[sflag:s0] =	ssyncset.done @!p5 $0x0  }
0x4c: {  	p3 =	sle.u32 @!p5 s6, $0x1;
	[sflag:s0] =	ssyncadd.s32 @!p5 $0xFFFFC000;
	s0 =	simm.s32 @!p5 $0x3  }
0x4d: {  	p4 =	sle.u32 @!p5 s6, $0x2;
	p3 =	por p3, p5;
	_ =	swait.ge @!p5 [sflag:s0], $0x80  }
0x4e: {  	p4 =	por p4, p5;
	s7 =	simm.s32 @!p3 $0x80;
	[sflag:s0] =	ssyncset.done @!p5 $0x0  }
0x4f: {  	s5 =	simm.s32 @!p3 $0x6B80;
	[sflag:s0] =	ssyncadd.s32 @!p5 $0xFFFFFF80;
	s0 =	simm.s32 @!p3 $0x80  }
0x50: {  	[tilespmem:s5], [sflag:$0x2] =	stream.indirect.gather @!p3 [hbm4b:s4+s7], $0x80, s0, s7, $0xb8;
	[tilespmem:$0x1E400] =	vst v63  }
0x51: {  	s8 =	simm.s32 @!p5 $0x2B80;
	s0 =	simm.s32 @!p4 $0x0;
	s5 =	simm.s32 @!p4 $0x2880  }
0x52: {  	[tilespmem:s5], [sflag:$0x3] =	stream.linear.gather @!p4 [hbm4b:s23+s0], $0x80, $0x38;
	[tilespmem:$0x1E400] =	vst v63  }
0x53: {  	s7 =	simm.s32 @!p5 $0x6;
	s0 =	simm.s32 @!p5 $0x80;
	s5 =	simm.s32 @!p5 $0x2780  }
0x54: {  	[spmem:s2] =	stream.indirect.scatter.add.f32 @!p5 [tilespmem:s8], [sflag:$0x6], $0x80, s5, s0, $0xb8;
	[tilespmem:$0x1E400] =	vst v63  }
0x55: {  	_ =	swait.ge @!p5 [sflag:s7], $0x4000  }
0x56: {  	s15 =	rddreg [dreg:$0x4]  }
0x57: {  	[sflag:s7] =	ssyncset.done @!p5 $0x0;
	p4 =	sle.u32 s15, $0x0  }
0x58: {  	[sflag:s7] =	ssyncadd.s32 @!p5 $0xFFFFC000;
	s0 =	simm.s32 @!p4 $0x2  }
0x59: {  	_ =	swait.ge @!p4 [sflag:s0], $0x4000  }
0x5a: {  	[sflag:s0] =	ssyncset.done @!p4 $0x0  }
0x5b: {  	p3 =	sle.u32 @!p4 s6, $0x2;
	[sflag:s0] =	ssyncadd.s32 @!p4 $0xFFFFC000;
	s0 =	simm.s32 @!p4 $0x4  }
0x5c: {  	p5 =	sle.u32 @!p4 s6, $0x3;
	p3 =	por p3, p4;
	_ =	swait.ge @!p4 [sflag:s0], $0x80  }
0x5d: {  	p5 =	por p5, p4;
	s5 =	simm.s32 @!p3 $0x2B80;
	[sflag:s0] =	ssyncset.done @!p4 $0x0  }
0x5e: {  	s7 =	simm.s32 @!p3 $0x80;
	[sflag:s0] =	ssyncadd.s32 @!p4 $0xFFFFFF80;
	s0 =	simm.s32 @!p3 $0x100  }
0x5f: {  	[tilespmem:s5], [sflag:$0x2] =	stream.indirect.gather @!p3 [hbm4b:s4+s7], $0x80, s0, s7, $0xb8;
	[tilespmem:$0x1E400] =	vst v63  }
0x60: {  	s8 =	simm.s32 @!p4 $0x6B80;
	s0 =	simm.s32 @!p5 $0x0;
	s5 =	simm.s32 @!p5 $0x2900  }
0x61: {  	[tilespmem:s5], [sflag:$0x4] =	stream.linear.gather @!p5 [hbm4b:s22+s0], $0x80, $0x38;
	[tilespmem:$0x1E400] =	vst v63  }
0x62: {  	s7 =	simm.s32 @!p4 $0x6;
	s0 =	simm.s32 @!p4 $0x80;
	s5 =	simm.s32 @!p4 $0x2800  }
0x63: {  	[spmem:s2] =	stream.indirect.scatter.add.f32 @!p4 [tilespmem:s8], [sflag:$0x6], $0x80, s5, s0, $0xb8;
	[tilespmem:$0x1E400] =	vst v63  }
0x64: {  	_ =	swait.ge @!p4 [sflag:s7], $0x4000  }
0x65: {  	s16 =	rddreg [dreg:$0x5]  }
0x66: {  	[sflag:s7] =	ssyncset.done @!p4 $0x0;
	p5 =	sle.u32 s16, $0x0  }
0x67: {  	[sflag:s7] =	ssyncadd.s32 @!p4 $0xFFFFC000;
	s0 =	simm.s32 @!p5 $0x2  }
0x68: {  	_ =	swait.ge @!p5 [sflag:s0], $0x4000  }
0x69: {  	[sflag:s0] =	ssyncset.done @!p5 $0x0  }
0x6a: {  	p3 =	sle.u32 @!p5 s6, $0x3;
	[sflag:s0] =	ssyncadd.s32 @!p5 $0xFFFFC000;
	s0 =	simm.s32 @!p5 $0x3  }
0x6b: {  	p4 =	sle.u32 @!p5 s6, $0x4;
	p3 =	por p3, p5;
	_ =	swait.ge @!p5 [sflag:s0], $0x80  }
0x6c: {  	p4 =	por p4, p5;
	s5 =	simm.s32 @!p3 $0x6B80;
	[sflag:s0] =	ssyncset.done @!p5 $0x0  }
0x6d: {  	s7 =	simm.s32 @!p3 $0x80;
	[sflag:s0] =	ssyncadd.s32 @!p5 $0xFFFFFF80;
	s0 =	simm.s32 @!p3 $0x180  }
0x6e: {  	[tilespmem:s5], [sflag:$0x2] =	stream.indirect.gather @!p3 [hbm4b:s4+s7], $0x80, s0, s7, $0xb8;
	[tilespmem:$0x1E400] =	vst v63  }
0x6f: {  	s8 =	simm.s32 @!p5 $0x2B80;
	s0 =	simm.s32 @!p4 $0x0;
	s5 =	simm.s32 @!p4 $0x2980  }
0x70: {  	[tilespmem:s5], [sflag:$0x3] =	stream.linear.gather @!p4 [hbm4b:s21+s0], $0x80, $0x38;
	[tilespmem:$0x1E400] =	vst v63  }
0x71: {  	s7 =	simm.s32 @!p5 $0x6;
	s0 =	simm.s32 @!p5 $0x80;
	s5 =	simm.s32 @!p5 $0x2880  }
0x72: {  	[spmem:s2] =	stream.indirect.scatter.add.f32 @!p5 [tilespmem:s8], [sflag:$0x6], $0x80, s5, s0, $0xb8;
	[tilespmem:$0x1E400] =	vst v63  }
0x73: {  	_ =	swait.ge @!p5 [sflag:s7], $0x4000  }
0x74: {  	s17 =	rddreg [dreg:$0x6]  }
0x75: {  	[sflag:s7] =	ssyncset.done @!p5 $0x0;
	p6 =	sle.u32 s17, $0x0  }
0x76: {  	[sflag:s7] =	ssyncadd.s32 @!p5 $0xFFFFC000;
	s0 =	simm.s32 @!p6 $0x2  }
0x77: {  	_ =	swait.ge @!p6 [sflag:s0], $0x4000  }
0x78: {  	[sflag:s0] =	ssyncset.done @!p6 $0x0  }
0x79: {  	p3 =	sle.u32 @!p6 s6, $0x4;
	[sflag:s0] =	ssyncadd.s32 @!p6 $0xFFFFC000;
	s0 =	simm.s32 @!p6 $0x4  }
0x7a: {  	p4 =	sle.u32 @!p6 s6, $0x5;
	p3 =	por p3, p6;
	_ =	swait.ge @!p6 [sflag:s0], $0x80  }
0x7b: {  	p4 =	por p4, p6;
	s5 =	simm.s32 @!p3 $0x2B80;
	[sflag:s0] =	ssyncset.done @!p6 $0x0  }
0x7c: {  	s7 =	simm.s32 @!p3 $0x80;
	[sflag:s0] =	ssyncadd.s32 @!p6 $0xFFFFFF80;
	s0 =	simm.s32 @!p3 $0x200  }
0x7d: {  	[tilespmem:s5], [sflag:$0x2] =	stream.indirect.gather @!p3 [hbm4b:s4+s7], $0x80, s0, s7, $0xb8;
	[tilespmem:$0x1E400] =	vst v63  }
0x7e: {  	s8 =	simm.s32 @!p6 $0x6B80;
	s0 =	simm.s32 @!p4 $0x0;
	s5 =	simm.s32 @!p4 $0x2A00  }
0x7f: {  	[tilespmem:s5], [sflag:$0x4] =	stream.linear.gather @!p4 [hbm4b:s20+s0], $0x80, $0x38;
	[tilespmem:$0x1E400] =	vst v63  }
0x80: {  	s7 =	simm.s32 @!p6 $0x6;
	s0 =	simm.s32 @!p6 $0x80;
	s5 =	simm.s32 @!p6 $0x2900  }
0x81: {  	[spmem:s2] =	stream.indirect.scatter.add.f32 @!p6 [tilespmem:s8], [sflag:$0x6], $0x80, s5, s0, $0xb8;
	[tilespmem:$0x1E400] =	vst v63  }
0x82: {  	_ =	swait.ge @!p6 [sflag:s7], $0x4000  }
0x83: {  	s24 =	rddreg [dreg:$0x7]  }
0x84: {  	[sflag:s7] =	ssyncset.done @!p6 $0x0;
	p4 =	sle.u32 s24, $0x0  }
0x85: {  	[sflag:s7] =	ssyncadd.s32 @!p6 $0xFFFFC000;
	s0 =	simm.s32 @!p4 $0x2  }
0x86: {  	_ =	swait.ge @!p4 [sflag:s0], $0x4000  }
0x87: {  	[sflag:s0] =	ssyncset.done @!p4 $0x0  }
0x88: {  	p3 =	sle.u32 @!p4 s6, $0x5;
	[sflag:s0] =	ssyncadd.s32 @!p4 $0xFFFFC000;
	s0 =	simm.s32 @!p4 $0x3  }
0x89: {  	p5 =	sle.u32 @!p4 s6, $0x6;
	p3 =	por p3, p4;
	_ =	swait.ge @!p4 [sflag:s0], $0x80  }
0x8a: {  	p5 =	por p5, p4;
	s5 =	simm.s32 @!p3 $0x6B80;
	[sflag:s0] =	ssyncset.done @!p4 $0x0  }
0x8b: {  	s7 =	simm.s32 @!p3 $0x80;
	[sflag:s0] =	ssyncadd.s32 @!p4 $0xFFFFFF80;
	s0 =	simm.s32 @!p3 $0x280  }
0x8c: {  	[tilespmem:s5], [sflag:$0x2] =	stream.indirect.gather @!p3 [hbm4b:s4+s7], $0x80, s0, s7, $0xb8;
	[tilespmem:$0x1E400] =	vst v63  }
0x8d: {  	s8 =	simm.s32 @!p4 $0x2B80;
	s0 =	simm.s32 @!p5 $0x0;
	s5 =	simm.s32 @!p5 $0x2780  }
0x8e: {  	[tilespmem:s5], [sflag:$0x3] =	stream.linear.gather @!p5 [hbm4b:s19+s0], $0x80, $0x38;
	[tilespmem:$0x1E400] =	vst v63  }
0x8f: {  	s7 =	simm.s32 @!p4 $0x6;
	s0 =	simm.s32 @!p4 $0x80;
	s5 =	simm.s32 @!p4 $0x2980  }
0x90: {  	[spmem:s2] =	stream.indirect.scatter.add.f32 @!p4 [tilespmem:s8], [sflag:$0x6], $0x80, s5, s0, $0xb8;
	[tilespmem:$0x1E400] =	vst v63  }
0x91: {  	_ =	swait.ge @!p4 [sflag:s7], $0x4000  }
0x92: {  	s25 =	rddreg [dreg:$0x8]  }
0x93: {  	s10 =	simm.s32 $0x13;
	[sflag:s7] =	ssyncset.done @!p4 $0x0;
	p5 =	sle.u32 s25, $0x0  }
0x94: {  	s30 =	sadd.s32 $0x60, s20;
	[sflag:s7] =	ssyncadd.s32 @!p4 $0xFFFFC000;
	s0 =	simm.s32 @!p5 $0x2  }
0x95: {  	s29 =	sadd.s32 $0x60, s19;
	s14 =	simm.s32 $0xD;
	_ =	swait.ge @!p5 [sflag:s0], $0x4000  }
0x96: {  	s5 =	simm.s32 $0x300;
	s8 =	sadd.s32 $0x60, s23;
	[sflag:s0] =	ssyncset.done @!p5 $0x0  }
0x97: {  	s7 =	sadd.s32 $0x60, s22;
	s11 =	simm.s32 @!p5 $0x4;
	[sflag:s0] =	ssyncadd.s32 @!p5 $0xFFFFC000  }
0x98: {  	p3 =	sle.u32 @!p5 s6, $0x7;
	p4 =	sle.u32 @!p5 s6, $0x6;
	_ =	swait.ge @!p5 [sflag:s11], $0x80  }
0x99: {  	p3 =	por p3, p5;
	p4 =	por p4, p5;
	[sflag:s11] =	ssyncset.done @!p5 $0x0  }
0x9a: {  	s24 =	simm.s32 @!p4 $0x2B80;
	[sflag:s11] =	ssyncadd.s32 @!p5 $0xFFFFFF80;
	s11 =	simm.s32 @!p4 $0x80  }
0x9b: {  	[tilespmem:s24], [sflag:$0x2] =	stream.indirect.gather @!p4 [hbm4b:s4+s11], $0x80, s5, s11, $0xb8;
	[tilespmem:$0x1E400] =	vst v63  }
0x9c: {  	s25 =	simm.s32 @!p5 $0x6B80;
	s5 =	simm.s32 @!p3 $0x0;
	s24 =	simm.s32 @!p3 $0x2800  }
0x9d: {  	[tilespmem:s24], [sflag:$0x4] =	stream.linear.gather @!p3 [hbm4b:s18+s5], $0x80, $0x38;
	[tilespmem:$0x1E400] =	vst v63  }
0x9e: {  	s11 =	simm.s32 @!p5 $0x5;
	s5 =	simm.s32 @!p5 $0x80;
	s24 =	simm.s32 @!p5 $0x2A00  }
0x9f: {  	[spmem:s2] =	stream.indirect.scatter.add.f32 @!p5 [tilespmem:s25], [sflag:$0x5], $0x80, s24, s5, $0xb8;
	[tilespmem:$0x1E400] =	vst v63  }
0xa0: {  	s0 =	sadd.s32 $0x60, s21;
	s24 =	sadd.s32 $0x60, s18;
	_ =	swait.ge @!p5 [sflag:s11], $0x4000  }
0xa1: {  	s5 =	simm.s32 $0x6;
	s25 =	simm.s32 $0x600;
	[sflag:s11] =	ssyncset.done @!p5 $0x0  }
.LBB2_6:
0xa2: {  	p6 =	sge.u32 s5, s6  }
0xa3: {  	[sflag:s11] =	ssyncadd.s32 @!p5 $0xFFFFC000;
	s9 =	simm.s32 @!p6 $0x2  }
0xa4: {  	_ =	swait.ge @!p6 [sflag:s9], $0x4000  }
0xa5: {  	s15 =	sadd.s32 @!p6 $0xFFFFFFFA, s14;
	s16 =	sadd.s32 @!p6 $0xFFFFFFFB, s14;
	[sflag:s9] =	ssyncset.done @!p6 $0x0  }
0xa6: {  	p3 =	sge.u32 @!p6 s15, s6;
	[sflag:s9] =	ssyncadd.s32 @!p6 $0xFFFFC000;
	s9 =	simm.s32 @!p6 $0x3  }
0xa7: {  	p4 =	sge.u32 @!p6 s16, s6;
	p3 =	por p3, p6;
	_ =	swait.ge @!p6 [sflag:s9], $0x80  }
0xa8: {  	p5 =	por p4, p6;
	s15 =	simm.s32 @!p3 $0x6B80;
	[sflag:s9] =	ssyncset.done @!p6 $0x0  }
0xa9: {  	s16 =	simm.s32 @!p3 $0x80;
	[sflag:s9] =	ssyncadd.s32 @!p6 $0xFFFFFF80;
	s9 =	sadd.s32 @!p3 $0xFFFFFD80, s25  }
0xaa: {  	[tilespmem:s15], [sflag:$0x2] =	stream.indirect.gather @!p3 [hbm4b:s4+s16], $0x80, s9, s16, $0xb8;
	[tilespmem:$0x1E400] =	vst v63  }
0xab: {  	s17 =	simm.s32 @!p6 $0x2B80;
	s9 =	simm.s32 @!p5 $0x0;
	s15 =	simm.s32 @!p5 $0x2880  }
0xac: {  	[tilespmem:s15], [sflag:$0x3] =	stream.linear.gather @!p5 [hbm4b:s8+s9], $0x80, $0x38;
	[tilespmem:$0x1E400] =	vst v63  }
0xad: {  	s16 =	simm.s32 @!p6 $0x6;
	s9 =	simm.s32 @!p6 $0x80;
	s15 =	simm.s32 @!p6 $0x2780  }
0xae: {  	[spmem:s2] =	stream.indirect.scatter.add.f32 @!p6 [tilespmem:s17], [sflag:$0x6], $0x80, s15, s9, $0xb8;
	[tilespmem:$0x1E400] =	vst v63  }
0xaf: {  	_ =	swait.ge @!p6 [sflag:s16], $0x4000  }
0xb0: {  	s17 =	rddreg [dreg:$0x4]  }
0xb1: {  	[sflag:s16] =	ssyncset.done @!p6 $0x0;
	p5 =	sge.u32 s5, s17  }
0xb2: {  	[sflag:s16] =	ssyncadd.s32 @!p6 $0xFFFFC000;
	s9 =	simm.s32 @!p5 $0x2  }
0xb3: {  	_ =	swait.ge @!p5 [sflag:s9], $0x4000  }
0xb4: {  	s15 =	sadd.s32 @!p5 $0xFFFFFFFB, s14;
	s16 =	sadd.s32 @!p5 $0xFFFFFFFC, s14;
	[sflag:s9] =	ssyncset.done @!p5 $0x0  }
0xb5: {  	p3 =	sge.u32 @!p5 s15, s6;
	[sflag:s9] =	ssyncadd.s32 @!p5 $0xFFFFC000;
	s9 =	simm.s32 @!p5 $0x4  }
0xb6: {  	p6 =	sge.u32 @!p5 s16, s6;
	p3 =	por p3, p5;
	_ =	swait.ge @!p5 [sflag:s9], $0x80  }
0xb7: {  	p6 =	por p6, p5;
	s15 =	simm.s32 @!p3 $0x2B80;
	[sflag:s9] =	ssyncset.done @!p5 $0x0  }
0xb8: {  	s16 =	simm.s32 @!p3 $0x80;
	[sflag:s9] =	ssyncadd.s32 @!p5 $0xFFFFFF80;
	s9 =	sadd.s32 @!p3 $0xFFFFFE00, s25  }
0xb9: {  	[tilespmem:s15], [sflag:$0x2] =	stream.indirect.gather @!p3 [hbm4b:s4+s16], $0x80, s9, s16, $0xb8;
	[tilespmem:$0x1E400] =	vst v63  }
0xba: {  	s17 =	simm.s32 @!p5 $0x6B80;
	s9 =	simm.s32 @!p6 $0x0;
	s15 =	simm.s32 @!p6 $0x2900  }
0xbb: {  	[tilespmem:s15], [sflag:$0x4] =	stream.linear.gather @!p6 [hbm4b:s7+s9], $0x80, $0x38;
	[tilespmem:$0x1E400] =	vst v63  }
0xbc: {  	s16 =	simm.s32 @!p5 $0x6;
	s9 =	simm.s32 @!p5 $0x80;
	s15 =	simm.s32 @!p5 $0x2800  }
0xbd: {  	[spmem:s2] =	stream.indirect.scatter.add.f32 @!p5 [tilespmem:s17], [sflag:$0x6], $0x80, s15, s9, $0xb8;
	[tilespmem:$0x1E400] =	vst v63  }
0xbe: {  	_ =	swait.ge @!p5 [sflag:s16], $0x4000  }
0xbf: {  	[sflag:s16] =	ssyncset.done @!p5 $0x0;
	s15 =	rddreg [dreg:$0x5]  }
0xc0: {  	[sflag:s16] =	ssyncadd.s32 @!p5 $0xFFFFC000;
	p5 =	sge.u32 s5, s15  }
0xc1: {  	s9 =	simm.s32 @!p5 $0x2  }
0xc2: {  	_ =	swait.ge @!p5 [sflag:s9], $0x4000  }
0xc3: {  	s15 =	sadd.s32 @!p5 $0xFFFFFFFC, s14;
	s16 =	sadd.s32 @!p5 $0xFFFFFFFD, s14;
	[sflag:s9] =	ssyncset.done @!p5 $0x0  }
0xc4: {  	p3 =	sge.u32 @!p5 s15, s6;
	[sflag:s9] =	ssyncadd.s32 @!p5 $0xFFFFC000;
	s9 =	simm.s32 @!p5 $0x3  }
0xc5: {  	p6 =	sge.u32 @!p5 s16, s6;
	p3 =	por p3, p5;
	_ =	swait.ge @!p5 [sflag:s9], $0x80  }
0xc6: {  	p6 =	por p6, p5;
	s15 =	simm.s32 @!p3 $0x6B80;
	[sflag:s9] =	ssyncset.done @!p5 $0x0  }
0xc7: {  	s16 =	simm.s32 @!p3 $0x80;
	[sflag:s9] =	ssyncadd.s32 @!p5 $0xFFFFFF80;
	s9 =	sadd.s32 @!p3 $0xFFFFFE80, s25  }
0xc8: {  	[tilespmem:s15], [sflag:$0x2] =	stream.indirect.gather @!p3 [hbm4b:s4+s16], $0x80, s9, s16, $0xb8;
	[tilespmem:$0x1E400] =	vst v63  }
0xc9: {  	s17 =	simm.s32 @!p5 $0x2B80;
	s9 =	simm.s32 @!p6 $0x0;
	s15 =	simm.s32 @!p6 $0x2980  }
0xca: {  	[tilespmem:s15], [sflag:$0x3] =	stream.linear.gather @!p6 [hbm4b:s0+s9], $0x80, $0x38;
	[tilespmem:$0x1E400] =	vst v63  }
0xcb: {  	s16 =	simm.s32 @!p5 $0x6;
	s9 =	simm.s32 @!p5 $0x80;
	s15 =	simm.s32 @!p5 $0x2880  }
0xcc: {  	[spmem:s2] =	stream.indirect.scatter.add.f32 @!p5 [tilespmem:s17], [sflag:$0x6], $0x80, s15, s9, $0xb8;
	[tilespmem:$0x1E400] =	vst v63  }
0xcd: {  	_ =	swait.ge @!p5 [sflag:s16], $0x4000  }
0xce: {  	[sflag:s16] =	ssyncset.done @!p5 $0x0;
	s17 =	rddreg [dreg:$0x6]  }
0xcf: {  	[sflag:s16] =	ssyncadd.s32 @!p5 $0xFFFFC000;
	p5 =	sge.u32 s5, s17  }
0xd0: {  	s9 =	simm.s32 @!p5 $0x2  }
0xd1: {  	_ =	swait.ge @!p5 [sflag:s9], $0x4000  }
0xd2: {  	s15 =	sadd.s32 @!p5 $0xFFFFFFFD, s14;
	s16 =	sadd.s32 @!p5 $0xFFFFFFFE, s14;
	[sflag:s9] =	ssyncset.done @!p5 $0x0  }
0xd3: {  	p3 =	sge.u32 @!p5 s15, s6;
	[sflag:s9] =	ssyncadd.s32 @!p5 $0xFFFFC000;
	s9 =	simm.s32 @!p5 $0x4  }
0xd4: {  	p6 =	sge.u32 @!p5 s16, s6;
	p3 =	por p3, p5;
	_ =	swait.ge @!p5 [sflag:s9], $0x80  }
0xd5: {  	p6 =	por p6, p5;
	s15 =	simm.s32 @!p3 $0x2B80;
	[sflag:s9] =	ssyncset.done @!p5 $0x0  }
0xd6: {  	s16 =	simm.s32 @!p3 $0x80;
	[sflag:s9] =	ssyncadd.s32 @!p5 $0xFFFFFF80;
	s9 =	sadd.s32 @!p3 $0xFFFFFF00, s25  }
0xd7: {  	[tilespmem:s15], [sflag:$0x2] =	stream.indirect.gather @!p3 [hbm4b:s4+s16], $0x80, s9, s16, $0xb8;
	[tilespmem:$0x1E400] =	vst v63  }
0xd8: {  	s17 =	simm.s32 @!p5 $0x6B80;
	s9 =	simm.s32 @!p6 $0x0;
	s15 =	simm.s32 @!p6 $0x2A00  }
0xd9: {  	[tilespmem:s15], [sflag:$0x4] =	stream.linear.gather @!p6 [hbm4b:s30+s9], $0x80, $0x38;
	[tilespmem:$0x1E400] =	vst v63  }
0xda: {  	s16 =	simm.s32 @!p5 $0x6;
	s9 =	simm.s32 @!p5 $0x80;
	s15 =	simm.s32 @!p5 $0x2900  }
0xdb: {  	[spmem:s2] =	stream.indirect.scatter.add.f32 @!p5 [tilespmem:s17], [sflag:$0x6], $0x80, s15, s9, $0xb8;
	[tilespmem:$0x1E400] =	vst v63  }
0xdc: {  	_ =	swait.ge @!p5 [sflag:s16], $0x4000  }
0xdd: {  	[sflag:s16] =	ssyncset.done @!p5 $0x0;
	s15 =	rddreg [dreg:$0x7]  }
0xde: {  	[sflag:s16] =	ssyncadd.s32 @!p5 $0xFFFFC000;
	p5 =	sge.u32 s5, s15  }
0xdf: {  	s9 =	simm.s32 @!p5 $0x2  }
0xe0: {  	_ =	swait.ge @!p5 [sflag:s9], $0x4000  }
0xe1: {  	s15 =	sadd.s32 @!p5 $0xFFFFFFFE, s14;
	s16 =	sadd.s32 @!p5 $0xFFFFFFFF, s14;
	[sflag:s9] =	ssyncset.done @!p5 $0x0  }
0xe2: {  	p3 =	sge.u32 @!p5 s15, s6;
	[sflag:s9] =	ssyncadd.s32 @!p5 $0xFFFFC000;
	s9 =	simm.s32 @!p5 $0x3  }
0xe3: {  	p6 =	sge.u32 @!p5 s16, s6;
	p3 =	por p3, p5;
	_ =	swait.ge @!p5 [sflag:s9], $0x80  }
0xe4: {  	p6 =	por p6, p5;
	s15 =	simm.s32 @!p3 $0x6B80;
	[sflag:s9] =	ssyncset.done @!p5 $0x0  }
0xe5: {  	s16 =	simm.s32 @!p3 $0x80;
	[sflag:s9] =	ssyncadd.s32 @!p5 $0xFFFFFF80;
	s9 =	sadd.s32 @!p3 $0xFFFFFF80, s25  }
0xe6: {  	[tilespmem:s15], [sflag:$0x2] =	stream.indirect.gather @!p3 [hbm4b:s4+s16], $0x80, s9, s16, $0xb8;
	[tilespmem:$0x1E400] =	vst v63  }
0xe7: {  	s17 =	simm.s32 @!p5 $0x2B80;
	s9 =	simm.s32 @!p6 $0x0;
	s15 =	simm.s32 @!p6 $0x2780  }
0xe8: {  	[tilespmem:s15], [sflag:$0x3] =	stream.linear.gather @!p6 [hbm4b:s29+s9], $0x80, $0x38;
	[tilespmem:$0x1E400] =	vst v63  }
0xe9: {  	s16 =	simm.s32 @!p5 $0x6;
	s9 =	simm.s32 @!p5 $0x80;
	s15 =	simm.s32 @!p5 $0x2980  }
0xea: {  	[spmem:s2] =	stream.indirect.scatter.add.f32 @!p5 [tilespmem:s17], [sflag:$0x6], $0x80, s15, s9, $0xb8;
	[tilespmem:$0x1E400] =	vst v63  }
0xeb: {  	_ =	swait.ge @!p5 [sflag:s16], $0x4000  }
0xec: {  	[sflag:s16] =	ssyncset.done @!p5 $0x0;
	s17 =	rddreg [dreg:$0x8]  }
0xed: {  	[sflag:s16] =	ssyncadd.s32 @!p5 $0xFFFFC000;
	p5 =	sge.u32 s5, s17  }
0xee: {  	s11 =	smov.u32 s10;
	s10 =	sadd.s32 $0x6, s10;
	s5 =	simm.s32 @!p5 $0x2  }
0xef: {  	p4 =	sne.s32 s10, $0x5B;
	s8 =	sadd.s32 $0x60, s8;
	_ =	swait.ge @!p5 [sflag:s5], $0x4000  }
0xf0: {  	s7 =	sadd.s32 $0x60, s7;
	s0 =	sadd.s32 $0x60, s0;
	[sflag:s5] =	ssyncset.done @!p5 $0x0  }
0xf1: {  	s9 =	sadd.s32 @!p5 $0xFFFFFFFF, s14;
	[sflag:s5] =	ssyncadd.s32 @!p5 $0xFFFFC000;
	s5 =	simm.s32 @!p5 $0x4  }
0xf2: {  	p3 =	sge.u32 @!p5 s14, s6;
	p0 =	sge.u32 @!p5 s9, s6;
	_ =	swait.ge @!p5 [sflag:s5], $0x80  }
0xf3: {  	p6 =	por p3, p5;
	p3 =	por p0, p5;
	[sflag:s5] =	ssyncset.done @!p5 $0x0  }
0xf4: {  	s9 =	simm.s32 @!p3 $0x2B80;
	[sflag:s5] =	ssyncadd.s32 @!p5 $0xFFFFFF80;
	s5 =	simm.s32 @!p3 $0x80  }
0xf5: {  	[tilespmem:s9], [sflag:$0x2] =	stream.indirect.gather @!p3 [hbm4b:s4+s5], $0x80, s25, s5, $0xb8;
	[tilespmem:$0x1E400] =	vst v63  }
0xf6: {  	s30 =	sadd.s32 $0x60, s30;
	s5 =	simm.s32 @!p6 $0x0;
	s9 =	simm.s32 @!p6 $0x2800  }
0xf7: {  	[tilespmem:s9], [sflag:$0x4] =	stream.linear.gather @!p6 [hbm4b:s24+s5], $0x80, $0x38;
	[tilespmem:$0x1E400] =	vst v63  }
.Ltmp4:
0xf8: {  	s14 =	smov.u32 s11;
	s11 =	simm.s32 @!p5 $0x5;
	(pc) =	sbr.rel @p4 .LBB2_6-.Ltmp4, $4  }
0xf9: {  	s15 =	simm.s32 @!p5 $0x6B80;
	s5 =	simm.s32 @!p5 $0x80;
	s9 =	simm.s32 @!p5 $0x2A00  }
0xfa: {  	[spmem:s2] =	stream.indirect.scatter.add.f32 @!p5 [tilespmem:s15], [sflag:$0x5], $0x80, s9, s5, $0xb8;
	[tilespmem:$0x1E400] =	vst v63  }
0xfb: {  	s29 =	sadd.s32 $0x60, s29;
	s25 =	sadd.s32 $0x300, s25;
	_ =	swait.ge @!p5 [sflag:s11], $0x4000  }
0xfc: {  	s24 =	sadd.s32 $0x60, s24;
	s5 =	sadd.s32 $0xFFFFFFF9, s14;
	[sflag:s11] =	ssyncset.done @!p5 $0x0  }
0xfd: {  	p4 =	sge.u32 s5, s6  }
0xfe: {  	[sflag:s11] =	ssyncadd.s32 @!p5 $0xFFFFC000;
	s9 =	simm.s32 @!p4 $0x2  }
0xff: {  	_ =	swait.ge @!p4 [sflag:s9], $0x4000  }
0x100: {  	s10 =	sadd.s32 @!p4 $0xFFFFFFFA, s14;
	s11 =	sadd.s32 @!p4 $0xFFFFFFFB, s14;
	[sflag:s9] =	ssyncset.done @!p4 $0x0  }
0x101: {  	p0 =	sge.u32 @!p4 s10, s6;
	[sflag:s9] =	ssyncadd.s32 @!p4 $0xFFFFC000;
	s9 =	simm.s32 @!p4 $0x3  }
0x102: {  	p3 =	sge.u32 @!p4 s11, s6;
	p0 =	por p0, p4;
	_ =	swait.ge @!p4 [sflag:s9], $0x80  }
0x103: {  	p3 =	por p3, p4;
	s10 =	simm.s32 @!p0 $0x6B80;
	[sflag:s9] =	ssyncset.done @!p4 $0x0  }
0x104: {  	s11 =	simm.s32 @!p0 $0x80;
	[sflag:s9] =	ssyncadd.s32 @!p4 $0xFFFFFF80;
	s9 =	sadd.s32 @!p0 $0xFFFFFD80, s25  }
0x105: {  	[tilespmem:s10], [sflag:$0x2] =	stream.indirect.gather @!p0 [hbm4b:s4+s11], $0x80, s9, s11, $0xb8;
	[tilespmem:$0x1E400] =	vst v63  }
0x106: {  	s9 =	simm.s32 @!p3 $0x0;
	s10 =	simm.s32 @!p3 $0x2880;
	s11 =	simm.s32 @!p4 $0x6  }
0x107: {  	[tilespmem:s10], [sflag:$0x3] =	stream.linear.gather @!p3 [hbm4b:s8+s9], $0x80, $0x38;
	[tilespmem:$0x1E400] =	vst v63  }
0x108: {  	s8 =	simm.s32 @!p4 $0x80;
	s9 =	simm.s32 @!p4 $0x2780;
	s10 =	simm.s32 @!p4 $0x2B80  }
0x109: {  	[spmem:s2] =	stream.indirect.scatter.add.f32 @!p4 [tilespmem:s10], [sflag:$0x6], $0x80, s9, s8, $0xb8;
	[tilespmem:$0x1E400] =	vst v63  }
0x10a: {  	_ =	swait.ge @!p4 [sflag:s11], $0x4000  }
0x10b: {  	s10 =	rddreg [dreg:$0x4]  }
0x10c: {  	[sflag:s11] =	ssyncset.done @!p4 $0x0;
	p5 =	sge.u32 s5, s10  }
0x10d: {  	[sflag:s11] =	ssyncadd.s32 @!p4 $0xFFFFC000;
	s8 =	simm.s32 @!p5 $0x2  }
0x10e: {  	_ =	swait.ge @!p5 [sflag:s8], $0x4000  }
0x10f: {  	s9 =	sadd.s32 @!p5 $0xFFFFFFFB, s14;
	s10 =	sadd.s32 @!p5 $0xFFFFFFFC, s14;
	[sflag:s8] =	ssyncset.done @!p5 $0x0  }
0x110: {  	p0 =	sge.u32 @!p5 s9, s6;
	[sflag:s8] =	ssyncadd.s32 @!p5 $0xFFFFC000;
	s8 =	simm.s32 @!p5 $0x4  }
0x111: {  	p3 =	sge.u32 @!p5 s10, s6;
	p0 =	por p0, p5;
	_ =	swait.ge @!p5 [sflag:s8], $0x80  }
0x112: {  	p3 =	por p3, p5;
	s9 =	simm.s32 @!p0 $0x2B80;
	[sflag:s8] =	ssyncset.done @!p5 $0x0  }
0x113: {  	s10 =	simm.s32 @!p0 $0x80;
	[sflag:s8] =	ssyncadd.s32 @!p5 $0xFFFFFF80;
	s8 =	sadd.s32 @!p0 $0xFFFFFE00, s25  }
0x114: {  	[tilespmem:s9], [sflag:$0x2] =	stream.indirect.gather @!p0 [hbm4b:s4+s10], $0x80, s8, s10, $0xb8;
	[tilespmem:$0x1E400] =	vst v63  }
0x115: {  	s8 =	simm.s32 @!p3 $0x0;
	s9 =	simm.s32 @!p3 $0x2900;
	s10 =	simm.s32 @!p5 $0x6  }
0x116: {  	[tilespmem:s9], [sflag:$0x4] =	stream.linear.gather @!p3 [hbm4b:s7+s8], $0x80, $0x38;
	[tilespmem:$0x1E400] =	vst v63  }
0x117: {  	s7 =	simm.s32 @!p5 $0x80;
	s8 =	simm.s32 @!p5 $0x2800;
	s9 =	simm.s32 @!p5 $0x6B80  }
0x118: {  	[spmem:s2] =	stream.indirect.scatter.add.f32 @!p5 [tilespmem:s9], [sflag:$0x6], $0x80, s8, s7, $0xb8;
	[tilespmem:$0x1E400] =	vst v63  }
0x119: {  	_ =	swait.ge @!p5 [sflag:s10], $0x4000  }
0x11a: {  	s11 =	rddreg [dreg:$0x5]  }
0x11b: {  	[sflag:s10] =	ssyncset.done @!p5 $0x0;
	p4 =	sge.u32 s5, s11  }
0x11c: {  	[sflag:s10] =	ssyncadd.s32 @!p5 $0xFFFFC000;
	s7 =	simm.s32 @!p4 $0x2  }
0x11d: {  	_ =	swait.ge @!p4 [sflag:s7], $0x4000  }
0x11e: {  	s8 =	sadd.s32 @!p4 $0xFFFFFFFC, s14;
	s9 =	sadd.s32 @!p4 $0xFFFFFFFD, s14;
	[sflag:s7] =	ssyncset.done @!p4 $0x0  }
0x11f: {  	p0 =	sge.u32 @!p4 s8, s6;
	[sflag:s7] =	ssyncadd.s32 @!p4 $0xFFFFC000;
	s7 =	simm.s32 @!p4 $0x3  }
0x120: {  	p3 =	sge.u32 @!p4 s9, s6;
	p0 =	por p0, p4;
	_ =	swait.ge @!p4 [sflag:s7], $0x80  }
0x121: {  	p3 =	por p3, p4;
	s8 =	simm.s32 @!p0 $0x6B80;
	[sflag:s7] =	ssyncset.done @!p4 $0x0  }
0x122: {  	s9 =	simm.s32 @!p0 $0x80;
	[sflag:s7] =	ssyncadd.s32 @!p4 $0xFFFFFF80;
	s7 =	sadd.s32 @!p0 $0xFFFFFE80, s25  }
0x123: {  	[tilespmem:s8], [sflag:$0x2] =	stream.indirect.gather @!p0 [hbm4b:s4+s9], $0x80, s7, s9, $0xb8;
	[tilespmem:$0x1E400] =	vst v63  }
0x124: {  	s7 =	simm.s32 @!p3 $0x0;
	s8 =	simm.s32 @!p3 $0x2980;
	s9 =	simm.s32 @!p4 $0x6  }
0x125: {  	[tilespmem:s8], [sflag:$0x3] =	stream.linear.gather @!p3 [hbm4b:s0+s7], $0x80, $0x38;
	[tilespmem:$0x1E400] =	vst v63  }
0x126: {  	s0 =	simm.s32 @!p4 $0x80;
	s7 =	simm.s32 @!p4 $0x2880;
	s8 =	simm.s32 @!p4 $0x2B80  }
0x127: {  	[spmem:s2] =	stream.indirect.scatter.add.f32 @!p4 [tilespmem:s8], [sflag:$0x6], $0x80, s7, s0, $0xb8;
	[tilespmem:$0x1E400] =	vst v63  }
0x128: {  	_ =	swait.ge @!p4 [sflag:s9], $0x4000  }
0x129: {  	s15 =	rddreg [dreg:$0x6]  }
0x12a: {  	[sflag:s9] =	ssyncset.done @!p4 $0x0;
	p5 =	sge.u32 s5, s15  }
0x12b: {  	[sflag:s9] =	ssyncadd.s32 @!p4 $0xFFFFC000;
	s0 =	simm.s32 @!p5 $0x2  }
0x12c: {  	_ =	swait.ge @!p5 [sflag:s0], $0x4000  }
0x12d: {  	s7 =	sadd.s32 @!p5 $0xFFFFFFFD, s14;
	s8 =	sadd.s32 @!p5 $0xFFFFFFFE, s14;
	[sflag:s0] =	ssyncset.done @!p5 $0x0  }
0x12e: {  	p0 =	sge.u32 @!p5 s7, s6;
	[sflag:s0] =	ssyncadd.s32 @!p5 $0xFFFFC000;
	s0 =	simm.s32 @!p5 $0x4  }
0x12f: {  	p3 =	sge.u32 @!p5 s8, s6;
	p0 =	por p0, p5;
	_ =	swait.ge @!p5 [sflag:s0], $0x80  }
0x130: {  	p3 =	por p3, p5;
	s7 =	simm.s32 @!p0 $0x2B80;
	[sflag:s0] =	ssyncset.done @!p5 $0x0  }
0x131: {  	s8 =	simm.s32 @!p0 $0x80;
	[sflag:s0] =	ssyncadd.s32 @!p5 $0xFFFFFF80;
	s0 =	sadd.s32 @!p0 $0xFFFFFF00, s25  }
0x132: {  	[tilespmem:s7], [sflag:$0x2] =	stream.indirect.gather @!p0 [hbm4b:s4+s8], $0x80, s0, s8, $0xb8;
	[tilespmem:$0x1E400] =	vst v63  }
0x133: {  	s9 =	simm.s32 @!p5 $0x6B80;
	s0 =	simm.s32 @!p3 $0x0;
	s7 =	simm.s32 @!p3 $0x2A00  }
0x134: {  	[tilespmem:s7], [sflag:$0x4] =	stream.linear.gather @!p3 [hbm4b:s30+s0], $0x80, $0x38;
	[tilespmem:$0x1E400] =	vst v63  }
0x135: {  	s8 =	simm.s32 @!p5 $0x6;
	s0 =	simm.s32 @!p5 $0x80;
	s7 =	simm.s32 @!p5 $0x2900  }
0x136: {  	[spmem:s2] =	stream.indirect.scatter.add.f32 @!p5 [tilespmem:s9], [sflag:$0x6], $0x80, s7, s0, $0xb8;
	[tilespmem:$0x1E400] =	vst v63  }
0x137: {  	_ =	swait.ge @!p5 [sflag:s8], $0x4000  }
0x138: {  	s16 =	rddreg [dreg:$0x7]  }
0x139: {  	[sflag:s8] =	ssyncset.done @!p5 $0x0;
	p4 =	sge.u32 s5, s16  }
0x13a: {  	[sflag:s8] =	ssyncadd.s32 @!p5 $0xFFFFC000;
	s0 =	simm.s32 @!p4 $0x2  }
0x13b: {  	_ =	swait.ge @!p4 [sflag:s0], $0x4000  }
0x13c: {  	s7 =	sadd.s32 @!p4 $0xFFFFFFFE, s14;
	s8 =	sadd.s32 @!p4 $0xFFFFFFFF, s14;
	[sflag:s0] =	ssyncset.done @!p4 $0x0  }
0x13d: {  	p0 =	sge.u32 @!p4 s7, s6;
	[sflag:s0] =	ssyncadd.s32 @!p4 $0xFFFFC000;
	s0 =	simm.s32 @!p4 $0x3  }
0x13e: {  	p3 =	sge.u32 @!p4 s8, s6;
	p0 =	por p0, p4;
	_ =	swait.ge @!p4 [sflag:s0], $0x80  }
0x13f: {  	p3 =	por p3, p4;
	s7 =	simm.s32 @!p0 $0x6B80;
	[sflag:s0] =	ssyncset.done @!p4 $0x0  }
0x140: {  	s8 =	simm.s32 @!p0 $0x80;
	[sflag:s0] =	ssyncadd.s32 @!p4 $0xFFFFFF80;
	s0 =	sadd.s32 @!p0 $0xFFFFFF80, s25  }
0x141: {  	[tilespmem:s7], [sflag:$0x2] =	stream.indirect.gather @!p0 [hbm4b:s4+s8], $0x80, s0, s8, $0xb8;
	[tilespmem:$0x1E400] =	vst v63  }
0x142: {  	s9 =	simm.s32 @!p4 $0x2B80;
	s0 =	simm.s32 @!p3 $0x0;
	s7 =	simm.s32 @!p3 $0x2780  }
0x143: {  	[tilespmem:s7], [sflag:$0x3] =	stream.linear.gather @!p3 [hbm4b:s29+s0], $0x80, $0x38;
	[tilespmem:$0x1E400] =	vst v63  }
0x144: {  	s8 =	simm.s32 @!p4 $0x6;
	s0 =	simm.s32 @!p4 $0x80;
	s7 =	simm.s32 @!p4 $0x2980  }
0x145: {  	[spmem:s2] =	stream.indirect.scatter.add.f32 @!p4 [tilespmem:s9], [sflag:$0x6], $0x80, s7, s0, $0xb8;
	[tilespmem:$0x1E400] =	vst v63  }
0x146: {  	_ =	swait.ge @!p4 [sflag:s8], $0x4000  }
0x147: {  	s17 =	rddreg [dreg:$0x8]  }
0x148: {  	[sflag:s8] =	ssyncset.done @!p4 $0x0;
	p5 =	sge.u32 s5, s17  }
0x149: {  	[sflag:s8] =	ssyncadd.s32 @!p4 $0xFFFFC000;
	s0 =	simm.s32 @!p5 $0x2  }
0x14a: {  	_ =	swait.ge @!p5 [sflag:s0], $0x4000  }
0x14b: {  	[sflag:s0] =	ssyncset.done @!p5 $0x0  }
0x14c: {  	s5 =	sadd.s32 @!p5 $0xFFFFFFFF, s14;
	[sflag:s0] =	ssyncadd.s32 @!p5 $0xFFFFC000;
	s0 =	simm.s32 @!p5 $0x4  }
0x14d: {  	p0 =	sge.u32 @!p5 s14, s6;
	p3 =	sge.u32 @!p5 s5, s6;
	_ =	swait.ge @!p5 [sflag:s0], $0x80  }
0x14e: {  	p0 =	por p0, p5;
	p3 =	por p3, p5;
	[sflag:s0] =	ssyncset.done @!p5 $0x0  }
0x14f: {  	s5 =	simm.s32 @!p3 $0x2B80;
	[sflag:s0] =	ssyncadd.s32 @!p5 $0xFFFFFF80;
	s0 =	simm.s32 @!p3 $0x80  }
0x150: {  	[tilespmem:s5], [sflag:$0x2] =	stream.indirect.gather @!p3 [hbm4b:s4+s0], $0x80, s25, s0, $0xb8;
	[tilespmem:$0x1E400] =	vst v63  }
0x151: {  	s7 =	simm.s32 @!p5 $0x5;
	s0 =	simm.s32 @!p0 $0x0;
	s5 =	simm.s32 @!p0 $0x2800  }
0x152: {  	[tilespmem:s5], [sflag:$0x4] =	stream.linear.gather @!p0 [hbm4b:s24+s0], $0x80, $0x38;
	[tilespmem:$0x1E400] =	vst v63  }
0x153: {  	s8 =	simm.s32 @!p5 $0x6B80;
	s0 =	simm.s32 @!p5 $0x80;
	s5 =	simm.s32 @!p5 $0x2A00  }
0x154: {  	[spmem:s2] =	stream.indirect.scatter.add.f32 @!p5 [tilespmem:s8], [sflag:$0x5], $0x80, s5, s0, $0xb8;
	[tilespmem:$0x1E400] =	vst v63  }
0x155: {  	_ =	swait.ge @!p5 [sflag:s7], $0x4000  }
0x156: {  	[sflag:s7] =	ssyncset.done @!p5 $0x0  }
0x157: {  	[sflag:s7] =	ssyncadd.s32 @!p5 $0xFFFFC000  }
0x158: {  	[bflag:$0x0] =	sbarrier.arrive $0xFFFF  }
0x159: {  	s0 =	sor.u32 $0x1C05, s1;
	s29 =	rddreg [dreg:$0x11]  }
0x15a: {  	[hbm:s29], [sflag:s0] =	dma.local [spmem:s12], $0x2700  }
0x15b: {  	_ =	swait.ge [sflag:s26], $0x2700  }
0x15c: {  	[sflag:s26] =	ssyncset.done $0x0  }
0x15d: {  	s1 =	sshrl.u32 @!p2 s13, $0x3;
	s5 =	rddreg [dreg:$0x12];
	[sflag:s26] =	ssyncadd.s32 $0xFFFFD900  }
0x15e: {  	[hbm:s5], [sflag:s0] =	dma.local @!p2 [spmem:s1], $0x100  }
0x15f: {  	s0 =	simm.s32 @!p2 $0x5  }
0x160: {  	_ =	swait.ge @!p2 [sflag:s0], $0x100  }
0x161: {  	s31 =	sadd.s32 $0x1, s31;
	s30 =	rddreg [dreg:$0x13]  }
0x162: {  	p0 =	sne.s32 s31, s30  }
.Ltmp5:
0x163: {  	_ = 	snop;
	(pc) =	sbr.rel @p0 .LBB2_1-.Ltmp5, $3  }
0x164: {  	_ =	sdelay $0x1  }
0x165: {  	[sflag:s0] =	ssyncset.done @!p2 $0x0  }
0x166: {  	[sflag:s0] =	ssyncadd.s32 @!p2 $0xFFFFFF00  }
0x167: {  	_ =	sfence.sel $0x180000  }
0x168: {  	[bflag:$0x0] =	sbarrier.arrive $0xFFFF  }
0x169: {  	_ =	strace $0x9000004A  }
0x16a: {  	s0 =	stileid.u32;
	[bflag:$0x2] =	sbarrier.arrive $0xFFFF  }
0x16b: {  	p0 =	sne.s32 s0, $0x0;
	s0 =	rddreg [dreg:$0x3]  }
0x16c: {  	s0 =	sadd.s32 @!p0 $0x100000, s0  }
0x16d: {  	[sflag:s0] =	ssyncadd.tile.s32 @!p0 $0x1;
	_ =	shalt  }
.Lfunc_end2:
_tile_overlayer_lowered:
.L_overlay_start_2:
0x16e: {  	(tag) =	ssettag $0x2  }
0x16f: {  	s0 =	rddreg [dreg:$0x0];
	s2 =	stileid.u32  }
0x170: {  	s1 =	rddreg [dreg:$0x1];
	p0 =	sne.s32 s2, $0x0  }
0x171: {  	s3 =	rddreg [dreg:$0x2];
	[bflag:$0x3] =	sbarrier.arrive $0xFFFF;
	s2 =	simm.s32 @!p0 $0x1C05  }
0x172: {  	[timem:s3], [sflag:s2] =	dma.local @!p0 [hbm:s0], s1  }
0x173: {  	s0 =	simm.s32 @!p0 $0x5  }
0x174: {  	_ =	swait.ge @!p0 [sflag:s0], s1  }
0x175: {  	s1 =	ssub.s32 @!p0 $0x0, s1;
	[sflag:s0] =	ssyncset.done @!p0 $0x0  }
0x176: {  	[sflag:s0] =	ssyncadd.s32 @!p0 s1  }
0x177: {  	[bflag:$0x3] =	sbarrier.arrive $0xFFFF  }
0x178: {  	_ =	shalt  }

// kernel: kernel.14.cloned.1.call-start
scs
__scs_entry_jumppad:
0x0: {  	(pc) =	sbr.rel $0x88, $3  }
0x1: {  	(tag) =	ssettag $0x0;
	lr =	simm.s32 $0x1  }
0x2: {  	[smem:$0x3F9B] =	sst lr;
	_ =	strace $0xD0000000  }
0x3: {  	_ = 	snop  }
0x4: {  	_ = 	snop  }
0x5: {  	_ = 	snop  }
0x6: {  	_ = 	snop  }
0x7: {  	_ = 	snop  }
__scs_overlays_trampoline_lowered:
0x8: {  	[smem:$0x3FAA] =	sst s0  }
0x9: {  	[smem:$0x3FAB] =	sst s1  }
0xa: {  	[smem:$0x3FAC] =	sst s2  }
0xb: {  	[smem:$0x3FAD] =	sst s3  }
0xc: {  	[smem:$0x3FAE] =	sst s4  }
0xd: {  	[smem:$0x3FAF] =	sst s5  }
0xe: {  	[smem:$0x3FB0] =	sst s6  }
0xf: {  	[smem:$0x3FB1] =	sst s7  }
0x10: {  	[smem:$0x3FB2] =	sst s8  }
0x11: {  	[smem:$0x3FB3] =	sst s9;
	s0 =	simm.s32 @!p0 $0x0  }
0x12: {  	s1 =	sld [smem:$0x3F99];
	s0 =	simm.s32 @p0 $0x1  }
0x13: {  	[smem:$0x3FB4] =	sst s0;
	s0 =	simm.s32 @!p1 $0x0  }
0x14: {  	s2 =	sld [smem:$0x3F98];
	s0 =	simm.s32 @p1 $0x1  }
0x15: {  	[smem:$0x3FB5] =	sst s0;
	s0 =	simm.s32 @!p2 $0x0  }
0x16: {  	s3 =	sld [smem:$0x3FDB];
	s0 =	simm.s32 @p2 $0x1  }
0x17: {  	s4 =	simm.s32 $0x1BF5;
	[smem:$0x3FB7] =	sst s0  }
0x18: {  	s0 =	sld [smem:$0x3F9A];
	_ =	swait.ge [sflag:s4], $0x0  }
0x19: {  	s7 =	sld [smem:$0x3F9B]  }
0x1a: {  	s8 =	sadd.s32 $0xFFFFE003, lr  }
0x1b: {  	s9 =	sadd.s32 $0xFFFFFEF7, lr;
	s5 =	simm.s32 $0xFFFFFFFF;
	p2 =	slt.u32 s8, $0xFFFFF086  }
0x1c: {  	p1 =	slt.u32 s9, $0xF7A;
	s5 =	simm.s32 @!p2 $0x0  }
0x1d: {  	s5 =	simm.s32 @p1 $0x1;
	p0 =	seq.s32 s7, s2  }
0x1e: {  	s7 =	smul.u32 @!p0 $0xF7A, s2;
	p2 =	seq.s32 @!p0 s5, $0x0  }
0x1f: {  	s9 =	smul.u32 $0xF7A, s1;
	s8 =	simm.s32 @!p0 $0x1BF5;
	p2 =	por !p2, p0  }
0x20: {  	[sflag:s8] =	ssyncset.s32 @!p0 $0xFFFFF086;
	s6 =	sadd.s32 @!p0 s3, s7;
	s7 =	simm.s32 @!p0 $0x108  }
0x21: {  	s3 =	sadd.s32 s3, s9;
	s6 =	sadd.s32 @!p0 $0x88, s6;
	s7 =	simm.s32 @p2 $0x1082  }
0x22: {  	[simem:s7], [sflag:s8] =	dma.local @!p0 [hbm:s6], $0xF7A  }
0x23: {  	s9 =	sor.u32 $0xD0000000, s2;
	s6 =	simm.s32 $0x108;
	_ =	swait.ge @!p0 [sflag:s8], $0x0  }
0x24: {  	s3 =	sadd.s32 $0x88, s3;
	s6 =	simm.s32 @!p1 $0x1082;
	[sflag:s4] =	ssyncset.s32 $0xFFFFF086  }
0x25: {  	[simem:s6], [sflag:s4] =	dma.local [hbm:s3], $0xF7A  }
0x26: {  	[smem:$0x3F9B] =	sst s1;
	(tag) =	ssettag s2;
	_ =	strace s9  }
0x27: {  	s1 =	sld [smem:$0x3FAB]  }
0x28: {  	s2 =	sld [smem:$0x3FAC]  }
0x29: {  	s4 =	sld [smem:$0x3FAE]  }
0x2a: {  	p0 =	seq.s32 s5, $0x0;
	s5 =	sld [smem:$0x3FAF]  }
0x2b: {  	s6 =	sld [smem:$0x3FB0]  }
0x2c: {  	s7 =	sld [smem:$0x3FB1]  }
0x2d: {  	s3 =	simm.s32 $0x108;
	s8 =	sld [smem:$0x3FB2]  }
0x2e: {  	s3 =	simm.s32 @!p0 $0x1082;
	s9 =	sld [smem:$0x3FB3]  }
0x2f: {  	lr =	sadd.s32 s0, s3;
	s0 =	sld [smem:$0x3FAA]  }
0x30: {  	s3 =	sld [smem:$0x3FAD]  }
0x31: {  	[smem:$0x3FB6] =	sst s10  }
0x32: {  	s10 =	sld [smem:$0x3FB4];
	_ =	sdelay $0x3  }
0x33: {  	p0 =	seq.s32 s10, $0x1;
	s10 =	sld [smem:$0x3FB6];
	_ =	sdelay $0x3  }
0x34: {  	[smem:$0x3FB6] =	sst s10  }
0x35: {  	s10 =	sld [smem:$0x3FB5];
	_ =	sdelay $0x3  }
0x36: {  	p1 =	seq.s32 s10, $0x1;
	s10 =	sld [smem:$0x3FB6];
	_ =	sdelay $0x3  }
0x37: {  	[smem:$0x3FB6] =	sst s10  }
0x38: {  	s10 =	sld [smem:$0x3FB7]  }
0x39: {  	_ = 	snop;
	(pc) =	sbr.ind lr, $3  }
0x3a: {  	_ = 	snop  }
0x3b: {  	_ = 	snop  }
0x3c: {  	p2 =	seq.s32 s10, $0x1;
	s10 =	sld [smem:$0x3FB6]  }
0x3d: {  	_ =	shalt  }
0x3e: {  	_ =	shalt  }
0x3f: {  	_ =	shalt  }
0x40: {  	_ =	shalt  }
0x41: {  	_ =	shalt  }
0x42: {  	_ =	shalt  }
0x43: {  	_ =	shalt  }
0x44: {  	_ =	shalt  }
0x45: {  	_ =	shalt  }
0x46: {  	_ =	shalt  }
0x47: {  	_ =	shalt  }
0x48: {  	_ =	shalt  }
0x49: {  	_ =	shalt  }
0x4a: {  	_ =	shalt  }
0x4b: {  	_ =	shalt  }
0x4c: {  	_ =	shalt  }
0x4d: {  	_ =	shalt  }
0x4e: {  	_ =	shalt  }
0x4f: {  	_ =	shalt  }
0x50: {  	_ =	shalt  }
0x51: {  	_ =	shalt  }
0x52: {  	_ =	shalt  }
0x53: {  	_ =	shalt  }
0x54: {  	_ =	shalt  }
0x55: {  	_ =	shalt  }
0x56: {  	_ =	shalt  }
0x57: {  	_ =	shalt  }
0x58: {  	_ =	shalt  }
0x59: {  	_ =	shalt  }
0x5a: {  	_ =	shalt  }
0x5b: {  	_ =	shalt  }
0x5c: {  	_ =	shalt  }
0x5d: {  	_ =	shalt  }
0x5e: {  	_ =	shalt  }
0x5f: {  	_ =	shalt  }
0x60: {  	_ =	shalt  }
0x61: {  	_ =	shalt  }
0x62: {  	_ =	shalt  }
0x63: {  	_ =	shalt  }
0x64: {  	_ =	shalt  }
0x65: {  	_ =	shalt  }
0x66: {  	_ =	shalt  }
0x67: {  	_ =	shalt  }
0x68: {  	_ =	shalt  }
0x69: {  	_ =	shalt  }
0x6a: {  	_ =	shalt  }
0x6b: {  	_ =	shalt  }
0x6c: {  	_ =	shalt  }
0x6d: {  	_ =	shalt  }
0x6e: {  	_ =	shalt  }
0x6f: {  	_ =	shalt  }
0x70: {  	_ =	shalt  }
0x71: {  	_ =	shalt  }
0x72: {  	_ =	shalt  }
0x73: {  	_ =	shalt  }
0x74: {  	_ =	shalt  }
0x75: {  	_ =	shalt  }
0x76: {  	_ =	shalt  }
0x77: {  	_ =	shalt  }
0x78: {  	_ =	shalt  }
0x79: {  	_ =	shalt  }
0x7a: {  	_ =	shalt  }
0x7b: {  	_ =	shalt  }
0x7c: {  	_ =	shalt  }
0x7d: {  	_ =	shalt  }
0x7e: {  	_ =	shalt  }
0x7f: {  	_ =	shalt  }
0x80: {  	_ =	shalt  }
0x81: {  	_ =	shalt  }
0x82: {  	_ =	shalt  }
0x83: {  	_ =	shalt  }
0x84: {  	_ =	shalt  }
0x85: {  	_ =	shalt  }
0x86: {  	_ =	shalt  }
0x87: {  	_ =	shalt  }
.Lfunc_end0:
.L_simem_size_0:
called_computation.2_lowered:
.L_overlay_start_0:
0x88: {  	s2 =	sld [smem:$0x3FD9]  }
0x89: {  	s3 =	sld [smem:$0x3FFE];
	_ =	sdelay $0x1  }
0x8a: {  	s1 =	srdreg.scid  }
0x8b: {  	s0 =	sand.u32 $0x1, s1  }
0x8c: {  	s17 =	sshll.u32 s0, $0xA;
	s2 =	sadd.s32 s3, s2  }
0x8d: {  	s2 =	sadd.s32 s2, s17  }
0x8e: {  	[smem:$0x3FC2] =	sst s2  }
0x8f: {  	_ = 	snop  }
0x90: {  	s2 =	sld [smem:$0x3FD0];
	(tm) =	ssettm $0x1  }
0x91: {  	s18 =	sld [smem:$0x3FFB];
	_ =	sdelay $0x3  }
0x92: {  	_ =	strace s18  }
0x93: {  	s3 =	sld [smem:$0x3FFC];
	_ =	sdelay $0x3  }
0x94: {  	_ =	strace s3  }
0x95: {  	s3 =	sld [smem:$0x3FFD];
	_ =	sdelay $0x3  }
0x96: {  	_ =	strace s3  }
0x97: {  	_ =	strace $0x8FFFFFFF  }
0x98: {  	s19 =	sld [smem:$0x3FDB];
	_ =	sdelay $0x1  }
0x99: {  	s4 =	simm.s32 $_scs_section_size  }
0x9a: {  	s5 =	simm.s32 $_size__tile_overlayer_lowered;
	s6 =	simm.s32 $_tile_overlayer_lowered  }
0x9b: {  	s22 =	simm.s32 $0x1BFF;
	s21 =	sshll.u32 s6, $0x1;
	s3 =	sadd.s32 s4, s19  }
0x9c: {  	s7 =	simm.s32 $0x0;
	s20 =	sshll.u32 s5, $0x1;
	s5 =	sadd.s32 s21, s3  }
0x9d: {  	[timem:s7], [sflag:s22] =	dma.local [hbm:s5], s20  }
0x9e: {  	_ =	swait.ge [sflag:s22], s20  }
0x9f: {  	s4 =	ssub.s32 $0x0, s20;
	[sflag:s22] =	ssyncset.done $0x0  }
0xa0: {  	[sflag:s22] =	ssyncadd.s32 s4;
	_ =	sdelay $0x1  }
0xa1: {  	s23 =	simm.s32 $0x1B8B  }
0xa2: {  	_ =	swait.ge [sflag:s23], $0x1  }
0xa3: {  	[sflag:s23] =	ssyncset.done $0x0  }
0xa4: {  	s25 =	simm.s32 $0x1B8E;
	s24 =	sld [smem:$0x3FFE];
	[sflag:s23] =	ssyncadd.s32 $0xFFFFFFFF  }
0xa5: {  	s26 =	simm.s32 $execute0_lowered;
	[smem:$0x3FD2] =	sst s25  }
0xa6: {  	s5 =	sshll.u32 s26, $0x1;
	_ =	strace $0x8000004C;
	[dreg:$0x1] =	wrdreg $0xFFFFFFFF  }
0xa7: {  	s28 =	simm.s32 $_size_execute0_lowered;
	s3 =	sadd.s32 s3, s5;
	[dreg:$0x0] =	wrdreg $0x0  }
0xa8: {  	s5 =	sshll.u32 s28, $0x1;
	[dreg:$0x2] =	wrdreg s3  }
0xa9: {  	[dreg:$0x3] =	wrdreg s5  }
0xaa: {  	[dreg:$0x4] =	wrdreg $0xC0  }
0xab: {  	_ =	task [dreg:s7], $0x5FFFF  }
0xac: {  	[dreg:$0x1] =	wrdreg $0xFFFFFFFF  }
0xad: {  	[dreg:$0x0] =	wrdreg $0x60  }
0xae: {  	[dreg:$0x2] =	wrdreg s24  }
0xaf: {  	[dreg:$0x3] =	wrdreg s2  }
0xb0: {  	[dreg:$0x4] =	wrdreg $0xAB800  }
0xb1: {  	[dreg:$0x5] =	wrdreg $0x9  }
0xb2: {  	_ =	task.clear_ibuf [dreg:s7], $0x6FFFF;
	_ =	strace $0x9000004C  }
0xb3: {  	s29 =	simm.s32 $0x9;
	_ =	strace $0x8000004E  }
0xb4: {  	_ =	swait.ge [sflag:s29], $0x1  }
0xb5: {  	[sflag:s29] =	ssyncadd.s32 $0xFFFFFFFF  }
0xb6: {  	_ =	strace $0x9000004E  }
0xb7: {  	_ =	sfence  }
0xb8: {  	s30 =	sld [smem:$0x0];
	_ =	sdelay $0x2  }
0xb9: {  	s31 =	sshll.u32 s1, $0xD;
	s1 =	sshrl.u32 s1, $0x2  }
0xba: {  	s3 =	sand.u32 $0x4000, s31;
	s1 =	sadd.s32 s1, s30  }
0xbb: {  	s0 =	sor.u32 s3, s0;
	s1 =	sshll.u32 s1, $0x11  }
0xbc: {  	s0 =	sor.u32 s1, s0  }
0xbd: {  	s0 =	sadd.s32 $0x8F2B, s0  }
0xbe: {  	[sflag:s0] =	ssyncadd.remote.s32 $0x1  }
0xbf: {  	_ =	sfence.sel $0xFFFF  }
0xc0: {  	[dreg:$0x0] =	wrdreg $0xFFFFFFFF;
	(pc) =	sbr.abs _section_cstart, $3  }
0xc1: {  	[dreg:$0x1] =	wrdreg $0xFFFFFFFF  }
0xc2: {  	_ =	task.clear_ibuf [dreg:s7], $0x2FFFF;
	_ =	strace $0x9FFFFFFF  }
0xc3: {  	(tm) =	ssettm $0x7FFFFFFF  }
tec
execute0_lowered:
.L_overlay_start_1:
0x0: {  	(tag) =	ssettag $0x1  }
0x1: {  	s0 =	srdreg.scid;
	s5 =	rddreg [dreg:$0x0]  }
0x2: {  	s16 =	stileid.u32;
	s7 =	rddreg [dreg:$0x1]  }
0x3: {  	s2 =	rddreg [dreg:$0x2];
	s3 =	simm.s32 $0x0;
	s28 =	simm.s32 $0x1  }
0x4: {  	s31 =	simm.s32 $0x0;
	s1 =	sand.u32 $0x1, s0;
	s29 =	smul.u32 $0x4E000, s16  }
0x5: {  	[smem:$0x7FF] =	sst s3;
	s14 =	sadd.s32 $0x85600, s5;
	s30 =	smul.u32 $0x2700, s16  }
0x6: {  	s22 =	smul.u32 $0x4E, s16;
	p2 =	sne.s32 s16, $0xF;
	s0 =	sshll.u32 s1, $0x4  }
0x7: {  	_ =	strace $0x8000004D;
	s6 =	ssub.s32 $0x2, s1;
	[dreg:$0x9] =	wrdreg s14  }
0x8: {  	s19 =	smul.u32 $0x138800, s1;
	s0 =	sor.u32 s16, s0;
	s11 =	sshrl.u32 s6, $0x1  }
0x9: {  	s11 =	ssub.s32 s6, s11;
	p0 =	slt.u32 s0, $0x4;
	s6 =	simm.s32 $0x4F  }
0xa: {  	s17 =	sadd.s32 s14, s30;
	s4 =	smul.u32 $0x4E, s0;
	s6 =	simm.s32 @!p0 $0x4E  }
0xb: {  	s8 =	smin.u32 s0, $0x4;
	[dreg:$0x10] =	wrdreg s17;
	s18 =	sadd.s32 $0xFFFFFFFF, s6  }
0xc: {  	p0 =	seq.s32 s1, $0x1;
	s20 =	sadd.s32 $0xFFFFFFFE, s6;
	[dreg:$0x4] =	wrdreg s18  }
0xd: {  	s4 =	sadd.s32 s8, s4;
	s21 =	sadd.s32 $0xFFFFFFFD, s6;
	[dreg:$0x5] =	wrdreg s20  }
0xe: {  	s23 =	sadd.s32 $0xFFFFFFFC, s6;
	s24 =	sadd.s32 $0xFFFFFFFB, s6;
	[dreg:$0x6] =	wrdreg s21  }
0xf: {  	s9 =	sshll.u32 s4, $0x4;
	s4 =	sadd.s32 $0x5E400, s5;
	[dreg:$0x7] =	wrdreg s23  }
0x10: {  	[dreg:$0x8] =	wrdreg s24;
	s10 =	sadd.s32 s9, s5;
	s9 =	sadd.s32 s7, s9  }
0x11: {  	s1 =	smul.u32 $0x4E0, s1;
	s15 =	sadd.s32 s4, s30;
	[dreg:$0xc] =	wrdreg s9  }
0x12: {  	p1 =	sgt.u32 s0, $0x3;
	s30 =	smax.u32 s11, $0x1;
	[dreg:$0xf] =	wrdreg s15  }
0x13: {  	s1 =	sadd.s32 s22, s1;
	s12 =	sadd.s32 $0x1E00, s10;
	[dreg:$0x13] =	wrdreg s30  }
0x14: {  	s5 =	sadd.s32 $0xAC800, s5;
	s10 =	sadd.s32 $0x22E0, s10;
	[dreg:$0xa] =	wrdreg s12  }
0x15: {  	s1 =	sadd.s32 s8, s1;
	s9 =	sadd.s32 $0x10, s9;
	[dreg:$0xb] =	wrdreg s10  }
0x16: {  	s15 =	smul.u32 $0x13800, s16;
	s1 =	sshll.u32 s1, $0x4;
	[dreg:$0xd] =	wrdreg s9  }
0x17: {  	s9 =	simm.s32 @!p0 $0x0;
	s12 =	sshrl.u32 s29, $0x2;
	s29 =	sshrl.u32 s19, $0x3  }
0x18: {  	s1 =	sadd.s32 s1, s7;
	s9 =	simm.s32 @p0 $0x1;
	s13 =	sadd.s32 s12, s2  }
0x19: {  	s25 =	sadd.s32 s15, s19;
	s18 =	sadd.s32 $0x70, s1;
	s19 =	sadd.s32 $0x60, s1  }
0x1a: {  	s20 =	sadd.s32 $0x50, s1;
	s21 =	sadd.s32 $0x40, s1;
	s22 =	sadd.s32 $0x30, s1  }
0x1b: {  	p0 =	seq.s32 s16, $0xF;
	[smem:$0x7FC] =	sst s9;
	s26 =	sshrl.u32 s25, $0x3  }
0x1c: {  	[dreg:$0xe] =	wrdreg s13;
	s0 =	simm.s32 @!p0 $0x0;
	s8 =	sadd.s32 s5, s26  }
0x1d: {  	s5 =	sadd.s32 s5, s29;
	s0 =	simm.s32 @p0 $0x1;
	[dreg:$0x11] =	wrdreg s8  }
0x1e: {  	s23 =	sadd.s32 $0x20, s1;
	s5 =	sadd.s32 $0x27000, s5;
	[smem:$0x7FD] =	sst s0  }
0x1f: {  	s13 =	sadd.s32 $0x138000, s2;
	s26 =	simm.s32 $0x5;
	[dreg:$0x12] =	wrdreg s5  }
.LBB2_1:
0x20: {  	s0 =	rddreg [dreg:$0xa]  }
0x21: {  	s5 =	rddreg [dreg:$0xb]  }
0x22: {  	s30 =	sld [smem:$0x7FC]  }
0x23: {  	[tilespmem:s3], [sflag:$0x1] =	stream.linear.gather [hbm4b:s0+s3], $0x2700, $0x38;
	[tilespmem:$0x1E400] =	vst v63  }
0x24: {  	s1 =	simm.s32 @!p1 $0x2700;
	s15 =	rddreg [dreg:$0xc];
	s0 =	simm.s32 @!p1 $0x0  }
0x25: {  	[tilespmem:s1], [sflag:$0x1] =	stream.linear.gather @!p1 [hbm4b:s5+s0], $0x80, $0x38;
	[tilespmem:$0x1E400] =	vst v63  }
0x26: {  	s17 =	rddreg [dreg:$0xd];
	p0 =	seq.s32 s30, $0x1  }
.Ltmp0:
0x27: {  	s25 =	stileid.u32;
	(pc) =	sbr.rel @!p0 .LBB2_2-.Ltmp0, $4  }
0x28: {  	s16 =	simm.s32 $0x2780;
	s29 =	rddreg [dreg:$0xe];
	s1 =	sshll.u32 s25, $0x6  }
0x29: {  	[tilespmem:s16], [sflag:$0x3] =	stream.linear.gather [hbm4b:s15+s3], $0x80, $0x38;
	[tilespmem:$0x1E400] =	vst v63  }
0x2a: {  	s24 =	simm.s32 $0x2800;
	s12 =	sshrl.u32 s29, $0x3;
	s0 =	sor.u32 $0x1C05, s1  }
0x2b: {  	[tilespmem:s24], [sflag:$0x4] =	stream.linear.gather [hbm4b:s17+s3], $0x80, $0x38;
	[tilespmem:$0x1E400] =	vst v63  }
0x2c: {  	s0 =	sor.u32 $0x1C05, s1;
	s5 =	rddreg [dreg:$0x10]  }
0x2d: {  	[spmem:s12], [sflag:s0] =	dma.local [hbm:s5], $0x2700  }
.Ltmp1:
0x2e: {  	_ = 	snop;
	(pc) =	sbr.rel @p2 .LBB2_5-.Ltmp1, $4  }
.Ltmp2:
0x2f: {  	_ = 	snop;
	(pc) =	sbr.rel @!p2 .LBB2_4-.Ltmp2, $4  }
0x30: {  	_ =	swait.ge [sflag:s26], $0x2700  }
0x31: {  	[sflag:s26] =	ssyncset.done $0x0  }
0x32: {  	s5 =	rddreg [dreg:$0x9];
	[sflag:s26] =	ssyncadd.s32 $0xFFFFD900  }
0x33: {  	_ = 	snop  }
.LBB2_2:
0x34: {  	s5 =	rddreg [dreg:$0xf]  }
0x35: {  	[spmem:s12], [sflag:s0] =	dma.local [hbm:s5], $0x2700  }
0x36: {  	_ =	swait.ge [sflag:s26], $0x2700  }
0x37: {  	s7 =	sld [smem:$0x7FD];
	_ =	sdelay $0x2  }
0x38: {  	p0 =	seq.s32 s7, $0x1  }
.Ltmp3:
0x39: {  	_ = 	snop;
	(pc) =	sbr.rel @!p0 .LBB2_5-.Ltmp3, $3  }
0x3a: {  	_ =	sdelay $0x1  }
0x3b: {  	[sflag:s26] =	ssyncset.done $0x0  }
0x3c: {  	s5 =	smov.u32 s4;
	[sflag:s26] =	ssyncadd.s32 $0xFFFFD900  }
.LBB2_4:
0x3d: {  	s5 =	sadd.s32 $0x27000, s5;
	s7 =	sshrl.u32 s13, $0x3  }
0x3e: {  	[spmem:s7], [sflag:s0] =	dma.local [hbm:s5], $0x100  }
0x3f: {  	_ =	swait.ge [sflag:s26], $0x100  }
0x40: {  	[sflag:s26] =	ssyncset.done $0x0  }
0x41: {  	[sflag:s26] =	ssyncadd.s32 $0xFFFFFF00  }
.LBB2_5:
0x42: {  	_ =	swait.ge [sflag:s28], $0x2700  }
0x43: {  	[sflag:s28] =	ssyncset.done $0x0  }
0x44: {  	s0 =	simm.s32 @!p1 $0x1;
	[sflag:s28] =	ssyncadd.s32 $0xFFFFD900  }
0x45: {  	_ =	swait.ge @!p1 [sflag:s0], $0x80  }
0x46: {  	[sflag:s0] =	ssyncset.done @!p1 $0x0  }
0x47: {  	s14 =	simm.s32 $0x80;
	p5 =	sle.u32 s6, $0x0;
	[sflag:s0] =	ssyncadd.s32 @!p1 $0xFFFFFF80  }
0x48: {  	s5 =	simm.s32 $0x2B80;
	s0 =	simm.s32 @!p5 $0x2;
	[bflag:$0x0] =	sbarrier.arrive $0xFFFF  }
0x49: {  	[tilespmem:s5], [sflag:$0x2] =	stream.indirect.gather [hbm4b:s4+s14], $0x80, s3, s14, $0xb8;
	[tilespmem:$0x1E400] =	vst v63  }
0x4a: {  	_ =	swait.ge @!p5 [sflag:s0], $0x4000  }
0x4b: {  	[sflag:s0] =	ssyncset.done @!p5 $0x0  }
0x4c: {  	p3 =	sle.u32 @!p5 s6, $0x1;
	[sflag:s0] =	ssyncadd.s32 @!p5 $0xFFFFC000;
	s0 =	simm.s32 @!p5 $0x3  }
0x4d: {  	p4 =	sle.u32 @!p5 s6, $0x2;
	p3 =	por p3, p5;
	_ =	swait.ge @!p5 [sflag:s0], $0x80  }
0x4e: {  	p4 =	por p4, p5;
	s7 =	simm.s32 @!p3 $0x80;
	[sflag:s0] =	ssyncset.done @!p5 $0x0  }
0x4f: {  	s5 =	simm.s32 @!p3 $0x6B80;
	[sflag:s0] =	ssyncadd.s32 @!p5 $0xFFFFFF80;
	s0 =	simm.s32 @!p3 $0x80  }
0x50: {  	[tilespmem:s5], [sflag:$0x2] =	stream.indirect.gather @!p3 [hbm4b:s4+s7], $0x80, s0, s7, $0xb8;
	[tilespmem:$0x1E400] =	vst v63  }
0x51: {  	s8 =	simm.s32 @!p5 $0x2B80;
	s0 =	simm.s32 @!p4 $0x0;
	s5 =	simm.s32 @!p4 $0x2880  }
0x52: {  	[tilespmem:s5], [sflag:$0x3] =	stream.linear.gather @!p4 [hbm4b:s23+s0], $0x80, $0x38;
	[tilespmem:$0x1E400] =	vst v63  }
0x53: {  	s7 =	simm.s32 @!p5 $0x6;
	s0 =	simm.s32 @!p5 $0x80;
	s5 =	simm.s32 @!p5 $0x2780  }
0x54: {  	[spmem:s2] =	stream.indirect.scatter.add.f32 @!p5 [tilespmem:s8], [sflag:$0x6], $0x80, s5, s0, $0xb8;
	[tilespmem:$0x1E400] =	vst v63  }
0x55: {  	_ =	swait.ge @!p5 [sflag:s7], $0x4000  }
0x56: {  	s15 =	rddreg [dreg:$0x4]  }
0x57: {  	[sflag:s7] =	ssyncset.done @!p5 $0x0;
	p4 =	sle.u32 s15, $0x0  }
0x58: {  	[sflag:s7] =	ssyncadd.s32 @!p5 $0xFFFFC000;
	s0 =	simm.s32 @!p4 $0x2  }
0x59: {  	_ =	swait.ge @!p4 [sflag:s0], $0x4000  }
0x5a: {  	[sflag:s0] =	ssyncset.done @!p4 $0x0  }
0x5b: {  	p3 =	sle.u32 @!p4 s6, $0x2;
	[sflag:s0] =	ssyncadd.s32 @!p4 $0xFFFFC000;
	s0 =	simm.s32 @!p4 $0x4  }
0x5c: {  	p5 =	sle.u32 @!p4 s6, $0x3;
	p3 =	por p3, p4;
	_ =	swait.ge @!p4 [sflag:s0], $0x80  }
0x5d: {  	p5 =	por p5, p4;
	s5 =	simm.s32 @!p3 $0x2B80;
	[sflag:s0] =	ssyncset.done @!p4 $0x0  }
0x5e: {  	s7 =	simm.s32 @!p3 $0x80;
	[sflag:s0] =	ssyncadd.s32 @!p4 $0xFFFFFF80;
	s0 =	simm.s32 @!p3 $0x100  }
0x5f: {  	[tilespmem:s5], [sflag:$0x2] =	stream.indirect.gather @!p3 [hbm4b:s4+s7], $0x80, s0, s7, $0xb8;
	[tilespmem:$0x1E400] =	vst v63  }
0x60: {  	s8 =	simm.s32 @!p4 $0x6B80;
	s0 =	simm.s32 @!p5 $0x0;
	s5 =	simm.s32 @!p5 $0x2900  }
0x61: {  	[tilespmem:s5], [sflag:$0x4] =	stream.linear.gather @!p5 [hbm4b:s22+s0], $0x80, $0x38;
	[tilespmem:$0x1E400] =	vst v63  }
0x62: {  	s7 =	simm.s32 @!p4 $0x6;
	s0 =	simm.s32 @!p4 $0x80;
	s5 =	simm.s32 @!p4 $0x2800  }
0x63: {  	[spmem:s2] =	stream.indirect.scatter.add.f32 @!p4 [tilespmem:s8], [sflag:$0x6], $0x80, s5, s0, $0xb8;
	[tilespmem:$0x1E400] =	vst v63  }
0x64: {  	_ =	swait.ge @!p4 [sflag:s7], $0x4000  }
0x65: {  	s16 =	rddreg [dreg:$0x5]  }
0x66: {  	[sflag:s7] =	ssyncset.done @!p4 $0x0;
	p5 =	sle.u32 s16, $0x0  }
0x67: {  	[sflag:s7] =	ssyncadd.s32 @!p4 $0xFFFFC000;
	s0 =	simm.s32 @!p5 $0x2  }
0x68: {  	_ =	swait.ge @!p5 [sflag:s0], $0x4000  }
0x69: {  	[sflag:s0] =	ssyncset.done @!p5 $0x0  }
0x6a: {  	p3 =	sle.u32 @!p5 s6, $0x3;
	[sflag:s0] =	ssyncadd.s32 @!p5 $0xFFFFC000;
	s0 =	simm.s32 @!p5 $0x3  }
0x6b: {  	p4 =	sle.u32 @!p5 s6, $0x4;
	p3 =	por p3, p5;
	_ =	swait.ge @!p5 [sflag:s0], $0x80  }
0x6c: {  	p4 =	por p4, p5;
	s5 =	simm.s32 @!p3 $0x6B80;
	[sflag:s0] =	ssyncset.done @!p5 $0x0  }
0x6d: {  	s7 =	simm.s32 @!p3 $0x80;
	[sflag:s0] =	ssyncadd.s32 @!p5 $0xFFFFFF80;
	s0 =	simm.s32 @!p3 $0x180  }
0x6e: {  	[tilespmem:s5], [sflag:$0x2] =	stream.indirect.gather @!p3 [hbm4b:s4+s7], $0x80, s0, s7, $0xb8;
	[tilespmem:$0x1E400] =	vst v63  }
0x6f: {  	s8 =	simm.s32 @!p5 $0x2B80;
	s0 =	simm.s32 @!p4 $0x0;
	s5 =	simm.s32 @!p4 $0x2980  }
0x70: {  	[tilespmem:s5], [sflag:$0x3] =	stream.linear.gather @!p4 [hbm4b:s21+s0], $0x80, $0x38;
	[tilespmem:$0x1E400] =	vst v63  }
0x71: {  	s7 =	simm.s32 @!p5 $0x6;
	s0 =	simm.s32 @!p5 $0x80;
	s5 =	simm.s32 @!p5 $0x2880  }
0x72: {  	[spmem:s2] =	stream.indirect.scatter.add.f32 @!p5 [tilespmem:s8], [sflag:$0x6], $0x80, s5, s0, $0xb8;
	[tilespmem:$0x1E400] =	vst v63  }
0x73: {  	_ =	swait.ge @!p5 [sflag:s7], $0x4000  }
0x74: {  	s17 =	rddreg [dreg:$0x6]  }
0x75: {  	[sflag:s7] =	ssyncset.done @!p5 $0x0;
	p6 =	sle.u32 s17, $0x0  }
0x76: {  	[sflag:s7] =	ssyncadd.s32 @!p5 $0xFFFFC000;
	s0 =	simm.s32 @!p6 $0x2  }
0x77: {  	_ =	swait.ge @!p6 [sflag:s0], $0x4000  }
0x78: {  	[sflag:s0] =	ssyncset.done @!p6 $0x0  }
0x79: {  	p3 =	sle.u32 @!p6 s6, $0x4;
	[sflag:s0] =	ssyncadd.s32 @!p6 $0xFFFFC000;
	s0 =	simm.s32 @!p6 $0x4  }
0x7a: {  	p4 =	sle.u32 @!p6 s6, $0x5;
	p3 =	por p3, p6;
	_ =	swait.ge @!p6 [sflag:s0], $0x80  }
0x7b: {  	p4 =	por p4, p6;
	s5 =	simm.s32 @!p3 $0x2B80;
	[sflag:s0] =	ssyncset.done @!p6 $0x0  }
0x7c: {  	s7 =	simm.s32 @!p3 $0x80;
	[sflag:s0] =	ssyncadd.s32 @!p6 $0xFFFFFF80;
	s0 =	simm.s32 @!p3 $0x200  }
0x7d: {  	[tilespmem:s5], [sflag:$0x2] =	stream.indirect.gather @!p3 [hbm4b:s4+s7], $0x80, s0, s7, $0xb8;
	[tilespmem:$0x1E400] =	vst v63  }
0x7e: {  	s8 =	simm.s32 @!p6 $0x6B80;
	s0 =	simm.s32 @!p4 $0x0;
	s5 =	simm.s32 @!p4 $0x2A00  }
0x7f: {  	[tilespmem:s5], [sflag:$0x4] =	stream.linear.gather @!p4 [hbm4b:s20+s0], $0x80, $0x38;
	[tilespmem:$0x1E400] =	vst v63  }
0x80: {  	s7 =	simm.s32 @!p6 $0x6;
	s0 =	simm.s32 @!p6 $0x80;
	s5 =	simm.s32 @!p6 $0x2900  }
0x81: {  	[spmem:s2] =	stream.indirect.scatter.add.f32 @!p6 [tilespmem:s8], [sflag:$0x6], $0x80, s5, s0, $0xb8;
	[tilespmem:$0x1E400] =	vst v63  }
0x82: {  	_ =	swait.ge @!p6 [sflag:s7], $0x4000  }
0x83: {  	s24 =	rddreg [dreg:$0x7]  }
0x84: {  	[sflag:s7] =	ssyncset.done @!p6 $0x0;
	p4 =	sle.u32 s24, $0x0  }
0x85: {  	[sflag:s7] =	ssyncadd.s32 @!p6 $0xFFFFC000;
	s0 =	simm.s32 @!p4 $0x2  }
0x86: {  	_ =	swait.ge @!p4 [sflag:s0], $0x4000  }
0x87: {  	[sflag:s0] =	ssyncset.done @!p4 $0x0  }
0x88: {  	p3 =	sle.u32 @!p4 s6, $0x5;
	[sflag:s0] =	ssyncadd.s32 @!p4 $0xFFFFC000;
	s0 =	simm.s32 @!p4 $0x3  }
0x89: {  	p5 =	sle.u32 @!p4 s6, $0x6;
	p3 =	por p3, p4;
	_ =	swait.ge @!p4 [sflag:s0], $0x80  }
0x8a: {  	p5 =	por p5, p4;
	s5 =	simm.s32 @!p3 $0x6B80;
	[sflag:s0] =	ssyncset.done @!p4 $0x0  }
0x8b: {  	s7 =	simm.s32 @!p3 $0x80;
	[sflag:s0] =	ssyncadd.s32 @!p4 $0xFFFFFF80;
	s0 =	simm.s32 @!p3 $0x280  }
0x8c: {  	[tilespmem:s5], [sflag:$0x2] =	stream.indirect.gather @!p3 [hbm4b:s4+s7], $0x80, s0, s7, $0xb8;
	[tilespmem:$0x1E400] =	vst v63  }
0x8d: {  	s8 =	simm.s32 @!p4 $0x2B80;
	s0 =	simm.s32 @!p5 $0x0;
	s5 =	simm.s32 @!p5 $0x2780  }
0x8e: {  	[tilespmem:s5], [sflag:$0x3] =	stream.linear.gather @!p5 [hbm4b:s19+s0], $0x80, $0x38;
	[tilespmem:$0x1E400] =	vst v63  }
0x8f: {  	s7 =	simm.s32 @!p4 $0x6;
	s0 =	simm.s32 @!p4 $0x80;
	s5 =	simm.s32 @!p4 $0x2980  }
0x90: {  	[spmem:s2] =	stream.indirect.scatter.add.f32 @!p4 [tilespmem:s8], [sflag:$0x6], $0x80, s5, s0, $0xb8;
	[tilespmem:$0x1E400] =	vst v63  }
0x91: {  	_ =	swait.ge @!p4 [sflag:s7], $0x4000  }
0x92: {  	s25 =	rddreg [dreg:$0x8]  }
0x93: {  	s10 =	simm.s32 $0x13;
	[sflag:s7] =	ssyncset.done @!p4 $0x0;
	p5 =	sle.u32 s25, $0x0  }
0x94: {  	s30 =	sadd.s32 $0x60, s20;
	[sflag:s7] =	ssyncadd.s32 @!p4 $0xFFFFC000;
	s0 =	simm.s32 @!p5 $0x2  }
0x95: {  	s29 =	sadd.s32 $0x60, s19;
	s14 =	simm.s32 $0xD;
	_ =	swait.ge @!p5 [sflag:s0], $0x4000  }
0x96: {  	s5 =	simm.s32 $0x300;
	s8 =	sadd.s32 $0x60, s23;
	[sflag:s0] =	ssyncset.done @!p5 $0x0  }
0x97: {  	s7 =	sadd.s32 $0x60, s22;
	s11 =	simm.s32 @!p5 $0x4;
	[sflag:s0] =	ssyncadd.s32 @!p5 $0xFFFFC000  }
0x98: {  	p3 =	sle.u32 @!p5 s6, $0x7;
	p4 =	sle.u32 @!p5 s6, $0x6;
	_ =	swait.ge @!p5 [sflag:s11], $0x80  }
0x99: {  	p3 =	por p3, p5;
	p4 =	por p4, p5;
	[sflag:s11] =	ssyncset.done @!p5 $0x0  }
0x9a: {  	s24 =	simm.s32 @!p4 $0x2B80;
	[sflag:s11] =	ssyncadd.s32 @!p5 $0xFFFFFF80;
	s11 =	simm.s32 @!p4 $0x80  }
0x9b: {  	[tilespmem:s24], [sflag:$0x2] =	stream.indirect.gather @!p4 [hbm4b:s4+s11], $0x80, s5, s11, $0xb8;
	[tilespmem:$0x1E400] =	vst v63  }
0x9c: {  	s25 =	simm.s32 @!p5 $0x6B80;
	s5 =	simm.s32 @!p3 $0x0;
	s24 =	simm.s32 @!p3 $0x2800  }
0x9d: {  	[tilespmem:s24], [sflag:$0x4] =	stream.linear.gather @!p3 [hbm4b:s18+s5], $0x80, $0x38;
	[tilespmem:$0x1E400] =	vst v63  }
0x9e: {  	s11 =	simm.s32 @!p5 $0x5;
	s5 =	simm.s32 @!p5 $0x80;
	s24 =	simm.s32 @!p5 $0x2A00  }
0x9f: {  	[spmem:s2] =	stream.indirect.scatter.add.f32 @!p5 [tilespmem:s25], [sflag:$0x5], $0x80, s24, s5, $0xb8;
	[tilespmem:$0x1E400] =	vst v63  }
0xa0: {  	s0 =	sadd.s32 $0x60, s21;
	s24 =	sadd.s32 $0x60, s18;
	_ =	swait.ge @!p5 [sflag:s11], $0x4000  }
0xa1: {  	s5 =	simm.s32 $0x6;
	s25 =	simm.s32 $0x600;
	[sflag:s11] =	ssyncset.done @!p5 $0x0  }
.LBB2_6:
0xa2: {  	p6 =	sge.u32 s5, s6  }
0xa3: {  	[sflag:s11] =	ssyncadd.s32 @!p5 $0xFFFFC000;
	s9 =	simm.s32 @!p6 $0x2  }
0xa4: {  	_ =	swait.ge @!p6 [sflag:s9], $0x4000  }
0xa5: {  	s15 =	sadd.s32 @!p6 $0xFFFFFFFA, s14;
	s16 =	sadd.s32 @!p6 $0xFFFFFFFB, s14;
	[sflag:s9] =	ssyncset.done @!p6 $0x0  }
0xa6: {  	p3 =	sge.u32 @!p6 s15, s6;
	[sflag:s9] =	ssyncadd.s32 @!p6 $0xFFFFC000;
	s9 =	simm.s32 @!p6 $0x3  }
0xa7: {  	p4 =	sge.u32 @!p6 s16, s6;
	p3 =	por p3, p6;
	_ =	swait.ge @!p6 [sflag:s9], $0x80  }
0xa8: {  	p5 =	por p4, p6;
	s15 =	simm.s32 @!p3 $0x6B80;
	[sflag:s9] =	ssyncset.done @!p6 $0x0  }
0xa9: {  	s16 =	simm.s32 @!p3 $0x80;
	[sflag:s9] =	ssyncadd.s32 @!p6 $0xFFFFFF80;
	s9 =	sadd.s32 @!p3 $0xFFFFFD80, s25  }
0xaa: {  	[tilespmem:s15], [sflag:$0x2] =	stream.indirect.gather @!p3 [hbm4b:s4+s16], $0x80, s9, s16, $0xb8;
	[tilespmem:$0x1E400] =	vst v63  }
0xab: {  	s17 =	simm.s32 @!p6 $0x2B80;
	s9 =	simm.s32 @!p5 $0x0;
	s15 =	simm.s32 @!p5 $0x2880  }
0xac: {  	[tilespmem:s15], [sflag:$0x3] =	stream.linear.gather @!p5 [hbm4b:s8+s9], $0x80, $0x38;
	[tilespmem:$0x1E400] =	vst v63  }
0xad: {  	s16 =	simm.s32 @!p6 $0x6;
	s9 =	simm.s32 @!p6 $0x80;
	s15 =	simm.s32 @!p6 $0x2780  }
0xae: {  	[spmem:s2] =	stream.indirect.scatter.add.f32 @!p6 [tilespmem:s17], [sflag:$0x6], $0x80, s15, s9, $0xb8;
	[tilespmem:$0x1E400] =	vst v63  }
0xaf: {  	_ =	swait.ge @!p6 [sflag:s16], $0x4000  }
0xb0: {  	s17 =	rddreg [dreg:$0x4]  }
0xb1: {  	[sflag:s16] =	ssyncset.done @!p6 $0x0;
	p5 =	sge.u32 s5, s17  }
0xb2: {  	[sflag:s16] =	ssyncadd.s32 @!p6 $0xFFFFC000;
	s9 =	simm.s32 @!p5 $0x2  }
0xb3: {  	_ =	swait.ge @!p5 [sflag:s9], $0x4000  }
0xb4: {  	s15 =	sadd.s32 @!p5 $0xFFFFFFFB, s14;
	s16 =	sadd.s32 @!p5 $0xFFFFFFFC, s14;
	[sflag:s9] =	ssyncset.done @!p5 $0x0  }
0xb5: {  	p3 =	sge.u32 @!p5 s15, s6;
	[sflag:s9] =	ssyncadd.s32 @!p5 $0xFFFFC000;
	s9 =	simm.s32 @!p5 $0x4  }
0xb6: {  	p6 =	sge.u32 @!p5 s16, s6;
	p3 =	por p3, p5;
	_ =	swait.ge @!p5 [sflag:s9], $0x80  }
0xb7: {  	p6 =	por p6, p5;
	s15 =	simm.s32 @!p3 $0x2B80;
	[sflag:s9] =	ssyncset.done @!p5 $0x0  }
0xb8: {  	s16 =	simm.s32 @!p3 $0x80;
	[sflag:s9] =	ssyncadd.s32 @!p5 $0xFFFFFF80;
	s9 =	sadd.s32 @!p3 $0xFFFFFE00, s25  }
0xb9: {  	[tilespmem:s15], [sflag:$0x2] =	stream.indirect.gather @!p3 [hbm4b:s4+s16], $0x80, s9, s16, $0xb8;
	[tilespmem:$0x1E400] =	vst v63  }
0xba: {  	s17 =	simm.s32 @!p5 $0x6B80;
	s9 =	simm.s32 @!p6 $0x0;
	s15 =	simm.s32 @!p6 $0x2900  }
0xbb: {  	[tilespmem:s15], [sflag:$0x4] =	stream.linear.gather @!p6 [hbm4b:s7+s9], $0x80, $0x38;
	[tilespmem:$0x1E400] =	vst v63  }
0xbc: {  	s16 =	simm.s32 @!p5 $0x6;
	s9 =	simm.s32 @!p5 $0x80;
	s15 =	simm.s32 @!p5 $0x2800  }
0xbd: {  	[spmem:s2] =	stream.indirect.scatter.add.f32 @!p5 [tilespmem:s17], [sflag:$0x6], $0x80, s15, s9, $0xb8;
	[tilespmem:$0x1E400] =	vst v63  }
0xbe: {  	_ =	swait.ge @!p5 [sflag:s16], $0x4000  }
0xbf: {  	[sflag:s16] =	ssyncset.done @!p5 $0x0;
	s15 =	rddreg [dreg:$0x5]  }
0xc0: {  	[sflag:s16] =	ssyncadd.s32 @!p5 $0xFFFFC000;
	p5 =	sge.u32 s5, s15  }
0xc1: {  	s9 =	simm.s32 @!p5 $0x2  }
0xc2: {  	_ =	swait.ge @!p5 [sflag:s9], $0x4000  }
0xc3: {  	s15 =	sadd.s32 @!p5 $0xFFFFFFFC, s14;
	s16 =	sadd.s32 @!p5 $0xFFFFFFFD, s14;
	[sflag:s9] =	ssyncset.done @!p5 $0x0  }
0xc4: {  	p3 =	sge.u32 @!p5 s15, s6;
	[sflag:s9] =	ssyncadd.s32 @!p5 $0xFFFFC000;
	s9 =	simm.s32 @!p5 $0x3  }
0xc5: {  	p6 =	sge.u32 @!p5 s16, s6;
	p3 =	por p3, p5;
	_ =	swait.ge @!p5 [sflag:s9], $0x80  }
0xc6: {  	p6 =	por p6, p5;
	s15 =	simm.s32 @!p3 $0x6B80;
	[sflag:s9] =	ssyncset.done @!p5 $0x0  }
0xc7: {  	s16 =	simm.s32 @!p3 $0x80;
	[sflag:s9] =	ssyncadd.s32 @!p5 $0xFFFFFF80;
	s9 =	sadd.s32 @!p3 $0xFFFFFE80, s25  }
0xc8: {  	[tilespmem:s15], [sflag:$0x2] =	stream.indirect.gather @!p3 [hbm4b:s4+s16], $0x80, s9, s16, $0xb8;
	[tilespmem:$0x1E400] =	vst v63  }
0xc9: {  	s17 =	simm.s32 @!p5 $0x2B80;
	s9 =	simm.s32 @!p6 $0x0;
	s15 =	simm.s32 @!p6 $0x2980  }
0xca: {  	[tilespmem:s15], [sflag:$0x3] =	stream.linear.gather @!p6 [hbm4b:s0+s9], $0x80, $0x38;
	[tilespmem:$0x1E400] =	vst v63  }
0xcb: {  	s16 =	simm.s32 @!p5 $0x6;
	s9 =	simm.s32 @!p5 $0x80;
	s15 =	simm.s32 @!p5 $0x2880  }
0xcc: {  	[spmem:s2] =	stream.indirect.scatter.add.f32 @!p5 [tilespmem:s17], [sflag:$0x6], $0x80, s15, s9, $0xb8;
	[tilespmem:$0x1E400] =	vst v63  }
0xcd: {  	_ =	swait.ge @!p5 [sflag:s16], $0x4000  }
0xce: {  	[sflag:s16] =	ssyncset.done @!p5 $0x0;
	s17 =	rddreg [dreg:$0x6]  }
0xcf: {  	[sflag:s16] =	ssyncadd.s32 @!p5 $0xFFFFC000;
	p5 =	sge.u32 s5, s17  }
0xd0: {  	s9 =	simm.s32 @!p5 $0x2  }
0xd1: {  	_ =	swait.ge @!p5 [sflag:s9], $0x4000  }
0xd2: {  	s15 =	sadd.s32 @!p5 $0xFFFFFFFD, s14;
	s16 =	sadd.s32 @!p5 $0xFFFFFFFE, s14;
	[sflag:s9] =	ssyncset.done @!p5 $0x0  }
0xd3: {  	p3 =	sge.u32 @!p5 s15, s6;
	[sflag:s9] =	ssyncadd.s32 @!p5 $0xFFFFC000;
	s9 =	simm.s32 @!p5 $0x4  }
0xd4: {  	p6 =	sge.u32 @!p5 s16, s6;
	p3 =	por p3, p5;
	_ =	swait.ge @!p5 [sflag:s9], $0x80  }
0xd5: {  	p6 =	por p6, p5;
	s15 =	simm.s32 @!p3 $0x2B80;
	[sflag:s9] =	ssyncset.done @!p5 $0x0  }
0xd6: {  	s16 =	simm.s32 @!p3 $0x80;
	[sflag:s9] =	ssyncadd.s32 @!p5 $0xFFFFFF80;
	s9 =	sadd.s32 @!p3 $0xFFFFFF00, s25  }
0xd7: {  	[tilespmem:s15], [sflag:$0x2] =	stream.indirect.gather @!p3 [hbm4b:s4+s16], $0x80, s9, s16, $0xb8;
	[tilespmem:$0x1E400] =	vst v63  }
0xd8: {  	s17 =	simm.s32 @!p5 $0x6B80;
	s9 =	simm.s32 @!p6 $0x0;
	s15 =	simm.s32 @!p6 $0x2A00  }
0xd9: {  	[tilespmem:s15], [sflag:$0x4] =	stream.linear.gather @!p6 [hbm4b:s30+s9], $0x80, $0x38;
	[tilespmem:$0x1E400] =	vst v63  }
0xda: {  	s16 =	simm.s32 @!p5 $0x6;
	s9 =	simm.s32 @!p5 $0x80;
	s15 =	simm.s32 @!p5 $0x2900  }
0xdb: {  	[spmem:s2] =	stream.indirect.scatter.add.f32 @!p5 [tilespmem:s17], [sflag:$0x6], $0x80, s15, s9, $0xb8;
	[tilespmem:$0x1E400] =	vst v63  }
0xdc: {  	_ =	swait.ge @!p5 [sflag:s16], $0x4000  }
0xdd: {  	[sflag:s16] =	ssyncset.done @!p5 $0x0;
	s15 =	rddreg [dreg:$0x7]  }
0xde: {  	[sflag:s16] =	ssyncadd.s32 @!p5 $0xFFFFC000;
	p5 =	sge.u32 s5, s15  }
0xdf: {  	s9 =	simm.s32 @!p5 $0x2  }
0xe0: {  	_ =	swait.ge @!p5 [sflag:s9], $0x4000  }
0xe1: {  	s15 =	sadd.s32 @!p5 $0xFFFFFFFE, s14;
	s16 =	sadd.s32 @!p5 $0xFFFFFFFF, s14;
	[sflag:s9] =	ssyncset.done @!p5 $0x0  }
0xe2: {  	p3 =	sge.u32 @!p5 s15, s6;
	[sflag:s9] =	ssyncadd.s32 @!p5 $0xFFFFC000;
	s9 =	simm.s32 @!p5 $0x3  }
0xe3: {  	p6 =	sge.u32 @!p5 s16, s6;
	p3 =	por p3, p5;
	_ =	swait.ge @!p5 [sflag:s9], $0x80  }
0xe4: {  	p6 =	por p6, p5;
	s15 =	simm.s32 @!p3 $0x6B80;
	[sflag:s9] =	ssyncset.done @!p5 $0x0  }
0xe5: {  	s16 =	simm.s32 @!p3 $0x80;
	[sflag:s9] =	ssyncadd.s32 @!p5 $0xFFFFFF80;
	s9 =	sadd.s32 @!p3 $0xFFFFFF80, s25  }
0xe6: {  	[tilespmem:s15], [sflag:$0x2] =	stream.indirect.gather @!p3 [hbm4b:s4+s16], $0x80, s9, s16, $0xb8;
	[tilespmem:$0x1E400] =	vst v63  }
0xe7: {  	s17 =	simm.s32 @!p5 $0x2B80;
	s9 =	simm.s32 @!p6 $0x0;
	s15 =	simm.s32 @!p6 $0x2780  }
0xe8: {  	[tilespmem:s15], [sflag:$0x3] =	stream.linear.gather @!p6 [hbm4b:s29+s9], $0x80, $0x38;
	[tilespmem:$0x1E400] =	vst v63  }
0xe9: {  	s16 =	simm.s32 @!p5 $0x6;
	s9 =	simm.s32 @!p5 $0x80;
	s15 =	simm.s32 @!p5 $0x2980  }
0xea: {  	[spmem:s2] =	stream.indirect.scatter.add.f32 @!p5 [tilespmem:s17], [sflag:$0x6], $0x80, s15, s9, $0xb8;
	[tilespmem:$0x1E400] =	vst v63  }
0xeb: {  	_ =	swait.ge @!p5 [sflag:s16], $0x4000  }
0xec: {  	[sflag:s16] =	ssyncset.done @!p5 $0x0;
	s17 =	rddreg [dreg:$0x8]  }
0xed: {  	[sflag:s16] =	ssyncadd.s32 @!p5 $0xFFFFC000;
	p5 =	sge.u32 s5, s17  }
0xee: {  	s11 =	smov.u32 s10;
	s10 =	sadd.s32 $0x6, s10;
	s5 =	simm.s32 @!p5 $0x2  }
0xef: {  	p4 =	sne.s32 s10, $0x5B;
	s8 =	sadd.s32 $0x60, s8;
	_ =	swait.ge @!p5 [sflag:s5], $0x4000  }
0xf0: {  	s7 =	sadd.s32 $0x60, s7;
	s0 =	sadd.s32 $0x60, s0;
	[sflag:s5] =	ssyncset.done @!p5 $0x0  }
0xf1: {  	s9 =	sadd.s32 @!p5 $0xFFFFFFFF, s14;
	[sflag:s5] =	ssyncadd.s32 @!p5 $0xFFFFC000;
	s5 =	simm.s32 @!p5 $0x4  }
0xf2: {  	p3 =	sge.u32 @!p5 s14, s6;
	p0 =	sge.u32 @!p5 s9, s6;
	_ =	swait.ge @!p5 [sflag:s5], $0x80  }
0xf3: {  	p6 =	por p3, p5;
	p3 =	por p0, p5;
	[sflag:s5] =	ssyncset.done @!p5 $0x0  }
0xf4: {  	s9 =	simm.s32 @!p3 $0x2B80;
	[sflag:s5] =	ssyncadd.s32 @!p5 $0xFFFFFF80;
	s5 =	simm.s32 @!p3 $0x80  }
0xf5: {  	[tilespmem:s9], [sflag:$0x2] =	stream.indirect.gather @!p3 [hbm4b:s4+s5], $0x80, s25, s5, $0xb8;
	[tilespmem:$0x1E400] =	vst v63  }
0xf6: {  	s30 =	sadd.s32 $0x60, s30;
	s5 =	simm.s32 @!p6 $0x0;
	s9 =	simm.s32 @!p6 $0x2800  }
0xf7: {  	[tilespmem:s9], [sflag:$0x4] =	stream.linear.gather @!p6 [hbm4b:s24+s5], $0x80, $0x38;
	[tilespmem:$0x1E400] =	vst v63  }
.Ltmp4:
0xf8: {  	s14 =	smov.u32 s11;
	s11 =	simm.s32 @!p5 $0x5;
	(pc) =	sbr.rel @p4 .LBB2_6-.Ltmp4, $4  }
0xf9: {  	s15 =	simm.s32 @!p5 $0x6B80;
	s5 =	simm.s32 @!p5 $0x80;
	s9 =	simm.s32 @!p5 $0x2A00  }
0xfa: {  	[spmem:s2] =	stream.indirect.scatter.add.f32 @!p5 [tilespmem:s15], [sflag:$0x5], $0x80, s9, s5, $0xb8;
	[tilespmem:$0x1E400] =	vst v63  }
0xfb: {  	s29 =	sadd.s32 $0x60, s29;
	s25 =	sadd.s32 $0x300, s25;
	_ =	swait.ge @!p5 [sflag:s11], $0x4000  }
0xfc: {  	s24 =	sadd.s32 $0x60, s24;
	s5 =	sadd.s32 $0xFFFFFFF9, s14;
	[sflag:s11] =	ssyncset.done @!p5 $0x0  }
0xfd: {  	p4 =	sge.u32 s5, s6  }
0xfe: {  	[sflag:s11] =	ssyncadd.s32 @!p5 $0xFFFFC000;
	s9 =	simm.s32 @!p4 $0x2  }
0xff: {  	_ =	swait.ge @!p4 [sflag:s9], $0x4000  }
0x100: {  	s10 =	sadd.s32 @!p4 $0xFFFFFFFA, s14;
	s11 =	sadd.s32 @!p4 $0xFFFFFFFB, s14;
	[sflag:s9] =	ssyncset.done @!p4 $0x0  }
0x101: {  	p0 =	sge.u32 @!p4 s10, s6;
	[sflag:s9] =	ssyncadd.s32 @!p4 $0xFFFFC000;
	s9 =	simm.s32 @!p4 $0x3  }
0x102: {  	p3 =	sge.u32 @!p4 s11, s6;
	p0 =	por p0, p4;
	_ =	swait.ge @!p4 [sflag:s9], $0x80  }
0x103: {  	p3 =	por p3, p4;
	s10 =	simm.s32 @!p0 $0x6B80;
	[sflag:s9] =	ssyncset.done @!p4 $0x0  }
0x104: {  	s11 =	simm.s32 @!p0 $0x80;
	[sflag:s9] =	ssyncadd.s32 @!p4 $0xFFFFFF80;
	s9 =	sadd.s32 @!p0 $0xFFFFFD80, s25  }
0x105: {  	[tilespmem:s10], [sflag:$0x2] =	stream.indirect.gather @!p0 [hbm4b:s4+s11], $0x80, s9, s11, $0xb8;
	[tilespmem:$0x1E400] =	vst v63  }
0x106: {  	s9 =	simm.s32 @!p3 $0x0;
	s10 =	simm.s32 @!p3 $0x2880;
	s11 =	simm.s32 @!p4 $0x6  }
0x107: {  	[tilespmem:s10], [sflag:$0x3] =	stream.linear.gather @!p3 [hbm4b:s8+s9], $0x80, $0x38;
	[tilespmem:$0x1E400] =	vst v63  }
0x108: {  	s8 =	simm.s32 @!p4 $0x80;
	s9 =	simm.s32 @!p4 $0x2780;
	s10 =	simm.s32 @!p4 $0x2B80  }
0x109: {  	[spmem:s2] =	stream.indirect.scatter.add.f32 @!p4 [tilespmem:s10], [sflag:$0x6], $0x80, s9, s8, $0xb8;
	[tilespmem:$0x1E400] =	vst v63  }
0x10a: {  	_ =	swait.ge @!p4 [sflag:s11], $0x4000  }
0x10b: {  	s10 =	rddreg [dreg:$0x4]  }
0x10c: {  	[sflag:s11] =	ssyncset.done @!p4 $0x0;
	p5 =	sge.u32 s5, s10  }
0x10d: {  	[sflag:s11] =	ssyncadd.s32 @!p4 $0xFFFFC000;
	s8 =	simm.s32 @!p5 $0x2  }
0x10e: {  	_ =	swait.ge @!p5 [sflag:s8], $0x4000  }
0x10f: {  	s9 =	sadd.s32 @!p5 $0xFFFFFFFB, s14;
	s10 =	sadd.s32 @!p5 $0xFFFFFFFC, s14;
	[sflag:s8] =	ssyncset.done @!p5 $0x0  }
0x110: {  	p0 =	sge.u32 @!p5 s9, s6;
	[sflag:s8] =	ssyncadd.s32 @!p5 $0xFFFFC000;
	s8 =	simm.s32 @!p5 $0x4  }
0x111: {  	p3 =	sge.u32 @!p5 s10, s6;
	p0 =	por p0, p5;
	_ =	swait.ge @!p5 [sflag:s8], $0x80  }
0x112: {  	p3 =	por p3, p5;
	s9 =	simm.s32 @!p0 $0x2B80;
	[sflag:s8] =	ssyncset.done @!p5 $0x0  }
0x113: {  	s10 =	simm.s32 @!p0 $0x80;
	[sflag:s8] =	ssyncadd.s32 @!p5 $0xFFFFFF80;
	s8 =	sadd.s32 @!p0 $0xFFFFFE00, s25  }
0x114: {  	[tilespmem:s9], [sflag:$0x2] =	stream.indirect.gather @!p0 [hbm4b:s4+s10], $0x80, s8, s10, $0xb8;
	[tilespmem:$0x1E400] =	vst v63  }
0x115: {  	s8 =	simm.s32 @!p3 $0x0;
	s9 =	simm.s32 @!p3 $0x2900;
	s10 =	simm.s32 @!p5 $0x6  }
0x116: {  	[tilespmem:s9], [sflag:$0x4] =	stream.linear.gather @!p3 [hbm4b:s7+s8], $0x80, $0x38;
	[tilespmem:$0x1E400] =	vst v63  }
0x117: {  	s7 =	simm.s32 @!p5 $0x80;
	s8 =	simm.s32 @!p5 $0x2800;
	s9 =	simm.s32 @!p5 $0x6B80  }
0x118: {  	[spmem:s2] =	stream.indirect.scatter.add.f32 @!p5 [tilespmem:s9], [sflag:$0x6], $0x80, s8, s7, $0xb8;
	[tilespmem:$0x1E400] =	vst v63  }
0x119: {  	_ =	swait.ge @!p5 [sflag:s10], $0x4000  }
0x11a: {  	s11 =	rddreg [dreg:$0x5]  }
0x11b: {  	[sflag:s10] =	ssyncset.done @!p5 $0x0;
	p4 =	sge.u32 s5, s11  }
0x11c: {  	[sflag:s10] =	ssyncadd.s32 @!p5 $0xFFFFC000;
	s7 =	simm.s32 @!p4 $0x2  }
0x11d: {  	_ =	swait.ge @!p4 [sflag:s7], $0x4000  }
0x11e: {  	s8 =	sadd.s32 @!p4 $0xFFFFFFFC, s14;
	s9 =	sadd.s32 @!p4 $0xFFFFFFFD, s14;
	[sflag:s7] =	ssyncset.done @!p4 $0x0  }
0x11f: {  	p0 =	sge.u32 @!p4 s8, s6;
	[sflag:s7] =	ssyncadd.s32 @!p4 $0xFFFFC000;
	s7 =	simm.s32 @!p4 $0x3  }
0x120: {  	p3 =	sge.u32 @!p4 s9, s6;
	p0 =	por p0, p4;
	_ =	swait.ge @!p4 [sflag:s7], $0x80  }
0x121: {  	p3 =	por p3, p4;
	s8 =	simm.s32 @!p0 $0x6B80;
	[sflag:s7] =	ssyncset.done @!p4 $0x0  }
0x122: {  	s9 =	simm.s32 @!p0 $0x80;
	[sflag:s7] =	ssyncadd.s32 @!p4 $0xFFFFFF80;
	s7 =	sadd.s32 @!p0 $0xFFFFFE80, s25  }
0x123: {  	[tilespmem:s8], [sflag:$0x2] =	stream.indirect.gather @!p0 [hbm4b:s4+s9], $0x80, s7, s9, $0xb8;
	[tilespmem:$0x1E400] =	vst v63  }
0x124: {  	s7 =	simm.s32 @!p3 $0x0;
	s8 =	simm.s32 @!p3 $0x2980;
	s9 =	simm.s32 @!p4 $0x6  }
0x125: {  	[tilespmem:s8], [sflag:$0x3] =	stream.linear.gather @!p3 [hbm4b:s0+s7], $0x80, $0x38;
	[tilespmem:$0x1E400] =	vst v63  }
0x126: {  	s0 =	simm.s32 @!p4 $0x80;
	s7 =	simm.s32 @!p4 $0x2880;
	s8 =	simm.s32 @!p4 $0x2B80  }
0x127: {  	[spmem:s2] =	stream.indirect.scatter.add.f32 @!p4 [tilespmem:s8], [sflag:$0x6], $0x80, s7, s0, $0xb8;
	[tilespmem:$0x1E400] =	vst v63  }
0x128: {  	_ =	swait.ge @!p4 [sflag:s9], $0x4000  }
0x129: {  	s15 =	rddreg [dreg:$0x6]  }
0x12a: {  	[sflag:s9] =	ssyncset.done @!p4 $0x0;
	p5 =	sge.u32 s5, s15  }
0x12b: {  	[sflag:s9] =	ssyncadd.s32 @!p4 $0xFFFFC000;
	s0 =	simm.s32 @!p5 $0x2  }
0x12c: {  	_ =	swait.ge @!p5 [sflag:s0], $0x4000  }
0x12d: {  	s7 =	sadd.s32 @!p5 $0xFFFFFFFD, s14;
	s8 =	sadd.s32 @!p5 $0xFFFFFFFE, s14;
	[sflag:s0] =	ssyncset.done @!p5 $0x0  }
0x12e: {  	p0 =	sge.u32 @!p5 s7, s6;
	[sflag:s0] =	ssyncadd.s32 @!p5 $0xFFFFC000;
	s0 =	simm.s32 @!p5 $0x4  }
0x12f: {  	p3 =	sge.u32 @!p5 s8, s6;
	p0 =	por p0, p5;
	_ =	swait.ge @!p5 [sflag:s0], $0x80  }
0x130: {  	p3 =	por p3, p5;
	s7 =	simm.s32 @!p0 $0x2B80;
	[sflag:s0] =	ssyncset.done @!p5 $0x0  }
0x131: {  	s8 =	simm.s32 @!p0 $0x80;
	[sflag:s0] =	ssyncadd.s32 @!p5 $0xFFFFFF80;
	s0 =	sadd.s32 @!p0 $0xFFFFFF00, s25  }
0x132: {  	[tilespmem:s7], [sflag:$0x2] =	stream.indirect.gather @!p0 [hbm4b:s4+s8], $0x80, s0, s8, $0xb8;
	[tilespmem:$0x1E400] =	vst v63  }
0x133: {  	s9 =	simm.s32 @!p5 $0x6B80;
	s0 =	simm.s32 @!p3 $0x0;
	s7 =	simm.s32 @!p3 $0x2A00  }
0x134: {  	[tilespmem:s7], [sflag:$0x4] =	stream.linear.gather @!p3 [hbm4b:s30+s0], $0x80, $0x38;
	[tilespmem:$0x1E400] =	vst v63  }
0x135: {  	s8 =	simm.s32 @!p5 $0x6;
	s0 =	simm.s32 @!p5 $0x80;
	s7 =	simm.s32 @!p5 $0x2900  }
0x136: {  	[spmem:s2] =	stream.indirect.scatter.add.f32 @!p5 [tilespmem:s9], [sflag:$0x6], $0x80, s7, s0, $0xb8;
	[tilespmem:$0x1E400] =	vst v63  }
0x137: {  	_ =	swait.ge @!p5 [sflag:s8], $0x4000  }
0x138: {  	s16 =	rddreg [dreg:$0x7]  }
0x139: {  	[sflag:s8] =	ssyncset.done @!p5 $0x0;
	p4 =	sge.u32 s5, s16  }
0x13a: {  	[sflag:s8] =	ssyncadd.s32 @!p5 $0xFFFFC000;
	s0 =	simm.s32 @!p4 $0x2  }
0x13b: {  	_ =	swait.ge @!p4 [sflag:s0], $0x4000  }
0x13c: {  	s7 =	sadd.s32 @!p4 $0xFFFFFFFE, s14;
	s8 =	sadd.s32 @!p4 $0xFFFFFFFF, s14;
	[sflag:s0] =	ssyncset.done @!p4 $0x0  }
0x13d: {  	p0 =	sge.u32 @!p4 s7, s6;
	[sflag:s0] =	ssyncadd.s32 @!p4 $0xFFFFC000;
	s0 =	simm.s32 @!p4 $0x3  }
0x13e: {  	p3 =	sge.u32 @!p4 s8, s6;
	p0 =	por p0, p4;
	_ =	swait.ge @!p4 [sflag:s0], $0x80  }
0x13f: {  	p3 =	por p3, p4;
	s7 =	simm.s32 @!p0 $0x6B80;
	[sflag:s0] =	ssyncset.done @!p4 $0x0  }
0x140: {  	s8 =	simm.s32 @!p0 $0x80;
	[sflag:s0] =	ssyncadd.s32 @!p4 $0xFFFFFF80;
	s0 =	sadd.s32 @!p0 $0xFFFFFF80, s25  }
0x141: {  	[tilespmem:s7], [sflag:$0x2] =	stream.indirect.gather @!p0 [hbm4b:s4+s8], $0x80, s0, s8, $0xb8;
	[tilespmem:$0x1E400] =	vst v63  }
0x142: {  	s9 =	simm.s32 @!p4 $0x2B80;
	s0 =	simm.s32 @!p3 $0x0;
	s7 =	simm.s32 @!p3 $0x2780  }
0x143: {  	[tilespmem:s7], [sflag:$0x3] =	stream.linear.gather @!p3 [hbm4b:s29+s0], $0x80, $0x38;
	[tilespmem:$0x1E400] =	vst v63  }
0x144: {  	s8 =	simm.s32 @!p4 $0x6;
	s0 =	simm.s32 @!p4 $0x80;
	s7 =	simm.s32 @!p4 $0x2980  }
0x145: {  	[spmem:s2] =	stream.indirect.scatter.add.f32 @!p4 [tilespmem:s9], [sflag:$0x6], $0x80, s7, s0, $0xb8;
	[tilespmem:$0x1E400] =	vst v63  }
0x146: {  	_ =	swait.ge @!p4 [sflag:s8], $0x4000  }
0x147: {  	s17 =	rddreg [dreg:$0x8]  }
0x148: {  	[sflag:s8] =	ssyncset.done @!p4 $0x0;
	p5 =	sge.u32 s5, s17  }
0x149: {  	[sflag:s8] =	ssyncadd.s32 @!p4 $0xFFFFC000;
	s0 =	simm.s32 @!p5 $0x2  }
0x14a: {  	_ =	swait.ge @!p5 [sflag:s0], $0x4000  }
0x14b: {  	[sflag:s0] =	ssyncset.done @!p5 $0x0  }
0x14c: {  	s5 =	sadd.s32 @!p5 $0xFFFFFFFF, s14;
	[sflag:s0] =	ssyncadd.s32 @!p5 $0xFFFFC000;
	s0 =	simm.s32 @!p5 $0x4  }
0x14d: {  	p0 =	sge.u32 @!p5 s14, s6;
	p3 =	sge.u32 @!p5 s5, s6;
	_ =	swait.ge @!p5 [sflag:s0], $0x80  }
0x14e: {  	p0 =	por p0, p5;
	p3 =	por p3, p5;
	[sflag:s0] =	ssyncset.done @!p5 $0x0  }
0x14f: {  	s5 =	simm.s32 @!p3 $0x2B80;
	[sflag:s0] =	ssyncadd.s32 @!p5 $0xFFFFFF80;
	s0 =	simm.s32 @!p3 $0x80  }
0x150: {  	[tilespmem:s5], [sflag:$0x2] =	stream.indirect.gather @!p3 [hbm4b:s4+s0], $0x80, s25, s0, $0xb8;
	[tilespmem:$0x1E400] =	vst v63  }
0x151: {  	s7 =	simm.s32 @!p5 $0x5;
	s0 =	simm.s32 @!p0 $0x0;
	s5 =	simm.s32 @!p0 $0x2800  }
0x152: {  	[tilespmem:s5], [sflag:$0x4] =	stream.linear.gather @!p0 [hbm4b:s24+s0], $0x80, $0x38;
	[tilespmem:$0x1E400] =	vst v63  }
0x153: {  	s8 =	simm.s32 @!p5 $0x6B80;
	s0 =	simm.s32 @!p5 $0x80;
	s5 =	simm.s32 @!p5 $0x2A00  }
0x154: {  	[spmem:s2] =	stream.indirect.scatter.add.f32 @!p5 [tilespmem:s8], [sflag:$0x5], $0x80, s5, s0, $0xb8;
	[tilespmem:$0x1E400] =	vst v63  }
0x155: {  	_ =	swait.ge @!p5 [sflag:s7], $0x4000  }
0x156: {  	[sflag:s7] =	ssyncset.done @!p5 $0x0  }
0x157: {  	[sflag:s7] =	ssyncadd.s32 @!p5 $0xFFFFC000  }
0x158: {  	[bflag:$0x0] =	sbarrier.arrive $0xFFFF  }
0x159: {  	s0 =	sor.u32 $0x1C05, s1;
	s29 =	rddreg [dreg:$0x11]  }
0x15a: {  	[hbm:s29], [sflag:s0] =	dma.local [spmem:s12], $0x2700  }
0x15b: {  	_ =	swait.ge [sflag:s26], $0x2700  }
0x15c: {  	[sflag:s26] =	ssyncset.done $0x0  }
0x15d: {  	s1 =	sshrl.u32 @!p2 s13, $0x3;
	s5 =	rddreg [dreg:$0x12];
	[sflag:s26] =	ssyncadd.s32 $0xFFFFD900  }
0x15e: {  	[hbm:s5], [sflag:s0] =	dma.local @!p2 [spmem:s1], $0x100  }
0x15f: {  	s0 =	simm.s32 @!p2 $0x5  }
0x160: {  	_ =	swait.ge @!p2 [sflag:s0], $0x100  }
0x161: {  	s31 =	sadd.s32 $0x1, s31;
	s30 =	rddreg [dreg:$0x13]  }
0x162: {  	p0 =	sne.s32 s31, s30  }
.Ltmp5:
0x163: {  	_ = 	snop;
	(pc) =	sbr.rel @p0 .LBB2_1-.Ltmp5, $3  }
0x164: {  	_ =	sdelay $0x1  }
0x165: {  	[sflag:s0] =	ssyncset.done @!p2 $0x0  }
0x166: {  	[sflag:s0] =	ssyncadd.s32 @!p2 $0xFFFFFF00  }
0x167: {  	_ =	sfence.sel $0x180000  }
0x168: {  	[bflag:$0x0] =	sbarrier.arrive $0xFFFF  }
0x169: {  	_ =	strace $0x9000004D  }
0x16a: {  	s0 =	stileid.u32;
	[bflag:$0x2] =	sbarrier.arrive $0xFFFF  }
0x16b: {  	p0 =	sne.s32 s0, $0x0;
	s0 =	rddreg [dreg:$0x3]  }
0x16c: {  	s0 =	sadd.s32 @!p0 $0x100000, s0  }
0x16d: {  	[sflag:s0] =	ssyncadd.tile.s32 @!p0 $0x1;
	_ =	shalt  }
.Lfunc_end2:
_tile_overlayer_lowered:
.L_overlay_start_2:
0x16e: {  	(tag) =	ssettag $0x2  }
0x16f: {  	s0 =	rddreg [dreg:$0x0];
	s2 =	stileid.u32  }
0x170: {  	s1 =	rddreg [dreg:$0x1];
	p0 =	sne.s32 s2, $0x0  }
0x171: {  	s3 =	rddreg [dreg:$0x2];
	[bflag:$0x3] =	sbarrier.arrive $0xFFFF;
	s2 =	simm.s32 @!p0 $0x1C05  }
0x172: {  	[timem:s3], [sflag:s2] =	dma.local @!p0 [hbm:s0], s1  }
0x173: {  	s0 =	simm.s32 @!p0 $0x5  }
0x174: {  	_ =	swait.ge @!p0 [sflag:s0], s1  }
0x175: {  	s1 =	ssub.s32 @!p0 $0x0, s1;
	[sflag:s0] =	ssyncset.done @!p0 $0x0  }
0x176: {  	[sflag:s0] =	ssyncadd.s32 @!p0 s1  }
0x177: {  	[bflag:$0x3] =	sbarrier.arrive $0xFFFF  }
0x178: {  	_ =	shalt  }

// kernel: kernel.8.cloned.1.call-start
scs
__scs_entry_jumppad:
0x0: {  	(pc) =	sbr.rel $0x88, $3  }
0x1: {  	(tag) =	ssettag $0x0;
	lr =	simm.s32 $0x1  }
0x2: {  	[smem:$0x3F9B] =	sst lr;
	_ =	strace $0xD0000000  }
0x3: {  	_ = 	snop  }
0x4: {  	_ = 	snop  }
0x5: {  	_ = 	snop  }
0x6: {  	_ = 	snop  }
0x7: {  	_ = 	snop  }
__scs_overlays_trampoline_lowered:
0x8: {  	[smem:$0x3FAA] =	sst s0  }
0x9: {  	[smem:$0x3FAB] =	sst s1  }
0xa: {  	[smem:$0x3FAC] =	sst s2  }
0xb: {  	[smem:$0x3FAD] =	sst s3  }
0xc: {  	[smem:$0x3FAE] =	sst s4  }
0xd: {  	[smem:$0x3FAF] =	sst s5  }
0xe: {  	[smem:$0x3FB0] =	sst s6  }
0xf: {  	[smem:$0x3FB1] =	sst s7  }
0x10: {  	[smem:$0x3FB2] =	sst s8  }
0x11: {  	[smem:$0x3FB3] =	sst s9;
	s0 =	simm.s32 @!p0 $0x0  }
0x12: {  	s1 =	sld [smem:$0x3F99];
	s0 =	simm.s32 @p0 $0x1  }
0x13: {  	[smem:$0x3FB4] =	sst s0;
	s0 =	simm.s32 @!p1 $0x0  }
0x14: {  	s2 =	sld [smem:$0x3F98];
	s0 =	simm.s32 @p1 $0x1  }
0x15: {  	[smem:$0x3FB5] =	sst s0;
	s0 =	simm.s32 @!p2 $0x0  }
0x16: {  	s3 =	sld [smem:$0x3FDB];
	s0 =	simm.s32 @p2 $0x1  }
0x17: {  	s4 =	simm.s32 $0x1BF5;
	[smem:$0x3FB7] =	sst s0  }
0x18: {  	s0 =	sld [smem:$0x3F9A];
	_ =	swait.ge [sflag:s4], $0x0  }
0x19: {  	s7 =	sld [smem:$0x3F9B]  }
0x1a: {  	s8 =	sadd.s32 $0xFFFFE003, lr  }
0x1b: {  	s9 =	sadd.s32 $0xFFFFFEF7, lr;
	s5 =	simm.s32 $0xFFFFFFFF;
	p2 =	slt.u32 s8, $0xFFFFF086  }
0x1c: {  	p1 =	slt.u32 s9, $0xF7A;
	s5 =	simm.s32 @!p2 $0x0  }
0x1d: {  	s5 =	simm.s32 @p1 $0x1;
	p0 =	seq.s32 s7, s2  }
0x1e: {  	s7 =	smul.u32 @!p0 $0xF7A, s2;
	p2 =	seq.s32 @!p0 s5, $0x0  }
0x1f: {  	s9 =	smul.u32 $0xF7A, s1;
	s8 =	simm.s32 @!p0 $0x1BF5;
	p2 =	por !p2, p0  }
0x20: {  	[sflag:s8] =	ssyncset.s32 @!p0 $0xFFFFF086;
	s6 =	sadd.s32 @!p0 s3, s7;
	s7 =	simm.s32 @!p0 $0x108  }
0x21: {  	s3 =	sadd.s32 s3, s9;
	s6 =	sadd.s32 @!p0 $0x88, s6;
	s7 =	simm.s32 @p2 $0x1082  }
0x22: {  	[simem:s7], [sflag:s8] =	dma.local @!p0 [hbm:s6], $0xF7A  }
0x23: {  	s9 =	sor.u32 $0xD0000000, s2;
	s6 =	simm.s32 $0x108;
	_ =	swait.ge @!p0 [sflag:s8], $0x0  }
0x24: {  	s3 =	sadd.s32 $0x88, s3;
	s6 =	simm.s32 @!p1 $0x1082;
	[sflag:s4] =	ssyncset.s32 $0xFFFFF086  }
0x25: {  	[simem:s6], [sflag:s4] =	dma.local [hbm:s3], $0xF7A  }
0x26: {  	[smem:$0x3F9B] =	sst s1;
	(tag) =	ssettag s2;
	_ =	strace s9  }
0x27: {  	s1 =	sld [smem:$0x3FAB]  }
0x28: {  	s2 =	sld [smem:$0x3FAC]  }
0x29: {  	s4 =	sld [smem:$0x3FAE]  }
0x2a: {  	p0 =	seq.s32 s5, $0x0;
	s5 =	sld [smem:$0x3FAF]  }
0x2b: {  	s6 =	sld [smem:$0x3FB0]  }
0x2c: {  	s7 =	sld [smem:$0x3FB1]  }
0x2d: {  	s3 =	simm.s32 $0x108;
	s8 =	sld [smem:$0x3FB2]  }
0x2e: {  	s3 =	simm.s32 @!p0 $0x1082;
	s9 =	sld [smem:$0x3FB3]  }
0x2f: {  	lr =	sadd.s32 s0, s3;
	s0 =	sld [smem:$0x3FAA]  }
0x30: {  	s3 =	sld [smem:$0x3FAD]  }
0x31: {  	[smem:$0x3FB6] =	sst s10  }
0x32: {  	s10 =	sld [smem:$0x3FB4];
	_ =	sdelay $0x3  }
0x33: {  	p0 =	seq.s32 s10, $0x1;
	s10 =	sld [smem:$0x3FB6];
	_ =	sdelay $0x3  }
0x34: {  	[smem:$0x3FB6] =	sst s10  }
0x35: {  	s10 =	sld [smem:$0x3FB5];
	_ =	sdelay $0x3  }
0x36: {  	p1 =	seq.s32 s10, $0x1;
	s10 =	sld [smem:$0x3FB6];
	_ =	sdelay $0x3  }
0x37: {  	[smem:$0x3FB6] =	sst s10  }
0x38: {  	s10 =	sld [smem:$0x3FB7]  }
0x39: {  	_ = 	snop;
	(pc) =	sbr.ind lr, $3  }
0x3a: {  	_ = 	snop  }
0x3b: {  	_ = 	snop  }
0x3c: {  	p2 =	seq.s32 s10, $0x1;
	s10 =	sld [smem:$0x3FB6]  }
0x3d: {  	_ =	shalt  }
0x3e: {  	_ =	shalt  }
0x3f: {  	_ =	shalt  }
0x40: {  	_ =	shalt  }
0x41: {  	_ =	shalt  }
0x42: {  	_ =	shalt  }
0x43: {  	_ =	shalt  }
0x44: {  	_ =	shalt  }
0x45: {  	_ =	shalt  }
0x46: {  	_ =	shalt  }
0x47: {  	_ =	shalt  }
0x48: {  	_ =	shalt  }
0x49: {  	_ =	shalt  }
0x4a: {  	_ =	shalt  }
0x4b: {  	_ =	shalt  }
0x4c: {  	_ =	shalt  }
0x4d: {  	_ =	shalt  }
0x4e: {  	_ =	shalt  }
0x4f: {  	_ =	shalt  }
0x50: {  	_ =	shalt  }
0x51: {  	_ =	shalt  }
0x52: {  	_ =	shalt  }
0x53: {  	_ =	shalt  }
0x54: {  	_ =	shalt  }
0x55: {  	_ =	shalt  }
0x56: {  	_ =	shalt  }
0x57: {  	_ =	shalt  }
0x58: {  	_ =	shalt  }
0x59: {  	_ =	shalt  }
0x5a: {  	_ =	shalt  }
0x5b: {  	_ =	shalt  }
0x5c: {  	_ =	shalt  }
0x5d: {  	_ =	shalt  }
0x5e: {  	_ =	shalt  }
0x5f: {  	_ =	shalt  }
0x60: {  	_ =	shalt  }
0x61: {  	_ =	shalt  }
0x62: {  	_ =	shalt  }
0x63: {  	_ =	shalt  }
0x64: {  	_ =	shalt  }
0x65: {  	_ =	shalt  }
0x66: {  	_ =	shalt  }
0x67: {  	_ =	shalt  }
0x68: {  	_ =	shalt  }
0x69: {  	_ =	shalt  }
0x6a: {  	_ =	shalt  }
0x6b: {  	_ =	shalt  }
0x6c: {  	_ =	shalt  }
0x6d: {  	_ =	shalt  }
0x6e: {  	_ =	shalt  }
0x6f: {  	_ =	shalt  }
0x70: {  	_ =	shalt  }
0x71: {  	_ =	shalt  }
0x72: {  	_ =	shalt  }
0x73: {  	_ =	shalt  }
0x74: {  	_ =	shalt  }
0x75: {  	_ =	shalt  }
0x76: {  	_ =	shalt  }
0x77: {  	_ =	shalt  }
0x78: {  	_ =	shalt  }
0x79: {  	_ =	shalt  }
0x7a: {  	_ =	shalt  }
0x7b: {  	_ =	shalt  }
0x7c: {  	_ =	shalt  }
0x7d: {  	_ =	shalt  }
0x7e: {  	_ =	shalt  }
0x7f: {  	_ =	shalt  }
0x80: {  	_ =	shalt  }
0x81: {  	_ =	shalt  }
0x82: {  	_ =	shalt  }
0x83: {  	_ =	shalt  }
0x84: {  	_ =	shalt  }
0x85: {  	_ =	shalt  }
0x86: {  	_ =	shalt  }
0x87: {  	_ =	shalt  }
.Lfunc_end0:
.L_simem_size_0:
called_computation_lowered:
.L_overlay_start_0:
0x88: {  	s2 =	sld [smem:$0x3FD9]  }
0x89: {  	s3 =	sld [smem:$0x3FFE];
	_ =	sdelay $0x1  }
0x8a: {  	s1 =	srdreg.scid  }
0x8b: {  	s0 =	sand.u32 $0x1, s1  }
0x8c: {  	s17 =	sshll.u32 s0, $0xA;
	s2 =	sadd.s32 s3, s2  }
0x8d: {  	s2 =	sadd.s32 s2, s17  }
0x8e: {  	[smem:$0x3FC2] =	sst s2  }
0x8f: {  	_ = 	snop  }
0x90: {  	s2 =	sld [smem:$0x3FD0];
	(tm) =	ssettm $0x1  }
0x91: {  	s18 =	sld [smem:$0x3FFB];
	_ =	sdelay $0x3  }
0x92: {  	_ =	strace s18  }
0x93: {  	s3 =	sld [smem:$0x3FFC];
	_ =	sdelay $0x3  }
0x94: {  	_ =	strace s3  }
0x95: {  	s3 =	sld [smem:$0x3FFD];
	_ =	sdelay $0x3  }
0x96: {  	_ =	strace s3  }
0x97: {  	_ =	strace $0x8FFFFFFF  }
0x98: {  	s19 =	sld [smem:$0x3FDB];
	_ =	sdelay $0x1  }
0x99: {  	s4 =	simm.s32 $_scs_section_size  }
0x9a: {  	s5 =	simm.s32 $_size__tile_overlayer_lowered;
	s6 =	simm.s32 $_tile_overlayer_lowered  }
0x9b: {  	s22 =	simm.s32 $0x1BFF;
	s21 =	sshll.u32 s6, $0x1;
	s3 =	sadd.s32 s4, s19  }
0x9c: {  	s7 =	simm.s32 $0x0;
	s20 =	sshll.u32 s5, $0x1;
	s5 =	sadd.s32 s21, s3  }
0x9d: {  	[timem:s7], [sflag:s22] =	dma.local [hbm:s5], s20  }
0x9e: {  	_ =	swait.ge [sflag:s22], s20  }
0x9f: {  	s4 =	ssub.s32 $0x0, s20;
	[sflag:s22] =	ssyncset.done $0x0  }
0xa0: {  	[sflag:s22] =	ssyncadd.s32 s4;
	_ =	sdelay $0x1  }
0xa1: {  	s23 =	simm.s32 $0x1B8B  }
0xa2: {  	_ =	swait.ge [sflag:s23], $0x1  }
0xa3: {  	[sflag:s23] =	ssyncset.done $0x0  }
0xa4: {  	s25 =	simm.s32 $0x1B8E;
	s24 =	sld [smem:$0x3FFE];
	[sflag:s23] =	ssyncadd.s32 $0xFFFFFFFF  }
0xa5: {  	s26 =	simm.s32 $execute0_lowered;
	[smem:$0x3FD2] =	sst s25  }
0xa6: {  	s5 =	sshll.u32 s26, $0x1;
	_ =	strace $0x80000046;
	[dreg:$0x1] =	wrdreg $0xFFFFFFFF  }
0xa7: {  	s28 =	simm.s32 $_size_execute0_lowered;
	s3 =	sadd.s32 s3, s5;
	[dreg:$0x0] =	wrdreg $0x0  }
0xa8: {  	s5 =	sshll.u32 s28, $0x1;
	[dreg:$0x2] =	wrdreg s3  }
0xa9: {  	[dreg:$0x3] =	wrdreg s5  }
0xaa: {  	[dreg:$0x4] =	wrdreg $0xC0  }
0xab: {  	_ =	task [dreg:s7], $0x5FFFF  }
0xac: {  	[dreg:$0x1] =	wrdreg $0xFFFFFFFF  }
0xad: {  	[dreg:$0x0] =	wrdreg $0x60  }
0xae: {  	[dreg:$0x2] =	wrdreg s2  }
0xaf: {  	[dreg:$0x3] =	wrdreg s24  }
0xb0: {  	[dreg:$0x4] =	wrdreg $0x70000  }
0xb1: {  	[dreg:$0x5] =	wrdreg $0x9  }
0xb2: {  	_ =	task.clear_ibuf [dreg:s7], $0x6FFFF;
	_ =	strace $0x90000046  }
0xb3: {  	s29 =	simm.s32 $0x9;
	_ =	strace $0x80000048  }
0xb4: {  	_ =	swait.ge [sflag:s29], $0x1  }
0xb5: {  	[sflag:s29] =	ssyncadd.s32 $0xFFFFFFFF  }
0xb6: {  	_ =	strace $0x90000048  }
0xb7: {  	_ =	sfence  }
0xb8: {  	s30 =	sld [smem:$0x0];
	_ =	sdelay $0x2  }
0xb9: {  	s31 =	sshll.u32 s1, $0xD;
	s1 =	sshrl.u32 s1, $0x2  }
0xba: {  	s3 =	sand.u32 $0x4000, s31;
	s1 =	sadd.s32 s1, s30  }
0xbb: {  	s0 =	sor.u32 s3, s0;
	s1 =	sshll.u32 s1, $0x11  }
0xbc: {  	s0 =	sor.u32 s1, s0  }
0xbd: {  	s0 =	sadd.s32 $0x8F2B, s0  }
0xbe: {  	[sflag:s0] =	ssyncadd.remote.s32 $0x1  }
0xbf: {  	_ =	sfence.sel $0xFFFF  }
0xc0: {  	[dreg:$0x0] =	wrdreg $0xFFFFFFFF;
	(pc) =	sbr.abs _section_cstart, $3  }
0xc1: {  	[dreg:$0x1] =	wrdreg $0xFFFFFFFF  }
0xc2: {  	_ =	task.clear_ibuf [dreg:s7], $0x2FFFF;
	_ =	strace $0x9FFFFFFF  }
0xc3: {  	(tm) =	ssettm $0x7FFFFFFF  }
tec
execute0_lowered:
.L_overlay_start_1:
0x0: {  	(tag) =	ssettag $0x1  }
0x1: {  	s8 =	rddreg [dreg:$0x0]  }
0x2: {  	s5 =	rddreg [dreg:$0x1]  }
0x3: {  	s0 =	srdreg.scid;
	s2 =	rddreg [dreg:$0x2]  }
0x4: {  	s1 =	rddreg [dreg:$0x3];
	s6 =	sand.u32 $0x1, s0  }
0x5: {  	s0 =	stileid.u32;
	s4 =	smul.u32 $0x140000, s6  }
0x6: {  	s3 =	simm.s32 $0x0;
	s13 =	simm.s32 $0x40;
	s7 =	smul.u32 $0x14000, s0  }
0x7: {  	s14 =	simm.s32 $0x2;
	[smem:$0x7FF] =	sst s3;
	s9 =	smul.u32 $0x50000, s0  }
0x8: {  	s28 =	ssub.s32 $0x2, s6;
	s10 =	sshll.u32 s6, $0x4;
	s6 =	smul.u32 $0x9C0, s6  }
0x9: {  	s15 =	simm.s32 $0x0;
	_ =	strace $0x80000047;
	s12 =	smul.u32 $0x9C, s0  }
0xa: {  	s31 =	sshll.u32 s0, $0x6;
	s11 =	sshrl.u32 s28, $0x1;
	s10 =	sor.u32 s0, s10  }
0xb: {  	s4 =	sadd.s32 s7, s4;
	s11 =	ssub.s32 s28, s11;
	p0 =	slt.u32 s10, $0x8  }
0xc: {  	s9 =	sshrl.u32 s9, $0x2;
	s6 =	sadd.s32 s12, s6;
	s10 =	smin.u32 s10, $0x8  }
0xd: {  	s12 =	simm.s32 $0x1;
	s7 =	sshrl.u32 s4, $0x3;
	s4 =	sadd.s32 $0xBC00, s5  }
0xe: {  	s29 =	sadd.s32 s9, s2;
	s30 =	sadd.s32 s10, s6;
	s10 =	sor.u32 $0x1C03, s31  }
0xf: {  	s7 =	sadd.s32 s7, s5;
	s5 =	simm.s32 $0x9D;
	s9 =	sshll.u32 s30, $0x3  }
0x10: {  	s5 =	simm.s32 @!p0 $0x9C;
	s6 =	sadd.s32 $0xE400, s7;
	s7 =	smax.u32 s11, $0x1  }
0x11: {  	s8 =	sadd.s32 s9, s8;
	s9 =	simm.s32 $0x3;
	s11 =	sshrl.u32 s29, $0x3  }
.LBB2_1:
0x12: {  	p0 =	sne.s32 s5, $0x1  }
.Ltmp0:
0x13: {  	_ = 	snop;
	(pc) =	sbr.rel @!p0 .LBB2_3-.Ltmp0, $3  }
0x14: {  	_ =	sdelay $0x1  }
0x15: {  	s16 =	simm.s32 $0x2000;
	s17 =	sadd.s32 $0xFFFFFFFF, s5;
	s18 =	smov.u32 s8  }
0x16: {  	[tilespmem:s16], [sflag:$0x1] =	stream.linear.gather [hbm4b:s8+s3], $0x40, $0x38;
	[tilespmem:$0x9800] =	vst v63  }
.LBB2_2:
0x17: {  	p1 =	sne.s32 s17, $0x1  }
.Ltmp1:
0x18: {  	_ = 	snop;
	(pc) =	sbr.rel @p1 .LBB2_2-.Ltmp1, $4  }
0x19: {  	_ = 	snop  }
0x1a: {  	s16 =	sadd.s32 $0x80, s16;
	s18 =	sadd.s32 $0x8, s18  }
0x1b: {  	s17 =	sadd.s32 $0xFFFFFFFF, s17  }
0x1c: {  	[tilespmem:s16], [sflag:$0x1] =	stream.linear.gather [hbm4b:s18+s3], $0x40, $0x38;
	[tilespmem:$0x9800] =	vst v63  }
.LBB2_3:
0x1d: {  	[tilespmem:s3], [sflag:$0x3] =	stream.linear.gather [hbm4b:s4+s3], $0x2000, $0x38;
	[tilespmem:$0x9800] =	vst v63  }
0x1e: {  	_ =	swait.ge [sflag:s9], $0x2000  }
0x1f: {  	[sflag:s9] =	ssyncset.done $0x0  }
0x20: {  	[sflag:s9] =	ssyncadd.s32 $0xFFFFE000  }
0x21: {  	[spmem:s11], [sflag:s10] =	dma.local [hbm:s4], $0x2800  }
.Ltmp2:
0x22: {  	_ =	swait.ge [sflag:s9], $0x2800;
	(pc) =	sbr.rel @!p0 .LBB2_5-.Ltmp2, $4  }
0x23: {  	[sflag:s9] =	ssyncset.done $0x0  }
0x24: {  	[sflag:s9] =	ssyncadd.s32 $0xFFFFD800  }
0x25: {  	_ =	swait.ge [sflag:s12], $0x40  }
0x26: {  	s16 =	sadd.s32 $0xFFFFFFFF, s5;
	[sflag:s12] =	ssyncset.done $0x0  }
.LBB2_4:
0x27: {  	p1 =	sne.s32 s16, $0x1;
	s16 =	sadd.s32 $0xFFFFFFFF, s16;
	[sflag:s12] =	ssyncadd.s32 $0xFFFFFFC0  }
.Ltmp3:
0x28: {  	(pc) =	sbr.rel @p1 .LBB2_4-.Ltmp3, $3  }
0x29: {  	_ =	sdelay $0x1  }
0x2a: {  	_ =	swait.ge [sflag:s12], $0x40  }
0x2b: {  	[sflag:s12] =	ssyncset.done $0x0  }
.LBB2_5:
.Ltmp4:
0x2c: {  	(pc) =	sbr.rel @!p0 .LBB2_7-.Ltmp4, $4  }
0x2d: {  	_ = 	snop  }
0x2e: {  	[sflag:s12] =	ssyncadd.s32 $0xFFFFFFC0  }
0x2f: {  	s16 =	simm.s32 $0x2000;
	s17 =	sadd.s32 $0xFFFFFFFF, s5;
	[bflag:$0x0] =	sbarrier.arrive $0xFFFF  }
0x30: {  	[spmem:s2] =	stream.indirect.scatter.add.f32 [tilespmem:s3], [sflag:$0x2], $0x10, s16, s13, $0xb8;
	[tilespmem:$0x9800] =	vst v63  }
.LBB2_6:
0x31: {  	p1 =	sne.s32 s17, $0x1  }
.Ltmp5:
0x32: {  	_ = 	snop;
	(pc) =	sbr.rel @p1 .LBB2_6-.Ltmp5, $3  }
0x33: {  	_ = 	snop  }
0x34: {  	s17 =	sadd.s32 $0xFFFFFFFF, s17;
	s16 =	sadd.s32 $0x80, s16;
	_ =	sdelay $0x1  }
0x35: {  	[spmem:s2] =	stream.indirect.scatter.add.f32 [tilespmem:s3], [sflag:$0x2], $0x10, s16, s13, $0xb8;
	[tilespmem:$0x9800] =	vst v63  }
.LBB2_7:
.Ltmp6:
0x36: {  	(pc) =	sbr.rel @!p0 .LBB2_9-.Ltmp6, $3  }
0x37: {  	_ =	sdelay $0x1  }
0x38: {  	_ =	swait.ge [sflag:s14], $0x400  }
0x39: {  	s16 =	sadd.s32 $0xFFFFFFFF, s5;
	[sflag:s14] =	ssyncset.done $0x0  }
.LBB2_8:
0x3a: {  	p0 =	sne.s32 s16, $0x1;
	s16 =	sadd.s32 $0xFFFFFFFF, s16;
	[sflag:s14] =	ssyncadd.s32 $0xFFFFFC00  }
.Ltmp7:
0x3b: {  	(pc) =	sbr.rel @p0 .LBB2_8-.Ltmp7, $3  }
0x3c: {  	_ =	sdelay $0x1  }
0x3d: {  	_ =	swait.ge [sflag:s14], $0x400  }
0x3e: {  	[sflag:s14] =	ssyncset.done $0x0  }
.LBB2_9:
0x3f: {  	s15 =	sadd.s32 $0x1, s15  }
0x40: {  	[sflag:s14] =	ssyncadd.s32 $0xFFFFFC00;
	p0 =	sne.s32 s15, s7  }
.Ltmp8:
0x41: {  	[bflag:$0x0] =	sbarrier.arrive $0xFFFF;
	(pc) =	sbr.rel @p0 .LBB2_1-.Ltmp8, $4  }
0x42: {  	[hbm:s6], [sflag:s10] =	dma.local [spmem:s11], $0x2800  }
0x43: {  	_ =	swait.ge [sflag:s9], $0x2800  }
0x44: {  	[sflag:s9] =	ssyncset.done $0x0  }
0x45: {  	[sflag:s9] =	ssyncadd.s32 $0xFFFFD800  }
0x46: {  	_ =	sfence.sel $0x180000  }
0x47: {  	[bflag:$0x0] =	sbarrier.arrive $0xFFFF  }
0x48: {  	p0 =	sne.s32 s0, $0x0;
	_ =	strace $0x90000047  }
0x49: {  	s0 =	sadd.s32 @!p0 $0x100000, s1;
	[bflag:$0x2] =	sbarrier.arrive $0xFFFF  }
0x4a: {  	[sflag:s0] =	ssyncadd.tile.s32 @!p0 $0x1;
	_ =	shalt  }
.Lfunc_end2:
_tile_overlayer_lowered:
.L_overlay_start_2:
0x4b: {  	(tag) =	ssettag $0x2  }
0x4c: {  	s0 =	rddreg [dreg:$0x0];
	s2 =	stileid.u32  }
0x4d: {  	s1 =	rddreg [dreg:$0x1];
	p0 =	sne.s32 s2, $0x0  }
0x4e: {  	s3 =	rddreg [dreg:$0x2];
	[bflag:$0x3] =	sbarrier.arrive $0xFFFF;
	s2 =	simm.s32 @!p0 $0x1C03  }
0x4f: {  	[timem:s3], [sflag:s2] =	dma.local @!p0 [hbm:s0], s1  }
0x50: {  	s0 =	simm.s32 @!p0 $0x3  }
0x51: {  	_ =	swait.ge @!p0 [sflag:s0], s1  }
0x52: {  	s1 =	ssub.s32 @!p0 $0x0, s1;
	[sflag:s0] =	ssyncset.done @!p0 $0x0  }
0x53: {  	[sflag:s0] =	ssyncadd.s32 @!p0 s1  }
0x54: {  	[bflag:$0x3] =	sbarrier.arrive $0xFFFF  }
0x55: {  	_ =	shalt  }

</sc_bundles>
